<compile_context>
chip_gen: v7x
topology: tpu7x:2x2x1
jax: 0.10.2.dev20260603
libtpu: 0.0.44.dev20260713+nightly
codegen_flags: <defaults>
</compile_context>

<pallas_src>
import functools
import math

import jax
import jax.numpy as jnp
from jax import lax
from jax.experimental import pallas as pl
from jax.experimental.pallas import tpu as pltpu
from jax.experimental.pallas import tpu_sc as plsc

_TOPK = 32
_NW = 32
_L = 16
_RB = 32
_CAND = 1600 + 4 * _L


def _sdesc(x):
    return plsc.sort_key_val(x, x, descending=True)[0]


def _sasc(x):
    return plsc.sort_key_val(x, x, descending=False)[0]


def _min_scalar(x):
    return plsc.sort_key_val(x, x, descending=False)[0][0]


def _merge16(a0, a1, v):
    x = _sasc(jnp.maximum(a1, _sasc(v)))
    hi = jnp.maximum(a0, x)
    lo = jnp.minimum(a0, x)
    return _sdesc(hi), _sdesc(lo)


def _sc_body(sim_hbm, thr_hbm, buf, cand, th, sem, *, t_dim, j0, n_batches):
    wid = lax.axis_index("s") * 2 + lax.axis_index("c")
    nvec = t_dim // _L
    n_local = (n_batches - 1 - wid) // _NW + 1

    def dma(bi, slot):
        return pltpu.async_copy(
            sim_hbm.at[pl.ds((j0 + wid + bi * _NW) * _RB, _RB)],
            buf.at[pl.ds(slot * _RB, _RB)], sem)

    dma(0, 0)

    def batch_body(bi, carry):
        slot = lax.rem(bi, 2)
        row0 = (j0 + wid + bi * _NW) * _RB
        pltpu.make_async_copy(
            sim_hbm.at[pl.ds(row0, _RB)],
            buf.at[pl.ds(slot * _RB, _RB)], sem).wait()

        @pl.when(bi + 1 < n_local)
        def _():
            dma(bi + 1, lax.rem(bi + 1, 2))

        def row_body(i, carry2):
            cb = 0
            rb = slot * _RB + i
            accs = [buf[rb, pl.ds(k * _L, _L)] for k in range(8)]
            for k in range(8, nvec):
                accs[k % 8] = jnp.maximum(accs[k % 8],
                                          buf[rb, pl.ds(k * _L, _L)])
            g0 = jnp.maximum(jnp.maximum(accs[0], accs[1]),
                             jnp.maximum(accs[2], accs[3]))
            g1 = jnp.maximum(jnp.maximum(accs[4], accs[5]),
                             jnp.maximum(accs[6], accs[7]))
            tlo_v = jnp.broadcast_to(_min_scalar(jnp.minimum(g0, g1)), (_L,))
            chain = nvec // 4 + 1
            offs = [0, 0, 0, 0]
            for k in range(nvec):
                j = k % 4
                v = buf[rb, pl.ds(k * _L, _L)]
                msk = v >= tlo_v
                plsc.store_compressed(
                    cand.at[pl.ds(cb + j * chain * _L + offs[j], _L)],
                    v, mask=msk)
                c = plsc.all_reduce_population_count(msk)
                offs[j] = offs[j] + c[0]
            neg = jnp.broadcast_to(jnp.float32(-jnp.inf), (_L,))
            for j in range(4):
                cand[pl.ds(cb + j * chain * _L + offs[j], _L)] = neg
            a0, a1 = neg, neg

            for j in range(4):
                def mbody(k, ac, _j=j):
                    return _merge16(
                        *ac, cand[pl.ds(cb + _j * chain * _L + k * _L, _L)])

                nv = (offs[j] + _L - 1) // _L
                a0, a1 = lax.fori_loop(0, nv, mbody, (a0, a1))
            theta = a1[_L - 1]
            th[i, :] = jnp.broadcast_to(theta, (_L,))
            return carry2

        lax.fori_loop(0, _RB, row_body, 0)
        pltpu.sync_copy(th, thr_hbm.at[pl.ds(row0, _RB)])
        return carry

    lax.fori_loop(0, n_local, batch_body, 0)


def _a_body(tg_ref, tfb_ref, sim_ref, *, d):
    sim_ref[...] = jax.lax.dot_general(
        tg_ref[...], tfb_ref[...], (((1,), (1,)), ((), ())),
        preferred_element_type=jnp.float32,
    ) * (1.0 / math.sqrt(d))


def _b1_body(scale_ref, sim_ref, tfe_ref, out_ref, attn_ref):
    sim = sim_ref[...]
    m = jnp.max(sim, axis=-1, keepdims=True)
    e = jnp.exp(sim - m)
    z = jnp.sum(e, axis=-1, keepdims=True)

    def step(_, t):
        return jnp.max(jnp.where(e < t, e, -1.0), axis=-1, keepdims=True)

    t = lax.fori_loop(0, _TOPK, step, jnp.full_like(z, jnp.inf))
    masked = jnp.where(e >= t, e, 0.0)
    s = jnp.sum(masked, axis=-1, keepdims=True)
    attn = masked * (1.0 / (s + 1e-8 * z))
    attn_ref[...] = attn
    out = jax.lax.dot_general(
        tfe_ref[...], attn.astype(jnp.bfloat16), (((1,), (1,)), ((), ())),
        preferred_element_type=jnp.float32,
    )
    out_ref[...] = scale_ref[0, 0] * out


def _b_body(scale_ref, sim_ref, thr_ref, tfe_ref, out_ref, attn_ref):
    sim = sim_ref[...]
    t = thr_ref[...][:, 0:1]
    m = jnp.max(sim, axis=-1, keepdims=True)
    e = jnp.exp(sim - m)
    z = jnp.sum(e, axis=-1, keepdims=True)
    masked = jnp.where(sim >= t, e, 0.0)
    s = jnp.sum(masked, axis=-1, keepdims=True)
    attn = masked * (1.0 / (s + 1e-8 * z))
    attn_ref[...] = attn
    out = jax.lax.dot_general(
        tfe_ref[...], attn.astype(jnp.bfloat16), (((1,), (1,)), ((), ())),
        preferred_element_type=jnp.float32,
    )
    out_ref[...] = scale_ref[0, 0] * out


def kernel(tg_dec, tf_base, tf_expr, scale):
    g, d = tg_dec.shape
    t_dim = tf_base.shape[0]
    p = tf_expr.shape[0]
    r = 512
    grid = ((g + r - 1) // r,)
    nb1 = 0
    g1 = 0
    scale2 = jnp.asarray(scale, jnp.float32).reshape(1, 1)
    tfe_bf = tf_expr.astype(jnp.bfloat16)

    sim = pl.pallas_call(
        functools.partial(_a_body, d=d),
        grid=grid,
        in_specs=[
            pl.BlockSpec((r, d), lambda i: (i, 0)),
            pl.BlockSpec((t_dim, d), lambda i: (0, 0)),
        ],
        out_specs=pl.BlockSpec((r, t_dim), lambda i: (i, 0)),
        out_shape=jax.ShapeDtypeStruct((g, t_dim), jnp.float32),
        compiler_params=pltpu.CompilerParams(
            dimension_semantics=("parallel",),
        ),
    )(tg_dec, tf_base)

    mesh = plsc.VectorSubcoreMesh(core_axis_name="c", subcore_axis_name="s")
    thr = pl.kernel(
        functools.partial(_sc_body, t_dim=t_dim, j0=0,
                          n_batches=g // _RB),
        out_type=jax.ShapeDtypeStruct((g, _L), jnp.float32),
        mesh=mesh,
        compiler_params=pltpu.CompilerParams(needs_layout_passes=False),
        scratch_types=[
            pltpu.VMEM((2 * _RB, t_dim), jnp.float32),
            pltpu.VMEM((2 * _CAND,), jnp.float32),
            pltpu.VMEM((_RB, _L), jnp.float32),
            pltpu.SemaphoreType.DMA,
        ],
    )(sim)

    tf_scalar, attn = pl.pallas_call(
        _b_body,
        grid=grid,
        in_specs=[
            pl.BlockSpec((1, 1), lambda i: (0, 0), memory_space=pltpu.SMEM),
            pl.BlockSpec((r, t_dim), lambda i: (i, 0)),
            pl.BlockSpec((r, _L), lambda i: (i, 0)),
            pl.BlockSpec((p, t_dim), lambda i: (0, 0)),
        ],
        out_specs=(
            pl.BlockSpec((p, r), lambda i: (0, i)),
            pl.BlockSpec((r, t_dim), lambda i: (i, 0)),
        ),
        out_shape=(
            jax.ShapeDtypeStruct((p, g), jnp.float32),
            jax.ShapeDtypeStruct((g, t_dim), jnp.float32),
        ),
        compiler_params=pltpu.CompilerParams(
            dimension_semantics=("parallel",),
        ),
    )(scale2, sim, thr, tfe_bf)
    return tf_scalar, attn

# --- scband reference (transcript-rebuilt; emitter-appended) ---
"""Pipeline reference for scband-tfto-tgshortcut-76828374991775 (READ-ONLY COPY).

The authoritative reference and input builder live on the scoring server;
editing this copy changes nothing except your own understanding.
"""

import jax, jax.numpy as jnp
import numpy as np
import math

K = 32  # topk from init_kwargs

def setup_inputs(seed: int = 0) -> dict:
    key = jax.random.key(seed)
    k1, k2, k3 = jax.random.split(key, 3)
    return {
        "tg_dec": jax.random.normal(k1, (20000, 512), dtype=jnp.float32),
        "tf_base": jax.random.normal(k2, (1600, 512), dtype=jnp.float32),
        "tf_expr": jax.random.uniform(k3, (1024, 1600), dtype=jnp.float32),
        "scale": jnp.asarray(0.1, dtype=jnp.float32),
    }

def reference(tg_dec, tf_base, tf_expr, scale):
    # sim = tg_dec @ tf_base.T / sqrt(D)
    d = tf_base.shape[1]
    sim = jnp.matmul(tg_dec, tf_base.T) / math.sqrt(d)
    # use_motif_mask=False -> no masking branch
    attn = jax.nn.softmax(sim, axis=-1)
    attn = jnp.nan_to_num(attn, nan=0.0)
    # top-k masking along TF dim
    topk_vals, topk_idx = jax.lax.top_k(attn, K)
    rows = jnp.arange(attn.shape[0])[:, None]
    mask = jnp.zeros_like(attn).at[rows, topk_idx].set(1.0)
    attn = attn * mask
    attn = attn / (attn.sum(axis=-1, keepdims=True) + 1e-08)
    # tf_scalar = tf_expr @ attn.T ; dropout is identity in eval mode
    tf_scalar = jnp.matmul(tf_expr, attn.T)
    return (scale * tf_scalar, attn)

if __name__ == "__main__":
    import jax
    _d = setup_inputs()
    print(jax.jit(kernel)(*tuple(_d.values())))

</pallas_src>

<mosaic_0001>
#map = affine_map<(d0, d1) -> (0, 0)>
module attributes {stable_mosaic.version = 14 : i64} {
  func.func @_sc_body(%arg0: i32, %arg1: i32, %arg2: memref<20000x1600xf32, #tpu.memory_space<hbm>>, %arg3: memref<20000x16xf32, #tpu.memory_space<hbm>>, %arg4: memref<64x1600xf32, #tpu.memory_space<vmem>>, %arg5: memref<3328xf32, #tpu.memory_space<vmem>>, %arg6: memref<32x16xf32, #tpu.memory_space<vmem>>, %arg7: memref<!tpu.dma_semaphore, #tpu.memory_space<semaphore_mem>>) attributes {dimension_semantics = [#tpu.dimension_semantics<core_parallel>, #tpu.dimension_semantics<subcore_parallel>], iteration_bounds = array<i64: 2, 16>, scalar_prefetch = 0 : i64, scratch_operands = 4 : i64, tpu.core_type = #tpu.core_type<sc_vector_subcore>, window_params = [{transform_indices = #map}, {transform_indices = #map}]} {
    %mul3A = arith.constant 2 : i32
    %mul3A_0 = arith.muli %arg1, %mul3A : i32
    %add3A = arith.addi %mul3A_0, %arg0 : i32
    %sub3A = arith.constant 624 : i32
    %sub3A_1 = arith.subi %sub3A, %add3A : i32
    %jit3A = arith.constant 32 : i32
    %div3A = arith.divsi %sub3A_1, %jit3A : i32
    %sign3A = arith.constant 0 : i32
    %sign3A_2 = arith.cmpi sgt, %sub3A_1, %sign3A : i32
    %sign3A_3 = arith.extui %sign3A_2 : i1 to i32
    %sign3A_4 = arith.constant 0 : i32
    %sign3A_5 = arith.cmpi slt, %sub3A_1, %sign3A_4 : i32
    %sign3A_6 = arith.extui %sign3A_5 : i1 to i32
    %sign3A_7 = arith.subi %sign3A_3, %sign3A_6 : i32
    %sign3A_8 = arith.constant 0 : i32
    %sign3A_9 = arith.cmpi sgt, %jit3A, %sign3A_8 : i32
    %sign3A_10 = arith.extui %sign3A_9 : i1 to i32
    %sign3A_11 = arith.constant 0 : i32
    %sign3A_12 = arith.cmpi slt, %jit3A, %sign3A_11 : i32
    %sign3A_13 = arith.extui %sign3A_12 : i1 to i32
    %sign3A_14 = arith.subi %sign3A_10, %sign3A_13 : i32
    %ne3A = arith.cmpi ne, %sign3A_7, %sign3A_14 : i32
    %rem3A = arith.remsi %sub3A_1, %jit3A : i32
    %ne3A_15 = arith.constant 0 : i32
    %ne3A_16 = arith.cmpi ne, %rem3A, %ne3A_15 : i32
    %and3A = arith.andi %ne3A, %ne3A_16 : i1
    %sub3A_17 = arith.constant 1 : i32
    %sub3A_18 = arith.subi %div3A, %sub3A_17 : i32
    %select_n3A = arith.select %and3A, %sub3A_18, %div3A : i32
    %add3A_19 = arith.constant 1 : i32
    %add3A_20 = arith.addi %select_n3A, %add3A_19 : i32
    %add3A_21 = arith.constant 0 : i32
    %add3A_22 = arith.addi %add3A_21, %add3A : i32
    %add3A_23 = arith.constant 0 : i32
    %add3A_24 = arith.addi %add3A_22, %add3A_23 : i32
    %mul3A_25 = arith.constant 32 : i32
    %mul3A_26 = arith.muli %add3A_24, %mul3A_25 : i32
    %dma_start3A = arith.constant 0 : i32
    %dma_start3A_27 = arith.constant 0 : i32
    %dma_start3A_28 = tpu.memref_slice %arg4[%dma_start3A, %dma_start3A_27] : memref<64x1600xf32, #tpu.memory_space<vmem>> -> memref<32x1600xf32, #tpu.memory_space<vmem>>
    %dma_start3A_29 = arith.constant 0 : i32
    %dma_start3A_30 = tpu.memref_slice %arg2[%mul3A_26, %dma_start3A_29] : memref<20000x1600xf32, #tpu.memory_space<hbm>> -> memref<32x1600xf32, #tpu.memory_space<hbm>>
    %dma_start3A_31 = arith.constant 0 : i32
    %dma_start3A_32 = arith.constant 0 : i32
    %dma_start3A_33 = tpu.memref_slice %arg4[%dma_start3A_31, %dma_start3A_32] : memref<64x1600xf32, #tpu.memory_space<vmem>> -> memref<32x1600xf32, #tpu.memory_space<vmem>>
    %dma_start3A_34 = arith.constant 0 : i32
    %dma_start3A_35 = tpu.memref_slice %arg2[%mul3A_26, %dma_start3A_34] : memref<20000x1600xf32, #tpu.memory_space<hbm>> -> memref<32x1600xf32, #tpu.memory_space<hbm>>
    tpu.enqueue_dma source(%dma_start3A_35 : memref<32x1600xf32, #tpu.memory_space<hbm>>) target(%dma_start3A_33 : memref<32x1600xf32, #tpu.memory_space<vmem>>) target_semaphore(%arg7 : memref<!tpu.dma_semaphore, #tpu.memory_space<semaphore_mem>>)
    %while3A = arith.constant 0 : i32
    %while3A_36 = arith.constant 0 : i32
    %while3A_37 = arith.subi %add3A_20, %while3A_36 : i32
    %while3A_38 = arith.addi %while3A_36, %while3A_37 : i32
    %while3A_39 = arith.constant 1 : i32
    %while3A_40 = arith.divsi %while3A_37, %while3A_39 : i32
    %while3A_41 = arith.muli %while3A_40, %while3A_39 : i32
    %while3A_42 = arith.addi %while3A_36, %while3A_41 : i32
    %while3A_43 = arith.constant 1 : i32
    scf.for %while3A_45 = %while3A_36 to %while3A_42 step %while3A_43  : i32 {
      %rem3A_46 = arith.constant 2 : i32
      %rem3A_47 = arith.remsi %while3A_45, %rem3A_46 : i32
      %add3A_48 = arith.constant 0 : i32
      %add3A_49 = arith.addi %add3A_48, %add3A : i32
      %mul3A_50 = arith.constant 32 : i32
      %mul3A_51 = arith.muli %while3A_45, %mul3A_50 : i32
      %add3A_52 = arith.addi %add3A_49, %mul3A_51 : i32
      %mul3A_53 = arith.constant 32 : i32
      %mul3A_54 = arith.muli %add3A_52, %mul3A_53 : i32
      %mul3A_55 = arith.constant 32 : i32
      %mul3A_56 = arith.muli %rem3A_47, %mul3A_55 : i32
      %dma_wait3A = arith.constant 0 : i32
      %dma_wait3A_57 = tpu.memref_slice %arg4[%mul3A_56, %dma_wait3A] : memref<64x1600xf32, #tpu.memory_space<vmem>> -> memref<32x1600xf32, #tpu.memory_space<vmem>>
      %dma_wait3A_58 = arith.constant 0 : i32
      %dma_wait3A_59 = tpu.memref_slice %arg2[%mul3A_54, %dma_wait3A_58] : memref<20000x1600xf32, #tpu.memory_space<hbm>> -> memref<32x1600xf32, #tpu.memory_space<hbm>>
      %dma_wait3A_60 = arith.constant 0 : i32
      %dma_wait3A_61 = tpu.memref_slice %arg4[%mul3A_56, %dma_wait3A_60] : memref<64x1600xf32, #tpu.memory_space<vmem>> -> memref<32x1600xf32, #tpu.memory_space<vmem>>
      %dma_wait3A_62 = arith.constant 0 : i32
      %dma_wait3A_63 = tpu.memref_slice %arg2[%mul3A_54, %dma_wait3A_62] : memref<20000x1600xf32, #tpu.memory_space<hbm>> -> memref<32x1600xf32, #tpu.memory_space<hbm>>
      tpu.wait_dma2 semaphore(%arg7 : memref<!tpu.dma_semaphore, #tpu.memory_space<semaphore_mem>>) src(%dma_wait3A_63 : memref<32x1600xf32, #tpu.memory_space<hbm>>) dst(%dma_wait3A_61 : memref<32x1600xf32, #tpu.memory_space<vmem>>)
      %add3A_64 = arith.constant 1 : i32
      %add3A_65 = arith.addi %while3A_45, %add3A_64 : i32
      %lt3A = arith.cmpi slt, %add3A_65, %add3A_20 : i32
      %convert_element_type3A = arith.extui %lt3A : i1 to i32
      %cond3A = arith.constant 0 : i32
      %cond3A_66 = arith.cmpi ne, %convert_element_type3A, %cond3A : i32
      scf.if %cond3A_66 {
        %add3A_72 = arith.constant 1 : i32
        %add3A_73 = arith.addi %while3A_45, %add3A_72 : i32
        %add3A_74 = arith.constant 1 : i32
        %add3A_75 = arith.addi %while3A_45, %add3A_74 : i32
        %rem3A_76 = arith.constant 2 : i32
        %rem3A_77 = arith.remsi %add3A_75, %rem3A_76 : i32
        %add3A_78 = arith.constant 0 : i32
        %add3A_79 = arith.addi %add3A_78, %add3A : i32
        %mul3A_80 = arith.constant 32 : i32
        %mul3A_81 = arith.muli %add3A_73, %mul3A_80 : i32
        %add3A_82 = arith.addi %add3A_79, %mul3A_81 : i32
        %mul3A_83 = arith.constant 32 : i32
        %mul3A_84 = arith.muli %add3A_82, %mul3A_83 : i32
        %mul3A_85 = arith.constant 32 : i32
        %mul3A_86 = arith.muli %rem3A_77, %mul3A_85 : i32
        %dma_start3A_87 = arith.constant 0 : i32
        %dma_start3A_88 = tpu.memref_slice %arg4[%mul3A_86, %dma_start3A_87] : memref<64x1600xf32, #tpu.memory_space<vmem>> -> memref<32x1600xf32, #tpu.memory_space<vmem>>
        %dma_start3A_89 = arith.constant 0 : i32
        %dma_start3A_90 = tpu.memref_slice %arg2[%mul3A_84, %dma_start3A_89] : memref<20000x1600xf32, #tpu.memory_space<hbm>> -> memref<32x1600xf32, #tpu.memory_space<hbm>>
        %dma_start3A_91 = arith.constant 0 : i32
        %dma_start3A_92 = tpu.memref_slice %arg4[%mul3A_86, %dma_start3A_91] : memref<64x1600xf32, #tpu.memory_space<vmem>> -> memref<32x1600xf32, #tpu.memory_space<vmem>>
        %dma_start3A_93 = arith.constant 0 : i32
        %dma_start3A_94 = tpu.memref_slice %arg2[%mul3A_84, %dma_start3A_93] : memref<20000x1600xf32, #tpu.memory_space<hbm>> -> memref<32x1600xf32, #tpu.memory_space<hbm>>
        tpu.enqueue_dma source(%dma_start3A_94 : memref<32x1600xf32, #tpu.memory_space<hbm>>) target(%dma_start3A_92 : memref<32x1600xf32, #tpu.memory_space<vmem>>) target_semaphore(%arg7 : memref<!tpu.dma_semaphore, #tpu.memory_space<semaphore_mem>>)
      } else {
      }
      %scan3A = arith.constant 0 : i32
      %scan3A_67 = arith.constant 0 : i32
      %scan3A_68 = arith.constant 32 : i32
      %scan3A_69 = arith.addi %scan3A_67, %scan3A_68 : i32
      %scan3A_70 = arith.constant 1 : i32
      scf.for %scan3A_72 = %scan3A_67 to %scan3A_69 step %scan3A_70  : i32 {
        %mul3A_73 = arith.constant 32 : i32
        %mul3A_74 = arith.muli %rem3A_47, %mul3A_73 : i32
        %add3A_75 = arith.addi %mul3A_74, %scan3A_72 : i32
        %get3A = arith.index_cast %add3A_75 : i32 to index
        %get3A_76 = arith.constant 0 : index
        %get3A_77 = tpu.vector_load %arg4[%get3A, %get3A_76] {strides = array<i32>} : memref<64x1600xf32, #tpu.memory_space<vmem>>, vector<16xf32>,
        %get3A_78 = arith.index_cast %add3A_75 : i32 to index
        %get3A_79 = arith.constant 16 : index
        %get3A_80 = tpu.vector_load %arg4[%get3A_78, %get3A_79] {strides = array<i32>} : memref<64x1600xf32, #tpu.memory_space<vmem>>, vector<16xf32>,
        %get3A_81 = arith.index_cast %add3A_75 : i32 to index
        %get3A_82 = arith.constant 32 : index
        %get3A_83 = tpu.vector_load %arg4[%get3A_81, %get3A_82] {strides = array<i32>} : memref<64x1600xf32, #tpu.memory_space<vmem>>, vector<16xf32>,
        %get3A_84 = arith.index_cast %add3A_75 : i32 to index
        %get3A_85 = arith.constant 48 : index
        %get3A_86 = tpu.vector_load %arg4[%get3A_84, %get3A_85] {strides = array<i32>} : memref<64x1600xf32, #tpu.memory_space<vmem>>, vector<16xf32>,
        %get3A_87 = arith.index_cast %add3A_75 : i32 to index
        %get3A_88 = arith.constant 64 : index
        %get3A_89 = tpu.vector_load %arg4[%get3A_87, %get3A_88] {strides = array<i32>} : memref<64x1600xf32, #tpu.memory_space<vmem>>, vector<16xf32>,
        %get3A_90 = arith.index_cast %add3A_75 : i32 to index
        %get3A_91 = arith.constant 80 : index
        %get3A_92 = tpu.vector_load %arg4[%get3A_90, %get3A_91] {strides = array<i32>} : memref<64x1600xf32, #tpu.memory_space<vmem>>, vector<16xf32>,
        %get3A_93 = arith.index_cast %add3A_75 : i32 to index
        %get3A_94 = arith.constant 96 : index
        %get3A_95 = tpu.vector_load %arg4[%get3A_93, %get3A_94] {strides = array<i32>} : memref<64x1600xf32, #tpu.memory_space<vmem>>, vector<16xf32>,
        %get3A_96 = arith.index_cast %add3A_75 : i32 to index
        %get3A_97 = arith.constant 112 : index
        %get3A_98 = tpu.vector_load %arg4[%get3A_96, %get3A_97] {strides = array<i32>} : memref<64x1600xf32, #tpu.memory_space<vmem>>, vector<16xf32>,
        %get3A_99 = arith.index_cast %add3A_75 : i32 to index
        %get3A_100 = arith.constant 128 : index
        %get3A_101 = tpu.vector_load %arg4[%get3A_99, %get3A_100] {strides = array<i32>} : memref<64x1600xf32, #tpu.memory_space<vmem>>, vector<16xf32>,
        %max3A = arith.maximumf %get3A_77, %get3A_101 : vector<16xf32>
        %get3A_102 = arith.index_cast %add3A_75 : i32 to index
        %get3A_103 = arith.constant 144 : index
        %get3A_104 = tpu.vector_load %arg4[%get3A_102, %get3A_103] {strides = array<i32>} : memref<64x1600xf32, #tpu.memory_space<vmem>>, vector<16xf32>,
        %max3A_105 = arith.maximumf %get3A_80, %get3A_104 : vector<16xf32>
        %get3A_106 = arith.index_cast %add3A_75 : i32 to index
        %get3A_107 = arith.constant 160 : index
        %get3A_108 = tpu.vector_load %arg4[%get3A_106, %get3A_107] {strides = array<i32>} : memref<64x1600xf32, #tpu.memory_space<vmem>>, vector<16xf32>,
        %max3A_109 = arith.maximumf %get3A_83, %get3A_108 : vector<16xf32>
        %get3A_110 = arith.index_cast %add3A_75 : i32 to index
        %get3A_111 = arith.constant 176 : index
        %get3A_112 = tpu.vector_load %arg4[%get3A_110, %get3A_111] {strides = array<i32>} : memref<64x1600xf32, #tpu.memory_space<vmem>>, vector<16xf32>,
        %max3A_113 = arith.maximumf %get3A_86, %get3A_112 : vector<16xf32>
        %get3A_114 = arith.index_cast %add3A_75 : i32 to index
        %get3A_115 = arith.constant 192 : index
        %get3A_116 = tpu.vector_load %arg4[%get3A_114, %get3A_115] {strides = array<i32>} : memref<64x1600xf32, #tpu.memory_space<vmem>>, vector<16xf32>,
        %max3A_117 = arith.maximumf %get3A_89, %get3A_116 : vector<16xf32>
        %get3A_118 = arith.index_cast %add3A_75 : i32 to index
        %get3A_119 = arith.constant 208 : index
        %get3A_120 = tpu.vector_load %arg4[%get3A_118, %get3A_119] {strides = array<i32>} : memref<64x1600xf32, #tpu.memory_space<vmem>>, vector<16xf32>,
        %max3A_121 = arith.maximumf %get3A_92, %get3A_120 : vector<16xf32>
        %get3A_122 = arith.index_cast %add3A_75 : i32 to index
        %get3A_123 = arith.constant 224 : index
        %get3A_124 = tpu.vector_load %arg4[%get3A_122, %get3A_123] {strides = array<i32>} : memref<64x1600xf32, #tpu.memory_space<vmem>>, vector<16xf32>,
        %max3A_125 = arith.maximumf %get3A_95, %get3A_124 : vector<16xf32>
        %get3A_126 = arith.index_cast %add3A_75 : i32 to index
        %get3A_127 = arith.constant 240 : index
        %get3A_128 = tpu.vector_load %arg4[%get3A_126, %get3A_127] {strides = array<i32>} : memref<64x1600xf32, #tpu.memory_space<vmem>>, vector<16xf32>,
        %max3A_129 = arith.maximumf %get3A_98, %get3A_128 : vector<16xf32>
        %get3A_130 = arith.index_cast %add3A_75 : i32 to index
        %get3A_131 = arith.constant 256 : index
        %get3A_132 = tpu.vector_load %arg4[%get3A_130, %get3A_131] {strides = array<i32>} : memref<64x1600xf32, #tpu.memory_space<vmem>>, vector<16xf32>,
        %max3A_133 = arith.maximumf %max3A, %get3A_132 : vector<16xf32>
        %get3A_134 = arith.index_cast %add3A_75 : i32 to index
        %get3A_135 = arith.constant 272 : index
        %get3A_136 = tpu.vector_load %arg4[%get3A_134, %get3A_135] {strides = array<i32>} : memref<64x1600xf32, #tpu.memory_space<vmem>>, vector<16xf32>,
        %max3A_137 = arith.maximumf %max3A_105, %get3A_136 : vector<16xf32>
        %get3A_138 = arith.index_cast %add3A_75 : i32 to index
        %get3A_139 = arith.constant 288 : index
        %get3A_140 = tpu.vector_load %arg4[%get3A_138, %get3A_139] {strides = array<i32>} : memref<64x1600xf32, #tpu.memory_space<vmem>>, vector<16xf32>,
        %max3A_141 = arith.maximumf %max3A_109, %get3A_140 : vector<16xf32>
        %get3A_142 = arith.index_cast %add3A_75 : i32 to index
        %get3A_143 = arith.constant 304 : index
        %get3A_144 = tpu.vector_load %arg4[%get3A_142, %get3A_143] {strides = array<i32>} : memref<64x1600xf32, #tpu.memory_space<vmem>>, vector<16xf32>,
        %max3A_145 = arith.maximumf %max3A_113, %get3A_144 : vector<16xf32>
        %get3A_146 = arith.index_cast %add3A_75 : i32 to index
        %get3A_147 = arith.constant 320 : index
        %get3A_148 = tpu.vector_load %arg4[%get3A_146, %get3A_147] {strides = array<i32>} : memref<64x1600xf32, #tpu.memory_space<vmem>>, vector<16xf32>,
        %max3A_149 = arith.maximumf %max3A_117, %get3A_148 : vector<16xf32>
        %get3A_150 = arith.index_cast %add3A_75 : i32 to index
        %get3A_151 = arith.constant 336 : index
        %get3A_152 = tpu.vector_load %arg4[%get3A_150, %get3A_151] {strides = array<i32>} : memref<64x1600xf32, #tpu.memory_space<vmem>>, vector<16xf32>,
        %max3A_153 = arith.maximumf %max3A_121, %get3A_152 : vector<16xf32>
        %get3A_154 = arith.index_cast %add3A_75 : i32 to index
        %get3A_155 = arith.constant 352 : index
        %get3A_156 = tpu.vector_load %arg4[%get3A_154, %get3A_155] {strides = array<i32>} : memref<64x1600xf32, #tpu.memory_space<vmem>>, vector<16xf32>,
        %max3A_157 = arith.maximumf %max3A_125, %get3A_156 : vector<16xf32>
        %get3A_158 = arith.index_cast %add3A_75 : i32 to index
        %get3A_159 = arith.constant 368 : index
        %get3A_160 = tpu.vector_load %arg4[%get3A_158, %get3A_159] {strides = array<i32>} : memref<64x1600xf32, #tpu.memory_space<vmem>>, vector<16xf32>,
        %max3A_161 = arith.maximumf %max3A_129, %get3A_160 : vector<16xf32>
        %get3A_162 = arith.index_cast %add3A_75 : i32 to index
        %get3A_163 = arith.constant 384 : index
        %get3A_164 = tpu.vector_load %arg4[%get3A_162, %get3A_163] {strides = array<i32>} : memref<64x1600xf32, #tpu.memory_space<vmem>>, vector<16xf32>,
        %max3A_165 = arith.maximumf %max3A_133, %get3A_164 : vector<16xf32>
        %get3A_166 = arith.index_cast %add3A_75 : i32 to index
        %get3A_167 = arith.constant 400 : index
        %get3A_168 = tpu.vector_load %arg4[%get3A_166, %get3A_167] {strides = array<i32>} : memref<64x1600xf32, #tpu.memory_space<vmem>>, vector<16xf32>,
        %max3A_169 = arith.maximumf %max3A_137, %get3A_168 : vector<16xf32>
        %get3A_170 = arith.index_cast %add3A_75 : i32 to index
        %get3A_171 = arith.constant 416 : index
        %get3A_172 = tpu.vector_load %arg4[%get3A_170, %get3A_171] {strides = array<i32>} : memref<64x1600xf32, #tpu.memory_space<vmem>>, vector<16xf32>,
        %max3A_173 = arith.maximumf %max3A_141, %get3A_172 : vector<16xf32>
        %get3A_174 = arith.index_cast %add3A_75 : i32 to index
        %get3A_175 = arith.constant 432 : index
        %get3A_176 = tpu.vector_load %arg4[%get3A_174, %get3A_175] {strides = array<i32>} : memref<64x1600xf32, #tpu.memory_space<vmem>>, vector<16xf32>,
        %max3A_177 = arith.maximumf %max3A_145, %get3A_176 : vector<16xf32>
        %get3A_178 = arith.index_cast %add3A_75 : i32 to index
        %get3A_179 = arith.constant 448 : index
        %get3A_180 = tpu.vector_load %arg4[%get3A_178, %get3A_179] {strides = array<i32>} : memref<64x1600xf32, #tpu.memory_space<vmem>>, vector<16xf32>,
        %max3A_181 = arith.maximumf %max3A_149, %get3A_180 : vector<16xf32>
        %get3A_182 = arith.index_cast %add3A_75 : i32 to index
        %get3A_183 = arith.constant 464 : index
        %get3A_184 = tpu.vector_load %arg4[%get3A_182, %get3A_183] {strides = array<i32>} : memref<64x1600xf32, #tpu.memory_space<vmem>>, vector<16xf32>,
        %max3A_185 = arith.maximumf %max3A_153, %get3A_184 : vector<16xf32>
        %get3A_186 = arith.index_cast %add3A_75 : i32 to index
        %get3A_187 = arith.constant 480 : index
        %get3A_188 = tpu.vector_load %arg4[%get3A_186, %get3A_187] {strides = array<i32>} : memref<64x1600xf32, #tpu.memory_space<vmem>>, vector<16xf32>,
        %max3A_189 = arith.maximumf %max3A_157, %get3A_188 : vector<16xf32>
        %get3A_190 = arith.index_cast %add3A_75 : i32 to index
        %get3A_191 = arith.constant 496 : index
        %get3A_192 = tpu.vector_load %arg4[%get3A_190, %get3A_191] {strides = array<i32>} : memref<64x1600xf32, #tpu.memory_space<vmem>>, vector<16xf32>,
        %max3A_193 = arith.maximumf %max3A_161, %get3A_192 : vector<16xf32>
        %get3A_194 = arith.index_cast %add3A_75 : i32 to index
        %get3A_195 = arith.constant 512 : index
        %get3A_196 = tpu.vector_load %arg4[%get3A_194, %get3A_195] {strides = array<i32>} : memref<64x1600xf32, #tpu.memory_space<vmem>>, vector<16xf32>,
        %max3A_197 = arith.maximumf %max3A_165, %get3A_196 : vector<16xf32>
        %get3A_198 = arith.index_cast %add3A_75 : i32 to index
        %get3A_199 = arith.constant 528 : index
        %get3A_200 = tpu.vector_load %arg4[%get3A_198, %get3A_199] {strides = array<i32>} : memref<64x1600xf32, #tpu.memory_space<vmem>>, vector<16xf32>,
        %max3A_201 = arith.maximumf %max3A_169, %get3A_200 : vector<16xf32>
        %get3A_202 = arith.index_cast %add3A_75 : i32 to index
        %get3A_203 = arith.constant 544 : index
        %get3A_204 = tpu.vector_load %arg4[%get3A_202, %get3A_203] {strides = array<i32>} : memref<64x1600xf32, #tpu.memory_space<vmem>>, vector<16xf32>,
        %max3A_205 = arith.maximumf %max3A_173, %get3A_204 : vector<16xf32>
        %get3A_206 = arith.index_cast %add3A_75 : i32 to index
        %get3A_207 = arith.constant 560 : index
        %get3A_208 = tpu.vector_load %arg4[%get3A_206, %get3A_207] {strides = array<i32>} : memref<64x1600xf32, #tpu.memory_space<vmem>>, vector<16xf32>,
        %max3A_209 = arith.maximumf %max3A_177, %get3A_208 : vector<16xf32>
        %get3A_210 = arith.index_cast %add3A_75 : i32 to index
        %get3A_211 = arith.constant 576 : index
        %get3A_212 = tpu.vector_load %arg4[%get3A_210, %get3A_211] {strides = array<i32>} : memref<64x1600xf32, #tpu.memory_space<vmem>>, vector<16xf32>,
        %max3A_213 = arith.maximumf %max3A_181, %get3A_212 : vector<16xf32>
        %get3A_214 = arith.index_cast %add3A_75 : i32 to index
        %get3A_215 = arith.constant 592 : index
        %get3A_216 = tpu.vector_load %arg4[%get3A_214, %get3A_215] {strides = array<i32>} : memref<64x1600xf32, #tpu.memory_space<vmem>>, vector<16xf32>,
        %max3A_217 = arith.maximumf %max3A_185, %get3A_216 : vector<16xf32>
        %get3A_218 = arith.index_cast %add3A_75 : i32 to index
        %get3A_219 = arith.constant 608 : index
        %get3A_220 = tpu.vector_load %arg4[%get3A_218, %get3A_219] {strides = array<i32>} : memref<64x1600xf32, #tpu.memory_space<vmem>>, vector<16xf32>,
        %max3A_221 = arith.maximumf %max3A_189, %get3A_220 : vector<16xf32>
        %get3A_222 = arith.index_cast %add3A_75 : i32 to index
        %get3A_223 = arith.constant 624 : index
        %get3A_224 = tpu.vector_load %arg4[%get3A_222, %get3A_223] {strides = array<i32>} : memref<64x1600xf32, #tpu.memory_space<vmem>>, vector<16xf32>,
        %max3A_225 = arith.maximumf %max3A_193, %get3A_224 : vector<16xf32>
        %get3A_226 = arith.index_cast %add3A_75 : i32 to index
        %get3A_227 = arith.constant 640 : index
        %get3A_228 = tpu.vector_load %arg4[%get3A_226, %get3A_227] {strides = array<i32>} : memref<64x1600xf32, #tpu.memory_space<vmem>>, vector<16xf32>,
        %max3A_229 = arith.maximumf %max3A_197, %get3A_228 : vector<16xf32>
        %get3A_230 = arith.index_cast %add3A_75 : i32 to index
        %get3A_231 = arith.constant 656 : index
        %get3A_232 = tpu.vector_load %arg4[%get3A_230, %get3A_231] {strides = array<i32>} : memref<64x1600xf32, #tpu.memory_space<vmem>>, vector<16xf32>,
        %max3A_233 = arith.maximumf %max3A_201, %get3A_232 : vector<16xf32>
        %get3A_234 = arith.index_cast %add3A_75 : i32 to index
        %get3A_235 = arith.constant 672 : index
        %get3A_236 = tpu.vector_load %arg4[%get3A_234, %get3A_235] {strides = array<i32>} : memref<64x1600xf32, #tpu.memory_space<vmem>>, vector<16xf32>,
        %max3A_237 = arith.maximumf %max3A_205, %get3A_236 : vector<16xf32>
        %get3A_238 = arith.index_cast %add3A_75 : i32 to index
        %get3A_239 = arith.constant 688 : index
        %get3A_240 = tpu.vector_load %arg4[%get3A_238, %get3A_239] {strides = array<i32>} : memref<64x1600xf32, #tpu.memory_space<vmem>>, vector<16xf32>,
        %max3A_241 = arith.maximumf %max3A_209, %get3A_240 : vector<16xf32>
        %get3A_242 = arith.index_cast %add3A_75 : i32 to index
        %get3A_243 = arith.constant 704 : index
        %get3A_244 = tpu.vector_load %arg4[%get3A_242, %get3A_243] {strides = array<i32>} : memref<64x1600xf32, #tpu.memory_space<vmem>>, vector<16xf32>,
        %max3A_245 = arith.maximumf %max3A_213, %get3A_244 : vector<16xf32>
        %get3A_246 = arith.index_cast %add3A_75 : i32 to index
        %get3A_247 = arith.constant 720 : index
        %get3A_248 = tpu.vector_load %arg4[%get3A_246, %get3A_247] {strides = array<i32>} : memref<64x1600xf32, #tpu.memory_space<vmem>>, vector<16xf32>,
        %max3A_249 = arith.maximumf %max3A_217, %get3A_248 : vector<16xf32>
        %get3A_250 = arith.index_cast %add3A_75 : i32 to index
        %get3A_251 = arith.constant 736 : index
        %get3A_252 = tpu.vector_load %arg4[%get3A_250, %get3A_251] {strides = array<i32>} : memref<64x1600xf32, #tpu.memory_space<vmem>>, vector<16xf32>,
        %max3A_253 = arith.maximumf %max3A_221, %get3A_252 : vector<16xf32>
        %get3A_254 = arith.index_cast %add3A_75 : i32 to index
        %get3A_255 = arith.constant 752 : index
        %get3A_256 = tpu.vector_load %arg4[%get3A_254, %get3A_255] {strides = array<i32>} : memref<64x1600xf32, #tpu.memory_space<vmem>>, vector<16xf32>,
        %max3A_257 = arith.maximumf %max3A_225, %get3A_256 : vector<16xf32>
        %get3A_258 = arith.index_cast %add3A_75 : i32 to index
        %get3A_259 = arith.constant 768 : index
        %get3A_260 = tpu.vector_load %arg4[%get3A_258, %get3A_259] {strides = array<i32>} : memref<64x1600xf32, #tpu.memory_space<vmem>>, vector<16xf32>,
        %max3A_261 = arith.maximumf %max3A_229, %get3A_260 : vector<16xf32>
        %get3A_262 = arith.index_cast %add3A_75 : i32 to index
        %get3A_263 = arith.constant 784 : index
        %get3A_264 = tpu.vector_load %arg4[%get3A_262, %get3A_263] {strides = array<i32>} : memref<64x1600xf32, #tpu.memory_space<vmem>>, vector<16xf32>,
        %max3A_265 = arith.maximumf %max3A_233, %get3A_264 : vector<16xf32>
        %get3A_266 = arith.index_cast %add3A_75 : i32 to index
        %get3A_267 = arith.constant 800 : index
        %get3A_268 = tpu.vector_load %arg4[%get3A_266, %get3A_267] {strides = array<i32>} : memref<64x1600xf32, #tpu.memory_space<vmem>>, vector<16xf32>,
        %max3A_269 = arith.maximumf %max3A_237, %get3A_268 : vector<16xf32>
        %get3A_270 = arith.index_cast %add3A_75 : i32 to index
        %get3A_271 = arith.constant 816 : index
        %get3A_272 = tpu.vector_load %arg4[%get3A_270, %get3A_271] {strides = array<i32>} : memref<64x1600xf32, #tpu.memory_space<vmem>>, vector<16xf32>,
        %max3A_273 = arith.maximumf %max3A_241, %get3A_272 : vector<16xf32>
        %get3A_274 = arith.index_cast %add3A_75 : i32 to index
        %get3A_275 = arith.constant 832 : index
        %get3A_276 = tpu.vector_load %arg4[%get3A_274, %get3A_275] {strides = array<i32>} : memref<64x1600xf32, #tpu.memory_space<vmem>>, vector<16xf32>,
        %max3A_277 = arith.maximumf %max3A_245, %get3A_276 : vector<16xf32>
        %get3A_278 = arith.index_cast %add3A_75 : i32 to index
        %get3A_279 = arith.constant 848 : index
        %get3A_280 = tpu.vector_load %arg4[%get3A_278, %get3A_279] {strides = array<i32>} : memref<64x1600xf32, #tpu.memory_space<vmem>>, vector<16xf32>,
        %max3A_281 = arith.maximumf %max3A_249, %get3A_280 : vector<16xf32>
        %get3A_282 = arith.index_cast %add3A_75 : i32 to index
        %get3A_283 = arith.constant 864 : index
        %get3A_284 = tpu.vector_load %arg4[%get3A_282, %get3A_283] {strides = array<i32>} : memref<64x1600xf32, #tpu.memory_space<vmem>>, vector<16xf32>,
        %max3A_285 = arith.maximumf %max3A_253, %get3A_284 : vector<16xf32>
        %get3A_286 = arith.index_cast %add3A_75 : i32 to index
        %get3A_287 = arith.constant 880 : index
        %get3A_288 = tpu.vector_load %arg4[%get3A_286, %get3A_287] {strides = array<i32>} : memref<64x1600xf32, #tpu.memory_space<vmem>>, vector<16xf32>,
        %max3A_289 = arith.maximumf %max3A_257, %get3A_288 : vector<16xf32>
        %get3A_290 = arith.index_cast %add3A_75 : i32 to index
        %get3A_291 = arith.constant 896 : index
        %get3A_292 = tpu.vector_load %arg4[%get3A_290, %get3A_291] {strides = array<i32>} : memref<64x1600xf32, #tpu.memory_space<vmem>>, vector<16xf32>,
        %max3A_293 = arith.maximumf %max3A_261, %get3A_292 : vector<16xf32>
        %get3A_294 = arith.index_cast %add3A_75 : i32 to index
        %get3A_295 = arith.constant 912 : index
        %get3A_296 = tpu.vector_load %arg4[%get3A_294, %get3A_295] {strides = array<i32>} : memref<64x1600xf32, #tpu.memory_space<vmem>>, vector<16xf32>,
        %max3A_297 = arith.maximumf %max3A_265, %get3A_296 : vector<16xf32>
        %get3A_298 = arith.index_cast %add3A_75 : i32 to index
        %get3A_299 = arith.constant 928 : index
        %get3A_300 = tpu.vector_load %arg4[%get3A_298, %get3A_299] {strides = array<i32>} : memref<64x1600xf32, #tpu.memory_space<vmem>>, vector<16xf32>,
        %max3A_301 = arith.maximumf %max3A_269, %get3A_300 : vector<16xf32>
        %get3A_302 = arith.index_cast %add3A_75 : i32 to index
        %get3A_303 = arith.constant 944 : index
        %get3A_304 = tpu.vector_load %arg4[%get3A_302, %get3A_303] {strides = array<i32>} : memref<64x1600xf32, #tpu.memory_space<vmem>>, vector<16xf32>,
        %max3A_305 = arith.maximumf %max3A_273, %get3A_304 : vector<16xf32>
        %get3A_306 = arith.index_cast %add3A_75 : i32 to index
        %get3A_307 = arith.constant 960 : index
        %get3A_308 = tpu.vector_load %arg4[%get3A_306, %get3A_307] {strides = array<i32>} : memref<64x1600xf32, #tpu.memory_space<vmem>>, vector<16xf32>,
        %max3A_309 = arith.maximumf %max3A_277, %get3A_308 : vector<16xf32>
        %get3A_310 = arith.index_cast %add3A_75 : i32 to index
        %get3A_311 = arith.constant 976 : index
        %get3A_312 = tpu.vector_load %arg4[%get3A_310, %get3A_311] {strides = array<i32>} : memref<64x1600xf32, #tpu.memory_space<vmem>>, vector<16xf32>,
        %max3A_313 = arith.maximumf %max3A_281, %get3A_312 : vector<16xf32>
        %get3A_314 = arith.index_cast %add3A_75 : i32 to index
        %get3A_315 = arith.constant 992 : index
        %get3A_316 = tpu.vector_load %arg4[%get3A_314, %get3A_315] {strides = array<i32>} : memref<64x1600xf32, #tpu.memory_space<vmem>>, vector<16xf32>,
        %max3A_317 = arith.maximumf %max3A_285, %get3A_316 : vector<16xf32>
        %get3A_318 = arith.index_cast %add3A_75 : i32 to index
        %get3A_319 = arith.constant 1008 : index
        %get3A_320 = tpu.vector_load %arg4[%get3A_318, %get3A_319] {strides = array<i32>} : memref<64x1600xf32, #tpu.memory_space<vmem>>, vector<16xf32>,
        %max3A_321 = arith.maximumf %max3A_289, %get3A_320 : vector<16xf32>
        %get3A_322 = arith.index_cast %add3A_75 : i32 to index
        %get3A_323 = arith.constant 1024 : index
        %get3A_324 = tpu.vector_load %arg4[%get3A_322, %get3A_323] {strides = array<i32>} : memref<64x1600xf32, #tpu.memory_space<vmem>>, vector<16xf32>,
        %max3A_325 = arith.maximumf %max3A_293, %get3A_324 : vector<16xf32>
        %get3A_326 = arith.index_cast %add3A_75 : i32 to index
        %get3A_327 = arith.constant 1040 : index
        %get3A_328 = tpu.vector_load %arg4[%get3A_326, %get3A_327] {strides = array<i32>} : memref<64x1600xf32, #tpu.memory_space<vmem>>, vector<16xf32>,
        %max3A_329 = arith.maximumf %max3A_297, %get3A_328 : vector<16xf32>
        %get3A_330 = arith.index_cast %add3A_75 : i32 to index
        %get3A_331 = arith.constant 1056 : index
        %get3A_332 = tpu.vector_load %arg4[%get3A_330, %get3A_331] {strides = array<i32>} : memref<64x1600xf32, #tpu.memory_space<vmem>>, vector<16xf32>,
        %max3A_333 = arith.maximumf %max3A_301, %get3A_332 : vector<16xf32>
        %get3A_334 = arith.index_cast %add3A_75 : i32 to index
        %get3A_335 = arith.constant 1072 : index
        %get3A_336 = tpu.vector_load %arg4[%get3A_334, %get3A_335] {strides = array<i32>} : memref<64x1600xf32, #tpu.memory_space<vmem>>, vector<16xf32>,
        %max3A_337 = arith.maximumf %max3A_305, %get3A_336 : vector<16xf32>
        %get3A_338 = arith.index_cast %add3A_75 : i32 to index
        %get3A_339 = arith.constant 1088 : index
        %get3A_340 = tpu.vector_load %arg4[%get3A_338, %get3A_339] {strides = array<i32>} : memref<64x1600xf32, #tpu.memory_space<vmem>>, vector<16xf32>,
        %max3A_341 = arith.maximumf %max3A_309, %get3A_340 : vector<16xf32>
        %get3A_342 = arith.index_cast %add3A_75 : i32 to index
        %get3A_343 = arith.constant 1104 : index
        %get3A_344 = tpu.vector_load %arg4[%get3A_342, %get3A_343] {strides = array<i32>} : memref<64x1600xf32, #tpu.memory_space<vmem>>, vector<16xf32>,
        %max3A_345 = arith.maximumf %max3A_313, %get3A_344 : vector<16xf32>
        %get3A_346 = arith.index_cast %add3A_75 : i32 to index
        %get3A_347 = arith.constant 1120 : index
        %get3A_348 = tpu.vector_load %arg4[%get3A_346, %get3A_347] {strides = array<i32>} : memref<64x1600xf32, #tpu.memory_space<vmem>>, vector<16xf32>,
        %max3A_349 = arith.maximumf %max3A_317, %get3A_348 : vector<16xf32>
        %get3A_350 = arith.index_cast %add3A_75 : i32 to index
        %get3A_351 = arith.constant 1136 : index
        %get3A_352 = tpu.vector_load %arg4[%get3A_350, %get3A_351] {strides = array<i32>} : memref<64x1600xf32, #tpu.memory_space<vmem>>, vector<16xf32>,
        %max3A_353 = arith.maximumf %max3A_321, %get3A_352 : vector<16xf32>
        %get3A_354 = arith.index_cast %add3A_75 : i32 to index
        %get3A_355 = arith.constant 1152 : index
        %get3A_356 = tpu.vector_load %arg4[%get3A_354, %get3A_355] {strides = array<i32>} : memref<64x1600xf32, #tpu.memory_space<vmem>>, vector<16xf32>,
        %max3A_357 = arith.maximumf %max3A_325, %get3A_356 : vector<16xf32>
        %get3A_358 = arith.index_cast %add3A_75 : i32 to index
        %get3A_359 = arith.constant 1168 : index
        %get3A_360 = tpu.vector_load %arg4[%get3A_358, %get3A_359] {strides = array<i32>} : memref<64x1600xf32, #tpu.memory_space<vmem>>, vector<16xf32>,
        %max3A_361 = arith.maximumf %max3A_329, %get3A_360 : vector<16xf32>
        %get3A_362 = arith.index_cast %add3A_75 : i32 to index
        %get3A_363 = arith.constant 1184 : index
        %get3A_364 = tpu.vector_load %arg4[%get3A_362, %get3A_363] {strides = array<i32>} : memref<64x1600xf32, #tpu.memory_space<vmem>>, vector<16xf32>,
        %max3A_365 = arith.maximumf %max3A_333, %get3A_364 : vector<16xf32>
        %get3A_366 = arith.index_cast %add3A_75 : i32 to index
        %get3A_367 = arith.constant 1200 : index
        %get3A_368 = tpu.vector_load %arg4[%get3A_366, %get3A_367] {strides = array<i32>} : memref<64x1600xf32, #tpu.memory_space<vmem>>, vector<16xf32>,
        %max3A_369 = arith.maximumf %max3A_337, %get3A_368 : vector<16xf32>
        %get3A_370 = arith.index_cast %add3A_75 : i32 to index
        %get3A_371 = arith.constant 1216 : index
        %get3A_372 = tpu.vector_load %arg4[%get3A_370, %get3A_371] {strides = array<i32>} : memref<64x1600xf32, #tpu.memory_space<vmem>>, vector<16xf32>,
        %max3A_373 = arith.maximumf %max3A_341, %get3A_372 : vector<16xf32>
        %get3A_374 = arith.index_cast %add3A_75 : i32 to index
        %get3A_375 = arith.constant 1232 : index
        %get3A_376 = tpu.vector_load %arg4[%get3A_374, %get3A_375] {strides = array<i32>} : memref<64x1600xf32, #tpu.memory_space<vmem>>, vector<16xf32>,
        %max3A_377 = arith.maximumf %max3A_345, %get3A_376 : vector<16xf32>
        %get3A_378 = arith.index_cast %add3A_75 : i32 to index
        %get3A_379 = arith.constant 1248 : index
        %get3A_380 = tpu.vector_load %arg4[%get3A_378, %get3A_379] {strides = array<i32>} : memref<64x1600xf32, #tpu.memory_space<vmem>>, vector<16xf32>,
        %max3A_381 = arith.maximumf %max3A_349, %get3A_380 : vector<16xf32>
        %get3A_382 = arith.index_cast %add3A_75 : i32 to index
        %get3A_383 = arith.constant 1264 : index
        %get3A_384 = tpu.vector_load %arg4[%get3A_382, %get3A_383] {strides = array<i32>} : memref<64x1600xf32, #tpu.memory_space<vmem>>, vector<16xf32>,
        %max3A_385 = arith.maximumf %max3A_353, %get3A_384 : vector<16xf32>
        %get3A_386 = arith.index_cast %add3A_75 : i32 to index
        %get3A_387 = arith.constant 1280 : index
        %get3A_388 = tpu.vector_load %arg4[%get3A_386, %get3A_387] {strides = array<i32>} : memref<64x1600xf32, #tpu.memory_space<vmem>>, vector<16xf32>,
        %max3A_389 = arith.maximumf %max3A_357, %get3A_388 : vector<16xf32>
        %get3A_390 = arith.index_cast %add3A_75 : i32 to index
        %get3A_391 = arith.constant 1296 : index
        %get3A_392 = tpu.vector_load %arg4[%get3A_390, %get3A_391] {strides = array<i32>} : memref<64x1600xf32, #tpu.memory_space<vmem>>, vector<16xf32>,
        %max3A_393 = arith.maximumf %max3A_361, %get3A_392 : vector<16xf32>
        %get3A_394 = arith.index_cast %add3A_75 : i32 to index
        %get3A_395 = arith.constant 1312 : index
        %get3A_396 = tpu.vector_load %arg4[%get3A_394, %get3A_395] {strides = array<i32>} : memref<64x1600xf32, #tpu.memory_space<vmem>>, vector<16xf32>,
        %max3A_397 = arith.maximumf %max3A_365, %get3A_396 : vector<16xf32>
        %get3A_398 = arith.index_cast %add3A_75 : i32 to index
        %get3A_399 = arith.constant 1328 : index
        %get3A_400 = tpu.vector_load %arg4[%get3A_398, %get3A_399] {strides = array<i32>} : memref<64x1600xf32, #tpu.memory_space<vmem>>, vector<16xf32>,
        %max3A_401 = arith.maximumf %max3A_369, %get3A_400 : vector<16xf32>
        %get3A_402 = arith.index_cast %add3A_75 : i32 to index
        %get3A_403 = arith.constant 1344 : index
        %get3A_404 = tpu.vector_load %arg4[%get3A_402, %get3A_403] {strides = array<i32>} : memref<64x1600xf32, #tpu.memory_space<vmem>>, vector<16xf32>,
        %max3A_405 = arith.maximumf %max3A_373, %get3A_404 : vector<16xf32>
        %get3A_406 = arith.index_cast %add3A_75 : i32 to index
        %get3A_407 = arith.constant 1360 : index
        %get3A_408 = tpu.vector_load %arg4[%get3A_406, %get3A_407] {strides = array<i32>} : memref<64x1600xf32, #tpu.memory_space<vmem>>, vector<16xf32>,
        %max3A_409 = arith.maximumf %max3A_377, %get3A_408 : vector<16xf32>
        %get3A_410 = arith.index_cast %add3A_75 : i32 to index
        %get3A_411 = arith.constant 1376 : index
        %get3A_412 = tpu.vector_load %arg4[%get3A_410, %get3A_411] {strides = array<i32>} : memref<64x1600xf32, #tpu.memory_space<vmem>>, vector<16xf32>,
        %max3A_413 = arith.maximumf %max3A_381, %get3A_412 : vector<16xf32>
        %get3A_414 = arith.index_cast %add3A_75 : i32 to index
        %get3A_415 = arith.constant 1392 : index
        %get3A_416 = tpu.vector_load %arg4[%get3A_414, %get3A_415] {strides = array<i32>} : memref<64x1600xf32, #tpu.memory_space<vmem>>, vector<16xf32>,
        %max3A_417 = arith.maximumf %max3A_385, %get3A_416 : vector<16xf32>
        %get3A_418 = arith.index_cast %add3A_75 : i32 to index
        %get3A_419 = arith.constant 1408 : index
        %get3A_420 = tpu.vector_load %arg4[%get3A_418, %get3A_419] {strides = array<i32>} : memref<64x1600xf32, #tpu.memory_space<vmem>>, vector<16xf32>,
        %max3A_421 = arith.maximumf %max3A_389, %get3A_420 : vector<16xf32>
        %get3A_422 = arith.index_cast %add3A_75 : i32 to index
        %get3A_423 = arith.constant 1424 : index
        %get3A_424 = tpu.vector_load %arg4[%get3A_422, %get3A_423] {strides = array<i32>} : memref<64x1600xf32, #tpu.memory_space<vmem>>, vector<16xf32>,
        %max3A_425 = arith.maximumf %max3A_393, %get3A_424 : vector<16xf32>
        %get3A_426 = arith.index_cast %add3A_75 : i32 to index
        %get3A_427 = arith.constant 1440 : index
        %get3A_428 = tpu.vector_load %arg4[%get3A_426, %get3A_427] {strides = array<i32>} : memref<64x1600xf32, #tpu.memory_space<vmem>>, vector<16xf32>,
        %max3A_429 = arith.maximumf %max3A_397, %get3A_428 : vector<16xf32>
        %get3A_430 = arith.index_cast %add3A_75 : i32 to index
        %get3A_431 = arith.constant 1456 : index
        %get3A_432 = tpu.vector_load %arg4[%get3A_430, %get3A_431] {strides = array<i32>} : memref<64x1600xf32, #tpu.memory_space<vmem>>, vector<16xf32>,
        %max3A_433 = arith.maximumf %max3A_401, %get3A_432 : vector<16xf32>
        %get3A_434 = arith.index_cast %add3A_75 : i32 to index
        %get3A_435 = arith.constant 1472 : index
        %get3A_436 = tpu.vector_load %arg4[%get3A_434, %get3A_435] {strides = array<i32>} : memref<64x1600xf32, #tpu.memory_space<vmem>>, vector<16xf32>,
        %max3A_437 = arith.maximumf %max3A_405, %get3A_436 : vector<16xf32>
        %get3A_438 = arith.index_cast %add3A_75 : i32 to index
        %get3A_439 = arith.constant 1488 : index
        %get3A_440 = tpu.vector_load %arg4[%get3A_438, %get3A_439] {strides = array<i32>} : memref<64x1600xf32, #tpu.memory_space<vmem>>, vector<16xf32>,
        %max3A_441 = arith.maximumf %max3A_409, %get3A_440 : vector<16xf32>
        %get3A_442 = arith.index_cast %add3A_75 : i32 to index
        %get3A_443 = arith.constant 1504 : index
        %get3A_444 = tpu.vector_load %arg4[%get3A_442, %get3A_443] {strides = array<i32>} : memref<64x1600xf32, #tpu.memory_space<vmem>>, vector<16xf32>,
        %max3A_445 = arith.maximumf %max3A_413, %get3A_444 : vector<16xf32>
        %get3A_446 = arith.index_cast %add3A_75 : i32 to index
        %get3A_447 = arith.constant 1520 : index
        %get3A_448 = tpu.vector_load %arg4[%get3A_446, %get3A_447] {strides = array<i32>} : memref<64x1600xf32, #tpu.memory_space<vmem>>, vector<16xf32>,
        %max3A_449 = arith.maximumf %max3A_417, %get3A_448 : vector<16xf32>
        %get3A_450 = arith.index_cast %add3A_75 : i32 to index
        %get3A_451 = arith.constant 1536 : index
        %get3A_452 = tpu.vector_load %arg4[%get3A_450, %get3A_451] {strides = array<i32>} : memref<64x1600xf32, #tpu.memory_space<vmem>>, vector<16xf32>,
        %max3A_453 = arith.maximumf %max3A_421, %get3A_452 : vector<16xf32>
        %get3A_454 = arith.index_cast %add3A_75 : i32 to index
        %get3A_455 = arith.constant 1552 : index
        %get3A_456 = tpu.vector_load %arg4[%get3A_454, %get3A_455] {strides = array<i32>} : memref<64x1600xf32, #tpu.memory_space<vmem>>, vector<16xf32>,
        %max3A_457 = arith.maximumf %max3A_425, %get3A_456 : vector<16xf32>
        %get3A_458 = arith.index_cast %add3A_75 : i32 to index
        %get3A_459 = arith.constant 1568 : index
        %get3A_460 = tpu.vector_load %arg4[%get3A_458, %get3A_459] {strides = array<i32>} : memref<64x1600xf32, #tpu.memory_space<vmem>>, vector<16xf32>,
        %max3A_461 = arith.maximumf %max3A_429, %get3A_460 : vector<16xf32>
        %get3A_462 = arith.index_cast %add3A_75 : i32 to index
        %get3A_463 = arith.constant 1584 : index
        %get3A_464 = tpu.vector_load %arg4[%get3A_462, %get3A_463] {strides = array<i32>} : memref<64x1600xf32, #tpu.memory_space<vmem>>, vector<16xf32>,
        %max3A_465 = arith.maximumf %max3A_433, %get3A_464 : vector<16xf32>
        %max3A_466 = arith.maximumf %max3A_453, %max3A_457 : vector<16xf32>
        %max3A_467 = arith.maximumf %max3A_461, %max3A_465 : vector<16xf32>
        %max3A_468 = arith.maximumf %max3A_466, %max3A_467 : vector<16xf32>
        %max3A_469 = arith.maximumf %max3A_437, %max3A_441 : vector<16xf32>
        %max3A_470 = arith.maximumf %max3A_445, %max3A_449 : vector<16xf32>
        %max3A_471 = arith.maximumf %max3A_469, %max3A_470 : vector<16xf32>
        %min3A = arith.minimumf %max3A_468, %max3A_471 : vector<16xf32>
        %masked_sort3A = arith.constant dense<true> : vector<16xi1>
        %masked_sort3A_472, %masked_sort3A_473, %masked_sort3A_474 = tpu.sort %min3A, %min3A masked %masked_sort3A : (vector<16xf32>, vector<16xf32>, vector<16xi1>) -> (vector<16xi1>, vector<16xf32>, vector<16xf32>)
        %slice3A = vector.extract_strided_slice %masked_sort3A_473 {offsets = [0], sizes = [1], strides = [1]} : vector<16xf32> to vector<1xf32>
        %squeeze3A = vector.extract %slice3A[0] : f32 from vector<1xf32>
        %broadcast_in_dim3A = vector.broadcast %squeeze3A : f32 to vector<16xf32>
        %get3A_475 = arith.index_cast %add3A_75 : i32 to index
        %get3A_476 = arith.constant 0 : index
        %get3A_477 = tpu.vector_load %arg4[%get3A_475, %get3A_476] {strides = array<i32>} : memref<64x1600xf32, #tpu.memory_space<vmem>>, vector<16xf32>,
        %ge3A = arith.cmpf oge, %get3A_477, %broadcast_in_dim3A : vector<16xf32>
        %swap3A = arith.constant 0 : index
        %swap3A_478 = tpu.vector_load %arg5[%swap3A] masked %ge3A {strides = array<i32>} : memref<3328xf32, #tpu.memory_space<vmem>>, vector<16xf32>, vector<16xi1>
        tpu.vector_store %arg5[%swap3A], %get3A_477 masked %ge3A {strides = array<i32>} : memref<3328xf32, #tpu.memory_space<vmem>>, vector<16xf32>, vector<16xi1>
        %all_reduce_population_count3A = tpu.all_reduce %ge3A {dim = 0 : i64, kind = #tpu.reduction_kind<sum>} : vector<16xi1> -> vector<16xi32>
        %slice3A_479 = vector.extract_strided_slice %all_reduce_population_count3A {offsets = [0], sizes = [1], strides = [1]} : vector<16xi32> to vector<1xi32>
        %squeeze3A_480 = vector.extract %slice3A_479[0] : i32 from vector<1xi32>
        %add3A_481 = arith.constant 0 : i32
        %add3A_482 = arith.addi %add3A_481, %squeeze3A_480 : i32
        %get3A_483 = arith.index_cast %add3A_75 : i32 to index
        %get3A_484 = arith.constant 16 : index
        %get3A_485 = tpu.vector_load %arg4[%get3A_483, %get3A_484] {strides = array<i32>} : memref<64x1600xf32, #tpu.memory_space<vmem>>, vector<16xf32>,
        %ge3A_486 = arith.cmpf oge, %get3A_485, %broadcast_in_dim3A : vector<16xf32>
        %swap3A_487 = arith.constant 416 : index
        %swap3A_488 = tpu.vector_load %arg5[%swap3A_487] masked %ge3A_486 {strides = array<i32>} : memref<3328xf32, #tpu.memory_space<vmem>>, vector<16xf32>, vector<16xi1>
        tpu.vector_store %arg5[%swap3A_487], %get3A_485 masked %ge3A_486 {strides = array<i32>} : memref<3328xf32, #tpu.memory_space<vmem>>, vector<16xf32>, vector<16xi1>
        %all_reduce_population_count3A_489 = tpu.all_reduce %ge3A_486 {dim = 0 : i64, kind = #tpu.reduction_kind<sum>} : vector<16xi1> -> vector<16xi32>
        %slice3A_490 = vector.extract_strided_slice %all_reduce_population_count3A_489 {offsets = [0], sizes = [1], strides = [1]} : vector<16xi32> to vector<1xi32>
        %squeeze3A_491 = vector.extract %slice3A_490[0] : i32 from vector<1xi32>
        %add3A_492 = arith.constant 0 : i32
        %add3A_493 = arith.addi %add3A_492, %squeeze3A_491 : i32
        %get3A_494 = arith.index_cast %add3A_75 : i32 to index
        %get3A_495 = arith.constant 32 : index
        %get3A_496 = tpu.vector_load %arg4[%get3A_494, %get3A_495] {strides = array<i32>} : memref<64x1600xf32, #tpu.memory_space<vmem>>, vector<16xf32>,
        %ge3A_497 = arith.cmpf oge, %get3A_496, %broadcast_in_dim3A : vector<16xf32>
        %swap3A_498 = arith.constant 832 : index
        %swap3A_499 = tpu.vector_load %arg5[%swap3A_498] masked %ge3A_497 {strides = array<i32>} : memref<3328xf32, #tpu.memory_space<vmem>>, vector<16xf32>, vector<16xi1>
        tpu.vector_store %arg5[%swap3A_498], %get3A_496 masked %ge3A_497 {strides = array<i32>} : memref<3328xf32, #tpu.memory_space<vmem>>, vector<16xf32>, vector<16xi1>
        %all_reduce_population_count3A_500 = tpu.all_reduce %ge3A_497 {dim = 0 : i64, kind = #tpu.reduction_kind<sum>} : vector<16xi1> -> vector<16xi32>
        %slice3A_501 = vector.extract_strided_slice %all_reduce_population_count3A_500 {offsets = [0], sizes = [1], strides = [1]} : vector<16xi32> to vector<1xi32>
        %squeeze3A_502 = vector.extract %slice3A_501[0] : i32 from vector<1xi32>
        %add3A_503 = arith.constant 0 : i32
        %add3A_504 = arith.addi %add3A_503, %squeeze3A_502 : i32
        %get3A_505 = arith.index_cast %add3A_75 : i32 to index
        %get3A_506 = arith.constant 48 : index
        %get3A_507 = tpu.vector_load %arg4[%get3A_505, %get3A_506] {strides = array<i32>} : memref<64x1600xf32, #tpu.memory_space<vmem>>, vector<16xf32>,
        %ge3A_508 = arith.cmpf oge, %get3A_507, %broadcast_in_dim3A : vector<16xf32>
        %swap3A_509 = arith.constant 1248 : index
        %swap3A_510 = tpu.vector_load %arg5[%swap3A_509] masked %ge3A_508 {strides = array<i32>} : memref<3328xf32, #tpu.memory_space<vmem>>, vector<16xf32>, vector<16xi1>
        tpu.vector_store %arg5[%swap3A_509], %get3A_507 masked %ge3A_508 {strides = array<i32>} : memref<3328xf32, #tpu.memory_space<vmem>>, vector<16xf32>, vector<16xi1>
        %all_reduce_population_count3A_511 = tpu.all_reduce %ge3A_508 {dim = 0 : i64, kind = #tpu.reduction_kind<sum>} : vector<16xi1> -> vector<16xi32>
        %slice3A_512 = vector.extract_strided_slice %all_reduce_population_count3A_511 {offsets = [0], sizes = [1], strides = [1]} : vector<16xi32> to vector<1xi32>
        %squeeze3A_513 = vector.extract %slice3A_512[0] : i32 from vector<1xi32>
        %add3A_514 = arith.constant 0 : i32
        %add3A_515 = arith.addi %add3A_514, %squeeze3A_513 : i32
        %get3A_516 = arith.index_cast %add3A_75 : i32 to index
        %get3A_517 = arith.constant 64 : index
        %get3A_518 = tpu.vector_load %arg4[%get3A_516, %get3A_517] {strides = array<i32>} : memref<64x1600xf32, #tpu.memory_space<vmem>>, vector<16xf32>,
        %ge3A_519 = arith.cmpf oge, %get3A_518, %broadcast_in_dim3A : vector<16xf32>
        %add3A_520 = arith.constant 0 : i32
        %add3A_521 = arith.addi %add3A_520, %add3A_482 : i32
        %swap3A_522 = arith.index_cast %add3A_521 : i32 to index
        %swap3A_523 = tpu.vector_load %arg5[%swap3A_522] masked %ge3A_519 {strides = array<i32>} : memref<3328xf32, #tpu.memory_space<vmem>>, vector<16xf32>, vector<16xi1>
        tpu.vector_store %arg5[%swap3A_522], %get3A_518 masked %ge3A_519 {strides = array<i32>} : memref<3328xf32, #tpu.memory_space<vmem>>, vector<16xf32>, vector<16xi1>
        %all_reduce_population_count3A_524 = tpu.all_reduce %ge3A_519 {dim = 0 : i64, kind = #tpu.reduction_kind<sum>} : vector<16xi1> -> vector<16xi32>
        %slice3A_525 = vector.extract_strided_slice %all_reduce_population_count3A_524 {offsets = [0], sizes = [1], strides = [1]} : vector<16xi32> to vector<1xi32>
        %squeeze3A_526 = vector.extract %slice3A_525[0] : i32 from vector<1xi32>
        %add3A_527 = arith.addi %add3A_482, %squeeze3A_526 : i32
        %get3A_528 = arith.index_cast %add3A_75 : i32 to index
        %get3A_529 = arith.constant 80 : index
        %get3A_530 = tpu.vector_load %arg4[%get3A_528, %get3A_529] {strides = array<i32>} : memref<64x1600xf32, #tpu.memory_space<vmem>>, vector<16xf32>,
        %ge3A_531 = arith.cmpf oge, %get3A_530, %broadcast_in_dim3A : vector<16xf32>
        %add3A_532 = arith.constant 416 : i32
        %add3A_533 = arith.addi %add3A_532, %add3A_493 : i32
        %swap3A_534 = arith.index_cast %add3A_533 : i32 to index
        %swap3A_535 = tpu.vector_load %arg5[%swap3A_534] masked %ge3A_531 {strides = array<i32>} : memref<3328xf32, #tpu.memory_space<vmem>>, vector<16xf32>, vector<16xi1>
        tpu.vector_store %arg5[%swap3A_534], %get3A_530 masked %ge3A_531 {strides = array<i32>} : memref<3328xf32, #tpu.memory_space<vmem>>, vector<16xf32>, vector<16xi1>
        %all_reduce_population_count3A_536 = tpu.all_reduce %ge3A_531 {dim = 0 : i64, kind = #tpu.reduction_kind<sum>} : vector<16xi1> -> vector<16xi32>
        %slice3A_537 = vector.extract_strided_slice %all_reduce_population_count3A_536 {offsets = [0], sizes = [1], strides = [1]} : vector<16xi32> to vector<1xi32>
        %squeeze3A_538 = vector.extract %slice3A_537[0] : i32 from vector<1xi32>
        %add3A_539 = arith.addi %add3A_493, %squeeze3A_538 : i32
        %get3A_540 = arith.index_cast %add3A_75 : i32 to index
        %get3A_541 = arith.constant 96 : index
        %get3A_542 = tpu.vector_load %arg4[%get3A_540, %get3A_541] {strides = array<i32>} : memref<64x1600xf32, #tpu.memory_space<vmem>>, vector<16xf32>,
        %ge3A_543 = arith.cmpf oge, %get3A_542, %broadcast_in_dim3A : vector<16xf32>
        %add3A_544 = arith.constant 832 : i32
        %add3A_545 = arith.addi %add3A_544, %add3A_504 : i32
        %swap3A_546 = arith.index_cast %add3A_545 : i32 to index
        %swap3A_547 = tpu.vector_load %arg5[%swap3A_546] masked %ge3A_543 {strides = array<i32>} : memref<3328xf32, #tpu.memory_space<vmem>>, vector<16xf32>, vector<16xi1>
        tpu.vector_store %arg5[%swap3A_546], %get3A_542 masked %ge3A_543 {strides = array<i32>} : memref<3328xf32, #tpu.memory_space<vmem>>, vector<16xf32>, vector<16xi1>
        %all_reduce_population_count3A_548 = tpu.all_reduce %ge3A_543 {dim = 0 : i64, kind = #tpu.reduction_kind<sum>} : vector<16xi1> -> vector<16xi32>
        %slice3A_549 = vector.extract_strided_slice %all_reduce_population_count3A_548 {offsets = [0], sizes = [1], strides = [1]} : vector<16xi32> to vector<1xi32>
        %squeeze3A_550 = vector.extract %slice3A_549[0] : i32 from vector<1xi32>
        %add3A_551 = arith.addi %add3A_504, %squeeze3A_550 : i32
        %get3A_552 = arith.index_cast %add3A_75 : i32 to index
        %get3A_553 = arith.constant 112 : index
        %get3A_554 = tpu.vector_load %arg4[%get3A_552, %get3A_553] {strides = array<i32>} : memref<64x1600xf32, #tpu.memory_space<vmem>>, vector<16xf32>,
        %ge3A_555 = arith.cmpf oge, %get3A_554, %broadcast_in_dim3A : vector<16xf32>
        %add3A_556 = arith.constant 1248 : i32
        %add3A_557 = arith.addi %add3A_556, %add3A_515 : i32
        %swap3A_558 = arith.index_cast %add3A_557 : i32 to index
        %swap3A_559 = tpu.vector_load %arg5[%swap3A_558] masked %ge3A_555 {strides = array<i32>} : memref<3328xf32, #tpu.memory_space<vmem>>, vector<16xf32>, vector<16xi1>
        tpu.vector_store %arg5[%swap3A_558], %get3A_554 masked %ge3A_555 {strides = array<i32>} : memref<3328xf32, #tpu.memory_space<vmem>>, vector<16xf32>, vector<16xi1>
        %all_reduce_population_count3A_560 = tpu.all_reduce %ge3A_555 {dim = 0 : i64, kind = #tpu.reduction_kind<sum>} : vector<16xi1> -> vector<16xi32>
        %slice3A_561 = vector.extract_strided_slice %all_reduce_population_count3A_560 {offsets = [0], sizes = [1], strides = [1]} : vector<16xi32> to vector<1xi32>
        %squeeze3A_562 = vector.extract %slice3A_561[0] : i32 from vector<1xi32>
        %add3A_563 = arith.addi %add3A_515, %squeeze3A_562 : i32
        %get3A_564 = arith.index_cast %add3A_75 : i32 to index
        %get3A_565 = arith.constant 128 : index
        %get3A_566 = tpu.vector_load %arg4[%get3A_564, %get3A_565] {strides = array<i32>} : memref<64x1600xf32, #tpu.memory_space<vmem>>, vector<16xf32>,
        %ge3A_567 = arith.cmpf oge, %get3A_566, %broadcast_in_dim3A : vector<16xf32>
        %add3A_568 = arith.constant 0 : i32
        %add3A_569 = arith.addi %add3A_568, %add3A_527 : i32
        %swap3A_570 = arith.index_cast %add3A_569 : i32 to index
        %swap3A_571 = tpu.vector_load %arg5[%swap3A_570] masked %ge3A_567 {strides = array<i32>} : memref<3328xf32, #tpu.memory_space<vmem>>, vector<16xf32>, vector<16xi1>
        tpu.vector_store %arg5[%swap3A_570], %get3A_566 masked %ge3A_567 {strides = array<i32>} : memref<3328xf32, #tpu.memory_space<vmem>>, vector<16xf32>, vector<16xi1>
        %all_reduce_population_count3A_572 = tpu.all_reduce %ge3A_567 {dim = 0 : i64, kind = #tpu.reduction_kind<sum>} : vector<16xi1> -> vector<16xi32>
        %slice3A_573 = vector.extract_strided_slice %all_reduce_population_count3A_572 {offsets = [0], sizes = [1], strides = [1]} : vector<16xi32> to vector<1xi32>
        %squeeze3A_574 = vector.extract %slice3A_573[0] : i32 from vector<1xi32>
        %add3A_575 = arith.addi %add3A_527, %squeeze3A_574 : i32
        %get3A_576 = arith.index_cast %add3A_75 : i32 to index
        %get3A_577 = arith.constant 144 : index
        %get3A_578 = tpu.vector_load %arg4[%get3A_576, %get3A_577] {strides = array<i32>} : memref<64x1600xf32, #tpu.memory_space<vmem>>, vector<16xf32>,
        %ge3A_579 = arith.cmpf oge, %get3A_578, %broadcast_in_dim3A : vector<16xf32>
        %add3A_580 = arith.constant 416 : i32
        %add3A_581 = arith.addi %add3A_580, %add3A_539 : i32
        %swap3A_582 = arith.index_cast %add3A_581 : i32 to index
        %swap3A_583 = tpu.vector_load %arg5[%swap3A_582] masked %ge3A_579 {strides = array<i32>} : memref<3328xf32, #tpu.memory_space<vmem>>, vector<16xf32>, vector<16xi1>
        tpu.vector_store %arg5[%swap3A_582], %get3A_578 masked %ge3A_579 {strides = array<i32>} : memref<3328xf32, #tpu.memory_space<vmem>>, vector<16xf32>, vector<16xi1>
        %all_reduce_population_count3A_584 = tpu.all_reduce %ge3A_579 {dim = 0 : i64, kind = #tpu.reduction_kind<sum>} : vector<16xi1> -> vector<16xi32>
        %slice3A_585 = vector.extract_strided_slice %all_reduce_population_count3A_584 {offsets = [0], sizes = [1], strides = [1]} : vector<16xi32> to vector<1xi32>
        %squeeze3A_586 = vector.extract %slice3A_585[0] : i32 from vector<1xi32>
        %add3A_587 = arith.addi %add3A_539, %squeeze3A_586 : i32
        %get3A_588 = arith.index_cast %add3A_75 : i32 to index
        %get3A_589 = arith.constant 160 : index
        %get3A_590 = tpu.vector_load %arg4[%get3A_588, %get3A_589] {strides = array<i32>} : memref<64x1600xf32, #tpu.memory_space<vmem>>, vector<16xf32>,
        %ge3A_591 = arith.cmpf oge, %get3A_590, %broadcast_in_dim3A : vector<16xf32>
        %add3A_592 = arith.constant 832 : i32
        %add3A_593 = arith.addi %add3A_592, %add3A_551 : i32
        %swap3A_594 = arith.index_cast %add3A_593 : i32 to index
        %swap3A_595 = tpu.vector_load %arg5[%swap3A_594] masked %ge3A_591 {strides = array<i32>} : memref<3328xf32, #tpu.memory_space<vmem>>, vector<16xf32>, vector<16xi1>
        tpu.vector_store %arg5[%swap3A_594], %get3A_590 masked %ge3A_591 {strides = array<i32>} : memref<3328xf32, #tpu.memory_space<vmem>>, vector<16xf32>, vector<16xi1>
        %all_reduce_population_count3A_596 = tpu.all_reduce %ge3A_591 {dim = 0 : i64, kind = #tpu.reduction_kind<sum>} : vector<16xi1> -> vector<16xi32>
        %slice3A_597 = vector.extract_strided_slice %all_reduce_population_count3A_596 {offsets = [0], sizes = [1], strides = [1]} : vector<16xi32> to vector<1xi32>
        %squeeze3A_598 = vector.extract %slice3A_597[0] : i32 from vector<1xi32>
        %add3A_599 = arith.addi %add3A_551, %squeeze3A_598 : i32
        %get3A_600 = arith.index_cast %add3A_75 : i32 to index
        %get3A_601 = arith.constant 176 : index
        %get3A_602 = tpu.vector_load %arg4[%get3A_600, %get3A_601] {strides = array<i32>} : memref<64x1600xf32, #tpu.memory_space<vmem>>, vector<16xf32>,
        %ge3A_603 = arith.cmpf oge, %get3A_602, %broadcast_in_dim3A : vector<16xf32>
        %add3A_604 = arith.constant 1248 : i32
        %add3A_605 = arith.addi %add3A_604, %add3A_563 : i32
        %swap3A_606 = arith.index_cast %add3A_605 : i32 to index
        %swap3A_607 = tpu.vector_load %arg5[%swap3A_606] masked %ge3A_603 {strides = array<i32>} : memref<3328xf32, #tpu.memory_space<vmem>>, vector<16xf32>, vector<16xi1>
        tpu.vector_store %arg5[%swap3A_606], %get3A_602 masked %ge3A_603 {strides = array<i32>} : memref<3328xf32, #tpu.memory_space<vmem>>, vector<16xf32>, vector<16xi1>
        %all_reduce_population_count3A_608 = tpu.all_reduce %ge3A_603 {dim = 0 : i64, kind = #tpu.reduction_kind<sum>} : vector<16xi1> -> vector<16xi32>
        %slice3A_609 = vector.extract_strided_slice %all_reduce_population_count3A_608 {offsets = [0], sizes = [1], strides = [1]} : vector<16xi32> to vector<1xi32>
        %squeeze3A_610 = vector.extract %slice3A_609[0] : i32 from vector<1xi32>
        %add3A_611 = arith.addi %add3A_563, %squeeze3A_610 : i32
        %get3A_612 = arith.index_cast %add3A_75 : i32 to index
        %get3A_613 = arith.constant 192 : index
        %get3A_614 = tpu.vector_load %arg4[%get3A_612, %get3A_613] {strides = array<i32>} : memref<64x1600xf32, #tpu.memory_space<vmem>>, vector<16xf32>,
        %ge3A_615 = arith.cmpf oge, %get3A_614, %broadcast_in_dim3A : vector<16xf32>
        %add3A_616 = arith.constant 0 : i32
        %add3A_617 = arith.addi %add3A_616, %add3A_575 : i32
        %swap3A_618 = arith.index_cast %add3A_617 : i32 to index
        %swap3A_619 = tpu.vector_load %arg5[%swap3A_618] masked %ge3A_615 {strides = array<i32>} : memref<3328xf32, #tpu.memory_space<vmem>>, vector<16xf32>, vector<16xi1>
        tpu.vector_store %arg5[%swap3A_618], %get3A_614 masked %ge3A_615 {strides = array<i32>} : memref<3328xf32, #tpu.memory_space<vmem>>, vector<16xf32>, vector<16xi1>
        %all_reduce_population_count3A_620 = tpu.all_reduce %ge3A_615 {dim = 0 : i64, kind = #tpu.reduction_kind<sum>} : vector<16xi1> -> vector<16xi32>
        %slice3A_621 = vector.extract_strided_slice %all_reduce_population_count3A_620 {offsets = [0], sizes = [1], strides = [1]} : vector<16xi32> to vector<1xi32>
        %squeeze3A_622 = vector.extract %slice3A_621[0] : i32 from vector<1xi32>
        %add3A_623 = arith.addi %add3A_575, %squeeze3A_622 : i32
        %get3A_624 = arith.index_cast %add3A_75 : i32 to index
        %get3A_625 = arith.constant 208 : index
        %get3A_626 = tpu.vector_load %arg4[%get3A_624, %get3A_625] {strides = array<i32>} : memref<64x1600xf32, #tpu.memory_space<vmem>>, vector<16xf32>,
        %ge3A_627 = arith.cmpf oge, %get3A_626, %broadcast_in_dim3A : vector<16xf32>
        %add3A_628 = arith.constant 416 : i32
        %add3A_629 = arith.addi %add3A_628, %add3A_587 : i32
        %swap3A_630 = arith.index_cast %add3A_629 : i32 to index
        %swap3A_631 = tpu.vector_load %arg5[%swap3A_630] masked %ge3A_627 {strides = array<i32>} : memref<3328xf32, #tpu.memory_space<vmem>>, vector<16xf32>, vector<16xi1>
        tpu.vector_store %arg5[%swap3A_630], %get3A_626 masked %ge3A_627 {strides = array<i32>} : memref<3328xf32, #tpu.memory_space<vmem>>, vector<16xf32>, vector<16xi1>
        %all_reduce_population_count3A_632 = tpu.all_reduce %ge3A_627 {dim = 0 : i64, kind = #tpu.reduction_kind<sum>} : vector<16xi1> -> vector<16xi32>
        %slice3A_633 = vector.extract_strided_slice %all_reduce_population_count3A_632 {offsets = [0], sizes = [1], strides = [1]} : vector<16xi32> to vector<1xi32>
        %squeeze3A_634 = vector.extract %slice3A_633[0] : i32 from vector<1xi32>
        %add3A_635 = arith.addi %add3A_587, %squeeze3A_634 : i32
        %get3A_636 = arith.index_cast %add3A_75 : i32 to index
        %get3A_637 = arith.constant 224 : index
        %get3A_638 = tpu.vector_load %arg4[%get3A_636, %get3A_637] {strides = array<i32>} : memref<64x1600xf32, #tpu.memory_space<vmem>>, vector<16xf32>,
        %ge3A_639 = arith.cmpf oge, %get3A_638, %broadcast_in_dim3A : vector<16xf32>
        %add3A_640 = arith.constant 832 : i32
        %add3A_641 = arith.addi %add3A_640, %add3A_599 : i32
        %swap3A_642 = arith.index_cast %add3A_641 : i32 to index
        %swap3A_643 = tpu.vector_load %arg5[%swap3A_642] masked %ge3A_639 {strides = array<i32>} : memref<3328xf32, #tpu.memory_space<vmem>>, vector<16xf32>, vector<16xi1>
        tpu.vector_store %arg5[%swap3A_642], %get3A_638 masked %ge3A_639 {strides = array<i32>} : memref<3328xf32, #tpu.memory_space<vmem>>, vector<16xf32>, vector<16xi1>
        %all_reduce_population_count3A_644 = tpu.all_reduce %ge3A_639 {dim = 0 : i64, kind = #tpu.reduction_kind<sum>} : vector<16xi1> -> vector<16xi32>
        %slice3A_645 = vector.extract_strided_slice %all_reduce_population_count3A_644 {offsets = [0], sizes = [1], strides = [1]} : vector<16xi32> to vector<1xi32>
        %squeeze3A_646 = vector.extract %slice3A_645[0] : i32 from vector<1xi32>
        %add3A_647 = arith.addi %add3A_599, %squeeze3A_646 : i32
        %get3A_648 = arith.index_cast %add3A_75 : i32 to index
        %get3A_649 = arith.constant 240 : index
        %get3A_650 = tpu.vector_load %arg4[%get3A_648, %get3A_649] {strides = array<i32>} : memref<64x1600xf32, #tpu.memory_space<vmem>>, vector<16xf32>,
        %ge3A_651 = arith.cmpf oge, %get3A_650, %broadcast_in_dim3A : vector<16xf32>
        %add3A_652 = arith.constant 1248 : i32
        %add3A_653 = arith.addi %add3A_652, %add3A_611 : i32
        %swap3A_654 = arith.index_cast %add3A_653 : i32 to index
        %swap3A_655 = tpu.vector_load %arg5[%swap3A_654] masked %ge3A_651 {strides = array<i32>} : memref<3328xf32, #tpu.memory_space<vmem>>, vector<16xf32>, vector<16xi1>
        tpu.vector_store %arg5[%swap3A_654], %get3A_650 masked %ge3A_651 {strides = array<i32>} : memref<3328xf32, #tpu.memory_space<vmem>>, vector<16xf32>, vector<16xi1>
        %all_reduce_population_count3A_656 = tpu.all_reduce %ge3A_651 {dim = 0 : i64, kind = #tpu.reduction_kind<sum>} : vector<16xi1> -> vector<16xi32>
        %slice3A_657 = vector.extract_strided_slice %all_reduce_population_count3A_656 {offsets = [0], sizes = [1], strides = [1]} : vector<16xi32> to vector<1xi32>
        %squeeze3A_658 = vector.extract %slice3A_657[0] : i32 from vector<1xi32>
        %add3A_659 = arith.addi %add3A_611, %squeeze3A_658 : i32
        %get3A_660 = arith.index_cast %add3A_75 : i32 to index
        %get3A_661 = arith.constant 256 : index
        %get3A_662 = tpu.vector_load %arg4[%get3A_660, %get3A_661] {strides = array<i32>} : memref<64x1600xf32, #tpu.memory_space<vmem>>, vector<16xf32>,
        %ge3A_663 = arith.cmpf oge, %get3A_662, %broadcast_in_dim3A : vector<16xf32>
        %add3A_664 = arith.constant 0 : i32
        %add3A_665 = arith.addi %add3A_664, %add3A_623 : i32
        %swap3A_666 = arith.index_cast %add3A_665 : i32 to index
        %swap3A_667 = tpu.vector_load %arg5[%swap3A_666] masked %ge3A_663 {strides = array<i32>} : memref<3328xf32, #tpu.memory_space<vmem>>, vector<16xf32>, vector<16xi1>
        tpu.vector_store %arg5[%swap3A_666], %get3A_662 masked %ge3A_663 {strides = array<i32>} : memref<3328xf32, #tpu.memory_space<vmem>>, vector<16xf32>, vector<16xi1>
        %all_reduce_population_count3A_668 = tpu.all_reduce %ge3A_663 {dim = 0 : i64, kind = #tpu.reduction_kind<sum>} : vector<16xi1> -> vector<16xi32>
        %slice3A_669 = vector.extract_strided_slice %all_reduce_population_count3A_668 {offsets = [0], sizes = [1], strides = [1]} : vector<16xi32> to vector<1xi32>
        %squeeze3A_670 = vector.extract %slice3A_669[0] : i32 from vector<1xi32>
        %add3A_671 = arith.addi %add3A_623, %squeeze3A_670 : i32
        %get3A_672 = arith.index_cast %add3A_75 : i32 to index
        %get3A_673 = arith.constant 272 : index
        %get3A_674 = tpu.vector_load %arg4[%get3A_672, %get3A_673] {strides = array<i32>} : memref<64x1600xf32, #tpu.memory_space<vmem>>, vector<16xf32>,
        %ge3A_675 = arith.cmpf oge, %get3A_674, %broadcast_in_dim3A : vector<16xf32>
        %add3A_676 = arith.constant 416 : i32
        %add3A_677 = arith.addi %add3A_676, %add3A_635 : i32
        %swap3A_678 = arith.index_cast %add3A_677 : i32 to index
        %swap3A_679 = tpu.vector_load %arg5[%swap3A_678] masked %ge3A_675 {strides = array<i32>} : memref<3328xf32, #tpu.memory_space<vmem>>, vector<16xf32>, vector<16xi1>
        tpu.vector_store %arg5[%swap3A_678], %get3A_674 masked %ge3A_675 {strides = array<i32>} : memref<3328xf32, #tpu.memory_space<vmem>>, vector<16xf32>, vector<16xi1>
        %all_reduce_population_count3A_680 = tpu.all_reduce %ge3A_675 {dim = 0 : i64, kind = #tpu.reduction_kind<sum>} : vector<16xi1> -> vector<16xi32>
        %slice3A_681 = vector.extract_strided_slice %all_reduce_population_count3A_680 {offsets = [0], sizes = [1], strides = [1]} : vector<16xi32> to vector<1xi32>
        %squeeze3A_682 = vector.extract %slice3A_681[0] : i32 from vector<1xi32>
        %add3A_683 = arith.addi %add3A_635, %squeeze3A_682 : i32
        %get3A_684 = arith.index_cast %add3A_75 : i32 to index
        %get3A_685 = arith.constant 288 : index
        %get3A_686 = tpu.vector_load %arg4[%get3A_684, %get3A_685] {strides = array<i32>} : memref<64x1600xf32, #tpu.memory_space<vmem>>, vector<16xf32>,
        %ge3A_687 = arith.cmpf oge, %get3A_686, %broadcast_in_dim3A : vector<16xf32>
        %add3A_688 = arith.constant 832 : i32
        %add3A_689 = arith.addi %add3A_688, %add3A_647 : i32
        %swap3A_690 = arith.index_cast %add3A_689 : i32 to index
        %swap3A_691 = tpu.vector_load %arg5[%swap3A_690] masked %ge3A_687 {strides = array<i32>} : memref<3328xf32, #tpu.memory_space<vmem>>, vector<16xf32>, vector<16xi1>
        tpu.vector_store %arg5[%swap3A_690], %get3A_686 masked %ge3A_687 {strides = array<i32>} : memref<3328xf32, #tpu.memory_space<vmem>>, vector<16xf32>, vector<16xi1>
        %all_reduce_population_count3A_692 = tpu.all_reduce %ge3A_687 {dim = 0 : i64, kind = #tpu.reduction_kind<sum>} : vector<16xi1> -> vector<16xi32>
        %slice3A_693 = vector.extract_strided_slice %all_reduce_population_count3A_692 {offsets = [0], sizes = [1], strides = [1]} : vector<16xi32> to vector<1xi32>
        %squeeze3A_694 = vector.extract %slice3A_693[0] : i32 from vector<1xi32>
        %add3A_695 = arith.addi %add3A_647, %squeeze3A_694 : i32
        %get3A_696 = arith.index_cast %add3A_75 : i32 to index
        %get3A_697 = arith.constant 304 : index
        %get3A_698 = tpu.vector_load %arg4[%get3A_696, %get3A_697] {strides = array<i32>} : memref<64x1600xf32, #tpu.memory_space<vmem>>, vector<16xf32>,
        %ge3A_699 = arith.cmpf oge, %get3A_698, %broadcast_in_dim3A : vector<16xf32>
        %add3A_700 = arith.constant 1248 : i32
        %add3A_701 = arith.addi %add3A_700, %add3A_659 : i32
        %swap3A_702 = arith.index_cast %add3A_701 : i32 to index
        %swap3A_703 = tpu.vector_load %arg5[%swap3A_702] masked %ge3A_699 {strides = array<i32>} : memref<3328xf32, #tpu.memory_space<vmem>>, vector<16xf32>, vector<16xi1>
        tpu.vector_store %arg5[%swap3A_702], %get3A_698 masked %ge3A_699 {strides = array<i32>} : memref<3328xf32, #tpu.memory_space<vmem>>, vector<16xf32>, vector<16xi1>
        %all_reduce_population_count3A_704 = tpu.all_reduce %ge3A_699 {dim = 0 : i64, kind = #tpu.reduction_kind<sum>} : vector<16xi1> -> vector<16xi32>
        %slice3A_705 = vector.extract_strided_slice %all_reduce_population_count3A_704 {offsets = [0], sizes = [1], strides = [1]} : vector<16xi32> to vector<1xi32>
        %squeeze3A_706 = vector.extract %slice3A_705[0] : i32 from vector<1xi32>
        %add3A_707 = arith.addi %add3A_659, %squeeze3A_706 : i32
        %get3A_708 = arith.index_cast %add3A_75 : i32 to index
        %get3A_709 = arith.constant 320 : index
        %get3A_710 = tpu.vector_load %arg4[%get3A_708, %get3A_709] {strides = array<i32>} : memref<64x1600xf32, #tpu.memory_space<vmem>>, vector<16xf32>,
        %ge3A_711 = arith.cmpf oge, %get3A_710, %broadcast_in_dim3A : vector<16xf32>
        %add3A_712 = arith.constant 0 : i32
        %add3A_713 = arith.addi %add3A_712, %add3A_671 : i32
        %swap3A_714 = arith.index_cast %add3A_713 : i32 to index
        %swap3A_715 = tpu.vector_load %arg5[%swap3A_714] masked %ge3A_711 {strides = array<i32>} : memref<3328xf32, #tpu.memory_space<vmem>>, vector<16xf32>, vector<16xi1>
        tpu.vector_store %arg5[%swap3A_714], %get3A_710 masked %ge3A_711 {strides = array<i32>} : memref<3328xf32, #tpu.memory_space<vmem>>, vector<16xf32>, vector<16xi1>
        %all_reduce_population_count3A_716 = tpu.all_reduce %ge3A_711 {dim = 0 : i64, kind = #tpu.reduction_kind<sum>} : vector<16xi1> -> vector<16xi32>
        %slice3A_717 = vector.extract_strided_slice %all_reduce_population_count3A_716 {offsets = [0], sizes = [1], strides = [1]} : vector<16xi32> to vector<1xi32>
        %squeeze3A_718 = vector.extract %slice3A_717[0] : i32 from vector<1xi32>
        %add3A_719 = arith.addi %add3A_671, %squeeze3A_718 : i32
        %get3A_720 = arith.index_cast %add3A_75 : i32 to index
        %get3A_721 = arith.constant 336 : index
        %get3A_722 = tpu.vector_load %arg4[%get3A_720, %get3A_721] {strides = array<i32>} : memref<64x1600xf32, #tpu.memory_space<vmem>>, vector<16xf32>,
        %ge3A_723 = arith.cmpf oge, %get3A_722, %broadcast_in_dim3A : vector<16xf32>
        %add3A_724 = arith.constant 416 : i32
        %add3A_725 = arith.addi %add3A_724, %add3A_683 : i32
        %swap3A_726 = arith.index_cast %add3A_725 : i32 to index
        %swap3A_727 = tpu.vector_load %arg5[%swap3A_726] masked %ge3A_723 {strides = array<i32>} : memref<3328xf32, #tpu.memory_space<vmem>>, vector<16xf32>, vector<16xi1>
        tpu.vector_store %arg5[%swap3A_726], %get3A_722 masked %ge3A_723 {strides = array<i32>} : memref<3328xf32, #tpu.memory_space<vmem>>, vector<16xf32>, vector<16xi1>
        %all_reduce_population_count3A_728 = tpu.all_reduce %ge3A_723 {dim = 0 : i64, kind = #tpu.reduction_kind<sum>} : vector<16xi1> -> vector<16xi32>
        %slice3A_729 = vector.extract_strided_slice %all_reduce_population_count3A_728 {offsets = [0], sizes = [1], strides = [1]} : vector<16xi32> to vector<1xi32>
        %squeeze3A_730 = vector.extract %slice3A_729[0] : i32 from vector<1xi32>
        %add3A_731 = arith.addi %add3A_683, %squeeze3A_730 : i32
        %get3A_732 = arith.index_cast %add3A_75 : i32 to index
        %get3A_733 = arith.constant 352 : index
        %get3A_734 = tpu.vector_load %arg4[%get3A_732, %get3A_733] {strides = array<i32>} : memref<64x1600xf32, #tpu.memory_space<vmem>>, vector<16xf32>,
        %ge3A_735 = arith.cmpf oge, %get3A_734, %broadcast_in_dim3A : vector<16xf32>
        %add3A_736 = arith.constant 832 : i32
        %add3A_737 = arith.addi %add3A_736, %add3A_695 : i32
        %swap3A_738 = arith.index_cast %add3A_737 : i32 to index
        %swap3A_739 = tpu.vector_load %arg5[%swap3A_738] masked %ge3A_735 {strides = array<i32>} : memref<3328xf32, #tpu.memory_space<vmem>>, vector<16xf32>, vector<16xi1>
        tpu.vector_store %arg5[%swap3A_738], %get3A_734 masked %ge3A_735 {strides = array<i32>} : memref<3328xf32, #tpu.memory_space<vmem>>, vector<16xf32>, vector<16xi1>
        %all_reduce_population_count3A_740 = tpu.all_reduce %ge3A_735 {dim = 0 : i64, kind = #tpu.reduction_kind<sum>} : vector<16xi1> -> vector<16xi32>
        %slice3A_741 = vector.extract_strided_slice %all_reduce_population_count3A_740 {offsets = [0], sizes = [1], strides = [1]} : vector<16xi32> to vector<1xi32>
        %squeeze3A_742 = vector.extract %slice3A_741[0] : i32 from vector<1xi32>
        %add3A_743 = arith.addi %add3A_695, %squeeze3A_742 : i32
        %get3A_744 = arith.index_cast %add3A_75 : i32 to index
        %get3A_745 = arith.constant 368 : index
        %get3A_746 = tpu.vector_load %arg4[%get3A_744, %get3A_745] {strides = array<i32>} : memref<64x1600xf32, #tpu.memory_space<vmem>>, vector<16xf32>,
        %ge3A_747 = arith.cmpf oge, %get3A_746, %broadcast_in_dim3A : vector<16xf32>
        %add3A_748 = arith.constant 1248 : i32
        %add3A_749 = arith.addi %add3A_748, %add3A_707 : i32
        %swap3A_750 = arith.index_cast %add3A_749 : i32 to index
        %swap3A_751 = tpu.vector_load %arg5[%swap3A_750] masked %ge3A_747 {strides = array<i32>} : memref<3328xf32, #tpu.memory_space<vmem>>, vector<16xf32>, vector<16xi1>
        tpu.vector_store %arg5[%swap3A_750], %get3A_746 masked %ge3A_747 {strides = array<i32>} : memref<3328xf32, #tpu.memory_space<vmem>>, vector<16xf32>, vector<16xi1>
        %all_reduce_population_count3A_752 = tpu.all_reduce %ge3A_747 {dim = 0 : i64, kind = #tpu.reduction_kind<sum>} : vector<16xi1> -> vector<16xi32>
        %slice3A_753 = vector.extract_strided_slice %all_reduce_population_count3A_752 {offsets = [0], sizes = [1], strides = [1]} : vector<16xi32> to vector<1xi32>
        %squeeze3A_754 = vector.extract %slice3A_753[0] : i32 from vector<1xi32>
        %add3A_755 = arith.addi %add3A_707, %squeeze3A_754 : i32
        %get3A_756 = arith.index_cast %add3A_75 : i32 to index
        %get3A_757 = arith.constant 384 : index
        %get3A_758 = tpu.vector_load %arg4[%get3A_756, %get3A_757] {strides = array<i32>} : memref<64x1600xf32, #tpu.memory_space<vmem>>, vector<16xf32>,
        %ge3A_759 = arith.cmpf oge, %get3A_758, %broadcast_in_dim3A : vector<16xf32>
        %add3A_760 = arith.constant 0 : i32
        %add3A_761 = arith.addi %add3A_760, %add3A_719 : i32
        %swap3A_762 = arith.index_cast %add3A_761 : i32 to index
        %swap3A_763 = tpu.vector_load %arg5[%swap3A_762] masked %ge3A_759 {strides = array<i32>} : memref<3328xf32, #tpu.memory_space<vmem>>, vector<16xf32>, vector<16xi1>
        tpu.vector_store %arg5[%swap3A_762], %get3A_758 masked %ge3A_759 {strides = array<i32>} : memref<3328xf32, #tpu.memory_space<vmem>>, vector<16xf32>, vector<16xi1>
        %all_reduce_population_count3A_764 = tpu.all_reduce %ge3A_759 {dim = 0 : i64, kind = #tpu.reduction_kind<sum>} : vector<16xi1> -> vector<16xi32>
        %slice3A_765 = vector.extract_strided_slice %all_reduce_population_count3A_764 {offsets = [0], sizes = [1], strides = [1]} : vector<16xi32> to vector<1xi32>
        %squeeze3A_766 = vector.extract %slice3A_765[0] : i32 from vector<1xi32>
        %add3A_767 = arith.addi %add3A_719, %squeeze3A_766 : i32
        %get3A_768 = arith.index_cast %add3A_75 : i32 to index
        %get3A_769 = arith.constant 400 : index
        %get3A_770 = tpu.vector_load %arg4[%get3A_768, %get3A_769] {strides = array<i32>} : memref<64x1600xf32, #tpu.memory_space<vmem>>, vector<16xf32>,
        %ge3A_771 = arith.cmpf oge, %get3A_770, %broadcast_in_dim3A : vector<16xf32>
        %add3A_772 = arith.constant 416 : i32
        %add3A_773 = arith.addi %add3A_772, %add3A_731 : i32
        %swap3A_774 = arith.index_cast %add3A_773 : i32 to index
        %swap3A_775 = tpu.vector_load %arg5[%swap3A_774] masked %ge3A_771 {strides = array<i32>} : memref<3328xf32, #tpu.memory_space<vmem>>, vector<16xf32>, vector<16xi1>
        tpu.vector_store %arg5[%swap3A_774], %get3A_770 masked %ge3A_771 {strides = array<i32>} : memref<3328xf32, #tpu.memory_space<vmem>>, vector<16xf32>, vector<16xi1>
        %all_reduce_population_count3A_776 = tpu.all_reduce %ge3A_771 {dim = 0 : i64, kind = #tpu.reduction_kind<sum>} : vector<16xi1> -> vector<16xi32>
        %slice3A_777 = vector.extract_strided_slice %all_reduce_population_count3A_776 {offsets = [0], sizes = [1], strides = [1]} : vector<16xi32> to vector<1xi32>
        %squeeze3A_778 = vector.extract %slice3A_777[0] : i32 from vector<1xi32>
        %add3A_779 = arith.addi %add3A_731, %squeeze3A_778 : i32
        %get3A_780 = arith.index_cast %add3A_75 : i32 to index
        %get3A_781 = arith.constant 416 : index
        %get3A_782 = tpu.vector_load %arg4[%get3A_780, %get3A_781] {strides = array<i32>} : memref<64x1600xf32, #tpu.memory_space<vmem>>, vector<16xf32>,
        %ge3A_783 = arith.cmpf oge, %get3A_782, %broadcast_in_dim3A : vector<16xf32>
        %add3A_784 = arith.constant 832 : i32
        %add3A_785 = arith.addi %add3A_784, %add3A_743 : i32
        %swap3A_786 = arith.index_cast %add3A_785 : i32 to index
        %swap3A_787 = tpu.vector_load %arg5[%swap3A_786] masked %ge3A_783 {strides = array<i32>} : memref<3328xf32, #tpu.memory_space<vmem>>, vector<16xf32>, vector<16xi1>
        tpu.vector_store %arg5[%swap3A_786], %get3A_782 masked %ge3A_783 {strides = array<i32>} : memref<3328xf32, #tpu.memory_space<vmem>>, vector<16xf32>, vector<16xi1>
        %all_reduce_population_count3A_788 = tpu.all_reduce %ge3A_783 {dim = 0 : i64, kind = #tpu.reduction_kind<sum>} : vector<16xi1> -> vector<16xi32>
        %slice3A_789 = vector.extract_strided_slice %all_reduce_population_count3A_788 {offsets = [0], sizes = [1], strides = [1]} : vector<16xi32> to vector<1xi32>
        %squeeze3A_790 = vector.extract %slice3A_789[0] : i32 from vector<1xi32>
        %add3A_791 = arith.addi %add3A_743, %squeeze3A_790 : i32
        %get3A_792 = arith.index_cast %add3A_75 : i32 to index
        %get3A_793 = arith.constant 432 : index
        %get3A_794 = tpu.vector_load %arg4[%get3A_792, %get3A_793] {strides = array<i32>} : memref<64x1600xf32, #tpu.memory_space<vmem>>, vector<16xf32>,
        %ge3A_795 = arith.cmpf oge, %get3A_794, %broadcast_in_dim3A : vector<16xf32>
        %add3A_796 = arith.constant 1248 : i32
        %add3A_797 = arith.addi %add3A_796, %add3A_755 : i32
        %swap3A_798 = arith.index_cast %add3A_797 : i32 to index
        %swap3A_799 = tpu.vector_load %arg5[%swap3A_798] masked %ge3A_795 {strides = array<i32>} : memref<3328xf32, #tpu.memory_space<vmem>>, vector<16xf32>, vector<16xi1>
        tpu.vector_store %arg5[%swap3A_798], %get3A_794 masked %ge3A_795 {strides = array<i32>} : memref<3328xf32, #tpu.memory_space<vmem>>, vector<16xf32>, vector<16xi1>
        %all_reduce_population_count3A_800 = tpu.all_reduce %ge3A_795 {dim = 0 : i64, kind = #tpu.reduction_kind<sum>} : vector<16xi1> -> vector<16xi32>
        %slice3A_801 = vector.extract_strided_slice %all_reduce_population_count3A_800 {offsets = [0], sizes = [1], strides = [1]} : vector<16xi32> to vector<1xi32>
        %squeeze3A_802 = vector.extract %slice3A_801[0] : i32 from vector<1xi32>
        %add3A_803 = arith.addi %add3A_755, %squeeze3A_802 : i32
        %get3A_804 = arith.index_cast %add3A_75 : i32 to index
        %get3A_805 = arith.constant 448 : index
        %get3A_806 = tpu.vector_load %arg4[%get3A_804, %get3A_805] {strides = array<i32>} : memref<64x1600xf32, #tpu.memory_space<vmem>>, vector<16xf32>,
        %ge3A_807 = arith.cmpf oge, %get3A_806, %broadcast_in_dim3A : vector<16xf32>
        %add3A_808 = arith.constant 0 : i32
        %add3A_809 = arith.addi %add3A_808, %add3A_767 : i32
        %swap3A_810 = arith.index_cast %add3A_809 : i32 to index
        %swap3A_811 = tpu.vector_load %arg5[%swap3A_810] masked %ge3A_807 {strides = array<i32>} : memref<3328xf32, #tpu.memory_space<vmem>>, vector<16xf32>, vector<16xi1>
        tpu.vector_store %arg5[%swap3A_810], %get3A_806 masked %ge3A_807 {strides = array<i32>} : memref<3328xf32, #tpu.memory_space<vmem>>, vector<16xf32>, vector<16xi1>
        %all_reduce_population_count3A_812 = tpu.all_reduce %ge3A_807 {dim = 0 : i64, kind = #tpu.reduction_kind<sum>} : vector<16xi1> -> vector<16xi32>
        %slice3A_813 = vector.extract_strided_slice %all_reduce_population_count3A_812 {offsets = [0], sizes = [1], strides = [1]} : vector<16xi32> to vector<1xi32>
        %squeeze3A_814 = vector.extract %slice3A_813[0] : i32 from vector<1xi32>
        %add3A_815 = arith.addi %add3A_767, %squeeze3A_814 : i32
        %get3A_816 = arith.index_cast %add3A_75 : i32 to index
        %get3A_817 = arith.constant 464 : index
        %get3A_818 = tpu.vector_load %arg4[%get3A_816, %get3A_817] {strides = array<i32>} : memref<64x1600xf32, #tpu.memory_space<vmem>>, vector<16xf32>,
        %ge3A_819 = arith.cmpf oge, %get3A_818, %broadcast_in_dim3A : vector<16xf32>
        %add3A_820 = arith.constant 416 : i32
        %add3A_821 = arith.addi %add3A_820, %add3A_779 : i32
        %swap3A_822 = arith.index_cast %add3A_821 : i32 to index
        %swap3A_823 = tpu.vector_load %arg5[%swap3A_822] masked %ge3A_819 {strides = array<i32>} : memref<3328xf32, #tpu.memory_space<vmem>>, vector<16xf32>, vector<16xi1>
        tpu.vector_store %arg5[%swap3A_822], %get3A_818 masked %ge3A_819 {strides = array<i32>} : memref<3328xf32, #tpu.memory_space<vmem>>, vector<16xf32>, vector<16xi1>
        %all_reduce_population_count3A_824 = tpu.all_reduce %ge3A_819 {dim = 0 : i64, kind = #tpu.reduction_kind<sum>} : vector<16xi1> -> vector<16xi32>
        %slice3A_825 = vector.extract_strided_slice %all_reduce_population_count3A_824 {offsets = [0], sizes = [1], strides = [1]} : vector<16xi32> to vector<1xi32>
        %squeeze3A_826 = vector.extract %slice3A_825[0] : i32 from vector<1xi32>
        %add3A_827 = arith.addi %add3A_779, %squeeze3A_826 : i32
        %get3A_828 = arith.index_cast %add3A_75 : i32 to index
        %get3A_829 = arith.constant 480 : index
        %get3A_830 = tpu.vector_load %arg4[%get3A_828, %get3A_829] {strides = array<i32>} : memref<64x1600xf32, #tpu.memory_space<vmem>>, vector<16xf32>,
        %ge3A_831 = arith.cmpf oge, %get3A_830, %broadcast_in_dim3A : vector<16xf32>
        %add3A_832 = arith.constant 832 : i32
        %add3A_833 = arith.addi %add3A_832, %add3A_791 : i32
        %swap3A_834 = arith.index_cast %add3A_833 : i32 to index
        %swap3A_835 = tpu.vector_load %arg5[%swap3A_834] masked %ge3A_831 {strides = array<i32>} : memref<3328xf32, #tpu.memory_space<vmem>>, vector<16xf32>, vector<16xi1>
        tpu.vector_store %arg5[%swap3A_834], %get3A_830 masked %ge3A_831 {strides = array<i32>} : memref<3328xf32, #tpu.memory_space<vmem>>, vector<16xf32>, vector<16xi1>
        %all_reduce_population_count3A_836 = tpu.all_reduce %ge3A_831 {dim = 0 : i64, kind = #tpu.reduction_kind<sum>} : vector<16xi1> -> vector<16xi32>
        %slice3A_837 = vector.extract_strided_slice %all_reduce_population_count3A_836 {offsets = [0], sizes = [1], strides = [1]} : vector<16xi32> to vector<1xi32>
        %squeeze3A_838 = vector.extract %slice3A_837[0] : i32 from vector<1xi32>
        %add3A_839 = arith.addi %add3A_791, %squeeze3A_838 : i32
        %get3A_840 = arith.index_cast %add3A_75 : i32 to index
        %get3A_841 = arith.constant 496 : index
        %get3A_842 = tpu.vector_load %arg4[%get3A_840, %get3A_841] {strides = array<i32>} : memref<64x1600xf32, #tpu.memory_space<vmem>>, vector<16xf32>,
        %ge3A_843 = arith.cmpf oge, %get3A_842, %broadcast_in_dim3A : vector<16xf32>
        %add3A_844 = arith.constant 1248 : i32
        %add3A_845 = arith.addi %add3A_844, %add3A_803 : i32
        %swap3A_846 = arith.index_cast %add3A_845 : i32 to index
        %swap3A_847 = tpu.vector_load %arg5[%swap3A_846] masked %ge3A_843 {strides = array<i32>} : memref<3328xf32, #tpu.memory_space<vmem>>, vector<16xf32>, vector<16xi1>
        tpu.vector_store %arg5[%swap3A_846], %get3A_842 masked %ge3A_843 {strides = array<i32>} : memref<3328xf32, #tpu.memory_space<vmem>>, vector<16xf32>, vector<16xi1>
        %all_reduce_population_count3A_848 = tpu.all_reduce %ge3A_843 {dim = 0 : i64, kind = #tpu.reduction_kind<sum>} : vector<16xi1> -> vector<16xi32>
        %slice3A_849 = vector.extract_strided_slice %all_reduce_population_count3A_848 {offsets = [0], sizes = [1], strides = [1]} : vector<16xi32> to vector<1xi32>
        %squeeze3A_850 = vector.extract %slice3A_849[0] : i32 from vector<1xi32>
        %add3A_851 = arith.addi %add3A_803, %squeeze3A_850 : i32
        %get3A_852 = arith.index_cast %add3A_75 : i32 to index
        %get3A_853 = arith.constant 512 : index
        %get3A_854 = tpu.vector_load %arg4[%get3A_852, %get3A_853] {strides = array<i32>} : memref<64x1600xf32, #tpu.memory_space<vmem>>, vector<16xf32>,
        %ge3A_855 = arith.cmpf oge, %get3A_854, %broadcast_in_dim3A : vector<16xf32>
        %add3A_856 = arith.constant 0 : i32
        %add3A_857 = arith.addi %add3A_856, %add3A_815 : i32
        %swap3A_858 = arith.index_cast %add3A_857 : i32 to index
        %swap3A_859 = tpu.vector_load %arg5[%swap3A_858] masked %ge3A_855 {strides = array<i32>} : memref<3328xf32, #tpu.memory_space<vmem>>, vector<16xf32>, vector<16xi1>
        tpu.vector_store %arg5[%swap3A_858], %get3A_854 masked %ge3A_855 {strides = array<i32>} : memref<3328xf32, #tpu.memory_space<vmem>>, vector<16xf32>, vector<16xi1>
        %all_reduce_population_count3A_860 = tpu.all_reduce %ge3A_855 {dim = 0 : i64, kind = #tpu.reduction_kind<sum>} : vector<16xi1> -> vector<16xi32>
        %slice3A_861 = vector.extract_strided_slice %all_reduce_population_count3A_860 {offsets = [0], sizes = [1], strides = [1]} : vector<16xi32> to vector<1xi32>
        %squeeze3A_862 = vector.extract %slice3A_861[0] : i32 from vector<1xi32>
        %add3A_863 = arith.addi %add3A_815, %squeeze3A_862 : i32
        %get3A_864 = arith.index_cast %add3A_75 : i32 to index
        %get3A_865 = arith.constant 528 : index
        %get3A_866 = tpu.vector_load %arg4[%get3A_864, %get3A_865] {strides = array<i32>} : memref<64x1600xf32, #tpu.memory_space<vmem>>, vector<16xf32>,
        %ge3A_867 = arith.cmpf oge, %get3A_866, %broadcast_in_dim3A : vector<16xf32>
        %add3A_868 = arith.constant 416 : i32
        %add3A_869 = arith.addi %add3A_868, %add3A_827 : i32
        %swap3A_870 = arith.index_cast %add3A_869 : i32 to index
        %swap3A_871 = tpu.vector_load %arg5[%swap3A_870] masked %ge3A_867 {strides = array<i32>} : memref<3328xf32, #tpu.memory_space<vmem>>, vector<16xf32>, vector<16xi1>
        tpu.vector_store %arg5[%swap3A_870], %get3A_866 masked %ge3A_867 {strides = array<i32>} : memref<3328xf32, #tpu.memory_space<vmem>>, vector<16xf32>, vector<16xi1>
        %all_reduce_population_count3A_872 = tpu.all_reduce %ge3A_867 {dim = 0 : i64, kind = #tpu.reduction_kind<sum>} : vector<16xi1> -> vector<16xi32>
        %slice3A_873 = vector.extract_strided_slice %all_reduce_population_count3A_872 {offsets = [0], sizes = [1], strides = [1]} : vector<16xi32> to vector<1xi32>
        %squeeze3A_874 = vector.extract %slice3A_873[0] : i32 from vector<1xi32>
        %add3A_875 = arith.addi %add3A_827, %squeeze3A_874 : i32
        %get3A_876 = arith.index_cast %add3A_75 : i32 to index
        %get3A_877 = arith.constant 544 : index
        %get3A_878 = tpu.vector_load %arg4[%get3A_876, %get3A_877] {strides = array<i32>} : memref<64x1600xf32, #tpu.memory_space<vmem>>, vector<16xf32>,
        %ge3A_879 = arith.cmpf oge, %get3A_878, %broadcast_in_dim3A : vector<16xf32>
        %add3A_880 = arith.constant 832 : i32
        %add3A_881 = arith.addi %add3A_880, %add3A_839 : i32
        %swap3A_882 = arith.index_cast %add3A_881 : i32 to index
        %swap3A_883 = tpu.vector_load %arg5[%swap3A_882] masked %ge3A_879 {strides = array<i32>} : memref<3328xf32, #tpu.memory_space<vmem>>, vector<16xf32>, vector<16xi1>
        tpu.vector_store %arg5[%swap3A_882], %get3A_878 masked %ge3A_879 {strides = array<i32>} : memref<3328xf32, #tpu.memory_space<vmem>>, vector<16xf32>, vector<16xi1>
        %all_reduce_population_count3A_884 = tpu.all_reduce %ge3A_879 {dim = 0 : i64, kind = #tpu.reduction_kind<sum>} : vector<16xi1> -> vector<16xi32>
        %slice3A_885 = vector.extract_strided_slice %all_reduce_population_count3A_884 {offsets = [0], sizes = [1], strides = [1]} : vector<16xi32> to vector<1xi32>
        %squeeze3A_886 = vector.extract %slice3A_885[0] : i32 from vector<1xi32>
        %add3A_887 = arith.addi %add3A_839, %squeeze3A_886 : i32
        %get3A_888 = arith.index_cast %add3A_75 : i32 to index
        %get3A_889 = arith.constant 560 : index
        %get3A_890 = tpu.vector_load %arg4[%get3A_888, %get3A_889] {strides = array<i32>} : memref<64x1600xf32, #tpu.memory_space<vmem>>, vector<16xf32>,
        %ge3A_891 = arith.cmpf oge, %get3A_890, %broadcast_in_dim3A : vector<16xf32>
        %add3A_892 = arith.constant 1248 : i32
        %add3A_893 = arith.addi %add3A_892, %add3A_851 : i32
        %swap3A_894 = arith.index_cast %add3A_893 : i32 to index
        %swap3A_895 = tpu.vector_load %arg5[%swap3A_894] masked %ge3A_891 {strides = array<i32>} : memref<3328xf32, #tpu.memory_space<vmem>>, vector<16xf32>, vector<16xi1>
        tpu.vector_store %arg5[%swap3A_894], %get3A_890 masked %ge3A_891 {strides = array<i32>} : memref<3328xf32, #tpu.memory_space<vmem>>, vector<16xf32>, vector<16xi1>
        %all_reduce_population_count3A_896 = tpu.all_reduce %ge3A_891 {dim = 0 : i64, kind = #tpu.reduction_kind<sum>} : vector<16xi1> -> vector<16xi32>
        %slice3A_897 = vector.extract_strided_slice %all_reduce_population_count3A_896 {offsets = [0], sizes = [1], strides = [1]} : vector<16xi32> to vector<1xi32>
        %squeeze3A_898 = vector.extract %slice3A_897[0] : i32 from vector<1xi32>
        %add3A_899 = arith.addi %add3A_851, %squeeze3A_898 : i32
        %get3A_900 = arith.index_cast %add3A_75 : i32 to index
        %get3A_901 = arith.constant 576 : index
        %get3A_902 = tpu.vector_load %arg4[%get3A_900, %get3A_901] {strides = array<i32>} : memref<64x1600xf32, #tpu.memory_space<vmem>>, vector<16xf32>,
        %ge3A_903 = arith.cmpf oge, %get3A_902, %broadcast_in_dim3A : vector<16xf32>
        %add3A_904 = arith.constant 0 : i32
        %add3A_905 = arith.addi %add3A_904, %add3A_863 : i32
        %swap3A_906 = arith.index_cast %add3A_905 : i32 to index
        %swap3A_907 = tpu.vector_load %arg5[%swap3A_906] masked %ge3A_903 {strides = array<i32>} : memref<3328xf32, #tpu.memory_space<vmem>>, vector<16xf32>, vector<16xi1>
        tpu.vector_store %arg5[%swap3A_906], %get3A_902 masked %ge3A_903 {strides = array<i32>} : memref<3328xf32, #tpu.memory_space<vmem>>, vector<16xf32>, vector<16xi1>
        %all_reduce_population_count3A_908 = tpu.all_reduce %ge3A_903 {dim = 0 : i64, kind = #tpu.reduction_kind<sum>} : vector<16xi1> -> vector<16xi32>
        %slice3A_909 = vector.extract_strided_slice %all_reduce_population_count3A_908 {offsets = [0], sizes = [1], strides = [1]} : vector<16xi32> to vector<1xi32>
        %squeeze3A_910 = vector.extract %slice3A_909[0] : i32 from vector<1xi32>
        %add3A_911 = arith.addi %add3A_863, %squeeze3A_910 : i32
        %get3A_912 = arith.index_cast %add3A_75 : i32 to index
        %get3A_913 = arith.constant 592 : index
        %get3A_914 = tpu.vector_load %arg4[%get3A_912, %get3A_913] {strides = array<i32>} : memref<64x1600xf32, #tpu.memory_space<vmem>>, vector<16xf32>,
        %ge3A_915 = arith.cmpf oge, %get3A_914, %broadcast_in_dim3A : vector<16xf32>
        %add3A_916 = arith.constant 416 : i32
        %add3A_917 = arith.addi %add3A_916, %add3A_875 : i32
        %swap3A_918 = arith.index_cast %add3A_917 : i32 to index
        %swap3A_919 = tpu.vector_load %arg5[%swap3A_918] masked %ge3A_915 {strides = array<i32>} : memref<3328xf32, #tpu.memory_space<vmem>>, vector<16xf32>, vector<16xi1>
        tpu.vector_store %arg5[%swap3A_918], %get3A_914 masked %ge3A_915 {strides = array<i32>} : memref<3328xf32, #tpu.memory_space<vmem>>, vector<16xf32>, vector<16xi1>
        %all_reduce_population_count3A_920 = tpu.all_reduce %ge3A_915 {dim = 0 : i64, kind = #tpu.reduction_kind<sum>} : vector<16xi1> -> vector<16xi32>
        %slice3A_921 = vector.extract_strided_slice %all_reduce_population_count3A_920 {offsets = [0], sizes = [1], strides = [1]} : vector<16xi32> to vector<1xi32>
        %squeeze3A_922 = vector.extract %slice3A_921[0] : i32 from vector<1xi32>
        %add3A_923 = arith.addi %add3A_875, %squeeze3A_922 : i32
        %get3A_924 = arith.index_cast %add3A_75 : i32 to index
        %get3A_925 = arith.constant 608 : index
        %get3A_926 = tpu.vector_load %arg4[%get3A_924, %get3A_925] {strides = array<i32>} : memref<64x1600xf32, #tpu.memory_space<vmem>>, vector<16xf32>,
        %ge3A_927 = arith.cmpf oge, %get3A_926, %broadcast_in_dim3A : vector<16xf32>
        %add3A_928 = arith.constant 832 : i32
        %add3A_929 = arith.addi %add3A_928, %add3A_887 : i32
        %swap3A_930 = arith.index_cast %add3A_929 : i32 to index
        %swap3A_931 = tpu.vector_load %arg5[%swap3A_930] masked %ge3A_927 {strides = array<i32>} : memref<3328xf32, #tpu.memory_space<vmem>>, vector<16xf32>, vector<16xi1>
        tpu.vector_store %arg5[%swap3A_930], %get3A_926 masked %ge3A_927 {strides = array<i32>} : memref<3328xf32, #tpu.memory_space<vmem>>, vector<16xf32>, vector<16xi1>
        %all_reduce_population_count3A_932 = tpu.all_reduce %ge3A_927 {dim = 0 : i64, kind = #tpu.reduction_kind<sum>} : vector<16xi1> -> vector<16xi32>
        %slice3A_933 = vector.extract_strided_slice %all_reduce_population_count3A_932 {offsets = [0], sizes = [1], strides = [1]} : vector<16xi32> to vector<1xi32>
        %squeeze3A_934 = vector.extract %slice3A_933[0] : i32 from vector<1xi32>
        %add3A_935 = arith.addi %add3A_887, %squeeze3A_934 : i32
        %get3A_936 = arith.index_cast %add3A_75 : i32 to index
        %get3A_937 = arith.constant 624 : index
        %get3A_938 = tpu.vector_load %arg4[%get3A_936, %get3A_937] {strides = array<i32>} : memref<64x1600xf32, #tpu.memory_space<vmem>>, vector<16xf32>,
        %ge3A_939 = arith.cmpf oge, %get3A_938, %broadcast_in_dim3A : vector<16xf32>
        %add3A_940 = arith.constant 1248 : i32
        %add3A_941 = arith.addi %add3A_940, %add3A_899 : i32
        %swap3A_942 = arith.index_cast %add3A_941 : i32 to index
        %swap3A_943 = tpu.vector_load %arg5[%swap3A_942] masked %ge3A_939 {strides = array<i32>} : memref<3328xf32, #tpu.memory_space<vmem>>, vector<16xf32>, vector<16xi1>
        tpu.vector_store %arg5[%swap3A_942], %get3A_938 masked %ge3A_939 {strides = array<i32>} : memref<3328xf32, #tpu.memory_space<vmem>>, vector<16xf32>, vector<16xi1>
        %all_reduce_population_count3A_944 = tpu.all_reduce %ge3A_939 {dim = 0 : i64, kind = #tpu.reduction_kind<sum>} : vector<16xi1> -> vector<16xi32>
        %slice3A_945 = vector.extract_strided_slice %all_reduce_population_count3A_944 {offsets = [0], sizes = [1], strides = [1]} : vector<16xi32> to vector<1xi32>
        %squeeze3A_946 = vector.extract %slice3A_945[0] : i32 from vector<1xi32>
        %add3A_947 = arith.addi %add3A_899, %squeeze3A_946 : i32
        %get3A_948 = arith.index_cast %add3A_75 : i32 to index
        %get3A_949 = arith.constant 640 : index
        %get3A_950 = tpu.vector_load %arg4[%get3A_948, %get3A_949] {strides = array<i32>} : memref<64x1600xf32, #tpu.memory_space<vmem>>, vector<16xf32>,
        %ge3A_951 = arith.cmpf oge, %get3A_950, %broadcast_in_dim3A : vector<16xf32>
        %add3A_952 = arith.constant 0 : i32
        %add3A_953 = arith.addi %add3A_952, %add3A_911 : i32
        %swap3A_954 = arith.index_cast %add3A_953 : i32 to index
        %swap3A_955 = tpu.vector_load %arg5[%swap3A_954] masked %ge3A_951 {strides = array<i32>} : memref<3328xf32, #tpu.memory_space<vmem>>, vector<16xf32>, vector<16xi1>
        tpu.vector_store %arg5[%swap3A_954], %get3A_950 masked %ge3A_951 {strides = array<i32>} : memref<3328xf32, #tpu.memory_space<vmem>>, vector<16xf32>, vector<16xi1>
        %all_reduce_population_count3A_956 = tpu.all_reduce %ge3A_951 {dim = 0 : i64, kind = #tpu.reduction_kind<sum>} : vector<16xi1> -> vector<16xi32>
        %slice3A_957 = vector.extract_strided_slice %all_reduce_population_count3A_956 {offsets = [0], sizes = [1], strides = [1]} : vector<16xi32> to vector<1xi32>
        %squeeze3A_958 = vector.extract %slice3A_957[0] : i32 from vector<1xi32>
        %add3A_959 = arith.addi %add3A_911, %squeeze3A_958 : i32
        %get3A_960 = arith.index_cast %add3A_75 : i32 to index
        %get3A_961 = arith.constant 656 : index
        %get3A_962 = tpu.vector_load %arg4[%get3A_960, %get3A_961] {strides = array<i32>} : memref<64x1600xf32, #tpu.memory_space<vmem>>, vector<16xf32>,
        %ge3A_963 = arith.cmpf oge, %get3A_962, %broadcast_in_dim3A : vector<16xf32>
        %add3A_964 = arith.constant 416 : i32
        %add3A_965 = arith.addi %add3A_964, %add3A_923 : i32
        %swap3A_966 = arith.index_cast %add3A_965 : i32 to index
        %swap3A_967 = tpu.vector_load %arg5[%swap3A_966] masked %ge3A_963 {strides = array<i32>} : memref<3328xf32, #tpu.memory_space<vmem>>, vector<16xf32>, vector<16xi1>
        tpu.vector_store %arg5[%swap3A_966], %get3A_962 masked %ge3A_963 {strides = array<i32>} : memref<3328xf32, #tpu.memory_space<vmem>>, vector<16xf32>, vector<16xi1>
        %all_reduce_population_count3A_968 = tpu.all_reduce %ge3A_963 {dim = 0 : i64, kind = #tpu.reduction_kind<sum>} : vector<16xi1> -> vector<16xi32>
        %slice3A_969 = vector.extract_strided_slice %all_reduce_population_count3A_968 {offsets = [0], sizes = [1], strides = [1]} : vector<16xi32> to vector<1xi32>
        %squeeze3A_970 = vector.extract %slice3A_969[0] : i32 from vector<1xi32>
        %add3A_971 = arith.addi %add3A_923, %squeeze3A_970 : i32
        %get3A_972 = arith.index_cast %add3A_75 : i32 to index
        %get3A_973 = arith.constant 672 : index
        %get3A_974 = tpu.vector_load %arg4[%get3A_972, %get3A_973] {strides = array<i32>} : memref<64x1600xf32, #tpu.memory_space<vmem>>, vector<16xf32>,
        %ge3A_975 = arith.cmpf oge, %get3A_974, %broadcast_in_dim3A : vector<16xf32>
        %add3A_976 = arith.constant 832 : i32
        %add3A_977 = arith.addi %add3A_976, %add3A_935 : i32
        %swap3A_978 = arith.index_cast %add3A_977 : i32 to index
        %swap3A_979 = tpu.vector_load %arg5[%swap3A_978] masked %ge3A_975 {strides = array<i32>} : memref<3328xf32, #tpu.memory_space<vmem>>, vector<16xf32>, vector<16xi1>
        tpu.vector_store %arg5[%swap3A_978], %get3A_974 masked %ge3A_975 {strides = array<i32>} : memref<3328xf32, #tpu.memory_space<vmem>>, vector<16xf32>, vector<16xi1>
        %all_reduce_population_count3A_980 = tpu.all_reduce %ge3A_975 {dim = 0 : i64, kind = #tpu.reduction_kind<sum>} : vector<16xi1> -> vector<16xi32>
        %slice3A_981 = vector.extract_strided_slice %all_reduce_population_count3A_980 {offsets = [0], sizes = [1], strides = [1]} : vector<16xi32> to vector<1xi32>
        %squeeze3A_982 = vector.extract %slice3A_981[0] : i32 from vector<1xi32>
        %add3A_983 = arith.addi %add3A_935, %squeeze3A_982 : i32
        %get3A_984 = arith.index_cast %add3A_75 : i32 to index
        %get3A_985 = arith.constant 688 : index
        %get3A_986 = tpu.vector_load %arg4[%get3A_984, %get3A_985] {strides = array<i32>} : memref<64x1600xf32, #tpu.memory_space<vmem>>, vector<16xf32>,
        %ge3A_987 = arith.cmpf oge, %get3A_986, %broadcast_in_dim3A : vector<16xf32>
        %add3A_988 = arith.constant 1248 : i32
        %add3A_989 = arith.addi %add3A_988, %add3A_947 : i32
        %swap3A_990 = arith.index_cast %add3A_989 : i32 to index
        %swap3A_991 = tpu.vector_load %arg5[%swap3A_990] masked %ge3A_987 {strides = array<i32>} : memref<3328xf32, #tpu.memory_space<vmem>>, vector<16xf32>, vector<16xi1>
        tpu.vector_store %arg5[%swap3A_990], %get3A_986 masked %ge3A_987 {strides = array<i32>} : memref<3328xf32, #tpu.memory_space<vmem>>, vector<16xf32>, vector<16xi1>
        %all_reduce_population_count3A_992 = tpu.all_reduce %ge3A_987 {dim = 0 : i64, kind = #tpu.reduction_kind<sum>} : vector<16xi1> -> vector<16xi32>
        %slice3A_993 = vector.extract_strided_slice %all_reduce_population_count3A_992 {offsets = [0], sizes = [1], strides = [1]} : vector<16xi32> to vector<1xi32>
        %squeeze3A_994 = vector.extract %slice3A_993[0] : i32 from vector<1xi32>
        %add3A_995 = arith.addi %add3A_947, %squeeze3A_994 : i32
        %get3A_996 = arith.index_cast %add3A_75 : i32 to index
        %get3A_997 = arith.constant 704 : index
        %get3A_998 = tpu.vector_load %arg4[%get3A_996, %get3A_997] {strides = array<i32>} : memref<64x1600xf32, #tpu.memory_space<vmem>>, vector<16xf32>,
        %ge3A_999 = arith.cmpf oge, %get3A_998, %broadcast_in_dim3A : vector<16xf32>
        %add3A_1000 = arith.constant 0 : i32
        %add3A_1001 = arith.addi %add3A_1000, %add3A_959 : i32
        %swap3A_1002 = arith.index_cast %add3A_1001 : i32 to index
        %swap3A_1003 = tpu.vector_load %arg5[%swap3A_1002] masked %ge3A_999 {strides = array<i32>} : memref<3328xf32, #tpu.memory_space<vmem>>, vector<16xf32>, vector<16xi1>
        tpu.vector_store %arg5[%swap3A_1002], %get3A_998 masked %ge3A_999 {strides = array<i32>} : memref<3328xf32, #tpu.memory_space<vmem>>, vector<16xf32>, vector<16xi1>
        %all_reduce_population_count3A_1004 = tpu.all_reduce %ge3A_999 {dim = 0 : i64, kind = #tpu.reduction_kind<sum>} : vector<16xi1> -> vector<16xi32>
        %slice3A_1005 = vector.extract_strided_slice %all_reduce_population_count3A_1004 {offsets = [0], sizes = [1], strides = [1]} : vector<16xi32> to vector<1xi32>
        %squeeze3A_1006 = vector.extract %slice3A_1005[0] : i32 from vector<1xi32>
        %add3A_1007 = arith.addi %add3A_959, %squeeze3A_1006 : i32
        %get3A_1008 = arith.index_cast %add3A_75 : i32 to index
        %get3A_1009 = arith.constant 720 : index
        %get3A_1010 = tpu.vector_load %arg4[%get3A_1008, %get3A_1009] {strides = array<i32>} : memref<64x1600xf32, #tpu.memory_space<vmem>>, vector<16xf32>,
        %ge3A_1011 = arith.cmpf oge, %get3A_1010, %broadcast_in_dim3A : vector<16xf32>
        %add3A_1012 = arith.constant 416 : i32
        %add3A_1013 = arith.addi %add3A_1012, %add3A_971 : i32
        %swap3A_1014 = arith.index_cast %add3A_1013 : i32 to index
        %swap3A_1015 = tpu.vector_load %arg5[%swap3A_1014] masked %ge3A_1011 {strides = array<i32>} : memref<3328xf32, #tpu.memory_space<vmem>>, vector<16xf32>, vector<16xi1>
        tpu.vector_store %arg5[%swap3A_1014], %get3A_1010 masked %ge3A_1011 {strides = array<i32>} : memref<3328xf32, #tpu.memory_space<vmem>>, vector<16xf32>, vector<16xi1>
        %all_reduce_population_count3A_1016 = tpu.all_reduce %ge3A_1011 {dim = 0 : i64, kind = #tpu.reduction_kind<sum>} : vector<16xi1> -> vector<16xi32>
        %slice3A_1017 = vector.extract_strided_slice %all_reduce_population_count3A_1016 {offsets = [0], sizes = [1], strides = [1]} : vector<16xi32> to vector<1xi32>
        %squeeze3A_1018 = vector.extract %slice3A_1017[0] : i32 from vector<1xi32>
        %add3A_1019 = arith.addi %add3A_971, %squeeze3A_1018 : i32
        %get3A_1020 = arith.index_cast %add3A_75 : i32 to index
        %get3A_1021 = arith.constant 736 : index
        %get3A_1022 = tpu.vector_load %arg4[%get3A_1020, %get3A_1021] {strides = array<i32>} : memref<64x1600xf32, #tpu.memory_space<vmem>>, vector<16xf32>,
        %ge3A_1023 = arith.cmpf oge, %get3A_1022, %broadcast_in_dim3A : vector<16xf32>
        %add3A_1024 = arith.constant 832 : i32
        %add3A_1025 = arith.addi %add3A_1024, %add3A_983 : i32
        %swap3A_1026 = arith.index_cast %add3A_1025 : i32 to index
        %swap3A_1027 = tpu.vector_load %arg5[%swap3A_1026] masked %ge3A_1023 {strides = array<i32>} : memref<3328xf32, #tpu.memory_space<vmem>>, vector<16xf32>, vector<16xi1>
        tpu.vector_store %arg5[%swap3A_1026], %get3A_1022 masked %ge3A_1023 {strides = array<i32>} : memref<3328xf32, #tpu.memory_space<vmem>>, vector<16xf32>, vector<16xi1>
        %all_reduce_population_count3A_1028 = tpu.all_reduce %ge3A_1023 {dim = 0 : i64, kind = #tpu.reduction_kind<sum>} : vector<16xi1> -> vector<16xi32>
        %slice3A_1029 = vector.extract_strided_slice %all_reduce_population_count3A_1028 {offsets = [0], sizes = [1], strides = [1]} : vector<16xi32> to vector<1xi32>
        %squeeze3A_1030 = vector.extract %slice3A_1029[0] : i32 from vector<1xi32>
        %add3A_1031 = arith.addi %add3A_983, %squeeze3A_1030 : i32
        %get3A_1032 = arith.index_cast %add3A_75 : i32 to index
        %get3A_1033 = arith.constant 752 : index
        %get3A_1034 = tpu.vector_load %arg4[%get3A_1032, %get3A_1033] {strides = array<i32>} : memref<64x1600xf32, #tpu.memory_space<vmem>>, vector<16xf32>,
        %ge3A_1035 = arith.cmpf oge, %get3A_1034, %broadcast_in_dim3A : vector<16xf32>
        %add3A_1036 = arith.constant 1248 : i32
        %add3A_1037 = arith.addi %add3A_1036, %add3A_995 : i32
        %swap3A_1038 = arith.index_cast %add3A_1037 : i32 to index
        %swap3A_1039 = tpu.vector_load %arg5[%swap3A_1038] masked %ge3A_1035 {strides = array<i32>} : memref<3328xf32, #tpu.memory_space<vmem>>, vector<16xf32>, vector<16xi1>
        tpu.vector_store %arg5[%swap3A_1038], %get3A_1034 masked %ge3A_1035 {strides = array<i32>} : memref<3328xf32, #tpu.memory_space<vmem>>, vector<16xf32>, vector<16xi1>
        %all_reduce_population_count3A_1040 = tpu.all_reduce %ge3A_1035 {dim = 0 : i64, kind = #tpu.reduction_kind<sum>} : vector<16xi1> -> vector<16xi32>
        %slice3A_1041 = vector.extract_strided_slice %all_reduce_population_count3A_1040 {offsets = [0], sizes = [1], strides = [1]} : vector<16xi32> to vector<1xi32>
        %squeeze3A_1042 = vector.extract %slice3A_1041[0] : i32 from vector<1xi32>
        %add3A_1043 = arith.addi %add3A_995, %squeeze3A_1042 : i32
        %get3A_1044 = arith.index_cast %add3A_75 : i32 to index
        %get3A_1045 = arith.constant 768 : index
        %get3A_1046 = tpu.vector_load %arg4[%get3A_1044, %get3A_1045] {strides = array<i32>} : memref<64x1600xf32, #tpu.memory_space<vmem>>, vector<16xf32>,
        %ge3A_1047 = arith.cmpf oge, %get3A_1046, %broadcast_in_dim3A : vector<16xf32>
        %add3A_1048 = arith.constant 0 : i32
        %add3A_1049 = arith.addi %add3A_1048, %add3A_1007 : i32
        %swap3A_1050 = arith.index_cast %add3A_1049 : i32 to index
        %swap3A_1051 = tpu.vector_load %arg5[%swap3A_1050] masked %ge3A_1047 {strides = array<i32>} : memref<3328xf32, #tpu.memory_space<vmem>>, vector<16xf32>, vector<16xi1>
        tpu.vector_store %arg5[%swap3A_1050], %get3A_1046 masked %ge3A_1047 {strides = array<i32>} : memref<3328xf32, #tpu.memory_space<vmem>>, vector<16xf32>, vector<16xi1>
        %all_reduce_population_count3A_1052 = tpu.all_reduce %ge3A_1047 {dim = 0 : i64, kind = #tpu.reduction_kind<sum>} : vector<16xi1> -> vector<16xi32>
        %slice3A_1053 = vector.extract_strided_slice %all_reduce_population_count3A_1052 {offsets = [0], sizes = [1], strides = [1]} : vector<16xi32> to vector<1xi32>
        %squeeze3A_1054 = vector.extract %slice3A_1053[0] : i32 from vector<1xi32>
        %add3A_1055 = arith.addi %add3A_1007, %squeeze3A_1054 : i32
        %get3A_1056 = arith.index_cast %add3A_75 : i32 to index
        %get3A_1057 = arith.constant 784 : index
        %get3A_1058 = tpu.vector_load %arg4[%get3A_1056, %get3A_1057] {strides = array<i32>} : memref<64x1600xf32, #tpu.memory_space<vmem>>, vector<16xf32>,
        %ge3A_1059 = arith.cmpf oge, %get3A_1058, %broadcast_in_dim3A : vector<16xf32>
        %add3A_1060 = arith.constant 416 : i32
        %add3A_1061 = arith.addi %add3A_1060, %add3A_1019 : i32
        %swap3A_1062 = arith.index_cast %add3A_1061 : i32 to index
        %swap3A_1063 = tpu.vector_load %arg5[%swap3A_1062] masked %ge3A_1059 {strides = array<i32>} : memref<3328xf32, #tpu.memory_space<vmem>>, vector<16xf32>, vector<16xi1>
        tpu.vector_store %arg5[%swap3A_1062], %get3A_1058 masked %ge3A_1059 {strides = array<i32>} : memref<3328xf32, #tpu.memory_space<vmem>>, vector<16xf32>, vector<16xi1>
        %all_reduce_population_count3A_1064 = tpu.all_reduce %ge3A_1059 {dim = 0 : i64, kind = #tpu.reduction_kind<sum>} : vector<16xi1> -> vector<16xi32>
        %slice3A_1065 = vector.extract_strided_slice %all_reduce_population_count3A_1064 {offsets = [0], sizes = [1], strides = [1]} : vector<16xi32> to vector<1xi32>
        %squeeze3A_1066 = vector.extract %slice3A_1065[0] : i32 from vector<1xi32>
        %add3A_1067 = arith.addi %add3A_1019, %squeeze3A_1066 : i32
        %get3A_1068 = arith.index_cast %add3A_75 : i32 to index
        %get3A_1069 = arith.constant 800 : index
        %get3A_1070 = tpu.vector_load %arg4[%get3A_1068, %get3A_1069] {strides = array<i32>} : memref<64x1600xf32, #tpu.memory_space<vmem>>, vector<16xf32>,
        %ge3A_1071 = arith.cmpf oge, %get3A_1070, %broadcast_in_dim3A : vector<16xf32>
        %add3A_1072 = arith.constant 832 : i32
        %add3A_1073 = arith.addi %add3A_1072, %add3A_1031 : i32
        %swap3A_1074 = arith.index_cast %add3A_1073 : i32 to index
        %swap3A_1075 = tpu.vector_load %arg5[%swap3A_1074] masked %ge3A_1071 {strides = array<i32>} : memref<3328xf32, #tpu.memory_space<vmem>>, vector<16xf32>, vector<16xi1>
        tpu.vector_store %arg5[%swap3A_1074], %get3A_1070 masked %ge3A_1071 {strides = array<i32>} : memref<3328xf32, #tpu.memory_space<vmem>>, vector<16xf32>, vector<16xi1>
        %all_reduce_population_count3A_1076 = tpu.all_reduce %ge3A_1071 {dim = 0 : i64, kind = #tpu.reduction_kind<sum>} : vector<16xi1> -> vector<16xi32>
        %slice3A_1077 = vector.extract_strided_slice %all_reduce_population_count3A_1076 {offsets = [0], sizes = [1], strides = [1]} : vector<16xi32> to vector<1xi32>
        %squeeze3A_1078 = vector.extract %slice3A_1077[0] : i32 from vector<1xi32>
        %add3A_1079 = arith.addi %add3A_1031, %squeeze3A_1078 : i32
        %get3A_1080 = arith.index_cast %add3A_75 : i32 to index
        %get3A_1081 = arith.constant 816 : index
        %get3A_1082 = tpu.vector_load %arg4[%get3A_1080, %get3A_1081] {strides = array<i32>} : memref<64x1600xf32, #tpu.memory_space<vmem>>, vector<16xf32>,
        %ge3A_1083 = arith.cmpf oge, %get3A_1082, %broadcast_in_dim3A : vector<16xf32>
        %add3A_1084 = arith.constant 1248 : i32
        %add3A_1085 = arith.addi %add3A_1084, %add3A_1043 : i32
        %swap3A_1086 = arith.index_cast %add3A_1085 : i32 to index
        %swap3A_1087 = tpu.vector_load %arg5[%swap3A_1086] masked %ge3A_1083 {strides = array<i32>} : memref<3328xf32, #tpu.memory_space<vmem>>, vector<16xf32>, vector<16xi1>
        tpu.vector_store %arg5[%swap3A_1086], %get3A_1082 masked %ge3A_1083 {strides = array<i32>} : memref<3328xf32, #tpu.memory_space<vmem>>, vector<16xf32>, vector<16xi1>
        %all_reduce_population_count3A_1088 = tpu.all_reduce %ge3A_1083 {dim = 0 : i64, kind = #tpu.reduction_kind<sum>} : vector<16xi1> -> vector<16xi32>
        %slice3A_1089 = vector.extract_strided_slice %all_reduce_population_count3A_1088 {offsets = [0], sizes = [1], strides = [1]} : vector<16xi32> to vector<1xi32>
        %squeeze3A_1090 = vector.extract %slice3A_1089[0] : i32 from vector<1xi32>
        %add3A_1091 = arith.addi %add3A_1043, %squeeze3A_1090 : i32
        %get3A_1092 = arith.index_cast %add3A_75 : i32 to index
        %get3A_1093 = arith.constant 832 : index
        %get3A_1094 = tpu.vector_load %arg4[%get3A_1092, %get3A_1093] {strides = array<i32>} : memref<64x1600xf32, #tpu.memory_space<vmem>>, vector<16xf32>,
        %ge3A_1095 = arith.cmpf oge, %get3A_1094, %broadcast_in_dim3A : vector<16xf32>
        %add3A_1096 = arith.constant 0 : i32
        %add3A_1097 = arith.addi %add3A_1096, %add3A_1055 : i32
        %swap3A_1098 = arith.index_cast %add3A_1097 : i32 to index
        %swap3A_1099 = tpu.vector_load %arg5[%swap3A_1098] masked %ge3A_1095 {strides = array<i32>} : memref<3328xf32, #tpu.memory_space<vmem>>, vector<16xf32>, vector<16xi1>
        tpu.vector_store %arg5[%swap3A_1098], %get3A_1094 masked %ge3A_1095 {strides = array<i32>} : memref<3328xf32, #tpu.memory_space<vmem>>, vector<16xf32>, vector<16xi1>
        %all_reduce_population_count3A_1100 = tpu.all_reduce %ge3A_1095 {dim = 0 : i64, kind = #tpu.reduction_kind<sum>} : vector<16xi1> -> vector<16xi32>
        %slice3A_1101 = vector.extract_strided_slice %all_reduce_population_count3A_1100 {offsets = [0], sizes = [1], strides = [1]} : vector<16xi32> to vector<1xi32>
        %squeeze3A_1102 = vector.extract %slice3A_1101[0] : i32 from vector<1xi32>
        %add3A_1103 = arith.addi %add3A_1055, %squeeze3A_1102 : i32
        %get3A_1104 = arith.index_cast %add3A_75 : i32 to index
        %get3A_1105 = arith.constant 848 : index
        %get3A_1106 = tpu.vector_load %arg4[%get3A_1104, %get3A_1105] {strides = array<i32>} : memref<64x1600xf32, #tpu.memory_space<vmem>>, vector<16xf32>,
        %ge3A_1107 = arith.cmpf oge, %get3A_1106, %broadcast_in_dim3A : vector<16xf32>
        %add3A_1108 = arith.constant 416 : i32
        %add3A_1109 = arith.addi %add3A_1108, %add3A_1067 : i32
        %swap3A_1110 = arith.index_cast %add3A_1109 : i32 to index
        %swap3A_1111 = tpu.vector_load %arg5[%swap3A_1110] masked %ge3A_1107 {strides = array<i32>} : memref<3328xf32, #tpu.memory_space<vmem>>, vector<16xf32>, vector<16xi1>
        tpu.vector_store %arg5[%swap3A_1110], %get3A_1106 masked %ge3A_1107 {strides = array<i32>} : memref<3328xf32, #tpu.memory_space<vmem>>, vector<16xf32>, vector<16xi1>
        %all_reduce_population_count3A_1112 = tpu.all_reduce %ge3A_1107 {dim = 0 : i64, kind = #tpu.reduction_kind<sum>} : vector<16xi1> -> vector<16xi32>
        %slice3A_1113 = vector.extract_strided_slice %all_reduce_population_count3A_1112 {offsets = [0], sizes = [1], strides = [1]} : vector<16xi32> to vector<1xi32>
        %squeeze3A_1114 = vector.extract %slice3A_1113[0] : i32 from vector<1xi32>
        %add3A_1115 = arith.addi %add3A_1067, %squeeze3A_1114 : i32
        %get3A_1116 = arith.index_cast %add3A_75 : i32 to index
        %get3A_1117 = arith.constant 864 : index
        %get3A_1118 = tpu.vector_load %arg4[%get3A_1116, %get3A_1117] {strides = array<i32>} : memref<64x1600xf32, #tpu.memory_space<vmem>>, vector<16xf32>,
        %ge3A_1119 = arith.cmpf oge, %get3A_1118, %broadcast_in_dim3A : vector<16xf32>
        %add3A_1120 = arith.constant 832 : i32
        %add3A_1121 = arith.addi %add3A_1120, %add3A_1079 : i32
        %swap3A_1122 = arith.index_cast %add3A_1121 : i32 to index
        %swap3A_1123 = tpu.vector_load %arg5[%swap3A_1122] masked %ge3A_1119 {strides = array<i32>} : memref<3328xf32, #tpu.memory_space<vmem>>, vector<16xf32>, vector<16xi1>
        tpu.vector_store %arg5[%swap3A_1122], %get3A_1118 masked %ge3A_1119 {strides = array<i32>} : memref<3328xf32, #tpu.memory_space<vmem>>, vector<16xf32>, vector<16xi1>
        %all_reduce_population_count3A_1124 = tpu.all_reduce %ge3A_1119 {dim = 0 : i64, kind = #tpu.reduction_kind<sum>} : vector<16xi1> -> vector<16xi32>
        %slice3A_1125 = vector.extract_strided_slice %all_reduce_population_count3A_1124 {offsets = [0], sizes = [1], strides = [1]} : vector<16xi32> to vector<1xi32>
        %squeeze3A_1126 = vector.extract %slice3A_1125[0] : i32 from vector<1xi32>
        %add3A_1127 = arith.addi %add3A_1079, %squeeze3A_1126 : i32
        %get3A_1128 = arith.index_cast %add3A_75 : i32 to index
        %get3A_1129 = arith.constant 880 : index
        %get3A_1130 = tpu.vector_load %arg4[%get3A_1128, %get3A_1129] {strides = array<i32>} : memref<64x1600xf32, #tpu.memory_space<vmem>>, vector<16xf32>,
        %ge3A_1131 = arith.cmpf oge, %get3A_1130, %broadcast_in_dim3A : vector<16xf32>
        %add3A_1132 = arith.constant 1248 : i32
        %add3A_1133 = arith.addi %add3A_1132, %add3A_1091 : i32
        %swap3A_1134 = arith.index_cast %add3A_1133 : i32 to index
        %swap3A_1135 = tpu.vector_load %arg5[%swap3A_1134] masked %ge3A_1131 {strides = array<i32>} : memref<3328xf32, #tpu.memory_space<vmem>>, vector<16xf32>, vector<16xi1>
        tpu.vector_store %arg5[%swap3A_1134], %get3A_1130 masked %ge3A_1131 {strides = array<i32>} : memref<3328xf32, #tpu.memory_space<vmem>>, vector<16xf32>, vector<16xi1>
        %all_reduce_population_count3A_1136 = tpu.all_reduce %ge3A_1131 {dim = 0 : i64, kind = #tpu.reduction_kind<sum>} : vector<16xi1> -> vector<16xi32>
        %slice3A_1137 = vector.extract_strided_slice %all_reduce_population_count3A_1136 {offsets = [0], sizes = [1], strides = [1]} : vector<16xi32> to vector<1xi32>
        %squeeze3A_1138 = vector.extract %slice3A_1137[0] : i32 from vector<1xi32>
        %add3A_1139 = arith.addi %add3A_1091, %squeeze3A_1138 : i32
        %get3A_1140 = arith.index_cast %add3A_75 : i32 to index
        %get3A_1141 = arith.constant 896 : index
        %get3A_1142 = tpu.vector_load %arg4[%get3A_1140, %get3A_1141] {strides = array<i32>} : memref<64x1600xf32, #tpu.memory_space<vmem>>, vector<16xf32>,
        %ge3A_1143 = arith.cmpf oge, %get3A_1142, %broadcast_in_dim3A : vector<16xf32>
        %add3A_1144 = arith.constant 0 : i32
        %add3A_1145 = arith.addi %add3A_1144, %add3A_1103 : i32
        %swap3A_1146 = arith.index_cast %add3A_1145 : i32 to index
        %swap3A_1147 = tpu.vector_load %arg5[%swap3A_1146] masked %ge3A_1143 {strides = array<i32>} : memref<3328xf32, #tpu.memory_space<vmem>>, vector<16xf32>, vector<16xi1>
        tpu.vector_store %arg5[%swap3A_1146], %get3A_1142 masked %ge3A_1143 {strides = array<i32>} : memref<3328xf32, #tpu.memory_space<vmem>>, vector<16xf32>, vector<16xi1>
        %all_reduce_population_count3A_1148 = tpu.all_reduce %ge3A_1143 {dim = 0 : i64, kind = #tpu.reduction_kind<sum>} : vector<16xi1> -> vector<16xi32>
        %slice3A_1149 = vector.extract_strided_slice %all_reduce_population_count3A_1148 {offsets = [0], sizes = [1], strides = [1]} : vector<16xi32> to vector<1xi32>
        %squeeze3A_1150 = vector.extract %slice3A_1149[0] : i32 from vector<1xi32>
        %add3A_1151 = arith.addi %add3A_1103, %squeeze3A_1150 : i32
        %get3A_1152 = arith.index_cast %add3A_75 : i32 to index
        %get3A_1153 = arith.constant 912 : index
        %get3A_1154 = tpu.vector_load %arg4[%get3A_1152, %get3A_1153] {strides = array<i32>} : memref<64x1600xf32, #tpu.memory_space<vmem>>, vector<16xf32>,
        %ge3A_1155 = arith.cmpf oge, %get3A_1154, %broadcast_in_dim3A : vector<16xf32>
        %add3A_1156 = arith.constant 416 : i32
        %add3A_1157 = arith.addi %add3A_1156, %add3A_1115 : i32
        %swap3A_1158 = arith.index_cast %add3A_1157 : i32 to index
        %swap3A_1159 = tpu.vector_load %arg5[%swap3A_1158] masked %ge3A_1155 {strides = array<i32>} : memref<3328xf32, #tpu.memory_space<vmem>>, vector<16xf32>, vector<16xi1>
        tpu.vector_store %arg5[%swap3A_1158], %get3A_1154 masked %ge3A_1155 {strides = array<i32>} : memref<3328xf32, #tpu.memory_space<vmem>>, vector<16xf32>, vector<16xi1>
        %all_reduce_population_count3A_1160 = tpu.all_reduce %ge3A_1155 {dim = 0 : i64, kind = #tpu.reduction_kind<sum>} : vector<16xi1> -> vector<16xi32>
        %slice3A_1161 = vector.extract_strided_slice %all_reduce_population_count3A_1160 {offsets = [0], sizes = [1], strides = [1]} : vector<16xi32> to vector<1xi32>
        %squeeze3A_1162 = vector.extract %slice3A_1161[0] : i32 from vector<1xi32>
        %add3A_1163 = arith.addi %add3A_1115, %squeeze3A_1162 : i32
        %get3A_1164 = arith.index_cast %add3A_75 : i32 to index
        %get3A_1165 = arith.constant 928 : index
        %get3A_1166 = tpu.vector_load %arg4[%get3A_1164, %get3A_1165] {strides = array<i32>} : memref<64x1600xf32, #tpu.memory_space<vmem>>, vector<16xf32>,
        %ge3A_1167 = arith.cmpf oge, %get3A_1166, %broadcast_in_dim3A : vector<16xf32>
        %add3A_1168 = arith.constant 832 : i32
        %add3A_1169 = arith.addi %add3A_1168, %add3A_1127 : i32
        %swap3A_1170 = arith.index_cast %add3A_1169 : i32 to index
        %swap3A_1171 = tpu.vector_load %arg5[%swap3A_1170] masked %ge3A_1167 {strides = array<i32>} : memref<3328xf32, #tpu.memory_space<vmem>>, vector<16xf32>, vector<16xi1>
        tpu.vector_store %arg5[%swap3A_1170], %get3A_1166 masked %ge3A_1167 {strides = array<i32>} : memref<3328xf32, #tpu.memory_space<vmem>>, vector<16xf32>, vector<16xi1>
        %all_reduce_population_count3A_1172 = tpu.all_reduce %ge3A_1167 {dim = 0 : i64, kind = #tpu.reduction_kind<sum>} : vector<16xi1> -> vector<16xi32>
        %slice3A_1173 = vector.extract_strided_slice %all_reduce_population_count3A_1172 {offsets = [0], sizes = [1], strides = [1]} : vector<16xi32> to vector<1xi32>
        %squeeze3A_1174 = vector.extract %slice3A_1173[0] : i32 from vector<1xi32>
        %add3A_1175 = arith.addi %add3A_1127, %squeeze3A_1174 : i32
        %get3A_1176 = arith.index_cast %add3A_75 : i32 to index
        %get3A_1177 = arith.constant 944 : index
        %get3A_1178 = tpu.vector_load %arg4[%get3A_1176, %get3A_1177] {strides = array<i32>} : memref<64x1600xf32, #tpu.memory_space<vmem>>, vector<16xf32>,
        %ge3A_1179 = arith.cmpf oge, %get3A_1178, %broadcast_in_dim3A : vector<16xf32>
        %add3A_1180 = arith.constant 1248 : i32
        %add3A_1181 = arith.addi %add3A_1180, %add3A_1139 : i32
        %swap3A_1182 = arith.index_cast %add3A_1181 : i32 to index
        %swap3A_1183 = tpu.vector_load %arg5[%swap3A_1182] masked %ge3A_1179 {strides = array<i32>} : memref<3328xf32, #tpu.memory_space<vmem>>, vector<16xf32>, vector<16xi1>
        tpu.vector_store %arg5[%swap3A_1182], %get3A_1178 masked %ge3A_1179 {strides = array<i32>} : memref<3328xf32, #tpu.memory_space<vmem>>, vector<16xf32>, vector<16xi1>
        %all_reduce_population_count3A_1184 = tpu.all_reduce %ge3A_1179 {dim = 0 : i64, kind = #tpu.reduction_kind<sum>} : vector<16xi1> -> vector<16xi32>
        %slice3A_1185 = vector.extract_strided_slice %all_reduce_population_count3A_1184 {offsets = [0], sizes = [1], strides = [1]} : vector<16xi32> to vector<1xi32>
        %squeeze3A_1186 = vector.extract %slice3A_1185[0] : i32 from vector<1xi32>
        %add3A_1187 = arith.addi %add3A_1139, %squeeze3A_1186 : i32
        %get3A_1188 = arith.index_cast %add3A_75 : i32 to index
        %get3A_1189 = arith.constant 960 : index
        %get3A_1190 = tpu.vector_load %arg4[%get3A_1188, %get3A_1189] {strides = array<i32>} : memref<64x1600xf32, #tpu.memory_space<vmem>>, vector<16xf32>,
        %ge3A_1191 = arith.cmpf oge, %get3A_1190, %broadcast_in_dim3A : vector<16xf32>
        %add3A_1192 = arith.constant 0 : i32
        %add3A_1193 = arith.addi %add3A_1192, %add3A_1151 : i32
        %swap3A_1194 = arith.index_cast %add3A_1193 : i32 to index
        %swap3A_1195 = tpu.vector_load %arg5[%swap3A_1194] masked %ge3A_1191 {strides = array<i32>} : memref<3328xf32, #tpu.memory_space<vmem>>, vector<16xf32>, vector<16xi1>
        tpu.vector_store %arg5[%swap3A_1194], %get3A_1190 masked %ge3A_1191 {strides = array<i32>} : memref<3328xf32, #tpu.memory_space<vmem>>, vector<16xf32>, vector<16xi1>
        %all_reduce_population_count3A_1196 = tpu.all_reduce %ge3A_1191 {dim = 0 : i64, kind = #tpu.reduction_kind<sum>} : vector<16xi1> -> vector<16xi32>
        %slice3A_1197 = vector.extract_strided_slice %all_reduce_population_count3A_1196 {offsets = [0], sizes = [1], strides = [1]} : vector<16xi32> to vector<1xi32>
        %squeeze3A_1198 = vector.extract %slice3A_1197[0] : i32 from vector<1xi32>
        %add3A_1199 = arith.addi %add3A_1151, %squeeze3A_1198 : i32
        %get3A_1200 = arith.index_cast %add3A_75 : i32 to index
        %get3A_1201 = arith.constant 976 : index
        %get3A_1202 = tpu.vector_load %arg4[%get3A_1200, %get3A_1201] {strides = array<i32>} : memref<64x1600xf32, #tpu.memory_space<vmem>>, vector<16xf32>,
        %ge3A_1203 = arith.cmpf oge, %get3A_1202, %broadcast_in_dim3A : vector<16xf32>
        %add3A_1204 = arith.constant 416 : i32
        %add3A_1205 = arith.addi %add3A_1204, %add3A_1163 : i32
        %swap3A_1206 = arith.index_cast %add3A_1205 : i32 to index
        %swap3A_1207 = tpu.vector_load %arg5[%swap3A_1206] masked %ge3A_1203 {strides = array<i32>} : memref<3328xf32, #tpu.memory_space<vmem>>, vector<16xf32>, vector<16xi1>
        tpu.vector_store %arg5[%swap3A_1206], %get3A_1202 masked %ge3A_1203 {strides = array<i32>} : memref<3328xf32, #tpu.memory_space<vmem>>, vector<16xf32>, vector<16xi1>
        %all_reduce_population_count3A_1208 = tpu.all_reduce %ge3A_1203 {dim = 0 : i64, kind = #tpu.reduction_kind<sum>} : vector<16xi1> -> vector<16xi32>
        %slice3A_1209 = vector.extract_strided_slice %all_reduce_population_count3A_1208 {offsets = [0], sizes = [1], strides = [1]} : vector<16xi32> to vector<1xi32>
        %squeeze3A_1210 = vector.extract %slice3A_1209[0] : i32 from vector<1xi32>
        %add3A_1211 = arith.addi %add3A_1163, %squeeze3A_1210 : i32
        %get3A_1212 = arith.index_cast %add3A_75 : i32 to index
        %get3A_1213 = arith.constant 992 : index
        %get3A_1214 = tpu.vector_load %arg4[%get3A_1212, %get3A_1213] {strides = array<i32>} : memref<64x1600xf32, #tpu.memory_space<vmem>>, vector<16xf32>,
        %ge3A_1215 = arith.cmpf oge, %get3A_1214, %broadcast_in_dim3A : vector<16xf32>
        %add3A_1216 = arith.constant 832 : i32
        %add3A_1217 = arith.addi %add3A_1216, %add3A_1175 : i32
        %swap3A_1218 = arith.index_cast %add3A_1217 : i32 to index
        %swap3A_1219 = tpu.vector_load %arg5[%swap3A_1218] masked %ge3A_1215 {strides = array<i32>} : memref<3328xf32, #tpu.memory_space<vmem>>, vector<16xf32>, vector<16xi1>
        tpu.vector_store %arg5[%swap3A_1218], %get3A_1214 masked %ge3A_1215 {strides = array<i32>} : memref<3328xf32, #tpu.memory_space<vmem>>, vector<16xf32>, vector<16xi1>
        %all_reduce_population_count3A_1220 = tpu.all_reduce %ge3A_1215 {dim = 0 : i64, kind = #tpu.reduction_kind<sum>} : vector<16xi1> -> vector<16xi32>
        %slice3A_1221 = vector.extract_strided_slice %all_reduce_population_count3A_1220 {offsets = [0], sizes = [1], strides = [1]} : vector<16xi32> to vector<1xi32>
        %squeeze3A_1222 = vector.extract %slice3A_1221[0] : i32 from vector<1xi32>
        %add3A_1223 = arith.addi %add3A_1175, %squeeze3A_1222 : i32
        %get3A_1224 = arith.index_cast %add3A_75 : i32 to index
        %get3A_1225 = arith.constant 1008 : index
        %get3A_1226 = tpu.vector_load %arg4[%get3A_1224, %get3A_1225] {strides = array<i32>} : memref<64x1600xf32, #tpu.memory_space<vmem>>, vector<16xf32>,
        %ge3A_1227 = arith.cmpf oge, %get3A_1226, %broadcast_in_dim3A : vector<16xf32>
        %add3A_1228 = arith.constant 1248 : i32
        %add3A_1229 = arith.addi %add3A_1228, %add3A_1187 : i32
        %swap3A_1230 = arith.index_cast %add3A_1229 : i32 to index
        %swap3A_1231 = tpu.vector_load %arg5[%swap3A_1230] masked %ge3A_1227 {strides = array<i32>} : memref<3328xf32, #tpu.memory_space<vmem>>, vector<16xf32>, vector<16xi1>
        tpu.vector_store %arg5[%swap3A_1230], %get3A_1226 masked %ge3A_1227 {strides = array<i32>} : memref<3328xf32, #tpu.memory_space<vmem>>, vector<16xf32>, vector<16xi1>
        %all_reduce_population_count3A_1232 = tpu.all_reduce %ge3A_1227 {dim = 0 : i64, kind = #tpu.reduction_kind<sum>} : vector<16xi1> -> vector<16xi32>
        %slice3A_1233 = vector.extract_strided_slice %all_reduce_population_count3A_1232 {offsets = [0], sizes = [1], strides = [1]} : vector<16xi32> to vector<1xi32>
        %squeeze3A_1234 = vector.extract %slice3A_1233[0] : i32 from vector<1xi32>
        %add3A_1235 = arith.addi %add3A_1187, %squeeze3A_1234 : i32
        %get3A_1236 = arith.index_cast %add3A_75 : i32 to index
        %get3A_1237 = arith.constant 1024 : index
        %get3A_1238 = tpu.vector_load %arg4[%get3A_1236, %get3A_1237] {strides = array<i32>} : memref<64x1600xf32, #tpu.memory_space<vmem>>, vector<16xf32>,
        %ge3A_1239 = arith.cmpf oge, %get3A_1238, %broadcast_in_dim3A : vector<16xf32>
        %add3A_1240 = arith.constant 0 : i32
        %add3A_1241 = arith.addi %add3A_1240, %add3A_1199 : i32
        %swap3A_1242 = arith.index_cast %add3A_1241 : i32 to index
        %swap3A_1243 = tpu.vector_load %arg5[%swap3A_1242] masked %ge3A_1239 {strides = array<i32>} : memref<3328xf32, #tpu.memory_space<vmem>>, vector<16xf32>, vector<16xi1>
        tpu.vector_store %arg5[%swap3A_1242], %get3A_1238 masked %ge3A_1239 {strides = array<i32>} : memref<3328xf32, #tpu.memory_space<vmem>>, vector<16xf32>, vector<16xi1>
        %all_reduce_population_count3A_1244 = tpu.all_reduce %ge3A_1239 {dim = 0 : i64, kind = #tpu.reduction_kind<sum>} : vector<16xi1> -> vector<16xi32>
        %slice3A_1245 = vector.extract_strided_slice %all_reduce_population_count3A_1244 {offsets = [0], sizes = [1], strides = [1]} : vector<16xi32> to vector<1xi32>
        %squeeze3A_1246 = vector.extract %slice3A_1245[0] : i32 from vector<1xi32>
        %add3A_1247 = arith.addi %add3A_1199, %squeeze3A_1246 : i32
        %get3A_1248 = arith.index_cast %add3A_75 : i32 to index
        %get3A_1249 = arith.constant 1040 : index
        %get3A_1250 = tpu.vector_load %arg4[%get3A_1248, %get3A_1249] {strides = array<i32>} : memref<64x1600xf32, #tpu.memory_space<vmem>>, vector<16xf32>,
        %ge3A_1251 = arith.cmpf oge, %get3A_1250, %broadcast_in_dim3A : vector<16xf32>
        %add3A_1252 = arith.constant 416 : i32
        %add3A_1253 = arith.addi %add3A_1252, %add3A_1211 : i32
        %swap3A_1254 = arith.index_cast %add3A_1253 : i32 to index
        %swap3A_1255 = tpu.vector_load %arg5[%swap3A_1254] masked %ge3A_1251 {strides = array<i32>} : memref<3328xf32, #tpu.memory_space<vmem>>, vector<16xf32>, vector<16xi1>
        tpu.vector_store %arg5[%swap3A_1254], %get3A_1250 masked %ge3A_1251 {strides = array<i32>} : memref<3328xf32, #tpu.memory_space<vmem>>, vector<16xf32>, vector<16xi1>
        %all_reduce_population_count3A_1256 = tpu.all_reduce %ge3A_1251 {dim = 0 : i64, kind = #tpu.reduction_kind<sum>} : vector<16xi1> -> vector<16xi32>
        %slice3A_1257 = vector.extract_strided_slice %all_reduce_population_count3A_1256 {offsets = [0], sizes = [1], strides = [1]} : vector<16xi32> to vector<1xi32>
        %squeeze3A_1258 = vector.extract %slice3A_1257[0] : i32 from vector<1xi32>
        %add3A_1259 = arith.addi %add3A_1211, %squeeze3A_1258 : i32
        %get3A_1260 = arith.index_cast %add3A_75 : i32 to index
        %get3A_1261 = arith.constant 1056 : index
        %get3A_1262 = tpu.vector_load %arg4[%get3A_1260, %get3A_1261] {strides = array<i32>} : memref<64x1600xf32, #tpu.memory_space<vmem>>, vector<16xf32>,
        %ge3A_1263 = arith.cmpf oge, %get3A_1262, %broadcast_in_dim3A : vector<16xf32>
        %add3A_1264 = arith.constant 832 : i32
        %add3A_1265 = arith.addi %add3A_1264, %add3A_1223 : i32
        %swap3A_1266 = arith.index_cast %add3A_1265 : i32 to index
        %swap3A_1267 = tpu.vector_load %arg5[%swap3A_1266] masked %ge3A_1263 {strides = array<i32>} : memref<3328xf32, #tpu.memory_space<vmem>>, vector<16xf32>, vector<16xi1>
        tpu.vector_store %arg5[%swap3A_1266], %get3A_1262 masked %ge3A_1263 {strides = array<i32>} : memref<3328xf32, #tpu.memory_space<vmem>>, vector<16xf32>, vector<16xi1>
        %all_reduce_population_count3A_1268 = tpu.all_reduce %ge3A_1263 {dim = 0 : i64, kind = #tpu.reduction_kind<sum>} : vector<16xi1> -> vector<16xi32>
        %slice3A_1269 = vector.extract_strided_slice %all_reduce_population_count3A_1268 {offsets = [0], sizes = [1], strides = [1]} : vector<16xi32> to vector<1xi32>
        %squeeze3A_1270 = vector.extract %slice3A_1269[0] : i32 from vector<1xi32>
        %add3A_1271 = arith.addi %add3A_1223, %squeeze3A_1270 : i32
        %get3A_1272 = arith.index_cast %add3A_75 : i32 to index
        %get3A_1273 = arith.constant 1072 : index
        %get3A_1274 = tpu.vector_load %arg4[%get3A_1272, %get3A_1273] {strides = array<i32>} : memref<64x1600xf32, #tpu.memory_space<vmem>>, vector<16xf32>,
        %ge3A_1275 = arith.cmpf oge, %get3A_1274, %broadcast_in_dim3A : vector<16xf32>
        %add3A_1276 = arith.constant 1248 : i32
        %add3A_1277 = arith.addi %add3A_1276, %add3A_1235 : i32
        %swap3A_1278 = arith.index_cast %add3A_1277 : i32 to index
        %swap3A_1279 = tpu.vector_load %arg5[%swap3A_1278] masked %ge3A_1275 {strides = array<i32>} : memref<3328xf32, #tpu.memory_space<vmem>>, vector<16xf32>, vector<16xi1>
        tpu.vector_store %arg5[%swap3A_1278], %get3A_1274 masked %ge3A_1275 {strides = array<i32>} : memref<3328xf32, #tpu.memory_space<vmem>>, vector<16xf32>, vector<16xi1>
        %all_reduce_population_count3A_1280 = tpu.all_reduce %ge3A_1275 {dim = 0 : i64, kind = #tpu.reduction_kind<sum>} : vector<16xi1> -> vector<16xi32>
        %slice3A_1281 = vector.extract_strided_slice %all_reduce_population_count3A_1280 {offsets = [0], sizes = [1], strides = [1]} : vector<16xi32> to vector<1xi32>
        %squeeze3A_1282 = vector.extract %slice3A_1281[0] : i32 from vector<1xi32>
        %add3A_1283 = arith.addi %add3A_1235, %squeeze3A_1282 : i32
        %get3A_1284 = arith.index_cast %add3A_75 : i32 to index
        %get3A_1285 = arith.constant 1088 : index
        %get3A_1286 = tpu.vector_load %arg4[%get3A_1284, %get3A_1285] {strides = array<i32>} : memref<64x1600xf32, #tpu.memory_space<vmem>>, vector<16xf32>,
        %ge3A_1287 = arith.cmpf oge, %get3A_1286, %broadcast_in_dim3A : vector<16xf32>
        %add3A_1288 = arith.constant 0 : i32
        %add3A_1289 = arith.addi %add3A_1288, %add3A_1247 : i32
        %swap3A_1290 = arith.index_cast %add3A_1289 : i32 to index
        %swap3A_1291 = tpu.vector_load %arg5[%swap3A_1290] masked %ge3A_1287 {strides = array<i32>} : memref<3328xf32, #tpu.memory_space<vmem>>, vector<16xf32>, vector<16xi1>
        tpu.vector_store %arg5[%swap3A_1290], %get3A_1286 masked %ge3A_1287 {strides = array<i32>} : memref<3328xf32, #tpu.memory_space<vmem>>, vector<16xf32>, vector<16xi1>
        %all_reduce_population_count3A_1292 = tpu.all_reduce %ge3A_1287 {dim = 0 : i64, kind = #tpu.reduction_kind<sum>} : vector<16xi1> -> vector<16xi32>
        %slice3A_1293 = vector.extract_strided_slice %all_reduce_population_count3A_1292 {offsets = [0], sizes = [1], strides = [1]} : vector<16xi32> to vector<1xi32>
        %squeeze3A_1294 = vector.extract %slice3A_1293[0] : i32 from vector<1xi32>
        %add3A_1295 = arith.addi %add3A_1247, %squeeze3A_1294 : i32
        %get3A_1296 = arith.index_cast %add3A_75 : i32 to index
        %get3A_1297 = arith.constant 1104 : index
        %get3A_1298 = tpu.vector_load %arg4[%get3A_1296, %get3A_1297] {strides = array<i32>} : memref<64x1600xf32, #tpu.memory_space<vmem>>, vector<16xf32>,
        %ge3A_1299 = arith.cmpf oge, %get3A_1298, %broadcast_in_dim3A : vector<16xf32>
        %add3A_1300 = arith.constant 416 : i32
        %add3A_1301 = arith.addi %add3A_1300, %add3A_1259 : i32
        %swap3A_1302 = arith.index_cast %add3A_1301 : i32 to index
        %swap3A_1303 = tpu.vector_load %arg5[%swap3A_1302] masked %ge3A_1299 {strides = array<i32>} : memref<3328xf32, #tpu.memory_space<vmem>>, vector<16xf32>, vector<16xi1>
        tpu.vector_store %arg5[%swap3A_1302], %get3A_1298 masked %ge3A_1299 {strides = array<i32>} : memref<3328xf32, #tpu.memory_space<vmem>>, vector<16xf32>, vector<16xi1>
        %all_reduce_population_count3A_1304 = tpu.all_reduce %ge3A_1299 {dim = 0 : i64, kind = #tpu.reduction_kind<sum>} : vector<16xi1> -> vector<16xi32>
        %slice3A_1305 = vector.extract_strided_slice %all_reduce_population_count3A_1304 {offsets = [0], sizes = [1], strides = [1]} : vector<16xi32> to vector<1xi32>
        %squeeze3A_1306 = vector.extract %slice3A_1305[0] : i32 from vector<1xi32>
        %add3A_1307 = arith.addi %add3A_1259, %squeeze3A_1306 : i32
        %get3A_1308 = arith.index_cast %add3A_75 : i32 to index
        %get3A_1309 = arith.constant 1120 : index
        %get3A_1310 = tpu.vector_load %arg4[%get3A_1308, %get3A_1309] {strides = array<i32>} : memref<64x1600xf32, #tpu.memory_space<vmem>>, vector<16xf32>,
        %ge3A_1311 = arith.cmpf oge, %get3A_1310, %broadcast_in_dim3A : vector<16xf32>
        %add3A_1312 = arith.constant 832 : i32
        %add3A_1313 = arith.addi %add3A_1312, %add3A_1271 : i32
        %swap3A_1314 = arith.index_cast %add3A_1313 : i32 to index
        %swap3A_1315 = tpu.vector_load %arg5[%swap3A_1314] masked %ge3A_1311 {strides = array<i32>} : memref<3328xf32, #tpu.memory_space<vmem>>, vector<16xf32>, vector<16xi1>
        tpu.vector_store %arg5[%swap3A_1314], %get3A_1310 masked %ge3A_1311 {strides = array<i32>} : memref<3328xf32, #tpu.memory_space<vmem>>, vector<16xf32>, vector<16xi1>
        %all_reduce_population_count3A_1316 = tpu.all_reduce %ge3A_1311 {dim = 0 : i64, kind = #tpu.reduction_kind<sum>} : vector<16xi1> -> vector<16xi32>
        %slice3A_1317 = vector.extract_strided_slice %all_reduce_population_count3A_1316 {offsets = [0], sizes = [1], strides = [1]} : vector<16xi32> to vector<1xi32>
        %squeeze3A_1318 = vector.extract %slice3A_1317[0] : i32 from vector<1xi32>
        %add3A_1319 = arith.addi %add3A_1271, %squeeze3A_1318 : i32
        %get3A_1320 = arith.index_cast %add3A_75 : i32 to index
        %get3A_1321 = arith.constant 1136 : index
        %get3A_1322 = tpu.vector_load %arg4[%get3A_1320, %get3A_1321] {strides = array<i32>} : memref<64x1600xf32, #tpu.memory_space<vmem>>, vector<16xf32>,
        %ge3A_1323 = arith.cmpf oge, %get3A_1322, %broadcast_in_dim3A : vector<16xf32>
        %add3A_1324 = arith.constant 1248 : i32
        %add3A_1325 = arith.addi %add3A_1324, %add3A_1283 : i32
        %swap3A_1326 = arith.index_cast %add3A_1325 : i32 to index
        %swap3A_1327 = tpu.vector_load %arg5[%swap3A_1326] masked %ge3A_1323 {strides = array<i32>} : memref<3328xf32, #tpu.memory_space<vmem>>, vector<16xf32>, vector<16xi1>
        tpu.vector_store %arg5[%swap3A_1326], %get3A_1322 masked %ge3A_1323 {strides = array<i32>} : memref<3328xf32, #tpu.memory_space<vmem>>, vector<16xf32>, vector<16xi1>
        %all_reduce_population_count3A_1328 = tpu.all_reduce %ge3A_1323 {dim = 0 : i64, kind = #tpu.reduction_kind<sum>} : vector<16xi1> -> vector<16xi32>
        %slice3A_1329 = vector.extract_strided_slice %all_reduce_population_count3A_1328 {offsets = [0], sizes = [1], strides = [1]} : vector<16xi32> to vector<1xi32>
        %squeeze3A_1330 = vector.extract %slice3A_1329[0] : i32 from vector<1xi32>
        %add3A_1331 = arith.addi %add3A_1283, %squeeze3A_1330 : i32
        %get3A_1332 = arith.index_cast %add3A_75 : i32 to index
        %get3A_1333 = arith.constant 1152 : index
        %get3A_1334 = tpu.vector_load %arg4[%get3A_1332, %get3A_1333] {strides = array<i32>} : memref<64x1600xf32, #tpu.memory_space<vmem>>, vector<16xf32>,
        %ge3A_1335 = arith.cmpf oge, %get3A_1334, %broadcast_in_dim3A : vector<16xf32>
        %add3A_1336 = arith.constant 0 : i32
        %add3A_1337 = arith.addi %add3A_1336, %add3A_1295 : i32
        %swap3A_1338 = arith.index_cast %add3A_1337 : i32 to index
        %swap3A_1339 = tpu.vector_load %arg5[%swap3A_1338] masked %ge3A_1335 {strides = array<i32>} : memref<3328xf32, #tpu.memory_space<vmem>>, vector<16xf32>, vector<16xi1>
        tpu.vector_store %arg5[%swap3A_1338], %get3A_1334 masked %ge3A_1335 {strides = array<i32>} : memref<3328xf32, #tpu.memory_space<vmem>>, vector<16xf32>, vector<16xi1>
        %all_reduce_population_count3A_1340 = tpu.all_reduce %ge3A_1335 {dim = 0 : i64, kind = #tpu.reduction_kind<sum>} : vector<16xi1> -> vector<16xi32>
        %slice3A_1341 = vector.extract_strided_slice %all_reduce_population_count3A_1340 {offsets = [0], sizes = [1], strides = [1]} : vector<16xi32> to vector<1xi32>
        %squeeze3A_1342 = vector.extract %slice3A_1341[0] : i32 from vector<1xi32>
        %add3A_1343 = arith.addi %add3A_1295, %squeeze3A_1342 : i32
        %get3A_1344 = arith.index_cast %add3A_75 : i32 to index
        %get3A_1345 = arith.constant 1168 : index
        %get3A_1346 = tpu.vector_load %arg4[%get3A_1344, %get3A_1345] {strides = array<i32>} : memref<64x1600xf32, #tpu.memory_space<vmem>>, vector<16xf32>,
        %ge3A_1347 = arith.cmpf oge, %get3A_1346, %broadcast_in_dim3A : vector<16xf32>
        %add3A_1348 = arith.constant 416 : i32
        %add3A_1349 = arith.addi %add3A_1348, %add3A_1307 : i32
        %swap3A_1350 = arith.index_cast %add3A_1349 : i32 to index
        %swap3A_1351 = tpu.vector_load %arg5[%swap3A_1350] masked %ge3A_1347 {strides = array<i32>} : memref<3328xf32, #tpu.memory_space<vmem>>, vector<16xf32>, vector<16xi1>
        tpu.vector_store %arg5[%swap3A_1350], %get3A_1346 masked %ge3A_1347 {strides = array<i32>} : memref<3328xf32, #tpu.memory_space<vmem>>, vector<16xf32>, vector<16xi1>
        %all_reduce_population_count3A_1352 = tpu.all_reduce %ge3A_1347 {dim = 0 : i64, kind = #tpu.reduction_kind<sum>} : vector<16xi1> -> vector<16xi32>
        %slice3A_1353 = vector.extract_strided_slice %all_reduce_population_count3A_1352 {offsets = [0], sizes = [1], strides = [1]} : vector<16xi32> to vector<1xi32>
        %squeeze3A_1354 = vector.extract %slice3A_1353[0] : i32 from vector<1xi32>
        %add3A_1355 = arith.addi %add3A_1307, %squeeze3A_1354 : i32
        %get3A_1356 = arith.index_cast %add3A_75 : i32 to index
        %get3A_1357 = arith.constant 1184 : index
        %get3A_1358 = tpu.vector_load %arg4[%get3A_1356, %get3A_1357] {strides = array<i32>} : memref<64x1600xf32, #tpu.memory_space<vmem>>, vector<16xf32>,
        %ge3A_1359 = arith.cmpf oge, %get3A_1358, %broadcast_in_dim3A : vector<16xf32>
        %add3A_1360 = arith.constant 832 : i32
        %add3A_1361 = arith.addi %add3A_1360, %add3A_1319 : i32
        %swap3A_1362 = arith.index_cast %add3A_1361 : i32 to index
        %swap3A_1363 = tpu.vector_load %arg5[%swap3A_1362] masked %ge3A_1359 {strides = array<i32>} : memref<3328xf32, #tpu.memory_space<vmem>>, vector<16xf32>, vector<16xi1>
        tpu.vector_store %arg5[%swap3A_1362], %get3A_1358 masked %ge3A_1359 {strides = array<i32>} : memref<3328xf32, #tpu.memory_space<vmem>>, vector<16xf32>, vector<16xi1>
        %all_reduce_population_count3A_1364 = tpu.all_reduce %ge3A_1359 {dim = 0 : i64, kind = #tpu.reduction_kind<sum>} : vector<16xi1> -> vector<16xi32>
        %slice3A_1365 = vector.extract_strided_slice %all_reduce_population_count3A_1364 {offsets = [0], sizes = [1], strides = [1]} : vector<16xi32> to vector<1xi32>
        %squeeze3A_1366 = vector.extract %slice3A_1365[0] : i32 from vector<1xi32>
        %add3A_1367 = arith.addi %add3A_1319, %squeeze3A_1366 : i32
        %get3A_1368 = arith.index_cast %add3A_75 : i32 to index
        %get3A_1369 = arith.constant 1200 : index
        %get3A_1370 = tpu.vector_load %arg4[%get3A_1368, %get3A_1369] {strides = array<i32>} : memref<64x1600xf32, #tpu.memory_space<vmem>>, vector<16xf32>,
        %ge3A_1371 = arith.cmpf oge, %get3A_1370, %broadcast_in_dim3A : vector<16xf32>
        %add3A_1372 = arith.constant 1248 : i32
        %add3A_1373 = arith.addi %add3A_1372, %add3A_1331 : i32
        %swap3A_1374 = arith.index_cast %add3A_1373 : i32 to index
        %swap3A_1375 = tpu.vector_load %arg5[%swap3A_1374] masked %ge3A_1371 {strides = array<i32>} : memref<3328xf32, #tpu.memory_space<vmem>>, vector<16xf32>, vector<16xi1>
        tpu.vector_store %arg5[%swap3A_1374], %get3A_1370 masked %ge3A_1371 {strides = array<i32>} : memref<3328xf32, #tpu.memory_space<vmem>>, vector<16xf32>, vector<16xi1>
        %all_reduce_population_count3A_1376 = tpu.all_reduce %ge3A_1371 {dim = 0 : i64, kind = #tpu.reduction_kind<sum>} : vector<16xi1> -> vector<16xi32>
        %slice3A_1377 = vector.extract_strided_slice %all_reduce_population_count3A_1376 {offsets = [0], sizes = [1], strides = [1]} : vector<16xi32> to vector<1xi32>
        %squeeze3A_1378 = vector.extract %slice3A_1377[0] : i32 from vector<1xi32>
        %add3A_1379 = arith.addi %add3A_1331, %squeeze3A_1378 : i32
        %get3A_1380 = arith.index_cast %add3A_75 : i32 to index
        %get3A_1381 = arith.constant 1216 : index
        %get3A_1382 = tpu.vector_load %arg4[%get3A_1380, %get3A_1381] {strides = array<i32>} : memref<64x1600xf32, #tpu.memory_space<vmem>>, vector<16xf32>,
        %ge3A_1383 = arith.cmpf oge, %get3A_1382, %broadcast_in_dim3A : vector<16xf32>
        %add3A_1384 = arith.constant 0 : i32
        %add3A_1385 = arith.addi %add3A_1384, %add3A_1343 : i32
        %swap3A_1386 = arith.index_cast %add3A_1385 : i32 to index
        %swap3A_1387 = tpu.vector_load %arg5[%swap3A_1386] masked %ge3A_1383 {strides = array<i32>} : memref<3328xf32, #tpu.memory_space<vmem>>, vector<16xf32>, vector<16xi1>
        tpu.vector_store %arg5[%swap3A_1386], %get3A_1382 masked %ge3A_1383 {strides = array<i32>} : memref<3328xf32, #tpu.memory_space<vmem>>, vector<16xf32>, vector<16xi1>
        %all_reduce_population_count3A_1388 = tpu.all_reduce %ge3A_1383 {dim = 0 : i64, kind = #tpu.reduction_kind<sum>} : vector<16xi1> -> vector<16xi32>
        %slice3A_1389 = vector.extract_strided_slice %all_reduce_population_count3A_1388 {offsets = [0], sizes = [1], strides = [1]} : vector<16xi32> to vector<1xi32>
        %squeeze3A_1390 = vector.extract %slice3A_1389[0] : i32 from vector<1xi32>
        %add3A_1391 = arith.addi %add3A_1343, %squeeze3A_1390 : i32
        %get3A_1392 = arith.index_cast %add3A_75 : i32 to index
        %get3A_1393 = arith.constant 1232 : index
        %get3A_1394 = tpu.vector_load %arg4[%get3A_1392, %get3A_1393] {strides = array<i32>} : memref<64x1600xf32, #tpu.memory_space<vmem>>, vector<16xf32>,
        %ge3A_1395 = arith.cmpf oge, %get3A_1394, %broadcast_in_dim3A : vector<16xf32>
        %add3A_1396 = arith.constant 416 : i32
        %add3A_1397 = arith.addi %add3A_1396, %add3A_1355 : i32
        %swap3A_1398 = arith.index_cast %add3A_1397 : i32 to index
        %swap3A_1399 = tpu.vector_load %arg5[%swap3A_1398] masked %ge3A_1395 {strides = array<i32>} : memref<3328xf32, #tpu.memory_space<vmem>>, vector<16xf32>, vector<16xi1>
        tpu.vector_store %arg5[%swap3A_1398], %get3A_1394 masked %ge3A_1395 {strides = array<i32>} : memref<3328xf32, #tpu.memory_space<vmem>>, vector<16xf32>, vector<16xi1>
        %all_reduce_population_count3A_1400 = tpu.all_reduce %ge3A_1395 {dim = 0 : i64, kind = #tpu.reduction_kind<sum>} : vector<16xi1> -> vector<16xi32>
        %slice3A_1401 = vector.extract_strided_slice %all_reduce_population_count3A_1400 {offsets = [0], sizes = [1], strides = [1]} : vector<16xi32> to vector<1xi32>
        %squeeze3A_1402 = vector.extract %slice3A_1401[0] : i32 from vector<1xi32>
        %add3A_1403 = arith.addi %add3A_1355, %squeeze3A_1402 : i32
        %get3A_1404 = arith.index_cast %add3A_75 : i32 to index
        %get3A_1405 = arith.constant 1248 : index
        %get3A_1406 = tpu.vector_load %arg4[%get3A_1404, %get3A_1405] {strides = array<i32>} : memref<64x1600xf32, #tpu.memory_space<vmem>>, vector<16xf32>,
        %ge3A_1407 = arith.cmpf oge, %get3A_1406, %broadcast_in_dim3A : vector<16xf32>
        %add3A_1408 = arith.constant 832 : i32
        %add3A_1409 = arith.addi %add3A_1408, %add3A_1367 : i32
        %swap3A_1410 = arith.index_cast %add3A_1409 : i32 to index
        %swap3A_1411 = tpu.vector_load %arg5[%swap3A_1410] masked %ge3A_1407 {strides = array<i32>} : memref<3328xf32, #tpu.memory_space<vmem>>, vector<16xf32>, vector<16xi1>
        tpu.vector_store %arg5[%swap3A_1410], %get3A_1406 masked %ge3A_1407 {strides = array<i32>} : memref<3328xf32, #tpu.memory_space<vmem>>, vector<16xf32>, vector<16xi1>
        %all_reduce_population_count3A_1412 = tpu.all_reduce %ge3A_1407 {dim = 0 : i64, kind = #tpu.reduction_kind<sum>} : vector<16xi1> -> vector<16xi32>
        %slice3A_1413 = vector.extract_strided_slice %all_reduce_population_count3A_1412 {offsets = [0], sizes = [1], strides = [1]} : vector<16xi32> to vector<1xi32>
        %squeeze3A_1414 = vector.extract %slice3A_1413[0] : i32 from vector<1xi32>
        %add3A_1415 = arith.addi %add3A_1367, %squeeze3A_1414 : i32
        %get3A_1416 = arith.index_cast %add3A_75 : i32 to index
        %get3A_1417 = arith.constant 1264 : index
        %get3A_1418 = tpu.vector_load %arg4[%get3A_1416, %get3A_1417] {strides = array<i32>} : memref<64x1600xf32, #tpu.memory_space<vmem>>, vector<16xf32>,
        %ge3A_1419 = arith.cmpf oge, %get3A_1418, %broadcast_in_dim3A : vector<16xf32>
        %add3A_1420 = arith.constant 1248 : i32
        %add3A_1421 = arith.addi %add3A_1420, %add3A_1379 : i32
        %swap3A_1422 = arith.index_cast %add3A_1421 : i32 to index
        %swap3A_1423 = tpu.vector_load %arg5[%swap3A_1422] masked %ge3A_1419 {strides = array<i32>} : memref<3328xf32, #tpu.memory_space<vmem>>, vector<16xf32>, vector<16xi1>
        tpu.vector_store %arg5[%swap3A_1422], %get3A_1418 masked %ge3A_1419 {strides = array<i32>} : memref<3328xf32, #tpu.memory_space<vmem>>, vector<16xf32>, vector<16xi1>
        %all_reduce_population_count3A_1424 = tpu.all_reduce %ge3A_1419 {dim = 0 : i64, kind = #tpu.reduction_kind<sum>} : vector<16xi1> -> vector<16xi32>
        %slice3A_1425 = vector.extract_strided_slice %all_reduce_population_count3A_1424 {offsets = [0], sizes = [1], strides = [1]} : vector<16xi32> to vector<1xi32>
        %squeeze3A_1426 = vector.extract %slice3A_1425[0] : i32 from vector<1xi32>
        %add3A_1427 = arith.addi %add3A_1379, %squeeze3A_1426 : i32
        %get3A_1428 = arith.index_cast %add3A_75 : i32 to index
        %get3A_1429 = arith.constant 1280 : index
        %get3A_1430 = tpu.vector_load %arg4[%get3A_1428, %get3A_1429] {strides = array<i32>} : memref<64x1600xf32, #tpu.memory_space<vmem>>, vector<16xf32>,
        %ge3A_1431 = arith.cmpf oge, %get3A_1430, %broadcast_in_dim3A : vector<16xf32>
        %add3A_1432 = arith.constant 0 : i32
        %add3A_1433 = arith.addi %add3A_1432, %add3A_1391 : i32
        %swap3A_1434 = arith.index_cast %add3A_1433 : i32 to index
        %swap3A_1435 = tpu.vector_load %arg5[%swap3A_1434] masked %ge3A_1431 {strides = array<i32>} : memref<3328xf32, #tpu.memory_space<vmem>>, vector<16xf32>, vector<16xi1>
        tpu.vector_store %arg5[%swap3A_1434], %get3A_1430 masked %ge3A_1431 {strides = array<i32>} : memref<3328xf32, #tpu.memory_space<vmem>>, vector<16xf32>, vector<16xi1>
        %all_reduce_population_count3A_1436 = tpu.all_reduce %ge3A_1431 {dim = 0 : i64, kind = #tpu.reduction_kind<sum>} : vector<16xi1> -> vector<16xi32>
        %slice3A_1437 = vector.extract_strided_slice %all_reduce_population_count3A_1436 {offsets = [0], sizes = [1], strides = [1]} : vector<16xi32> to vector<1xi32>
        %squeeze3A_1438 = vector.extract %slice3A_1437[0] : i32 from vector<1xi32>
        %add3A_1439 = arith.addi %add3A_1391, %squeeze3A_1438 : i32
        %get3A_1440 = arith.index_cast %add3A_75 : i32 to index
        %get3A_1441 = arith.constant 1296 : index
        %get3A_1442 = tpu.vector_load %arg4[%get3A_1440, %get3A_1441] {strides = array<i32>} : memref<64x1600xf32, #tpu.memory_space<vmem>>, vector<16xf32>,
        %ge3A_1443 = arith.cmpf oge, %get3A_1442, %broadcast_in_dim3A : vector<16xf32>
        %add3A_1444 = arith.constant 416 : i32
        %add3A_1445 = arith.addi %add3A_1444, %add3A_1403 : i32
        %swap3A_1446 = arith.index_cast %add3A_1445 : i32 to index
        %swap3A_1447 = tpu.vector_load %arg5[%swap3A_1446] masked %ge3A_1443 {strides = array<i32>} : memref<3328xf32, #tpu.memory_space<vmem>>, vector<16xf32>, vector<16xi1>
        tpu.vector_store %arg5[%swap3A_1446], %get3A_1442 masked %ge3A_1443 {strides = array<i32>} : memref<3328xf32, #tpu.memory_space<vmem>>, vector<16xf32>, vector<16xi1>
        %all_reduce_population_count3A_1448 = tpu.all_reduce %ge3A_1443 {dim = 0 : i64, kind = #tpu.reduction_kind<sum>} : vector<16xi1> -> vector<16xi32>
        %slice3A_1449 = vector.extract_strided_slice %all_reduce_population_count3A_1448 {offsets = [0], sizes = [1], strides = [1]} : vector<16xi32> to vector<1xi32>
        %squeeze3A_1450 = vector.extract %slice3A_1449[0] : i32 from vector<1xi32>
        %add3A_1451 = arith.addi %add3A_1403, %squeeze3A_1450 : i32
        %get3A_1452 = arith.index_cast %add3A_75 : i32 to index
        %get3A_1453 = arith.constant 1312 : index
        %get3A_1454 = tpu.vector_load %arg4[%get3A_1452, %get3A_1453] {strides = array<i32>} : memref<64x1600xf32, #tpu.memory_space<vmem>>, vector<16xf32>,
        %ge3A_1455 = arith.cmpf oge, %get3A_1454, %broadcast_in_dim3A : vector<16xf32>
        %add3A_1456 = arith.constant 832 : i32
        %add3A_1457 = arith.addi %add3A_1456, %add3A_1415 : i32
        %swap3A_1458 = arith.index_cast %add3A_1457 : i32 to index
        %swap3A_1459 = tpu.vector_load %arg5[%swap3A_1458] masked %ge3A_1455 {strides = array<i32>} : memref<3328xf32, #tpu.memory_space<vmem>>, vector<16xf32>, vector<16xi1>
        tpu.vector_store %arg5[%swap3A_1458], %get3A_1454 masked %ge3A_1455 {strides = array<i32>} : memref<3328xf32, #tpu.memory_space<vmem>>, vector<16xf32>, vector<16xi1>
        %all_reduce_population_count3A_1460 = tpu.all_reduce %ge3A_1455 {dim = 0 : i64, kind = #tpu.reduction_kind<sum>} : vector<16xi1> -> vector<16xi32>
        %slice3A_1461 = vector.extract_strided_slice %all_reduce_population_count3A_1460 {offsets = [0], sizes = [1], strides = [1]} : vector<16xi32> to vector<1xi32>
        %squeeze3A_1462 = vector.extract %slice3A_1461[0] : i32 from vector<1xi32>
        %add3A_1463 = arith.addi %add3A_1415, %squeeze3A_1462 : i32
        %get3A_1464 = arith.index_cast %add3A_75 : i32 to index
        %get3A_1465 = arith.constant 1328 : index
        %get3A_1466 = tpu.vector_load %arg4[%get3A_1464, %get3A_1465] {strides = array<i32>} : memref<64x1600xf32, #tpu.memory_space<vmem>>, vector<16xf32>,
        %ge3A_1467 = arith.cmpf oge, %get3A_1466, %broadcast_in_dim3A : vector<16xf32>
        %add3A_1468 = arith.constant 1248 : i32
        %add3A_1469 = arith.addi %add3A_1468, %add3A_1427 : i32
        %swap3A_1470 = arith.index_cast %add3A_1469 : i32 to index
        %swap3A_1471 = tpu.vector_load %arg5[%swap3A_1470] masked %ge3A_1467 {strides = array<i32>} : memref<3328xf32, #tpu.memory_space<vmem>>, vector<16xf32>, vector<16xi1>
        tpu.vector_store %arg5[%swap3A_1470], %get3A_1466 masked %ge3A_1467 {strides = array<i32>} : memref<3328xf32, #tpu.memory_space<vmem>>, vector<16xf32>, vector<16xi1>
        %all_reduce_population_count3A_1472 = tpu.all_reduce %ge3A_1467 {dim = 0 : i64, kind = #tpu.reduction_kind<sum>} : vector<16xi1> -> vector<16xi32>
        %slice3A_1473 = vector.extract_strided_slice %all_reduce_population_count3A_1472 {offsets = [0], sizes = [1], strides = [1]} : vector<16xi32> to vector<1xi32>
        %squeeze3A_1474 = vector.extract %slice3A_1473[0] : i32 from vector<1xi32>
        %add3A_1475 = arith.addi %add3A_1427, %squeeze3A_1474 : i32
        %get3A_1476 = arith.index_cast %add3A_75 : i32 to index
        %get3A_1477 = arith.constant 1344 : index
        %get3A_1478 = tpu.vector_load %arg4[%get3A_1476, %get3A_1477] {strides = array<i32>} : memref<64x1600xf32, #tpu.memory_space<vmem>>, vector<16xf32>,
        %ge3A_1479 = arith.cmpf oge, %get3A_1478, %broadcast_in_dim3A : vector<16xf32>
        %add3A_1480 = arith.constant 0 : i32
        %add3A_1481 = arith.addi %add3A_1480, %add3A_1439 : i32
        %swap3A_1482 = arith.index_cast %add3A_1481 : i32 to index
        %swap3A_1483 = tpu.vector_load %arg5[%swap3A_1482] masked %ge3A_1479 {strides = array<i32>} : memref<3328xf32, #tpu.memory_space<vmem>>, vector<16xf32>, vector<16xi1>
        tpu.vector_store %arg5[%swap3A_1482], %get3A_1478 masked %ge3A_1479 {strides = array<i32>} : memref<3328xf32, #tpu.memory_space<vmem>>, vector<16xf32>, vector<16xi1>
        %all_reduce_population_count3A_1484 = tpu.all_reduce %ge3A_1479 {dim = 0 : i64, kind = #tpu.reduction_kind<sum>} : vector<16xi1> -> vector<16xi32>
        %slice3A_1485 = vector.extract_strided_slice %all_reduce_population_count3A_1484 {offsets = [0], sizes = [1], strides = [1]} : vector<16xi32> to vector<1xi32>
        %squeeze3A_1486 = vector.extract %slice3A_1485[0] : i32 from vector<1xi32>
        %add3A_1487 = arith.addi %add3A_1439, %squeeze3A_1486 : i32
        %get3A_1488 = arith.index_cast %add3A_75 : i32 to index
        %get3A_1489 = arith.constant 1360 : index
        %get3A_1490 = tpu.vector_load %arg4[%get3A_1488, %get3A_1489] {strides = array<i32>} : memref<64x1600xf32, #tpu.memory_space<vmem>>, vector<16xf32>,
        %ge3A_1491 = arith.cmpf oge, %get3A_1490, %broadcast_in_dim3A : vector<16xf32>
        %add3A_1492 = arith.constant 416 : i32
        %add3A_1493 = arith.addi %add3A_1492, %add3A_1451 : i32
        %swap3A_1494 = arith.index_cast %add3A_1493 : i32 to index
        %swap3A_1495 = tpu.vector_load %arg5[%swap3A_1494] masked %ge3A_1491 {strides = array<i32>} : memref<3328xf32, #tpu.memory_space<vmem>>, vector<16xf32>, vector<16xi1>
        tpu.vector_store %arg5[%swap3A_1494], %get3A_1490 masked %ge3A_1491 {strides = array<i32>} : memref<3328xf32, #tpu.memory_space<vmem>>, vector<16xf32>, vector<16xi1>
        %all_reduce_population_count3A_1496 = tpu.all_reduce %ge3A_1491 {dim = 0 : i64, kind = #tpu.reduction_kind<sum>} : vector<16xi1> -> vector<16xi32>
        %slice3A_1497 = vector.extract_strided_slice %all_reduce_population_count3A_1496 {offsets = [0], sizes = [1], strides = [1]} : vector<16xi32> to vector<1xi32>
        %squeeze3A_1498 = vector.extract %slice3A_1497[0] : i32 from vector<1xi32>
        %add3A_1499 = arith.addi %add3A_1451, %squeeze3A_1498 : i32
        %get3A_1500 = arith.index_cast %add3A_75 : i32 to index
        %get3A_1501 = arith.constant 1376 : index
        %get3A_1502 = tpu.vector_load %arg4[%get3A_1500, %get3A_1501] {strides = array<i32>} : memref<64x1600xf32, #tpu.memory_space<vmem>>, vector<16xf32>,
        %ge3A_1503 = arith.cmpf oge, %get3A_1502, %broadcast_in_dim3A : vector<16xf32>
        %add3A_1504 = arith.constant 832 : i32
        %add3A_1505 = arith.addi %add3A_1504, %add3A_1463 : i32
        %swap3A_1506 = arith.index_cast %add3A_1505 : i32 to index
        %swap3A_1507 = tpu.vector_load %arg5[%swap3A_1506] masked %ge3A_1503 {strides = array<i32>} : memref<3328xf32, #tpu.memory_space<vmem>>, vector<16xf32>, vector<16xi1>
        tpu.vector_store %arg5[%swap3A_1506], %get3A_1502 masked %ge3A_1503 {strides = array<i32>} : memref<3328xf32, #tpu.memory_space<vmem>>, vector<16xf32>, vector<16xi1>
        %all_reduce_population_count3A_1508 = tpu.all_reduce %ge3A_1503 {dim = 0 : i64, kind = #tpu.reduction_kind<sum>} : vector<16xi1> -> vector<16xi32>
        %slice3A_1509 = vector.extract_strided_slice %all_reduce_population_count3A_1508 {offsets = [0], sizes = [1], strides = [1]} : vector<16xi32> to vector<1xi32>
        %squeeze3A_1510 = vector.extract %slice3A_1509[0] : i32 from vector<1xi32>
        %add3A_1511 = arith.addi %add3A_1463, %squeeze3A_1510 : i32
        %get3A_1512 = arith.index_cast %add3A_75 : i32 to index
        %get3A_1513 = arith.constant 1392 : index
        %get3A_1514 = tpu.vector_load %arg4[%get3A_1512, %get3A_1513] {strides = array<i32>} : memref<64x1600xf32, #tpu.memory_space<vmem>>, vector<16xf32>,
        %ge3A_1515 = arith.cmpf oge, %get3A_1514, %broadcast_in_dim3A : vector<16xf32>
        %add3A_1516 = arith.constant 1248 : i32
        %add3A_1517 = arith.addi %add3A_1516, %add3A_1475 : i32
        %swap3A_1518 = arith.index_cast %add3A_1517 : i32 to index
        %swap3A_1519 = tpu.vector_load %arg5[%swap3A_1518] masked %ge3A_1515 {strides = array<i32>} : memref<3328xf32, #tpu.memory_space<vmem>>, vector<16xf32>, vector<16xi1>
        tpu.vector_store %arg5[%swap3A_1518], %get3A_1514 masked %ge3A_1515 {strides = array<i32>} : memref<3328xf32, #tpu.memory_space<vmem>>, vector<16xf32>, vector<16xi1>
        %all_reduce_population_count3A_1520 = tpu.all_reduce %ge3A_1515 {dim = 0 : i64, kind = #tpu.reduction_kind<sum>} : vector<16xi1> -> vector<16xi32>
        %slice3A_1521 = vector.extract_strided_slice %all_reduce_population_count3A_1520 {offsets = [0], sizes = [1], strides = [1]} : vector<16xi32> to vector<1xi32>
        %squeeze3A_1522 = vector.extract %slice3A_1521[0] : i32 from vector<1xi32>
        %add3A_1523 = arith.addi %add3A_1475, %squeeze3A_1522 : i32
        %get3A_1524 = arith.index_cast %add3A_75 : i32 to index
        %get3A_1525 = arith.constant 1408 : index
        %get3A_1526 = tpu.vector_load %arg4[%get3A_1524, %get3A_1525] {strides = array<i32>} : memref<64x1600xf32, #tpu.memory_space<vmem>>, vector<16xf32>,
        %ge3A_1527 = arith.cmpf oge, %get3A_1526, %broadcast_in_dim3A : vector<16xf32>
        %add3A_1528 = arith.constant 0 : i32
        %add3A_1529 = arith.addi %add3A_1528, %add3A_1487 : i32
        %swap3A_1530 = arith.index_cast %add3A_1529 : i32 to index
        %swap3A_1531 = tpu.vector_load %arg5[%swap3A_1530] masked %ge3A_1527 {strides = array<i32>} : memref<3328xf32, #tpu.memory_space<vmem>>, vector<16xf32>, vector<16xi1>
        tpu.vector_store %arg5[%swap3A_1530], %get3A_1526 masked %ge3A_1527 {strides = array<i32>} : memref<3328xf32, #tpu.memory_space<vmem>>, vector<16xf32>, vector<16xi1>
        %all_reduce_population_count3A_1532 = tpu.all_reduce %ge3A_1527 {dim = 0 : i64, kind = #tpu.reduction_kind<sum>} : vector<16xi1> -> vector<16xi32>
        %slice3A_1533 = vector.extract_strided_slice %all_reduce_population_count3A_1532 {offsets = [0], sizes = [1], strides = [1]} : vector<16xi32> to vector<1xi32>
        %squeeze3A_1534 = vector.extract %slice3A_1533[0] : i32 from vector<1xi32>
        %add3A_1535 = arith.addi %add3A_1487, %squeeze3A_1534 : i32
        %get3A_1536 = arith.index_cast %add3A_75 : i32 to index
        %get3A_1537 = arith.constant 1424 : index
        %get3A_1538 = tpu.vector_load %arg4[%get3A_1536, %get3A_1537] {strides = array<i32>} : memref<64x1600xf32, #tpu.memory_space<vmem>>, vector<16xf32>,
        %ge3A_1539 = arith.cmpf oge, %get3A_1538, %broadcast_in_dim3A : vector<16xf32>
        %add3A_1540 = arith.constant 416 : i32
        %add3A_1541 = arith.addi %add3A_1540, %add3A_1499 : i32
        %swap3A_1542 = arith.index_cast %add3A_1541 : i32 to index
        %swap3A_1543 = tpu.vector_load %arg5[%swap3A_1542] masked %ge3A_1539 {strides = array<i32>} : memref<3328xf32, #tpu.memory_space<vmem>>, vector<16xf32>, vector<16xi1>
        tpu.vector_store %arg5[%swap3A_1542], %get3A_1538 masked %ge3A_1539 {strides = array<i32>} : memref<3328xf32, #tpu.memory_space<vmem>>, vector<16xf32>, vector<16xi1>
        %all_reduce_population_count3A_1544 = tpu.all_reduce %ge3A_1539 {dim = 0 : i64, kind = #tpu.reduction_kind<sum>} : vector<16xi1> -> vector<16xi32>
        %slice3A_1545 = vector.extract_strided_slice %all_reduce_population_count3A_1544 {offsets = [0], sizes = [1], strides = [1]} : vector<16xi32> to vector<1xi32>
        %squeeze3A_1546 = vector.extract %slice3A_1545[0] : i32 from vector<1xi32>
        %add3A_1547 = arith.addi %add3A_1499, %squeeze3A_1546 : i32
        %get3A_1548 = arith.index_cast %add3A_75 : i32 to index
        %get3A_1549 = arith.constant 1440 : index
        %get3A_1550 = tpu.vector_load %arg4[%get3A_1548, %get3A_1549] {strides = array<i32>} : memref<64x1600xf32, #tpu.memory_space<vmem>>, vector<16xf32>,
        %ge3A_1551 = arith.cmpf oge, %get3A_1550, %broadcast_in_dim3A : vector<16xf32>
        %add3A_1552 = arith.constant 832 : i32
        %add3A_1553 = arith.addi %add3A_1552, %add3A_1511 : i32
        %swap3A_1554 = arith.index_cast %add3A_1553 : i32 to index
        %swap3A_1555 = tpu.vector_load %arg5[%swap3A_1554] masked %ge3A_1551 {strides = array<i32>} : memref<3328xf32, #tpu.memory_space<vmem>>, vector<16xf32>, vector<16xi1>
        tpu.vector_store %arg5[%swap3A_1554], %get3A_1550 masked %ge3A_1551 {strides = array<i32>} : memref<3328xf32, #tpu.memory_space<vmem>>, vector<16xf32>, vector<16xi1>
        %all_reduce_population_count3A_1556 = tpu.all_reduce %ge3A_1551 {dim = 0 : i64, kind = #tpu.reduction_kind<sum>} : vector<16xi1> -> vector<16xi32>
        %slice3A_1557 = vector.extract_strided_slice %all_reduce_population_count3A_1556 {offsets = [0], sizes = [1], strides = [1]} : vector<16xi32> to vector<1xi32>
        %squeeze3A_1558 = vector.extract %slice3A_1557[0] : i32 from vector<1xi32>
        %add3A_1559 = arith.addi %add3A_1511, %squeeze3A_1558 : i32
        %get3A_1560 = arith.index_cast %add3A_75 : i32 to index
        %get3A_1561 = arith.constant 1456 : index
        %get3A_1562 = tpu.vector_load %arg4[%get3A_1560, %get3A_1561] {strides = array<i32>} : memref<64x1600xf32, #tpu.memory_space<vmem>>, vector<16xf32>,
        %ge3A_1563 = arith.cmpf oge, %get3A_1562, %broadcast_in_dim3A : vector<16xf32>
        %add3A_1564 = arith.constant 1248 : i32
        %add3A_1565 = arith.addi %add3A_1564, %add3A_1523 : i32
        %swap3A_1566 = arith.index_cast %add3A_1565 : i32 to index
        %swap3A_1567 = tpu.vector_load %arg5[%swap3A_1566] masked %ge3A_1563 {strides = array<i32>} : memref<3328xf32, #tpu.memory_space<vmem>>, vector<16xf32>, vector<16xi1>
        tpu.vector_store %arg5[%swap3A_1566], %get3A_1562 masked %ge3A_1563 {strides = array<i32>} : memref<3328xf32, #tpu.memory_space<vmem>>, vector<16xf32>, vector<16xi1>
        %all_reduce_population_count3A_1568 = tpu.all_reduce %ge3A_1563 {dim = 0 : i64, kind = #tpu.reduction_kind<sum>} : vector<16xi1> -> vector<16xi32>
        %slice3A_1569 = vector.extract_strided_slice %all_reduce_population_count3A_1568 {offsets = [0], sizes = [1], strides = [1]} : vector<16xi32> to vector<1xi32>
        %squeeze3A_1570 = vector.extract %slice3A_1569[0] : i32 from vector<1xi32>
        %add3A_1571 = arith.addi %add3A_1523, %squeeze3A_1570 : i32
        %get3A_1572 = arith.index_cast %add3A_75 : i32 to index
        %get3A_1573 = arith.constant 1472 : index
        %get3A_1574 = tpu.vector_load %arg4[%get3A_1572, %get3A_1573] {strides = array<i32>} : memref<64x1600xf32, #tpu.memory_space<vmem>>, vector<16xf32>,
        %ge3A_1575 = arith.cmpf oge, %get3A_1574, %broadcast_in_dim3A : vector<16xf32>
        %add3A_1576 = arith.constant 0 : i32
        %add3A_1577 = arith.addi %add3A_1576, %add3A_1535 : i32
        %swap3A_1578 = arith.index_cast %add3A_1577 : i32 to index
        %swap3A_1579 = tpu.vector_load %arg5[%swap3A_1578] masked %ge3A_1575 {strides = array<i32>} : memref<3328xf32, #tpu.memory_space<vmem>>, vector<16xf32>, vector<16xi1>
        tpu.vector_store %arg5[%swap3A_1578], %get3A_1574 masked %ge3A_1575 {strides = array<i32>} : memref<3328xf32, #tpu.memory_space<vmem>>, vector<16xf32>, vector<16xi1>
        %all_reduce_population_count3A_1580 = tpu.all_reduce %ge3A_1575 {dim = 0 : i64, kind = #tpu.reduction_kind<sum>} : vector<16xi1> -> vector<16xi32>
        %slice3A_1581 = vector.extract_strided_slice %all_reduce_population_count3A_1580 {offsets = [0], sizes = [1], strides = [1]} : vector<16xi32> to vector<1xi32>
        %squeeze3A_1582 = vector.extract %slice3A_1581[0] : i32 from vector<1xi32>
        %add3A_1583 = arith.addi %add3A_1535, %squeeze3A_1582 : i32
        %get3A_1584 = arith.index_cast %add3A_75 : i32 to index
        %get3A_1585 = arith.constant 1488 : index
        %get3A_1586 = tpu.vector_load %arg4[%get3A_1584, %get3A_1585] {strides = array<i32>} : memref<64x1600xf32, #tpu.memory_space<vmem>>, vector<16xf32>,
        %ge3A_1587 = arith.cmpf oge, %get3A_1586, %broadcast_in_dim3A : vector<16xf32>
        %add3A_1588 = arith.constant 416 : i32
        %add3A_1589 = arith.addi %add3A_1588, %add3A_1547 : i32
        %swap3A_1590 = arith.index_cast %add3A_1589 : i32 to index
        %swap3A_1591 = tpu.vector_load %arg5[%swap3A_1590] masked %ge3A_1587 {strides = array<i32>} : memref<3328xf32, #tpu.memory_space<vmem>>, vector<16xf32>, vector<16xi1>
        tpu.vector_store %arg5[%swap3A_1590], %get3A_1586 masked %ge3A_1587 {strides = array<i32>} : memref<3328xf32, #tpu.memory_space<vmem>>, vector<16xf32>, vector<16xi1>
        %all_reduce_population_count3A_1592 = tpu.all_reduce %ge3A_1587 {dim = 0 : i64, kind = #tpu.reduction_kind<sum>} : vector<16xi1> -> vector<16xi32>
        %slice3A_1593 = vector.extract_strided_slice %all_reduce_population_count3A_1592 {offsets = [0], sizes = [1], strides = [1]} : vector<16xi32> to vector<1xi32>
        %squeeze3A_1594 = vector.extract %slice3A_1593[0] : i32 from vector<1xi32>
        %add3A_1595 = arith.addi %add3A_1547, %squeeze3A_1594 : i32
        %get3A_1596 = arith.index_cast %add3A_75 : i32 to index
        %get3A_1597 = arith.constant 1504 : index
        %get3A_1598 = tpu.vector_load %arg4[%get3A_1596, %get3A_1597] {strides = array<i32>} : memref<64x1600xf32, #tpu.memory_space<vmem>>, vector<16xf32>,
        %ge3A_1599 = arith.cmpf oge, %get3A_1598, %broadcast_in_dim3A : vector<16xf32>
        %add3A_1600 = arith.constant 832 : i32
        %add3A_1601 = arith.addi %add3A_1600, %add3A_1559 : i32
        %swap3A_1602 = arith.index_cast %add3A_1601 : i32 to index
        %swap3A_1603 = tpu.vector_load %arg5[%swap3A_1602] masked %ge3A_1599 {strides = array<i32>} : memref<3328xf32, #tpu.memory_space<vmem>>, vector<16xf32>, vector<16xi1>
        tpu.vector_store %arg5[%swap3A_1602], %get3A_1598 masked %ge3A_1599 {strides = array<i32>} : memref<3328xf32, #tpu.memory_space<vmem>>, vector<16xf32>, vector<16xi1>
        %all_reduce_population_count3A_1604 = tpu.all_reduce %ge3A_1599 {dim = 0 : i64, kind = #tpu.reduction_kind<sum>} : vector<16xi1> -> vector<16xi32>
        %slice3A_1605 = vector.extract_strided_slice %all_reduce_population_count3A_1604 {offsets = [0], sizes = [1], strides = [1]} : vector<16xi32> to vector<1xi32>
        %squeeze3A_1606 = vector.extract %slice3A_1605[0] : i32 from vector<1xi32>
        %add3A_1607 = arith.addi %add3A_1559, %squeeze3A_1606 : i32
        %get3A_1608 = arith.index_cast %add3A_75 : i32 to index
        %get3A_1609 = arith.constant 1520 : index
        %get3A_1610 = tpu.vector_load %arg4[%get3A_1608, %get3A_1609] {strides = array<i32>} : memref<64x1600xf32, #tpu.memory_space<vmem>>, vector<16xf32>,
        %ge3A_1611 = arith.cmpf oge, %get3A_1610, %broadcast_in_dim3A : vector<16xf32>
        %add3A_1612 = arith.constant 1248 : i32
        %add3A_1613 = arith.addi %add3A_1612, %add3A_1571 : i32
        %swap3A_1614 = arith.index_cast %add3A_1613 : i32 to index
        %swap3A_1615 = tpu.vector_load %arg5[%swap3A_1614] masked %ge3A_1611 {strides = array<i32>} : memref<3328xf32, #tpu.memory_space<vmem>>, vector<16xf32>, vector<16xi1>
        tpu.vector_store %arg5[%swap3A_1614], %get3A_1610 masked %ge3A_1611 {strides = array<i32>} : memref<3328xf32, #tpu.memory_space<vmem>>, vector<16xf32>, vector<16xi1>
        %all_reduce_population_count3A_1616 = tpu.all_reduce %ge3A_1611 {dim = 0 : i64, kind = #tpu.reduction_kind<sum>} : vector<16xi1> -> vector<16xi32>
        %slice3A_1617 = vector.extract_strided_slice %all_reduce_population_count3A_1616 {offsets = [0], sizes = [1], strides = [1]} : vector<16xi32> to vector<1xi32>
        %squeeze3A_1618 = vector.extract %slice3A_1617[0] : i32 from vector<1xi32>
        %add3A_1619 = arith.addi %add3A_1571, %squeeze3A_1618 : i32
        %get3A_1620 = arith.index_cast %add3A_75 : i32 to index
        %get3A_1621 = arith.constant 1536 : index
        %get3A_1622 = tpu.vector_load %arg4[%get3A_1620, %get3A_1621] {strides = array<i32>} : memref<64x1600xf32, #tpu.memory_space<vmem>>, vector<16xf32>,
        %ge3A_1623 = arith.cmpf oge, %get3A_1622, %broadcast_in_dim3A : vector<16xf32>
        %add3A_1624 = arith.constant 0 : i32
        %add3A_1625 = arith.addi %add3A_1624, %add3A_1583 : i32
        %swap3A_1626 = arith.index_cast %add3A_1625 : i32 to index
        %swap3A_1627 = tpu.vector_load %arg5[%swap3A_1626] masked %ge3A_1623 {strides = array<i32>} : memref<3328xf32, #tpu.memory_space<vmem>>, vector<16xf32>, vector<16xi1>
        tpu.vector_store %arg5[%swap3A_1626], %get3A_1622 masked %ge3A_1623 {strides = array<i32>} : memref<3328xf32, #tpu.memory_space<vmem>>, vector<16xf32>, vector<16xi1>
        %all_reduce_population_count3A_1628 = tpu.all_reduce %ge3A_1623 {dim = 0 : i64, kind = #tpu.reduction_kind<sum>} : vector<16xi1> -> vector<16xi32>
        %slice3A_1629 = vector.extract_strided_slice %all_reduce_population_count3A_1628 {offsets = [0], sizes = [1], strides = [1]} : vector<16xi32> to vector<1xi32>
        %squeeze3A_1630 = vector.extract %slice3A_1629[0] : i32 from vector<1xi32>
        %add3A_1631 = arith.addi %add3A_1583, %squeeze3A_1630 : i32
        %get3A_1632 = arith.index_cast %add3A_75 : i32 to index
        %get3A_1633 = arith.constant 1552 : index
        %get3A_1634 = tpu.vector_load %arg4[%get3A_1632, %get3A_1633] {strides = array<i32>} : memref<64x1600xf32, #tpu.memory_space<vmem>>, vector<16xf32>,
        %ge3A_1635 = arith.cmpf oge, %get3A_1634, %broadcast_in_dim3A : vector<16xf32>
        %add3A_1636 = arith.constant 416 : i32
        %add3A_1637 = arith.addi %add3A_1636, %add3A_1595 : i32
        %swap3A_1638 = arith.index_cast %add3A_1637 : i32 to index
        %swap3A_1639 = tpu.vector_load %arg5[%swap3A_1638] masked %ge3A_1635 {strides = array<i32>} : memref<3328xf32, #tpu.memory_space<vmem>>, vector<16xf32>, vector<16xi1>
        tpu.vector_store %arg5[%swap3A_1638], %get3A_1634 masked %ge3A_1635 {strides = array<i32>} : memref<3328xf32, #tpu.memory_space<vmem>>, vector<16xf32>, vector<16xi1>
        %all_reduce_population_count3A_1640 = tpu.all_reduce %ge3A_1635 {dim = 0 : i64, kind = #tpu.reduction_kind<sum>} : vector<16xi1> -> vector<16xi32>
        %slice3A_1641 = vector.extract_strided_slice %all_reduce_population_count3A_1640 {offsets = [0], sizes = [1], strides = [1]} : vector<16xi32> to vector<1xi32>
        %squeeze3A_1642 = vector.extract %slice3A_1641[0] : i32 from vector<1xi32>
        %add3A_1643 = arith.addi %add3A_1595, %squeeze3A_1642 : i32
        %get3A_1644 = arith.index_cast %add3A_75 : i32 to index
        %get3A_1645 = arith.constant 1568 : index
        %get3A_1646 = tpu.vector_load %arg4[%get3A_1644, %get3A_1645] {strides = array<i32>} : memref<64x1600xf32, #tpu.memory_space<vmem>>, vector<16xf32>,
        %ge3A_1647 = arith.cmpf oge, %get3A_1646, %broadcast_in_dim3A : vector<16xf32>
        %add3A_1648 = arith.constant 832 : i32
        %add3A_1649 = arith.addi %add3A_1648, %add3A_1607 : i32
        %swap3A_1650 = arith.index_cast %add3A_1649 : i32 to index
        %swap3A_1651 = tpu.vector_load %arg5[%swap3A_1650] masked %ge3A_1647 {strides = array<i32>} : memref<3328xf32, #tpu.memory_space<vmem>>, vector<16xf32>, vector<16xi1>
        tpu.vector_store %arg5[%swap3A_1650], %get3A_1646 masked %ge3A_1647 {strides = array<i32>} : memref<3328xf32, #tpu.memory_space<vmem>>, vector<16xf32>, vector<16xi1>
        %all_reduce_population_count3A_1652 = tpu.all_reduce %ge3A_1647 {dim = 0 : i64, kind = #tpu.reduction_kind<sum>} : vector<16xi1> -> vector<16xi32>
        %slice3A_1653 = vector.extract_strided_slice %all_reduce_population_count3A_1652 {offsets = [0], sizes = [1], strides = [1]} : vector<16xi32> to vector<1xi32>
        %squeeze3A_1654 = vector.extract %slice3A_1653[0] : i32 from vector<1xi32>
        %add3A_1655 = arith.addi %add3A_1607, %squeeze3A_1654 : i32
        %get3A_1656 = arith.index_cast %add3A_75 : i32 to index
        %get3A_1657 = arith.constant 1584 : index
        %get3A_1658 = tpu.vector_load %arg4[%get3A_1656, %get3A_1657] {strides = array<i32>} : memref<64x1600xf32, #tpu.memory_space<vmem>>, vector<16xf32>,
        %ge3A_1659 = arith.cmpf oge, %get3A_1658, %broadcast_in_dim3A : vector<16xf32>
        %add3A_1660 = arith.constant 1248 : i32
        %add3A_1661 = arith.addi %add3A_1660, %add3A_1619 : i32
        %swap3A_1662 = arith.index_cast %add3A_1661 : i32 to index
        %swap3A_1663 = tpu.vector_load %arg5[%swap3A_1662] masked %ge3A_1659 {strides = array<i32>} : memref<3328xf32, #tpu.memory_space<vmem>>, vector<16xf32>, vector<16xi1>
        tpu.vector_store %arg5[%swap3A_1662], %get3A_1658 masked %ge3A_1659 {strides = array<i32>} : memref<3328xf32, #tpu.memory_space<vmem>>, vector<16xf32>, vector<16xi1>
        %all_reduce_population_count3A_1664 = tpu.all_reduce %ge3A_1659 {dim = 0 : i64, kind = #tpu.reduction_kind<sum>} : vector<16xi1> -> vector<16xi32>
        %slice3A_1665 = vector.extract_strided_slice %all_reduce_population_count3A_1664 {offsets = [0], sizes = [1], strides = [1]} : vector<16xi32> to vector<1xi32>
        %squeeze3A_1666 = vector.extract %slice3A_1665[0] : i32 from vector<1xi32>
        %add3A_1667 = arith.addi %add3A_1619, %squeeze3A_1666 : i32
        %broadcast_in_dim3A_1668 = arith.constant 0xFF800000 : f32
        %broadcast_in_dim3A_1669 = vector.broadcast %broadcast_in_dim3A_1668 : f32 to vector<16xf32>
        %add3A_1670 = arith.constant 0 : i32
        %add3A_1671 = arith.addi %add3A_1670, %add3A_1631 : i32
        %swap3A_1672 = arith.index_cast %add3A_1671 : i32 to index
        %swap3A_1673 = tpu.vector_load %arg5[%swap3A_1672] {strides = array<i32>} : memref<3328xf32, #tpu.memory_space<vmem>>, vector<16xf32>,
        tpu.vector_store %arg5[%swap3A_1672], %broadcast_in_dim3A_1669 {strides = array<i32>} : memref<3328xf32, #tpu.memory_space<vmem>>, vector<16xf32>,
        %add3A_1674 = arith.constant 416 : i32
        %add3A_1675 = arith.addi %add3A_1674, %add3A_1643 : i32
        %swap3A_1676 = arith.index_cast %add3A_1675 : i32 to index
        %swap3A_1677 = tpu.vector_load %arg5[%swap3A_1676] {strides = array<i32>} : memref<3328xf32, #tpu.memory_space<vmem>>, vector<16xf32>,
        tpu.vector_store %arg5[%swap3A_1676], %broadcast_in_dim3A_1669 {strides = array<i32>} : memref<3328xf32, #tpu.memory_space<vmem>>, vector<16xf32>,
        %add3A_1678 = arith.constant 832 : i32
        %add3A_1679 = arith.addi %add3A_1678, %add3A_1655 : i32
        %swap3A_1680 = arith.index_cast %add3A_1679 : i32 to index
        %swap3A_1681 = tpu.vector_load %arg5[%swap3A_1680] {strides = array<i32>} : memref<3328xf32, #tpu.memory_space<vmem>>, vector<16xf32>,
        tpu.vector_store %arg5[%swap3A_1680], %broadcast_in_dim3A_1669 {strides = array<i32>} : memref<3328xf32, #tpu.memory_space<vmem>>, vector<16xf32>,
        %add3A_1682 = arith.constant 1248 : i32
        %add3A_1683 = arith.addi %add3A_1682, %add3A_1667 : i32
        %swap3A_1684 = arith.index_cast %add3A_1683 : i32 to index
        %swap3A_1685 = tpu.vector_load %arg5[%swap3A_1684] {strides = array<i32>} : memref<3328xf32, #tpu.memory_space<vmem>>, vector<16xf32>,
        tpu.vector_store %arg5[%swap3A_1684], %broadcast_in_dim3A_1669 {strides = array<i32>} : memref<3328xf32, #tpu.memory_space<vmem>>, vector<16xf32>,
        %add3A_1686 = arith.constant 16 : i32
        %add3A_1687 = arith.addi %add3A_1631, %add3A_1686 : i32
        %sub3A_1688 = arith.constant 1 : i32
        %sub3A_1689 = arith.subi %add3A_1687, %sub3A_1688 : i32
        %jit3A_1690 = arith.constant 16 : i32
        %div3A_1691 = arith.divsi %sub3A_1689, %jit3A_1690 : i32
        %sign3A_1692 = arith.constant 0 : i32
        %sign3A_1693 = arith.cmpi sgt, %sub3A_1689, %sign3A_1692 : i32
        %sign3A_1694 = arith.extui %sign3A_1693 : i1 to i32
        %sign3A_1695 = arith.constant 0 : i32
        %sign3A_1696 = arith.cmpi slt, %sub3A_1689, %sign3A_1695 : i32
        %sign3A_1697 = arith.extui %sign3A_1696 : i1 to i32
        %sign3A_1698 = arith.subi %sign3A_1694, %sign3A_1697 : i32
        %sign3A_1699 = arith.constant 0 : i32
        %sign3A_1700 = arith.cmpi sgt, %jit3A_1690, %sign3A_1699 : i32
        %sign3A_1701 = arith.extui %sign3A_1700 : i1 to i32
        %sign3A_1702 = arith.constant 0 : i32
        %sign3A_1703 = arith.cmpi slt, %jit3A_1690, %sign3A_1702 : i32
        %sign3A_1704 = arith.extui %sign3A_1703 : i1 to i32
        %sign3A_1705 = arith.subi %sign3A_1701, %sign3A_1704 : i32
        %ne3A_1706 = arith.cmpi ne, %sign3A_1698, %sign3A_1705 : i32
        %rem3A_1707 = arith.remsi %sub3A_1689, %jit3A_1690 : i32
        %ne3A_1708 = arith.constant 0 : i32
        %ne3A_1709 = arith.cmpi ne, %rem3A_1707, %ne3A_1708 : i32
        %and3A_1710 = arith.andi %ne3A_1706, %ne3A_1709 : i1
        %sub3A_1711 = arith.constant 1 : i32
        %sub3A_1712 = arith.subi %div3A_1691, %sub3A_1711 : i32
        %select_n3A_1713 = arith.select %and3A_1710, %sub3A_1712, %div3A_1691 : i32
        %while3A_1714 = arith.constant 0 : i32
        %while3A_1715 = arith.subi %select_n3A_1713, %while3A_1714 : i32
        %while3A_1716 = arith.addi %while3A_1714, %while3A_1715 : i32
        %while3A_1717 = arith.constant 1 : i32
        %while3A_1718 = arith.divsi %while3A_1715, %while3A_1717 : i32
        %while3A_1719 = arith.muli %while3A_1718, %while3A_1717 : i32
        %while3A_1720 = arith.addi %while3A_1714, %while3A_1719 : i32
        %while3A_1721 = arith.constant 1 : i32
        %while3A_1722:2 = scf.for %while3A_1848 = %while3A_1714 to %while3A_1720 step %while3A_1721 iter_args(%while3A_1849 = %broadcast_in_dim3A_1669, %while3A_1850 = %broadcast_in_dim3A_1669) -> (vector<16xf32>, vector<16xf32>)  : i32 {
          %mul3A_1851 = arith.constant 16 : i32
          %mul3A_1852 = arith.muli %while3A_1848, %mul3A_1851 : i32
          %add3A_1853 = arith.constant 0 : i32
          %add3A_1854 = arith.addi %add3A_1853, %mul3A_1852 : i32
          %get3A_1855 = arith.index_cast %add3A_1854 : i32 to index
          %get3A_1856 = tpu.vector_load %arg5[%get3A_1855] {strides = array<i32>} : memref<3328xf32, #tpu.memory_space<vmem>>, vector<16xf32>,
          %masked_sort3A_1857 = arith.constant dense<true> : vector<16xi1>
          %masked_sort3A_1858, %masked_sort3A_1859, %masked_sort3A_1860 = tpu.sort %get3A_1856, %get3A_1856 masked %masked_sort3A_1857 : (vector<16xf32>, vector<16xf32>, vector<16xi1>) -> (vector<16xi1>, vector<16xf32>, vector<16xf32>)
          %max3A_1861 = arith.maximumf %while3A_1850, %masked_sort3A_1859 : vector<16xf32>
          %masked_sort3A_1862 = arith.constant dense<true> : vector<16xi1>
          %masked_sort3A_1863, %masked_sort3A_1864, %masked_sort3A_1865 = tpu.sort %max3A_1861, %max3A_1861 masked %masked_sort3A_1862 : (vector<16xf32>, vector<16xf32>, vector<16xi1>) -> (vector<16xi1>, vector<16xf32>, vector<16xf32>)
          %max3A_1866 = arith.maximumf %while3A_1849, %masked_sort3A_1864 : vector<16xf32>
          %min3A_1867 = arith.minimumf %while3A_1849, %masked_sort3A_1864 : vector<16xf32>
          %masked_sort3A_1868 = arith.constant dense<true> : vector<16xi1>
          %masked_sort3A_1869, %masked_sort3A_1870, %masked_sort3A_1871 = tpu.sort %max3A_1866, %max3A_1866 masked %masked_sort3A_1868 {descending = true} : (vector<16xf32>, vector<16xf32>, vector<16xi1>) -> (vector<16xi1>, vector<16xf32>, vector<16xf32>)
          %masked_sort3A_1872 = arith.constant dense<true> : vector<16xi1>
          %masked_sort3A_1873, %masked_sort3A_1874, %masked_sort3A_1875 = tpu.sort %min3A_1867, %min3A_1867 masked %masked_sort3A_1872 {descending = true} : (vector<16xf32>, vector<16xf32>, vector<16xi1>) -> (vector<16xi1>, vector<16xf32>, vector<16xf32>)
          scf.yield %masked_sort3A_1870, %masked_sort3A_1874 : vector<16xf32>, vector<16xf32>
        }
        %while3A_1723 = arith.constant 1 : i32
        %while3A_1724:2 = scf.for %while3A_1848 = %while3A_1720 to %while3A_1716 step %while3A_1723 iter_args(%while3A_1849 = %while3A_1722#0, %while3A_1850 = %while3A_1722#1) -> (vector<16xf32>, vector<16xf32>)  : i32 {
          %mul3A_1851 = arith.constant 16 : i32
          %mul3A_1852 = arith.muli %while3A_1848, %mul3A_1851 : i32
          %add3A_1853 = arith.constant 0 : i32
          %add3A_1854 = arith.addi %add3A_1853, %mul3A_1852 : i32
          %get3A_1855 = arith.index_cast %add3A_1854 : i32 to index
          %get3A_1856 = tpu.vector_load %arg5[%get3A_1855] {strides = array<i32>} : memref<3328xf32, #tpu.memory_space<vmem>>, vector<16xf32>,
          %masked_sort3A_1857 = arith.constant dense<true> : vector<16xi1>
          %masked_sort3A_1858, %masked_sort3A_1859, %masked_sort3A_1860 = tpu.sort %get3A_1856, %get3A_1856 masked %masked_sort3A_1857 : (vector<16xf32>, vector<16xf32>, vector<16xi1>) -> (vector<16xi1>, vector<16xf32>, vector<16xf32>)
          %max3A_1861 = arith.maximumf %while3A_1850, %masked_sort3A_1859 : vector<16xf32>
          %masked_sort3A_1862 = arith.constant dense<true> : vector<16xi1>
          %masked_sort3A_1863, %masked_sort3A_1864, %masked_sort3A_1865 = tpu.sort %max3A_1861, %max3A_1861 masked %masked_sort3A_1862 : (vector<16xf32>, vector<16xf32>, vector<16xi1>) -> (vector<16xi1>, vector<16xf32>, vector<16xf32>)
          %max3A_1866 = arith.maximumf %while3A_1849, %masked_sort3A_1864 : vector<16xf32>
          %min3A_1867 = arith.minimumf %while3A_1849, %masked_sort3A_1864 : vector<16xf32>
          %masked_sort3A_1868 = arith.constant dense<true> : vector<16xi1>
          %masked_sort3A_1869, %masked_sort3A_1870, %masked_sort3A_1871 = tpu.sort %max3A_1866, %max3A_1866 masked %masked_sort3A_1868 {descending = true} : (vector<16xf32>, vector<16xf32>, vector<16xi1>) -> (vector<16xi1>, vector<16xf32>, vector<16xf32>)
          %masked_sort3A_1872 = arith.constant dense<true> : vector<16xi1>
          %masked_sort3A_1873, %masked_sort3A_1874, %masked_sort3A_1875 = tpu.sort %min3A_1867, %min3A_1867 masked %masked_sort3A_1872 {descending = true} : (vector<16xf32>, vector<16xf32>, vector<16xi1>) -> (vector<16xi1>, vector<16xf32>, vector<16xf32>)
          scf.yield %masked_sort3A_1870, %masked_sort3A_1874 : vector<16xf32>, vector<16xf32>
        }
        %add3A_1725 = arith.constant 16 : i32
        %add3A_1726 = arith.addi %add3A_1643, %add3A_1725 : i32
        %sub3A_1727 = arith.constant 1 : i32
        %sub3A_1728 = arith.subi %add3A_1726, %sub3A_1727 : i32
        %jit3A_1729 = arith.constant 16 : i32
        %div3A_1730 = arith.divsi %sub3A_1728, %jit3A_1729 : i32
        %sign3A_1731 = arith.constant 0 : i32
        %sign3A_1732 = arith.cmpi sgt, %sub3A_1728, %sign3A_1731 : i32
        %sign3A_1733 = arith.extui %sign3A_1732 : i1 to i32
        %sign3A_1734 = arith.constant 0 : i32
        %sign3A_1735 = arith.cmpi slt, %sub3A_1728, %sign3A_1734 : i32
        %sign3A_1736 = arith.extui %sign3A_1735 : i1 to i32
        %sign3A_1737 = arith.subi %sign3A_1733, %sign3A_1736 : i32
        %sign3A_1738 = arith.constant 0 : i32
        %sign3A_1739 = arith.cmpi sgt, %jit3A_1729, %sign3A_1738 : i32
        %sign3A_1740 = arith.extui %sign3A_1739 : i1 to i32
        %sign3A_1741 = arith.constant 0 : i32
        %sign3A_1742 = arith.cmpi slt, %jit3A_1729, %sign3A_1741 : i32
        %sign3A_1743 = arith.extui %sign3A_1742 : i1 to i32
        %sign3A_1744 = arith.subi %sign3A_1740, %sign3A_1743 : i32
        %ne3A_1745 = arith.cmpi ne, %sign3A_1737, %sign3A_1744 : i32
        %rem3A_1746 = arith.remsi %sub3A_1728, %jit3A_1729 : i32
        %ne3A_1747 = arith.constant 0 : i32
        %ne3A_1748 = arith.cmpi ne, %rem3A_1746, %ne3A_1747 : i32
        %and3A_1749 = arith.andi %ne3A_1745, %ne3A_1748 : i1
        %sub3A_1750 = arith.constant 1 : i32
        %sub3A_1751 = arith.subi %div3A_1730, %sub3A_1750 : i32
        %select_n3A_1752 = arith.select %and3A_1749, %sub3A_1751, %div3A_1730 : i32
        %while3A_1753 = arith.constant 0 : i32
        %while3A_1754 = arith.subi %select_n3A_1752, %while3A_1753 : i32
        %while3A_1755 = arith.addi %while3A_1753, %while3A_1754 : i32
        %while3A_1756 = arith.constant 1 : i32
        %while3A_1757 = arith.divsi %while3A_1754, %while3A_1756 : i32
        %while3A_1758 = arith.muli %while3A_1757, %while3A_1756 : i32
        %while3A_1759 = arith.addi %while3A_1753, %while3A_1758 : i32
        %while3A_1760 = arith.constant 1 : i32
        %while3A_1761:2 = scf.for %while3A_1848 = %while3A_1753 to %while3A_1759 step %while3A_1760 iter_args(%while3A_1849 = %while3A_1724#0, %while3A_1850 = %while3A_1724#1) -> (vector<16xf32>, vector<16xf32>)  : i32 {
          %mul3A_1851 = arith.constant 16 : i32
          %mul3A_1852 = arith.muli %while3A_1848, %mul3A_1851 : i32
          %add3A_1853 = arith.constant 416 : i32
          %add3A_1854 = arith.addi %add3A_1853, %mul3A_1852 : i32
          %get3A_1855 = arith.index_cast %add3A_1854 : i32 to index
          %get3A_1856 = tpu.vector_load %arg5[%get3A_1855] {strides = array<i32>} : memref<3328xf32, #tpu.memory_space<vmem>>, vector<16xf32>,
          %masked_sort3A_1857 = arith.constant dense<true> : vector<16xi1>
          %masked_sort3A_1858, %masked_sort3A_1859, %masked_sort3A_1860 = tpu.sort %get3A_1856, %get3A_1856 masked %masked_sort3A_1857 : (vector<16xf32>, vector<16xf32>, vector<16xi1>) -> (vector<16xi1>, vector<16xf32>, vector<16xf32>)
          %max3A_1861 = arith.maximumf %while3A_1850, %masked_sort3A_1859 : vector<16xf32>
          %masked_sort3A_1862 = arith.constant dense<true> : vector<16xi1>
          %masked_sort3A_1863, %masked_sort3A_1864, %masked_sort3A_1865 = tpu.sort %max3A_1861, %max3A_1861 masked %masked_sort3A_1862 : (vector<16xf32>, vector<16xf32>, vector<16xi1>) -> (vector<16xi1>, vector<16xf32>, vector<16xf32>)
          %max3A_1866 = arith.maximumf %while3A_1849, %masked_sort3A_1864 : vector<16xf32>
          %min3A_1867 = arith.minimumf %while3A_1849, %masked_sort3A_1864 : vector<16xf32>
          %masked_sort3A_1868 = arith.constant dense<true> : vector<16xi1>
          %masked_sort3A_1869, %masked_sort3A_1870, %masked_sort3A_1871 = tpu.sort %max3A_1866, %max3A_1866 masked %masked_sort3A_1868 {descending = true} : (vector<16xf32>, vector<16xf32>, vector<16xi1>) -> (vector<16xi1>, vector<16xf32>, vector<16xf32>)
          %masked_sort3A_1872 = arith.constant dense<true> : vector<16xi1>
          %masked_sort3A_1873, %masked_sort3A_1874, %masked_sort3A_1875 = tpu.sort %min3A_1867, %min3A_1867 masked %masked_sort3A_1872 {descending = true} : (vector<16xf32>, vector<16xf32>, vector<16xi1>) -> (vector<16xi1>, vector<16xf32>, vector<16xf32>)
          scf.yield %masked_sort3A_1870, %masked_sort3A_1874 : vector<16xf32>, vector<16xf32>
        }
        %while3A_1762 = arith.constant 1 : i32
        %while3A_1763:2 = scf.for %while3A_1848 = %while3A_1759 to %while3A_1755 step %while3A_1762 iter_args(%while3A_1849 = %while3A_1761#0, %while3A_1850 = %while3A_1761#1) -> (vector<16xf32>, vector<16xf32>)  : i32 {
          %mul3A_1851 = arith.constant 16 : i32
          %mul3A_1852 = arith.muli %while3A_1848, %mul3A_1851 : i32
          %add3A_1853 = arith.constant 416 : i32
          %add3A_1854 = arith.addi %add3A_1853, %mul3A_1852 : i32
          %get3A_1855 = arith.index_cast %add3A_1854 : i32 to index
          %get3A_1856 = tpu.vector_load %arg5[%get3A_1855] {strides = array<i32>} : memref<3328xf32, #tpu.memory_space<vmem>>, vector<16xf32>,
          %masked_sort3A_1857 = arith.constant dense<true> : vector<16xi1>
          %masked_sort3A_1858, %masked_sort3A_1859, %masked_sort3A_1860 = tpu.sort %get3A_1856, %get3A_1856 masked %masked_sort3A_1857 : (vector<16xf32>, vector<16xf32>, vector<16xi1>) -> (vector<16xi1>, vector<16xf32>, vector<16xf32>)
          %max3A_1861 = arith.maximumf %while3A_1850, %masked_sort3A_1859 : vector<16xf32>
          %masked_sort3A_1862 = arith.constant dense<true> : vector<16xi1>
          %masked_sort3A_1863, %masked_sort3A_1864, %masked_sort3A_1865 = tpu.sort %max3A_1861, %max3A_1861 masked %masked_sort3A_1862 : (vector<16xf32>, vector<16xf32>, vector<16xi1>) -> (vector<16xi1>, vector<16xf32>, vector<16xf32>)
          %max3A_1866 = arith.maximumf %while3A_1849, %masked_sort3A_1864 : vector<16xf32>
          %min3A_1867 = arith.minimumf %while3A_1849, %masked_sort3A_1864 : vector<16xf32>
          %masked_sort3A_1868 = arith.constant dense<true> : vector<16xi1>
          %masked_sort3A_1869, %masked_sort3A_1870, %masked_sort3A_1871 = tpu.sort %max3A_1866, %max3A_1866 masked %masked_sort3A_1868 {descending = true} : (vector<16xf32>, vector<16xf32>, vector<16xi1>) -> (vector<16xi1>, vector<16xf32>, vector<16xf32>)
          %masked_sort3A_1872 = arith.constant dense<true> : vector<16xi1>
          %masked_sort3A_1873, %masked_sort3A_1874, %masked_sort3A_1875 = tpu.sort %min3A_1867, %min3A_1867 masked %masked_sort3A_1872 {descending = true} : (vector<16xf32>, vector<16xf32>, vector<16xi1>) -> (vector<16xi1>, vector<16xf32>, vector<16xf32>)
          scf.yield %masked_sort3A_1870, %masked_sort3A_1874 : vector<16xf32>, vector<16xf32>
        }
        %add3A_1764 = arith.constant 16 : i32
        %add3A_1765 = arith.addi %add3A_1655, %add3A_1764 : i32
        %sub3A_1766 = arith.constant 1 : i32
        %sub3A_1767 = arith.subi %add3A_1765, %sub3A_1766 : i32
        %jit3A_1768 = arith.constant 16 : i32
        %div3A_1769 = arith.divsi %sub3A_1767, %jit3A_1768 : i32
        %sign3A_1770 = arith.constant 0 : i32
        %sign3A_1771 = arith.cmpi sgt, %sub3A_1767, %sign3A_1770 : i32
        %sign3A_1772 = arith.extui %sign3A_1771 : i1 to i32
        %sign3A_1773 = arith.constant 0 : i32
        %sign3A_1774 = arith.cmpi slt, %sub3A_1767, %sign3A_1773 : i32
        %sign3A_1775 = arith.extui %sign3A_1774 : i1 to i32
        %sign3A_1776 = arith.subi %sign3A_1772, %sign3A_1775 : i32
        %sign3A_1777 = arith.constant 0 : i32
        %sign3A_1778 = arith.cmpi sgt, %jit3A_1768, %sign3A_1777 : i32
        %sign3A_1779 = arith.extui %sign3A_1778 : i1 to i32
        %sign3A_1780 = arith.constant 0 : i32
        %sign3A_1781 = arith.cmpi slt, %jit3A_1768, %sign3A_1780 : i32
        %sign3A_1782 = arith.extui %sign3A_1781 : i1 to i32
        %sign3A_1783 = arith.subi %sign3A_1779, %sign3A_1782 : i32
        %ne3A_1784 = arith.cmpi ne, %sign3A_1776, %sign3A_1783 : i32
        %rem3A_1785 = arith.remsi %sub3A_1767, %jit3A_1768 : i32
        %ne3A_1786 = arith.constant 0 : i32
        %ne3A_1787 = arith.cmpi ne, %rem3A_1785, %ne3A_1786 : i32
        %and3A_1788 = arith.andi %ne3A_1784, %ne3A_1787 : i1
        %sub3A_1789 = arith.constant 1 : i32
        %sub3A_1790 = arith.subi %div3A_1769, %sub3A_1789 : i32
        %select_n3A_1791 = arith.select %and3A_1788, %sub3A_1790, %div3A_1769 : i32
        %while3A_1792 = arith.constant 0 : i32
        %while3A_1793 = arith.subi %select_n3A_1791, %while3A_1792 : i32
        %while3A_1794 = arith.addi %while3A_1792, %while3A_1793 : i32
        %while3A_1795 = arith.constant 1 : i32
        %while3A_1796 = arith.divsi %while3A_1793, %while3A_1795 : i32
        %while3A_1797 = arith.muli %while3A_1796, %while3A_1795 : i32
        %while3A_1798 = arith.addi %while3A_1792, %while3A_1797 : i32
        %while3A_1799 = arith.constant 1 : i32
        %while3A_1800:2 = scf.for %while3A_1848 = %while3A_1792 to %while3A_1798 step %while3A_1799 iter_args(%while3A_1849 = %while3A_1763#0, %while3A_1850 = %while3A_1763#1) -> (vector<16xf32>, vector<16xf32>)  : i32 {
          %mul3A_1851 = arith.constant 16 : i32
          %mul3A_1852 = arith.muli %while3A_1848, %mul3A_1851 : i32
          %add3A_1853 = arith.constant 832 : i32
          %add3A_1854 = arith.addi %add3A_1853, %mul3A_1852 : i32
          %get3A_1855 = arith.index_cast %add3A_1854 : i32 to index
          %get3A_1856 = tpu.vector_load %arg5[%get3A_1855] {strides = array<i32>} : memref<3328xf32, #tpu.memory_space<vmem>>, vector<16xf32>,
          %masked_sort3A_1857 = arith.constant dense<true> : vector<16xi1>
          %masked_sort3A_1858, %masked_sort3A_1859, %masked_sort3A_1860 = tpu.sort %get3A_1856, %get3A_1856 masked %masked_sort3A_1857 : (vector<16xf32>, vector<16xf32>, vector<16xi1>) -> (vector<16xi1>, vector<16xf32>, vector<16xf32>)
          %max3A_1861 = arith.maximumf %while3A_1850, %masked_sort3A_1859 : vector<16xf32>
          %masked_sort3A_1862 = arith.constant dense<true> : vector<16xi1>
          %masked_sort3A_1863, %masked_sort3A_1864, %masked_sort3A_1865 = tpu.sort %max3A_1861, %max3A_1861 masked %masked_sort3A_1862 : (vector<16xf32>, vector<16xf32>, vector<16xi1>) -> (vector<16xi1>, vector<16xf32>, vector<16xf32>)
          %max3A_1866 = arith.maximumf %while3A_1849, %masked_sort3A_1864 : vector<16xf32>
          %min3A_1867 = arith.minimumf %while3A_1849, %masked_sort3A_1864 : vector<16xf32>
          %masked_sort3A_1868 = arith.constant dense<true> : vector<16xi1>
          %masked_sort3A_1869, %masked_sort3A_1870, %masked_sort3A_1871 = tpu.sort %max3A_1866, %max3A_1866 masked %masked_sort3A_1868 {descending = true} : (vector<16xf32>, vector<16xf32>, vector<16xi1>) -> (vector<16xi1>, vector<16xf32>, vector<16xf32>)
          %masked_sort3A_1872 = arith.constant dense<true> : vector<16xi1>
          %masked_sort3A_1873, %masked_sort3A_1874, %masked_sort3A_1875 = tpu.sort %min3A_1867, %min3A_1867 masked %masked_sort3A_1872 {descending = true} : (vector<16xf32>, vector<16xf32>, vector<16xi1>) -> (vector<16xi1>, vector<16xf32>, vector<16xf32>)
          scf.yield %masked_sort3A_1870, %masked_sort3A_1874 : vector<16xf32>, vector<16xf32>
        }
        %while3A_1801 = arith.constant 1 : i32
        %while3A_1802:2 = scf.for %while3A_1848 = %while3A_1798 to %while3A_1794 step %while3A_1801 iter_args(%while3A_1849 = %while3A_1800#0, %while3A_1850 = %while3A_1800#1) -> (vector<16xf32>, vector<16xf32>)  : i32 {
          %mul3A_1851 = arith.constant 16 : i32
          %mul3A_1852 = arith.muli %while3A_1848, %mul3A_1851 : i32
          %add3A_1853 = arith.constant 832 : i32
          %add3A_1854 = arith.addi %add3A_1853, %mul3A_1852 : i32
          %get3A_1855 = arith.index_cast %add3A_1854 : i32 to index
          %get3A_1856 = tpu.vector_load %arg5[%get3A_1855] {strides = array<i32>} : memref<3328xf32, #tpu.memory_space<vmem>>, vector<16xf32>,
          %masked_sort3A_1857 = arith.constant dense<true> : vector<16xi1>
          %masked_sort3A_1858, %masked_sort3A_1859, %masked_sort3A_1860 = tpu.sort %get3A_1856, %get3A_1856 masked %masked_sort3A_1857 : (vector<16xf32>, vector<16xf32>, vector<16xi1>) -> (vector<16xi1>, vector<16xf32>, vector<16xf32>)
          %max3A_1861 = arith.maximumf %while3A_1850, %masked_sort3A_1859 : vector<16xf32>
          %masked_sort3A_1862 = arith.constant dense<true> : vector<16xi1>
          %masked_sort3A_1863, %masked_sort3A_1864, %masked_sort3A_1865 = tpu.sort %max3A_1861, %max3A_1861 masked %masked_sort3A_1862 : (vector<16xf32>, vector<16xf32>, vector<16xi1>) -> (vector<16xi1>, vector<16xf32>, vector<16xf32>)
          %max3A_1866 = arith.maximumf %while3A_1849, %masked_sort3A_1864 : vector<16xf32>
          %min3A_1867 = arith.minimumf %while3A_1849, %masked_sort3A_1864 : vector<16xf32>
          %masked_sort3A_1868 = arith.constant dense<true> : vector<16xi1>
          %masked_sort3A_1869, %masked_sort3A_1870, %masked_sort3A_1871 = tpu.sort %max3A_1866, %max3A_1866 masked %masked_sort3A_1868 {descending = true} : (vector<16xf32>, vector<16xf32>, vector<16xi1>) -> (vector<16xi1>, vector<16xf32>, vector<16xf32>)
          %masked_sort3A_1872 = arith.constant dense<true> : vector<16xi1>
          %masked_sort3A_1873, %masked_sort3A_1874, %masked_sort3A_1875 = tpu.sort %min3A_1867, %min3A_1867 masked %masked_sort3A_1872 {descending = true} : (vector<16xf32>, vector<16xf32>, vector<16xi1>) -> (vector<16xi1>, vector<16xf32>, vector<16xf32>)
          scf.yield %masked_sort3A_1870, %masked_sort3A_1874 : vector<16xf32>, vector<16xf32>
        }
        %add3A_1803 = arith.constant 16 : i32
        %add3A_1804 = arith.addi %add3A_1667, %add3A_1803 : i32
        %sub3A_1805 = arith.constant 1 : i32
        %sub3A_1806 = arith.subi %add3A_1804, %sub3A_1805 : i32
        %jit3A_1807 = arith.constant 16 : i32
        %div3A_1808 = arith.divsi %sub3A_1806, %jit3A_1807 : i32
        %sign3A_1809 = arith.constant 0 : i32
        %sign3A_1810 = arith.cmpi sgt, %sub3A_1806, %sign3A_1809 : i32
        %sign3A_1811 = arith.extui %sign3A_1810 : i1 to i32
        %sign3A_1812 = arith.constant 0 : i32
        %sign3A_1813 = arith.cmpi slt, %sub3A_1806, %sign3A_1812 : i32
        %sign3A_1814 = arith.extui %sign3A_1813 : i1 to i32
        %sign3A_1815 = arith.subi %sign3A_1811, %sign3A_1814 : i32
        %sign3A_1816 = arith.constant 0 : i32
        %sign3A_1817 = arith.cmpi sgt, %jit3A_1807, %sign3A_1816 : i32
        %sign3A_1818 = arith.extui %sign3A_1817 : i1 to i32
        %sign3A_1819 = arith.constant 0 : i32
        %sign3A_1820 = arith.cmpi slt, %jit3A_1807, %sign3A_1819 : i32
        %sign3A_1821 = arith.extui %sign3A_1820 : i1 to i32
        %sign3A_1822 = arith.subi %sign3A_1818, %sign3A_1821 : i32
        %ne3A_1823 = arith.cmpi ne, %sign3A_1815, %sign3A_1822 : i32
        %rem3A_1824 = arith.remsi %sub3A_1806, %jit3A_1807 : i32
        %ne3A_1825 = arith.constant 0 : i32
        %ne3A_1826 = arith.cmpi ne, %rem3A_1824, %ne3A_1825 : i32
        %and3A_1827 = arith.andi %ne3A_1823, %ne3A_1826 : i1
        %sub3A_1828 = arith.constant 1 : i32
        %sub3A_1829 = arith.subi %div3A_1808, %sub3A_1828 : i32
        %select_n3A_1830 = arith.select %and3A_1827, %sub3A_1829, %div3A_1808 : i32
        %while3A_1831 = arith.constant 0 : i32
        %while3A_1832 = arith.subi %select_n3A_1830, %while3A_1831 : i32
        %while3A_1833 = arith.addi %while3A_1831, %while3A_1832 : i32
        %while3A_1834 = arith.constant 1 : i32
        %while3A_1835 = arith.divsi %while3A_1832, %while3A_1834 : i32
        %while3A_1836 = arith.muli %while3A_1835, %while3A_1834 : i32
        %while3A_1837 = arith.addi %while3A_1831, %while3A_1836 : i32
        %while3A_1838 = arith.constant 1 : i32
        %while3A_1839:2 = scf.for %while3A_1848 = %while3A_1831 to %while3A_1837 step %while3A_1838 iter_args(%while3A_1849 = %while3A_1802#0, %while3A_1850 = %while3A_1802#1) -> (vector<16xf32>, vector<16xf32>)  : i32 {
          %mul3A_1851 = arith.constant 16 : i32
          %mul3A_1852 = arith.muli %while3A_1848, %mul3A_1851 : i32
          %add3A_1853 = arith.constant 1248 : i32
          %add3A_1854 = arith.addi %add3A_1853, %mul3A_1852 : i32
          %get3A_1855 = arith.index_cast %add3A_1854 : i32 to index
          %get3A_1856 = tpu.vector_load %arg5[%get3A_1855] {strides = array<i32>} : memref<3328xf32, #tpu.memory_space<vmem>>, vector<16xf32>,
          %masked_sort3A_1857 = arith.constant dense<true> : vector<16xi1>
          %masked_sort3A_1858, %masked_sort3A_1859, %masked_sort3A_1860 = tpu.sort %get3A_1856, %get3A_1856 masked %masked_sort3A_1857 : (vector<16xf32>, vector<16xf32>, vector<16xi1>) -> (vector<16xi1>, vector<16xf32>, vector<16xf32>)
          %max3A_1861 = arith.maximumf %while3A_1850, %masked_sort3A_1859 : vector<16xf32>
          %masked_sort3A_1862 = arith.constant dense<true> : vector<16xi1>
          %masked_sort3A_1863, %masked_sort3A_1864, %masked_sort3A_1865 = tpu.sort %max3A_1861, %max3A_1861 masked %masked_sort3A_1862 : (vector<16xf32>, vector<16xf32>, vector<16xi1>) -> (vector<16xi1>, vector<16xf32>, vector<16xf32>)
          %max3A_1866 = arith.maximumf %while3A_1849, %masked_sort3A_1864 : vector<16xf32>
          %min3A_1867 = arith.minimumf %while3A_1849, %masked_sort3A_1864 : vector<16xf32>
          %masked_sort3A_1868 = arith.constant dense<true> : vector<16xi1>
          %masked_sort3A_1869, %masked_sort3A_1870, %masked_sort3A_1871 = tpu.sort %max3A_1866, %max3A_1866 masked %masked_sort3A_1868 {descending = true} : (vector<16xf32>, vector<16xf32>, vector<16xi1>) -> (vector<16xi1>, vector<16xf32>, vector<16xf32>)
          %masked_sort3A_1872 = arith.constant dense<true> : vector<16xi1>
          %masked_sort3A_1873, %masked_sort3A_1874, %masked_sort3A_1875 = tpu.sort %min3A_1867, %min3A_1867 masked %masked_sort3A_1872 {descending = true} : (vector<16xf32>, vector<16xf32>, vector<16xi1>) -> (vector<16xi1>, vector<16xf32>, vector<16xf32>)
          scf.yield %masked_sort3A_1870, %masked_sort3A_1874 : vector<16xf32>, vector<16xf32>
        }
        %while3A_1840 = arith.constant 1 : i32
        %while3A_1841:2 = scf.for %while3A_1848 = %while3A_1837 to %while3A_1833 step %while3A_1840 iter_args(%while3A_1849 = %while3A_1839#0, %while3A_1850 = %while3A_1839#1) -> (vector<16xf32>, vector<16xf32>)  : i32 {
          %mul3A_1851 = arith.constant 16 : i32
          %mul3A_1852 = arith.muli %while3A_1848, %mul3A_1851 : i32
          %add3A_1853 = arith.constant 1248 : i32
          %add3A_1854 = arith.addi %add3A_1853, %mul3A_1852 : i32
          %get3A_1855 = arith.index_cast %add3A_1854 : i32 to index
          %get3A_1856 = tpu.vector_load %arg5[%get3A_1855] {strides = array<i32>} : memref<3328xf32, #tpu.memory_space<vmem>>, vector<16xf32>,
          %masked_sort3A_1857 = arith.constant dense<true> : vector<16xi1>
          %masked_sort3A_1858, %masked_sort3A_1859, %masked_sort3A_1860 = tpu.sort %get3A_1856, %get3A_1856 masked %masked_sort3A_1857 : (vector<16xf32>, vector<16xf32>, vector<16xi1>) -> (vector<16xi1>, vector<16xf32>, vector<16xf32>)
          %max3A_1861 = arith.maximumf %while3A_1850, %masked_sort3A_1859 : vector<16xf32>
          %masked_sort3A_1862 = arith.constant dense<true> : vector<16xi1>
          %masked_sort3A_1863, %masked_sort3A_1864, %masked_sort3A_1865 = tpu.sort %max3A_1861, %max3A_1861 masked %masked_sort3A_1862 : (vector<16xf32>, vector<16xf32>, vector<16xi1>) -> (vector<16xi1>, vector<16xf32>, vector<16xf32>)
          %max3A_1866 = arith.maximumf %while3A_1849, %masked_sort3A_1864 : vector<16xf32>
          %min3A_1867 = arith.minimumf %while3A_1849, %masked_sort3A_1864 : vector<16xf32>
          %masked_sort3A_1868 = arith.constant dense<true> : vector<16xi1>
          %masked_sort3A_1869, %masked_sort3A_1870, %masked_sort3A_1871 = tpu.sort %max3A_1866, %max3A_1866 masked %masked_sort3A_1868 {descending = true} : (vector<16xf32>, vector<16xf32>, vector<16xi1>) -> (vector<16xi1>, vector<16xf32>, vector<16xf32>)
          %masked_sort3A_1872 = arith.constant dense<true> : vector<16xi1>
          %masked_sort3A_1873, %masked_sort3A_1874, %masked_sort3A_1875 = tpu.sort %min3A_1867, %min3A_1867 masked %masked_sort3A_1872 {descending = true} : (vector<16xf32>, vector<16xf32>, vector<16xi1>) -> (vector<16xi1>, vector<16xf32>, vector<16xf32>)
          scf.yield %masked_sort3A_1870, %masked_sort3A_1874 : vector<16xf32>, vector<16xf32>
        }
        %slice3A_1842 = vector.extract_strided_slice %while3A_1841#1 {offsets = [15], sizes = [1], strides = [1]} : vector<16xf32> to vector<1xf32>
        %squeeze3A_1843 = vector.extract %slice3A_1842[0] : f32 from vector<1xf32>
        %broadcast_in_dim3A_1844 = vector.broadcast %squeeze3A_1843 : f32 to vector<16xf32>
        %swap3A_1845 = arith.index_cast %scan3A_72 : i32 to index
        %swap3A_1846 = arith.constant 0 : index
        %swap3A_1847 = tpu.vector_load %arg6[%swap3A_1845, %swap3A_1846] {strides = array<i32>} : memref<32x16xf32, #tpu.memory_space<vmem>>, vector<16xf32>,
        tpu.vector_store %arg6[%swap3A_1845, %swap3A_1846], %broadcast_in_dim3A_1844 {strides = array<i32>} : memref<32x16xf32, #tpu.memory_space<vmem>>, vector<16xf32>,
      }
      %scan3A_71 = arith.constant 32 : i32
      "tpu.region"() ({
        %run_scoped3A = tpu.sem_alloc : memref<!tpu.dma_semaphore, #tpu.memory_space<semaphore_mem>>
        %dma_start3A_72 = arith.constant 0 : i32
        %dma_start3A_73 = tpu.memref_slice %arg3[%mul3A_54, %dma_start3A_72] : memref<20000x16xf32, #tpu.memory_space<hbm>> -> memref<32x16xf32, #tpu.memory_space<hbm>>
        %dma_start3A_74 = arith.constant 0 : i32
        %dma_start3A_75 = tpu.memref_slice %arg3[%mul3A_54, %dma_start3A_74] : memref<20000x16xf32, #tpu.memory_space<hbm>> -> memref<32x16xf32, #tpu.memory_space<hbm>>
        tpu.enqueue_dma source(%arg6 : memref<32x16xf32, #tpu.memory_space<vmem>>) target(%dma_start3A_75 : memref<32x16xf32, #tpu.memory_space<hbm>>) target_semaphore(%run_scoped3A : memref<!tpu.dma_semaphore, #tpu.memory_space<semaphore_mem>>)
        %dma_wait3A_76 = arith.constant 0 : i32
        %dma_wait3A_77 = tpu.memref_slice %arg3[%mul3A_54, %dma_wait3A_76] : memref<20000x16xf32, #tpu.memory_space<hbm>> -> memref<32x16xf32, #tpu.memory_space<hbm>>
        %dma_wait3A_78 = arith.constant 0 : i32
        %dma_wait3A_79 = tpu.memref_slice %arg3[%mul3A_54, %dma_wait3A_78] : memref<20000x16xf32, #tpu.memory_space<hbm>> -> memref<32x16xf32, #tpu.memory_space<hbm>>
        tpu.wait_dma2 semaphore(%run_scoped3A : memref<!tpu.dma_semaphore, #tpu.memory_space<semaphore_mem>>) src(%arg6 : memref<32x16xf32, #tpu.memory_space<vmem>>) dst(%dma_wait3A_79 : memref<32x16xf32, #tpu.memory_space<hbm>>)
        tpu.yield
      }) : () -> ()
    }
    %while3A_44 = arith.constant 1 : i32
    scf.for %while3A_45 = %while3A_42 to %while3A_38 step %while3A_44  : i32 {
      %rem3A_46 = arith.constant 2 : i32
      %rem3A_47 = arith.remsi %while3A_45, %rem3A_46 : i32
      %add3A_48 = arith.constant 0 : i32
      %add3A_49 = arith.addi %add3A_48, %add3A : i32
      %mul3A_50 = arith.constant 32 : i32
      %mul3A_51 = arith.muli %while3A_45, %mul3A_50 : i32
      %add3A_52 = arith.addi %add3A_49, %mul3A_51 : i32
      %mul3A_53 = arith.constant 32 : i32
      %mul3A_54 = arith.muli %add3A_52, %mul3A_53 : i32
      %mul3A_55 = arith.constant 32 : i32
      %mul3A_56 = arith.muli %rem3A_47, %mul3A_55 : i32
      %dma_wait3A = arith.constant 0 : i32
      %dma_wait3A_57 = tpu.memref_slice %arg4[%mul3A_56, %dma_wait3A] : memref<64x1600xf32, #tpu.memory_space<vmem>> -> memref<32x1600xf32, #tpu.memory_space<vmem>>
      %dma_wait3A_58 = arith.constant 0 : i32
      %dma_wait3A_59 = tpu.memref_slice %arg2[%mul3A_54, %dma_wait3A_58] : memref<20000x1600xf32, #tpu.memory_space<hbm>> -> memref<32x1600xf32, #tpu.memory_space<hbm>>
      %dma_wait3A_60 = arith.constant 0 : i32
      %dma_wait3A_61 = tpu.memref_slice %arg4[%mul3A_56, %dma_wait3A_60] : memref<64x1600xf32, #tpu.memory_space<vmem>> -> memref<32x1600xf32, #tpu.memory_space<vmem>>
      %dma_wait3A_62 = arith.constant 0 : i32
      %dma_wait3A_63 = tpu.memref_slice %arg2[%mul3A_54, %dma_wait3A_62] : memref<20000x1600xf32, #tpu.memory_space<hbm>> -> memref<32x1600xf32, #tpu.memory_space<hbm>>
      tpu.wait_dma2 semaphore(%arg7 : memref<!tpu.dma_semaphore, #tpu.memory_space<semaphore_mem>>) src(%dma_wait3A_63 : memref<32x1600xf32, #tpu.memory_space<hbm>>) dst(%dma_wait3A_61 : memref<32x1600xf32, #tpu.memory_space<vmem>>)
      %add3A_64 = arith.constant 1 : i32
      %add3A_65 = arith.addi %while3A_45, %add3A_64 : i32
      %lt3A = arith.cmpi slt, %add3A_65, %add3A_20 : i32
      %convert_element_type3A = arith.extui %lt3A : i1 to i32
      %cond3A = arith.constant 0 : i32
      %cond3A_66 = arith.cmpi ne, %convert_element_type3A, %cond3A : i32
      scf.if %cond3A_66 {
        %add3A_72 = arith.constant 1 : i32
        %add3A_73 = arith.addi %while3A_45, %add3A_72 : i32
        %add3A_74 = arith.constant 1 : i32
        %add3A_75 = arith.addi %while3A_45, %add3A_74 : i32
        %rem3A_76 = arith.constant 2 : i32
        %rem3A_77 = arith.remsi %add3A_75, %rem3A_76 : i32
        %add3A_78 = arith.constant 0 : i32
        %add3A_79 = arith.addi %add3A_78, %add3A : i32
        %mul3A_80 = arith.constant 32 : i32
        %mul3A_81 = arith.muli %add3A_73, %mul3A_80 : i32
        %add3A_82 = arith.addi %add3A_79, %mul3A_81 : i32
        %mul3A_83 = arith.constant 32 : i32
        %mul3A_84 = arith.muli %add3A_82, %mul3A_83 : i32
        %mul3A_85 = arith.constant 32 : i32
        %mul3A_86 = arith.muli %rem3A_77, %mul3A_85 : i32
        %dma_start3A_87 = arith.constant 0 : i32
        %dma_start3A_88 = tpu.memref_slice %arg4[%mul3A_86, %dma_start3A_87] : memref<64x1600xf32, #tpu.memory_space<vmem>> -> memref<32x1600xf32, #tpu.memory_space<vmem>>
        %dma_start3A_89 = arith.constant 0 : i32
        %dma_start3A_90 = tpu.memref_slice %arg2[%mul3A_84, %dma_start3A_89] : memref<20000x1600xf32, #tpu.memory_space<hbm>> -> memref<32x1600xf32, #tpu.memory_space<hbm>>
        %dma_start3A_91 = arith.constant 0 : i32
        %dma_start3A_92 = tpu.memref_slice %arg4[%mul3A_86, %dma_start3A_91] : memref<64x1600xf32, #tpu.memory_space<vmem>> -> memref<32x1600xf32, #tpu.memory_space<vmem>>
        %dma_start3A_93 = arith.constant 0 : i32
        %dma_start3A_94 = tpu.memref_slice %arg2[%mul3A_84, %dma_start3A_93] : memref<20000x1600xf32, #tpu.memory_space<hbm>> -> memref<32x1600xf32, #tpu.memory_space<hbm>>
        tpu.enqueue_dma source(%dma_start3A_94 : memref<32x1600xf32, #tpu.memory_space<hbm>>) target(%dma_start3A_92 : memref<32x1600xf32, #tpu.memory_space<vmem>>) target_semaphore(%arg7 : memref<!tpu.dma_semaphore, #tpu.memory_space<semaphore_mem>>)
      } else {
      }
      %scan3A = arith.constant 0 : i32
      %scan3A_67 = arith.constant 0 : i32
      %scan3A_68 = arith.constant 32 : i32
      %scan3A_69 = arith.addi %scan3A_67, %scan3A_68 : i32
      %scan3A_70 = arith.constant 1 : i32
      scf.for %scan3A_72 = %scan3A_67 to %scan3A_69 step %scan3A_70  : i32 {
        %mul3A_73 = arith.constant 32 : i32
        %mul3A_74 = arith.muli %rem3A_47, %mul3A_73 : i32
        %add3A_75 = arith.addi %mul3A_74, %scan3A_72 : i32
        %get3A = arith.index_cast %add3A_75 : i32 to index
        %get3A_76 = arith.constant 0 : index
        %get3A_77 = tpu.vector_load %arg4[%get3A, %get3A_76] {strides = array<i32>} : memref<64x1600xf32, #tpu.memory_space<vmem>>, vector<16xf32>,
        %get3A_78 = arith.index_cast %add3A_75 : i32 to index
        %get3A_79 = arith.constant 16 : index
        %get3A_80 = tpu.vector_load %arg4[%get3A_78, %get3A_79] {strides = array<i32>} : memref<64x1600xf32, #tpu.memory_space<vmem>>, vector<16xf32>,
        %get3A_81 = arith.index_cast %add3A_75 : i32 to index
        %get3A_82 = arith.constant 32 : index
        %get3A_83 = tpu.vector_load %arg4[%get3A_81, %get3A_82] {strides = array<i32>} : memref<64x1600xf32, #tpu.memory_space<vmem>>, vector<16xf32>,
        %get3A_84 = arith.index_cast %add3A_75 : i32 to index
        %get3A_85 = arith.constant 48 : index
        %get3A_86 = tpu.vector_load %arg4[%get3A_84, %get3A_85] {strides = array<i32>} : memref<64x1600xf32, #tpu.memory_space<vmem>>, vector<16xf32>,
        %get3A_87 = arith.index_cast %add3A_75 : i32 to index
        %get3A_88 = arith.constant 64 : index
        %get3A_89 = tpu.vector_load %arg4[%get3A_87, %get3A_88] {strides = array<i32>} : memref<64x1600xf32, #tpu.memory_space<vmem>>, vector<16xf32>,
        %get3A_90 = arith.index_cast %add3A_75 : i32 to index
        %get3A_91 = arith.constant 80 : index
        %get3A_92 = tpu.vector_load %arg4[%get3A_90, %get3A_91] {strides = array<i32>} : memref<64x1600xf32, #tpu.memory_space<vmem>>, vector<16xf32>,
        %get3A_93 = arith.index_cast %add3A_75 : i32 to index
        %get3A_94 = arith.constant 96 : index
        %get3A_95 = tpu.vector_load %arg4[%get3A_93, %get3A_94] {strides = array<i32>} : memref<64x1600xf32, #tpu.memory_space<vmem>>, vector<16xf32>,
        %get3A_96 = arith.index_cast %add3A_75 : i32 to index
        %get3A_97 = arith.constant 112 : index
        %get3A_98 = tpu.vector_load %arg4[%get3A_96, %get3A_97] {strides = array<i32>} : memref<64x1600xf32, #tpu.memory_space<vmem>>, vector<16xf32>,
        %get3A_99 = arith.index_cast %add3A_75 : i32 to index
        %get3A_100 = arith.constant 128 : index
        %get3A_101 = tpu.vector_load %arg4[%get3A_99, %get3A_100] {strides = array<i32>} : memref<64x1600xf32, #tpu.memory_space<vmem>>, vector<16xf32>,
        %max3A = arith.maximumf %get3A_77, %get3A_101 : vector<16xf32>
        %get3A_102 = arith.index_cast %add3A_75 : i32 to index
        %get3A_103 = arith.constant 144 : index
        %get3A_104 = tpu.vector_load %arg4[%get3A_102, %get3A_103] {strides = array<i32>} : memref<64x1600xf32, #tpu.memory_space<vmem>>, vector<16xf32>,
        %max3A_105 = arith.maximumf %get3A_80, %get3A_104 : vector<16xf32>
        %get3A_106 = arith.index_cast %add3A_75 : i32 to index
        %get3A_107 = arith.constant 160 : index
        %get3A_108 = tpu.vector_load %arg4[%get3A_106, %get3A_107] {strides = array<i32>} : memref<64x1600xf32, #tpu.memory_space<vmem>>, vector<16xf32>,
        %max3A_109 = arith.maximumf %get3A_83, %get3A_108 : vector<16xf32>
        %get3A_110 = arith.index_cast %add3A_75 : i32 to index
        %get3A_111 = arith.constant 176 : index
        %get3A_112 = tpu.vector_load %arg4[%get3A_110, %get3A_111] {strides = array<i32>} : memref<64x1600xf32, #tpu.memory_space<vmem>>, vector<16xf32>,
        %max3A_113 = arith.maximumf %get3A_86, %get3A_112 : vector<16xf32>
        %get3A_114 = arith.index_cast %add3A_75 : i32 to index
        %get3A_115 = arith.constant 192 : index
        %get3A_116 = tpu.vector_load %arg4[%get3A_114, %get3A_115] {strides = array<i32>} : memref<64x1600xf32, #tpu.memory_space<vmem>>, vector<16xf32>,
        %max3A_117 = arith.maximumf %get3A_89, %get3A_116 : vector<16xf32>
        %get3A_118 = arith.index_cast %add3A_75 : i32 to index
        %get3A_119 = arith.constant 208 : index
        %get3A_120 = tpu.vector_load %arg4[%get3A_118, %get3A_119] {strides = array<i32>} : memref<64x1600xf32, #tpu.memory_space<vmem>>, vector<16xf32>,
        %max3A_121 = arith.maximumf %get3A_92, %get3A_120 : vector<16xf32>
        %get3A_122 = arith.index_cast %add3A_75 : i32 to index
        %get3A_123 = arith.constant 224 : index
        %get3A_124 = tpu.vector_load %arg4[%get3A_122, %get3A_123] {strides = array<i32>} : memref<64x1600xf32, #tpu.memory_space<vmem>>, vector<16xf32>,
        %max3A_125 = arith.maximumf %get3A_95, %get3A_124 : vector<16xf32>
        %get3A_126 = arith.index_cast %add3A_75 : i32 to index
        %get3A_127 = arith.constant 240 : index
        %get3A_128 = tpu.vector_load %arg4[%get3A_126, %get3A_127] {strides = array<i32>} : memref<64x1600xf32, #tpu.memory_space<vmem>>, vector<16xf32>,
        %max3A_129 = arith.maximumf %get3A_98, %get3A_128 : vector<16xf32>
        %get3A_130 = arith.index_cast %add3A_75 : i32 to index
        %get3A_131 = arith.constant 256 : index
        %get3A_132 = tpu.vector_load %arg4[%get3A_130, %get3A_131] {strides = array<i32>} : memref<64x1600xf32, #tpu.memory_space<vmem>>, vector<16xf32>,
        %max3A_133 = arith.maximumf %max3A, %get3A_132 : vector<16xf32>
        %get3A_134 = arith.index_cast %add3A_75 : i32 to index
        %get3A_135 = arith.constant 272 : index
        %get3A_136 = tpu.vector_load %arg4[%get3A_134, %get3A_135] {strides = array<i32>} : memref<64x1600xf32, #tpu.memory_space<vmem>>, vector<16xf32>,
        %max3A_137 = arith.maximumf %max3A_105, %get3A_136 : vector<16xf32>
        %get3A_138 = arith.index_cast %add3A_75 : i32 to index
        %get3A_139 = arith.constant 288 : index
        %get3A_140 = tpu.vector_load %arg4[%get3A_138, %get3A_139] {strides = array<i32>} : memref<64x1600xf32, #tpu.memory_space<vmem>>, vector<16xf32>,
        %max3A_141 = arith.maximumf %max3A_109, %get3A_140 : vector<16xf32>
        %get3A_142 = arith.index_cast %add3A_75 : i32 to index
        %get3A_143 = arith.constant 304 : index
        %get3A_144 = tpu.vector_load %arg4[%get3A_142, %get3A_143] {strides = array<i32>} : memref<64x1600xf32, #tpu.memory_space<vmem>>, vector<16xf32>,
        %max3A_145 = arith.maximumf %max3A_113, %get3A_144 : vector<16xf32>
        %get3A_146 = arith.index_cast %add3A_75 : i32 to index
        %get3A_147 = arith.constant 320 : index
        %get3A_148 = tpu.vector_load %arg4[%get3A_146, %get3A_147] {strides = array<i32>} : memref<64x1600xf32, #tpu.memory_space<vmem>>, vector<16xf32>,
        %max3A_149 = arith.maximumf %max3A_117, %get3A_148 : vector<16xf32>
        %get3A_150 = arith.index_cast %add3A_75 : i32 to index
        %get3A_151 = arith.constant 336 : index
        %get3A_152 = tpu.vector_load %arg4[%get3A_150, %get3A_151] {strides = array<i32>} : memref<64x1600xf32, #tpu.memory_space<vmem>>, vector<16xf32>,
        %max3A_153 = arith.maximumf %max3A_121, %get3A_152 : vector<16xf32>
        %get3A_154 = arith.index_cast %add3A_75 : i32 to index
        %get3A_155 = arith.constant 352 : index
        %get3A_156 = tpu.vector_load %arg4[%get3A_154, %get3A_155] {strides = array<i32>} : memref<64x1600xf32, #tpu.memory_space<vmem>>, vector<16xf32>,
        %max3A_157 = arith.maximumf %max3A_125, %get3A_156 : vector<16xf32>
        %get3A_158 = arith.index_cast %add3A_75 : i32 to index
        %get3A_159 = arith.constant 368 : index
        %get3A_160 = tpu.vector_load %arg4[%get3A_158, %get3A_159] {strides = array<i32>} : memref<64x1600xf32, #tpu.memory_space<vmem>>, vector<16xf32>,
        %max3A_161 = arith.maximumf %max3A_129, %get3A_160 : vector<16xf32>
        %get3A_162 = arith.index_cast %add3A_75 : i32 to index
        %get3A_163 = arith.constant 384 : index
        %get3A_164 = tpu.vector_load %arg4[%get3A_162, %get3A_163] {strides = array<i32>} : memref<64x1600xf32, #tpu.memory_space<vmem>>, vector<16xf32>,
        %max3A_165 = arith.maximumf %max3A_133, %get3A_164 : vector<16xf32>
        %get3A_166 = arith.index_cast %add3A_75 : i32 to index
        %get3A_167 = arith.constant 400 : index
        %get3A_168 = tpu.vector_load %arg4[%get3A_166, %get3A_167] {strides = array<i32>} : memref<64x1600xf32, #tpu.memory_space<vmem>>, vector<16xf32>,
        %max3A_169 = arith.maximumf %max3A_137, %get3A_168 : vector<16xf32>
        %get3A_170 = arith.index_cast %add3A_75 : i32 to index
        %get3A_171 = arith.constant 416 : index
        %get3A_172 = tpu.vector_load %arg4[%get3A_170, %get3A_171] {strides = array<i32>} : memref<64x1600xf32, #tpu.memory_space<vmem>>, vector<16xf32>,
        %max3A_173 = arith.maximumf %max3A_141, %get3A_172 : vector<16xf32>
        %get3A_174 = arith.index_cast %add3A_75 : i32 to index
        %get3A_175 = arith.constant 432 : index
        %get3A_176 = tpu.vector_load %arg4[%get3A_174, %get3A_175] {strides = array<i32>} : memref<64x1600xf32, #tpu.memory_space<vmem>>, vector<16xf32>,
        %max3A_177 = arith.maximumf %max3A_145, %get3A_176 : vector<16xf32>
        %get3A_178 = arith.index_cast %add3A_75 : i32 to index
        %get3A_179 = arith.constant 448 : index
        %get3A_180 = tpu.vector_load %arg4[%get3A_178, %get3A_179] {strides = array<i32>} : memref<64x1600xf32, #tpu.memory_space<vmem>>, vector<16xf32>,
        %max3A_181 = arith.maximumf %max3A_149, %get3A_180 : vector<16xf32>
        %get3A_182 = arith.index_cast %add3A_75 : i32 to index
        %get3A_183 = arith.constant 464 : index
        %get3A_184 = tpu.vector_load %arg4[%get3A_182, %get3A_183] {strides = array<i32>} : memref<64x1600xf32, #tpu.memory_space<vmem>>, vector<16xf32>,
        %max3A_185 = arith.maximumf %max3A_153, %get3A_184 : vector<16xf32>
        %get3A_186 = arith.index_cast %add3A_75 : i32 to index
        %get3A_187 = arith.constant 480 : index
        %get3A_188 = tpu.vector_load %arg4[%get3A_186, %get3A_187] {strides = array<i32>} : memref<64x1600xf32, #tpu.memory_space<vmem>>, vector<16xf32>,
        %max3A_189 = arith.maximumf %max3A_157, %get3A_188 : vector<16xf32>
        %get3A_190 = arith.index_cast %add3A_75 : i32 to index
        %get3A_191 = arith.constant 496 : index
        %get3A_192 = tpu.vector_load %arg4[%get3A_190, %get3A_191] {strides = array<i32>} : memref<64x1600xf32, #tpu.memory_space<vmem>>, vector<16xf32>,
        %max3A_193 = arith.maximumf %max3A_161, %get3A_192 : vector<16xf32>
        %get3A_194 = arith.index_cast %add3A_75 : i32 to index
        %get3A_195 = arith.constant 512 : index
        %get3A_196 = tpu.vector_load %arg4[%get3A_194, %get3A_195] {strides = array<i32>} : memref<64x1600xf32, #tpu.memory_space<vmem>>, vector<16xf32>,
        %max3A_197 = arith.maximumf %max3A_165, %get3A_196 : vector<16xf32>
        %get3A_198 = arith.index_cast %add3A_75 : i32 to index
        %get3A_199 = arith.constant 528 : index
        %get3A_200 = tpu.vector_load %arg4[%get3A_198, %get3A_199] {strides = array<i32>} : memref<64x1600xf32, #tpu.memory_space<vmem>>, vector<16xf32>,
        %max3A_201 = arith.maximumf %max3A_169, %get3A_200 : vector<16xf32>
        %get3A_202 = arith.index_cast %add3A_75 : i32 to index
        %get3A_203 = arith.constant 544 : index
        %get3A_204 = tpu.vector_load %arg4[%get3A_202, %get3A_203] {strides = array<i32>} : memref<64x1600xf32, #tpu.memory_space<vmem>>, vector<16xf32>,
        %max3A_205 = arith.maximumf %max3A_173, %get3A_204 : vector<16xf32>
        %get3A_206 = arith.index_cast %add3A_75 : i32 to index
        %get3A_207 = arith.constant 560 : index
        %get3A_208 = tpu.vector_load %arg4[%get3A_206, %get3A_207] {strides = array<i32>} : memref<64x1600xf32, #tpu.memory_space<vmem>>, vector<16xf32>,
        %max3A_209 = arith.maximumf %max3A_177, %get3A_208 : vector<16xf32>
        %get3A_210 = arith.index_cast %add3A_75 : i32 to index
        %get3A_211 = arith.constant 576 : index
        %get3A_212 = tpu.vector_load %arg4[%get3A_210, %get3A_211] {strides = array<i32>} : memref<64x1600xf32, #tpu.memory_space<vmem>>, vector<16xf32>,
        %max3A_213 = arith.maximumf %max3A_181, %get3A_212 : vector<16xf32>
        %get3A_214 = arith.index_cast %add3A_75 : i32 to index
        %get3A_215 = arith.constant 592 : index
        %get3A_216 = tpu.vector_load %arg4[%get3A_214, %get3A_215] {strides = array<i32>} : memref<64x1600xf32, #tpu.memory_space<vmem>>, vector<16xf32>,
        %max3A_217 = arith.maximumf %max3A_185, %get3A_216 : vector<16xf32>
        %get3A_218 = arith.index_cast %add3A_75 : i32 to index
        %get3A_219 = arith.constant 608 : index
        %get3A_220 = tpu.vector_load %arg4[%get3A_218, %get3A_219] {strides = array<i32>} : memref<64x1600xf32, #tpu.memory_space<vmem>>, vector<16xf32>,
        %max3A_221 = arith.maximumf %max3A_189, %get3A_220 : vector<16xf32>
        %get3A_222 = arith.index_cast %add3A_75 : i32 to index
        %get3A_223 = arith.constant 624 : index
        %get3A_224 = tpu.vector_load %arg4[%get3A_222, %get3A_223] {strides = array<i32>} : memref<64x1600xf32, #tpu.memory_space<vmem>>, vector<16xf32>,
        %max3A_225 = arith.maximumf %max3A_193, %get3A_224 : vector<16xf32>
        %get3A_226 = arith.index_cast %add3A_75 : i32 to index
        %get3A_227 = arith.constant 640 : index
        %get3A_228 = tpu.vector_load %arg4[%get3A_226, %get3A_227] {strides = array<i32>} : memref<64x1600xf32, #tpu.memory_space<vmem>>, vector<16xf32>,
        %max3A_229 = arith.maximumf %max3A_197, %get3A_228 : vector<16xf32>
        %get3A_230 = arith.index_cast %add3A_75 : i32 to index
        %get3A_231 = arith.constant 656 : index
        %get3A_232 = tpu.vector_load %arg4[%get3A_230, %get3A_231] {strides = array<i32>} : memref<64x1600xf32, #tpu.memory_space<vmem>>, vector<16xf32>,
        %max3A_233 = arith.maximumf %max3A_201, %get3A_232 : vector<16xf32>
        %get3A_234 = arith.index_cast %add3A_75 : i32 to index
        %get3A_235 = arith.constant 672 : index
        %get3A_236 = tpu.vector_load %arg4[%get3A_234, %get3A_235] {strides = array<i32>} : memref<64x1600xf32, #tpu.memory_space<vmem>>, vector<16xf32>,
        %max3A_237 = arith.maximumf %max3A_205, %get3A_236 : vector<16xf32>
        %get3A_238 = arith.index_cast %add3A_75 : i32 to index
        %get3A_239 = arith.constant 688 : index
        %get3A_240 = tpu.vector_load %arg4[%get3A_238, %get3A_239] {strides = array<i32>} : memref<64x1600xf32, #tpu.memory_space<vmem>>, vector<16xf32>,
        %max3A_241 = arith.maximumf %max3A_209, %get3A_240 : vector<16xf32>
        %get3A_242 = arith.index_cast %add3A_75 : i32 to index
        %get3A_243 = arith.constant 704 : index
        %get3A_244 = tpu.vector_load %arg4[%get3A_242, %get3A_243] {strides = array<i32>} : memref<64x1600xf32, #tpu.memory_space<vmem>>, vector<16xf32>,
        %max3A_245 = arith.maximumf %max3A_213, %get3A_244 : vector<16xf32>
        %get3A_246 = arith.index_cast %add3A_75 : i32 to index
        %get3A_247 = arith.constant 720 : index
        %get3A_248 = tpu.vector_load %arg4[%get3A_246, %get3A_247] {strides = array<i32>} : memref<64x1600xf32, #tpu.memory_space<vmem>>, vector<16xf32>,
        %max3A_249 = arith.maximumf %max3A_217, %get3A_248 : vector<16xf32>
        %get3A_250 = arith.index_cast %add3A_75 : i32 to index
        %get3A_251 = arith.constant 736 : index
        %get3A_252 = tpu.vector_load %arg4[%get3A_250, %get3A_251] {strides = array<i32>} : memref<64x1600xf32, #tpu.memory_space<vmem>>, vector<16xf32>,
        %max3A_253 = arith.maximumf %max3A_221, %get3A_252 : vector<16xf32>
        %get3A_254 = arith.index_cast %add3A_75 : i32 to index
        %get3A_255 = arith.constant 752 : index
        %get3A_256 = tpu.vector_load %arg4[%get3A_254, %get3A_255] {strides = array<i32>} : memref<64x1600xf32, #tpu.memory_space<vmem>>, vector<16xf32>,
        %max3A_257 = arith.maximumf %max3A_225, %get3A_256 : vector<16xf32>
        %get3A_258 = arith.index_cast %add3A_75 : i32 to index
        %get3A_259 = arith.constant 768 : index
        %get3A_260 = tpu.vector_load %arg4[%get3A_258, %get3A_259] {strides = array<i32>} : memref<64x1600xf32, #tpu.memory_space<vmem>>, vector<16xf32>,
        %max3A_261 = arith.maximumf %max3A_229, %get3A_260 : vector<16xf32>
        %get3A_262 = arith.index_cast %add3A_75 : i32 to index
        %get3A_263 = arith.constant 784 : index
        %get3A_264 = tpu.vector_load %arg4[%get3A_262, %get3A_263] {strides = array<i32>} : memref<64x1600xf32, #tpu.memory_space<vmem>>, vector<16xf32>,
        %max3A_265 = arith.maximumf %max3A_233, %get3A_264 : vector<16xf32>
        %get3A_266 = arith.index_cast %add3A_75 : i32 to index
        %get3A_267 = arith.constant 800 : index
        %get3A_268 = tpu.vector_load %arg4[%get3A_266, %get3A_267] {strides = array<i32>} : memref<64x1600xf32, #tpu.memory_space<vmem>>, vector<16xf32>,
        %max3A_269 = arith.maximumf %max3A_237, %get3A_268 : vector<16xf32>
        %get3A_270 = arith.index_cast %add3A_75 : i32 to index
        %get3A_271 = arith.constant 816 : index
        %get3A_272 = tpu.vector_load %arg4[%get3A_270, %get3A_271] {strides = array<i32>} : memref<64x1600xf32, #tpu.memory_space<vmem>>, vector<16xf32>,
        %max3A_273 = arith.maximumf %max3A_241, %get3A_272 : vector<16xf32>
        %get3A_274 = arith.index_cast %add3A_75 : i32 to index
        %get3A_275 = arith.constant 832 : index
        %get3A_276 = tpu.vector_load %arg4[%get3A_274, %get3A_275] {strides = array<i32>} : memref<64x1600xf32, #tpu.memory_space<vmem>>, vector<16xf32>,
        %max3A_277 = arith.maximumf %max3A_245, %get3A_276 : vector<16xf32>
        %get3A_278 = arith.index_cast %add3A_75 : i32 to index
        %get3A_279 = arith.constant 848 : index
        %get3A_280 = tpu.vector_load %arg4[%get3A_278, %get3A_279] {strides = array<i32>} : memref<64x1600xf32, #tpu.memory_space<vmem>>, vector<16xf32>,
        %max3A_281 = arith.maximumf %max3A_249, %get3A_280 : vector<16xf32>
        %get3A_282 = arith.index_cast %add3A_75 : i32 to index
        %get3A_283 = arith.constant 864 : index
        %get3A_284 = tpu.vector_load %arg4[%get3A_282, %get3A_283] {strides = array<i32>} : memref<64x1600xf32, #tpu.memory_space<vmem>>, vector<16xf32>,
        %max3A_285 = arith.maximumf %max3A_253, %get3A_284 : vector<16xf32>
        %get3A_286 = arith.index_cast %add3A_75 : i32 to index
        %get3A_287 = arith.constant 880 : index
        %get3A_288 = tpu.vector_load %arg4[%get3A_286, %get3A_287] {strides = array<i32>} : memref<64x1600xf32, #tpu.memory_space<vmem>>, vector<16xf32>,
        %max3A_289 = arith.maximumf %max3A_257, %get3A_288 : vector<16xf32>
        %get3A_290 = arith.index_cast %add3A_75 : i32 to index
        %get3A_291 = arith.constant 896 : index
        %get3A_292 = tpu.vector_load %arg4[%get3A_290, %get3A_291] {strides = array<i32>} : memref<64x1600xf32, #tpu.memory_space<vmem>>, vector<16xf32>,
        %max3A_293 = arith.maximumf %max3A_261, %get3A_292 : vector<16xf32>
        %get3A_294 = arith.index_cast %add3A_75 : i32 to index
        %get3A_295 = arith.constant 912 : index
        %get3A_296 = tpu.vector_load %arg4[%get3A_294, %get3A_295] {strides = array<i32>} : memref<64x1600xf32, #tpu.memory_space<vmem>>, vector<16xf32>,
        %max3A_297 = arith.maximumf %max3A_265, %get3A_296 : vector<16xf32>
        %get3A_298 = arith.index_cast %add3A_75 : i32 to index
        %get3A_299 = arith.constant 928 : index
        %get3A_300 = tpu.vector_load %arg4[%get3A_298, %get3A_299] {strides = array<i32>} : memref<64x1600xf32, #tpu.memory_space<vmem>>, vector<16xf32>,
        %max3A_301 = arith.maximumf %max3A_269, %get3A_300 : vector<16xf32>
        %get3A_302 = arith.index_cast %add3A_75 : i32 to index
        %get3A_303 = arith.constant 944 : index
        %get3A_304 = tpu.vector_load %arg4[%get3A_302, %get3A_303] {strides = array<i32>} : memref<64x1600xf32, #tpu.memory_space<vmem>>, vector<16xf32>,
        %max3A_305 = arith.maximumf %max3A_273, %get3A_304 : vector<16xf32>
        %get3A_306 = arith.index_cast %add3A_75 : i32 to index
        %get3A_307 = arith.constant 960 : index
        %get3A_308 = tpu.vector_load %arg4[%get3A_306, %get3A_307] {strides = array<i32>} : memref<64x1600xf32, #tpu.memory_space<vmem>>, vector<16xf32>,
        %max3A_309 = arith.maximumf %max3A_277, %get3A_308 : vector<16xf32>
        %get3A_310 = arith.index_cast %add3A_75 : i32 to index
        %get3A_311 = arith.constant 976 : index
        %get3A_312 = tpu.vector_load %arg4[%get3A_310, %get3A_311] {strides = array<i32>} : memref<64x1600xf32, #tpu.memory_space<vmem>>, vector<16xf32>,
        %max3A_313 = arith.maximumf %max3A_281, %get3A_312 : vector<16xf32>
        %get3A_314 = arith.index_cast %add3A_75 : i32 to index
        %get3A_315 = arith.constant 992 : index
        %get3A_316 = tpu.vector_load %arg4[%get3A_314, %get3A_315] {strides = array<i32>} : memref<64x1600xf32, #tpu.memory_space<vmem>>, vector<16xf32>,
        %max3A_317 = arith.maximumf %max3A_285, %get3A_316 : vector<16xf32>
        %get3A_318 = arith.index_cast %add3A_75 : i32 to index
        %get3A_319 = arith.constant 1008 : index
        %get3A_320 = tpu.vector_load %arg4[%get3A_318, %get3A_319] {strides = array<i32>} : memref<64x1600xf32, #tpu.memory_space<vmem>>, vector<16xf32>,
        %max3A_321 = arith.maximumf %max3A_289, %get3A_320 : vector<16xf32>
        %get3A_322 = arith.index_cast %add3A_75 : i32 to index
        %get3A_323 = arith.constant 1024 : index
        %get3A_324 = tpu.vector_load %arg4[%get3A_322, %get3A_323] {strides = array<i32>} : memref<64x1600xf32, #tpu.memory_space<vmem>>, vector<16xf32>,
        %max3A_325 = arith.maximumf %max3A_293, %get3A_324 : vector<16xf32>
        %get3A_326 = arith.index_cast %add3A_75 : i32 to index
        %get3A_327 = arith.constant 1040 : index
        %get3A_328 = tpu.vector_load %arg4[%get3A_326, %get3A_327] {strides = array<i32>} : memref<64x1600xf32, #tpu.memory_space<vmem>>, vector<16xf32>,
        %max3A_329 = arith.maximumf %max3A_297, %get3A_328 : vector<16xf32>
        %get3A_330 = arith.index_cast %add3A_75 : i32 to index
        %get3A_331 = arith.constant 1056 : index
        %get3A_332 = tpu.vector_load %arg4[%get3A_330, %get3A_331] {strides = array<i32>} : memref<64x1600xf32, #tpu.memory_space<vmem>>, vector<16xf32>,
        %max3A_333 = arith.maximumf %max3A_301, %get3A_332 : vector<16xf32>
        %get3A_334 = arith.index_cast %add3A_75 : i32 to index
        %get3A_335 = arith.constant 1072 : index
        %get3A_336 = tpu.vector_load %arg4[%get3A_334, %get3A_335] {strides = array<i32>} : memref<64x1600xf32, #tpu.memory_space<vmem>>, vector<16xf32>,
        %max3A_337 = arith.maximumf %max3A_305, %get3A_336 : vector<16xf32>
        %get3A_338 = arith.index_cast %add3A_75 : i32 to index
        %get3A_339 = arith.constant 1088 : index
        %get3A_340 = tpu.vector_load %arg4[%get3A_338, %get3A_339] {strides = array<i32>} : memref<64x1600xf32, #tpu.memory_space<vmem>>, vector<16xf32>,
        %max3A_341 = arith.maximumf %max3A_309, %get3A_340 : vector<16xf32>
        %get3A_342 = arith.index_cast %add3A_75 : i32 to index
        %get3A_343 = arith.constant 1104 : index
        %get3A_344 = tpu.vector_load %arg4[%get3A_342, %get3A_343] {strides = array<i32>} : memref<64x1600xf32, #tpu.memory_space<vmem>>, vector<16xf32>,
        %max3A_345 = arith.maximumf %max3A_313, %get3A_344 : vector<16xf32>
        %get3A_346 = arith.index_cast %add3A_75 : i32 to index
        %get3A_347 = arith.constant 1120 : index
        %get3A_348 = tpu.vector_load %arg4[%get3A_346, %get3A_347] {strides = array<i32>} : memref<64x1600xf32, #tpu.memory_space<vmem>>, vector<16xf32>,
        %max3A_349 = arith.maximumf %max3A_317, %get3A_348 : vector<16xf32>
        %get3A_350 = arith.index_cast %add3A_75 : i32 to index
        %get3A_351 = arith.constant 1136 : index
        %get3A_352 = tpu.vector_load %arg4[%get3A_350, %get3A_351] {strides = array<i32>} : memref<64x1600xf32, #tpu.memory_space<vmem>>, vector<16xf32>,
        %max3A_353 = arith.maximumf %max3A_321, %get3A_352 : vector<16xf32>
        %get3A_354 = arith.index_cast %add3A_75 : i32 to index
        %get3A_355 = arith.constant 1152 : index
        %get3A_356 = tpu.vector_load %arg4[%get3A_354, %get3A_355] {strides = array<i32>} : memref<64x1600xf32, #tpu.memory_space<vmem>>, vector<16xf32>,
        %max3A_357 = arith.maximumf %max3A_325, %get3A_356 : vector<16xf32>
        %get3A_358 = arith.index_cast %add3A_75 : i32 to index
        %get3A_359 = arith.constant 1168 : index
        %get3A_360 = tpu.vector_load %arg4[%get3A_358, %get3A_359] {strides = array<i32>} : memref<64x1600xf32, #tpu.memory_space<vmem>>, vector<16xf32>,
        %max3A_361 = arith.maximumf %max3A_329, %get3A_360 : vector<16xf32>
        %get3A_362 = arith.index_cast %add3A_75 : i32 to index
        %get3A_363 = arith.constant 1184 : index
        %get3A_364 = tpu.vector_load %arg4[%get3A_362, %get3A_363] {strides = array<i32>} : memref<64x1600xf32, #tpu.memory_space<vmem>>, vector<16xf32>,
        %max3A_365 = arith.maximumf %max3A_333, %get3A_364 : vector<16xf32>
        %get3A_366 = arith.index_cast %add3A_75 : i32 to index
        %get3A_367 = arith.constant 1200 : index
        %get3A_368 = tpu.vector_load %arg4[%get3A_366, %get3A_367] {strides = array<i32>} : memref<64x1600xf32, #tpu.memory_space<vmem>>, vector<16xf32>,
        %max3A_369 = arith.maximumf %max3A_337, %get3A_368 : vector<16xf32>
        %get3A_370 = arith.index_cast %add3A_75 : i32 to index
        %get3A_371 = arith.constant 1216 : index
        %get3A_372 = tpu.vector_load %arg4[%get3A_370, %get3A_371] {strides = array<i32>} : memref<64x1600xf32, #tpu.memory_space<vmem>>, vector<16xf32>,
        %max3A_373 = arith.maximumf %max3A_341, %get3A_372 : vector<16xf32>
        %get3A_374 = arith.index_cast %add3A_75 : i32 to index
        %get3A_375 = arith.constant 1232 : index
        %get3A_376 = tpu.vector_load %arg4[%get3A_374, %get3A_375] {strides = array<i32>} : memref<64x1600xf32, #tpu.memory_space<vmem>>, vector<16xf32>,
        %max3A_377 = arith.maximumf %max3A_345, %get3A_376 : vector<16xf32>
        %get3A_378 = arith.index_cast %add3A_75 : i32 to index
        %get3A_379 = arith.constant 1248 : index
        %get3A_380 = tpu.vector_load %arg4[%get3A_378, %get3A_379] {strides = array<i32>} : memref<64x1600xf32, #tpu.memory_space<vmem>>, vector<16xf32>,
        %max3A_381 = arith.maximumf %max3A_349, %get3A_380 : vector<16xf32>
        %get3A_382 = arith.index_cast %add3A_75 : i32 to index
        %get3A_383 = arith.constant 1264 : index
        %get3A_384 = tpu.vector_load %arg4[%get3A_382, %get3A_383] {strides = array<i32>} : memref<64x1600xf32, #tpu.memory_space<vmem>>, vector<16xf32>,
        %max3A_385 = arith.maximumf %max3A_353, %get3A_384 : vector<16xf32>
        %get3A_386 = arith.index_cast %add3A_75 : i32 to index
        %get3A_387 = arith.constant 1280 : index
        %get3A_388 = tpu.vector_load %arg4[%get3A_386, %get3A_387] {strides = array<i32>} : memref<64x1600xf32, #tpu.memory_space<vmem>>, vector<16xf32>,
        %max3A_389 = arith.maximumf %max3A_357, %get3A_388 : vector<16xf32>
        %get3A_390 = arith.index_cast %add3A_75 : i32 to index
        %get3A_391 = arith.constant 1296 : index
        %get3A_392 = tpu.vector_load %arg4[%get3A_390, %get3A_391] {strides = array<i32>} : memref<64x1600xf32, #tpu.memory_space<vmem>>, vector<16xf32>,
        %max3A_393 = arith.maximumf %max3A_361, %get3A_392 : vector<16xf32>
        %get3A_394 = arith.index_cast %add3A_75 : i32 to index
        %get3A_395 = arith.constant 1312 : index
        %get3A_396 = tpu.vector_load %arg4[%get3A_394, %get3A_395] {strides = array<i32>} : memref<64x1600xf32, #tpu.memory_space<vmem>>, vector<16xf32>,
        %max3A_397 = arith.maximumf %max3A_365, %get3A_396 : vector<16xf32>
        %get3A_398 = arith.index_cast %add3A_75 : i32 to index
        %get3A_399 = arith.constant 1328 : index
        %get3A_400 = tpu.vector_load %arg4[%get3A_398, %get3A_399] {strides = array<i32>} : memref<64x1600xf32, #tpu.memory_space<vmem>>, vector<16xf32>,
        %max3A_401 = arith.maximumf %max3A_369, %get3A_400 : vector<16xf32>
        %get3A_402 = arith.index_cast %add3A_75 : i32 to index
        %get3A_403 = arith.constant 1344 : index
        %get3A_404 = tpu.vector_load %arg4[%get3A_402, %get3A_403] {strides = array<i32>} : memref<64x1600xf32, #tpu.memory_space<vmem>>, vector<16xf32>,
        %max3A_405 = arith.maximumf %max3A_373, %get3A_404 : vector<16xf32>
        %get3A_406 = arith.index_cast %add3A_75 : i32 to index
        %get3A_407 = arith.constant 1360 : index
        %get3A_408 = tpu.vector_load %arg4[%get3A_406, %get3A_407] {strides = array<i32>} : memref<64x1600xf32, #tpu.memory_space<vmem>>, vector<16xf32>,
        %max3A_409 = arith.maximumf %max3A_377, %get3A_408 : vector<16xf32>
        %get3A_410 = arith.index_cast %add3A_75 : i32 to index
        %get3A_411 = arith.constant 1376 : index
        %get3A_412 = tpu.vector_load %arg4[%get3A_410, %get3A_411] {strides = array<i32>} : memref<64x1600xf32, #tpu.memory_space<vmem>>, vector<16xf32>,
        %max3A_413 = arith.maximumf %max3A_381, %get3A_412 : vector<16xf32>
        %get3A_414 = arith.index_cast %add3A_75 : i32 to index
        %get3A_415 = arith.constant 1392 : index
        %get3A_416 = tpu.vector_load %arg4[%get3A_414, %get3A_415] {strides = array<i32>} : memref<64x1600xf32, #tpu.memory_space<vmem>>, vector<16xf32>,
        %max3A_417 = arith.maximumf %max3A_385, %get3A_416 : vector<16xf32>
        %get3A_418 = arith.index_cast %add3A_75 : i32 to index
        %get3A_419 = arith.constant 1408 : index
        %get3A_420 = tpu.vector_load %arg4[%get3A_418, %get3A_419] {strides = array<i32>} : memref<64x1600xf32, #tpu.memory_space<vmem>>, vector<16xf32>,
        %max3A_421 = arith.maximumf %max3A_389, %get3A_420 : vector<16xf32>
        %get3A_422 = arith.index_cast %add3A_75 : i32 to index
        %get3A_423 = arith.constant 1424 : index
        %get3A_424 = tpu.vector_load %arg4[%get3A_422, %get3A_423] {strides = array<i32>} : memref<64x1600xf32, #tpu.memory_space<vmem>>, vector<16xf32>,
        %max3A_425 = arith.maximumf %max3A_393, %get3A_424 : vector<16xf32>
        %get3A_426 = arith.index_cast %add3A_75 : i32 to index
        %get3A_427 = arith.constant 1440 : index
        %get3A_428 = tpu.vector_load %arg4[%get3A_426, %get3A_427] {strides = array<i32>} : memref<64x1600xf32, #tpu.memory_space<vmem>>, vector<16xf32>,
        %max3A_429 = arith.maximumf %max3A_397, %get3A_428 : vector<16xf32>
        %get3A_430 = arith.index_cast %add3A_75 : i32 to index
        %get3A_431 = arith.constant 1456 : index
        %get3A_432 = tpu.vector_load %arg4[%get3A_430, %get3A_431] {strides = array<i32>} : memref<64x1600xf32, #tpu.memory_space<vmem>>, vector<16xf32>,
        %max3A_433 = arith.maximumf %max3A_401, %get3A_432 : vector<16xf32>
        %get3A_434 = arith.index_cast %add3A_75 : i32 to index
        %get3A_435 = arith.constant 1472 : index
        %get3A_436 = tpu.vector_load %arg4[%get3A_434, %get3A_435] {strides = array<i32>} : memref<64x1600xf32, #tpu.memory_space<vmem>>, vector<16xf32>,
        %max3A_437 = arith.maximumf %max3A_405, %get3A_436 : vector<16xf32>
        %get3A_438 = arith.index_cast %add3A_75 : i32 to index
        %get3A_439 = arith.constant 1488 : index
        %get3A_440 = tpu.vector_load %arg4[%get3A_438, %get3A_439] {strides = array<i32>} : memref<64x1600xf32, #tpu.memory_space<vmem>>, vector<16xf32>,
        %max3A_441 = arith.maximumf %max3A_409, %get3A_440 : vector<16xf32>
        %get3A_442 = arith.index_cast %add3A_75 : i32 to index
        %get3A_443 = arith.constant 1504 : index
        %get3A_444 = tpu.vector_load %arg4[%get3A_442, %get3A_443] {strides = array<i32>} : memref<64x1600xf32, #tpu.memory_space<vmem>>, vector<16xf32>,
        %max3A_445 = arith.maximumf %max3A_413, %get3A_444 : vector<16xf32>
        %get3A_446 = arith.index_cast %add3A_75 : i32 to index
        %get3A_447 = arith.constant 1520 : index
        %get3A_448 = tpu.vector_load %arg4[%get3A_446, %get3A_447] {strides = array<i32>} : memref<64x1600xf32, #tpu.memory_space<vmem>>, vector<16xf32>,
        %max3A_449 = arith.maximumf %max3A_417, %get3A_448 : vector<16xf32>
        %get3A_450 = arith.index_cast %add3A_75 : i32 to index
        %get3A_451 = arith.constant 1536 : index
        %get3A_452 = tpu.vector_load %arg4[%get3A_450, %get3A_451] {strides = array<i32>} : memref<64x1600xf32, #tpu.memory_space<vmem>>, vector<16xf32>,
        %max3A_453 = arith.maximumf %max3A_421, %get3A_452 : vector<16xf32>
        %get3A_454 = arith.index_cast %add3A_75 : i32 to index
        %get3A_455 = arith.constant 1552 : index
        %get3A_456 = tpu.vector_load %arg4[%get3A_454, %get3A_455] {strides = array<i32>} : memref<64x1600xf32, #tpu.memory_space<vmem>>, vector<16xf32>,
        %max3A_457 = arith.maximumf %max3A_425, %get3A_456 : vector<16xf32>
        %get3A_458 = arith.index_cast %add3A_75 : i32 to index
        %get3A_459 = arith.constant 1568 : index
        %get3A_460 = tpu.vector_load %arg4[%get3A_458, %get3A_459] {strides = array<i32>} : memref<64x1600xf32, #tpu.memory_space<vmem>>, vector<16xf32>,
        %max3A_461 = arith.maximumf %max3A_429, %get3A_460 : vector<16xf32>
        %get3A_462 = arith.index_cast %add3A_75 : i32 to index
        %get3A_463 = arith.constant 1584 : index
        %get3A_464 = tpu.vector_load %arg4[%get3A_462, %get3A_463] {strides = array<i32>} : memref<64x1600xf32, #tpu.memory_space<vmem>>, vector<16xf32>,
        %max3A_465 = arith.maximumf %max3A_433, %get3A_464 : vector<16xf32>
        %max3A_466 = arith.maximumf %max3A_453, %max3A_457 : vector<16xf32>
        %max3A_467 = arith.maximumf %max3A_461, %max3A_465 : vector<16xf32>
        %max3A_468 = arith.maximumf %max3A_466, %max3A_467 : vector<16xf32>
        %max3A_469 = arith.maximumf %max3A_437, %max3A_441 : vector<16xf32>
        %max3A_470 = arith.maximumf %max3A_445, %max3A_449 : vector<16xf32>
        %max3A_471 = arith.maximumf %max3A_469, %max3A_470 : vector<16xf32>
        %min3A = arith.minimumf %max3A_468, %max3A_471 : vector<16xf32>
        %masked_sort3A = arith.constant dense<true> : vector<16xi1>
        %masked_sort3A_472, %masked_sort3A_473, %masked_sort3A_474 = tpu.sort %min3A, %min3A masked %masked_sort3A : (vector<16xf32>, vector<16xf32>, vector<16xi1>) -> (vector<16xi1>, vector<16xf32>, vector<16xf32>)
        %slice3A = vector.extract_strided_slice %masked_sort3A_473 {offsets = [0], sizes = [1], strides = [1]} : vector<16xf32> to vector<1xf32>
        %squeeze3A = vector.extract %slice3A[0] : f32 from vector<1xf32>
        %broadcast_in_dim3A = vector.broadcast %squeeze3A : f32 to vector<16xf32>
        %get3A_475 = arith.index_cast %add3A_75 : i32 to index
        %get3A_476 = arith.constant 0 : index
        %get3A_477 = tpu.vector_load %arg4[%get3A_475, %get3A_476] {strides = array<i32>} : memref<64x1600xf32, #tpu.memory_space<vmem>>, vector<16xf32>,
        %ge3A = arith.cmpf oge, %get3A_477, %broadcast_in_dim3A : vector<16xf32>
        %swap3A = arith.constant 0 : index
        %swap3A_478 = tpu.vector_load %arg5[%swap3A] masked %ge3A {strides = array<i32>} : memref<3328xf32, #tpu.memory_space<vmem>>, vector<16xf32>, vector<16xi1>
        tpu.vector_store %arg5[%swap3A], %get3A_477 masked %ge3A {strides = array<i32>} : memref<3328xf32, #tpu.memory_space<vmem>>, vector<16xf32>, vector<16xi1>
        %all_reduce_population_count3A = tpu.all_reduce %ge3A {dim = 0 : i64, kind = #tpu.reduction_kind<sum>} : vector<16xi1> -> vector<16xi32>
        %slice3A_479 = vector.extract_strided_slice %all_reduce_population_count3A {offsets = [0], sizes = [1], strides = [1]} : vector<16xi32> to vector<1xi32>
        %squeeze3A_480 = vector.extract %slice3A_479[0] : i32 from vector<1xi32>
        %add3A_481 = arith.constant 0 : i32
        %add3A_482 = arith.addi %add3A_481, %squeeze3A_480 : i32
        %get3A_483 = arith.index_cast %add3A_75 : i32 to index
        %get3A_484 = arith.constant 16 : index
        %get3A_485 = tpu.vector_load %arg4[%get3A_483, %get3A_484] {strides = array<i32>} : memref<64x1600xf32, #tpu.memory_space<vmem>>, vector<16xf32>,
        %ge3A_486 = arith.cmpf oge, %get3A_485, %broadcast_in_dim3A : vector<16xf32>
        %swap3A_487 = arith.constant 416 : index
        %swap3A_488 = tpu.vector_load %arg5[%swap3A_487] masked %ge3A_486 {strides = array<i32>} : memref<3328xf32, #tpu.memory_space<vmem>>, vector<16xf32>, vector<16xi1>
        tpu.vector_store %arg5[%swap3A_487], %get3A_485 masked %ge3A_486 {strides = array<i32>} : memref<3328xf32, #tpu.memory_space<vmem>>, vector<16xf32>, vector<16xi1>
        %all_reduce_population_count3A_489 = tpu.all_reduce %ge3A_486 {dim = 0 : i64, kind = #tpu.reduction_kind<sum>} : vector<16xi1> -> vector<16xi32>
        %slice3A_490 = vector.extract_strided_slice %all_reduce_population_count3A_489 {offsets = [0], sizes = [1], strides = [1]} : vector<16xi32> to vector<1xi32>
        %squeeze3A_491 = vector.extract %slice3A_490[0] : i32 from vector<1xi32>
        %add3A_492 = arith.constant 0 : i32
        %add3A_493 = arith.addi %add3A_492, %squeeze3A_491 : i32
        %get3A_494 = arith.index_cast %add3A_75 : i32 to index
        %get3A_495 = arith.constant 32 : index
        %get3A_496 = tpu.vector_load %arg4[%get3A_494, %get3A_495] {strides = array<i32>} : memref<64x1600xf32, #tpu.memory_space<vmem>>, vector<16xf32>,
        %ge3A_497 = arith.cmpf oge, %get3A_496, %broadcast_in_dim3A : vector<16xf32>
        %swap3A_498 = arith.constant 832 : index
        %swap3A_499 = tpu.vector_load %arg5[%swap3A_498] masked %ge3A_497 {strides = array<i32>} : memref<3328xf32, #tpu.memory_space<vmem>>, vector<16xf32>, vector<16xi1>
        tpu.vector_store %arg5[%swap3A_498], %get3A_496 masked %ge3A_497 {strides = array<i32>} : memref<3328xf32, #tpu.memory_space<vmem>>, vector<16xf32>, vector<16xi1>
        %all_reduce_population_count3A_500 = tpu.all_reduce %ge3A_497 {dim = 0 : i64, kind = #tpu.reduction_kind<sum>} : vector<16xi1> -> vector<16xi32>
        %slice3A_501 = vector.extract_strided_slice %all_reduce_population_count3A_500 {offsets = [0], sizes = [1], strides = [1]} : vector<16xi32> to vector<1xi32>
        %squeeze3A_502 = vector.extract %slice3A_501[0] : i32 from vector<1xi32>
        %add3A_503 = arith.constant 0 : i32
        %add3A_504 = arith.addi %add3A_503, %squeeze3A_502 : i32
        %get3A_505 = arith.index_cast %add3A_75 : i32 to index
        %get3A_506 = arith.constant 48 : index
        %get3A_507 = tpu.vector_load %arg4[%get3A_505, %get3A_506] {strides = array<i32>} : memref<64x1600xf32, #tpu.memory_space<vmem>>, vector<16xf32>,
        %ge3A_508 = arith.cmpf oge, %get3A_507, %broadcast_in_dim3A : vector<16xf32>
        %swap3A_509 = arith.constant 1248 : index
        %swap3A_510 = tpu.vector_load %arg5[%swap3A_509] masked %ge3A_508 {strides = array<i32>} : memref<3328xf32, #tpu.memory_space<vmem>>, vector<16xf32>, vector<16xi1>
        tpu.vector_store %arg5[%swap3A_509], %get3A_507 masked %ge3A_508 {strides = array<i32>} : memref<3328xf32, #tpu.memory_space<vmem>>, vector<16xf32>, vector<16xi1>
        %all_reduce_population_count3A_511 = tpu.all_reduce %ge3A_508 {dim = 0 : i64, kind = #tpu.reduction_kind<sum>} : vector<16xi1> -> vector<16xi32>
        %slice3A_512 = vector.extract_strided_slice %all_reduce_population_count3A_511 {offsets = [0], sizes = [1], strides = [1]} : vector<16xi32> to vector<1xi32>
        %squeeze3A_513 = vector.extract %slice3A_512[0] : i32 from vector<1xi32>
        %add3A_514 = arith.constant 0 : i32
        %add3A_515 = arith.addi %add3A_514, %squeeze3A_513 : i32
        %get3A_516 = arith.index_cast %add3A_75 : i32 to index
        %get3A_517 = arith.constant 64 : index
        %get3A_518 = tpu.vector_load %arg4[%get3A_516, %get3A_517] {strides = array<i32>} : memref<64x1600xf32, #tpu.memory_space<vmem>>, vector<16xf32>,
        %ge3A_519 = arith.cmpf oge, %get3A_518, %broadcast_in_dim3A : vector<16xf32>
        %add3A_520 = arith.constant 0 : i32
        %add3A_521 = arith.addi %add3A_520, %add3A_482 : i32
        %swap3A_522 = arith.index_cast %add3A_521 : i32 to index
        %swap3A_523 = tpu.vector_load %arg5[%swap3A_522] masked %ge3A_519 {strides = array<i32>} : memref<3328xf32, #tpu.memory_space<vmem>>, vector<16xf32>, vector<16xi1>
        tpu.vector_store %arg5[%swap3A_522], %get3A_518 masked %ge3A_519 {strides = array<i32>} : memref<3328xf32, #tpu.memory_space<vmem>>, vector<16xf32>, vector<16xi1>
        %all_reduce_population_count3A_524 = tpu.all_reduce %ge3A_519 {dim = 0 : i64, kind = #tpu.reduction_kind<sum>} : vector<16xi1> -> vector<16xi32>
        %slice3A_525 = vector.extract_strided_slice %all_reduce_population_count3A_524 {offsets = [0], sizes = [1], strides = [1]} : vector<16xi32> to vector<1xi32>
        %squeeze3A_526 = vector.extract %slice3A_525[0] : i32 from vector<1xi32>
        %add3A_527 = arith.addi %add3A_482, %squeeze3A_526 : i32
        %get3A_528 = arith.index_cast %add3A_75 : i32 to index
        %get3A_529 = arith.constant 80 : index
        %get3A_530 = tpu.vector_load %arg4[%get3A_528, %get3A_529] {strides = array<i32>} : memref<64x1600xf32, #tpu.memory_space<vmem>>, vector<16xf32>,
        %ge3A_531 = arith.cmpf oge, %get3A_530, %broadcast_in_dim3A : vector<16xf32>
        %add3A_532 = arith.constant 416 : i32
        %add3A_533 = arith.addi %add3A_532, %add3A_493 : i32
        %swap3A_534 = arith.index_cast %add3A_533 : i32 to index
        %swap3A_535 = tpu.vector_load %arg5[%swap3A_534] masked %ge3A_531 {strides = array<i32>} : memref<3328xf32, #tpu.memory_space<vmem>>, vector<16xf32>, vector<16xi1>
        tpu.vector_store %arg5[%swap3A_534], %get3A_530 masked %ge3A_531 {strides = array<i32>} : memref<3328xf32, #tpu.memory_space<vmem>>, vector<16xf32>, vector<16xi1>
        %all_reduce_population_count3A_536 = tpu.all_reduce %ge3A_531 {dim = 0 : i64, kind = #tpu.reduction_kind<sum>} : vector<16xi1> -> vector<16xi32>
        %slice3A_537 = vector.extract_strided_slice %all_reduce_population_count3A_536 {offsets = [0], sizes = [1], strides = [1]} : vector<16xi32> to vector<1xi32>
        %squeeze3A_538 = vector.extract %slice3A_537[0] : i32 from vector<1xi32>
        %add3A_539 = arith.addi %add3A_493, %squeeze3A_538 : i32
        %get3A_540 = arith.index_cast %add3A_75 : i32 to index
        %get3A_541 = arith.constant 96 : index
        %get3A_542 = tpu.vector_load %arg4[%get3A_540, %get3A_541] {strides = array<i32>} : memref<64x1600xf32, #tpu.memory_space<vmem>>, vector<16xf32>,
        %ge3A_543 = arith.cmpf oge, %get3A_542, %broadcast_in_dim3A : vector<16xf32>
        %add3A_544 = arith.constant 832 : i32
        %add3A_545 = arith.addi %add3A_544, %add3A_504 : i32
        %swap3A_546 = arith.index_cast %add3A_545 : i32 to index
        %swap3A_547 = tpu.vector_load %arg5[%swap3A_546] masked %ge3A_543 {strides = array<i32>} : memref<3328xf32, #tpu.memory_space<vmem>>, vector<16xf32>, vector<16xi1>
        tpu.vector_store %arg5[%swap3A_546], %get3A_542 masked %ge3A_543 {strides = array<i32>} : memref<3328xf32, #tpu.memory_space<vmem>>, vector<16xf32>, vector<16xi1>
        %all_reduce_population_count3A_548 = tpu.all_reduce %ge3A_543 {dim = 0 : i64, kind = #tpu.reduction_kind<sum>} : vector<16xi1> -> vector<16xi32>
        %slice3A_549 = vector.extract_strided_slice %all_reduce_population_count3A_548 {offsets = [0], sizes = [1], strides = [1]} : vector<16xi32> to vector<1xi32>
        %squeeze3A_550 = vector.extract %slice3A_549[0] : i32 from vector<1xi32>
        %add3A_551 = arith.addi %add3A_504, %squeeze3A_550 : i32
        %get3A_552 = arith.index_cast %add3A_75 : i32 to index
        %get3A_553 = arith.constant 112 : index
        %get3A_554 = tpu.vector_load %arg4[%get3A_552, %get3A_553] {strides = array<i32>} : memref<64x1600xf32, #tpu.memory_space<vmem>>, vector<16xf32>,
        %ge3A_555 = arith.cmpf oge, %get3A_554, %broadcast_in_dim3A : vector<16xf32>
        %add3A_556 = arith.constant 1248 : i32
        %add3A_557 = arith.addi %add3A_556, %add3A_515 : i32
        %swap3A_558 = arith.index_cast %add3A_557 : i32 to index
        %swap3A_559 = tpu.vector_load %arg5[%swap3A_558] masked %ge3A_555 {strides = array<i32>} : memref<3328xf32, #tpu.memory_space<vmem>>, vector<16xf32>, vector<16xi1>
        tpu.vector_store %arg5[%swap3A_558], %get3A_554 masked %ge3A_555 {strides = array<i32>} : memref<3328xf32, #tpu.memory_space<vmem>>, vector<16xf32>, vector<16xi1>
        %all_reduce_population_count3A_560 = tpu.all_reduce %ge3A_555 {dim = 0 : i64, kind = #tpu.reduction_kind<sum>} : vector<16xi1> -> vector<16xi32>
        %slice3A_561 = vector.extract_strided_slice %all_reduce_population_count3A_560 {offsets = [0], sizes = [1], strides = [1]} : vector<16xi32> to vector<1xi32>
        %squeeze3A_562 = vector.extract %slice3A_561[0] : i32 from vector<1xi32>
        %add3A_563 = arith.addi %add3A_515, %squeeze3A_562 : i32
        %get3A_564 = arith.index_cast %add3A_75 : i32 to index
        %get3A_565 = arith.constant 128 : index
        %get3A_566 = tpu.vector_load %arg4[%get3A_564, %get3A_565] {strides = array<i32>} : memref<64x1600xf32, #tpu.memory_space<vmem>>, vector<16xf32>,
        %ge3A_567 = arith.cmpf oge, %get3A_566, %broadcast_in_dim3A : vector<16xf32>
        %add3A_568 = arith.constant 0 : i32
        %add3A_569 = arith.addi %add3A_568, %add3A_527 : i32
        %swap3A_570 = arith.index_cast %add3A_569 : i32 to index
        %swap3A_571 = tpu.vector_load %arg5[%swap3A_570] masked %ge3A_567 {strides = array<i32>} : memref<3328xf32, #tpu.memory_space<vmem>>, vector<16xf32>, vector<16xi1>
        tpu.vector_store %arg5[%swap3A_570], %get3A_566 masked %ge3A_567 {strides = array<i32>} : memref<3328xf32, #tpu.memory_space<vmem>>, vector<16xf32>, vector<16xi1>
        %all_reduce_population_count3A_572 = tpu.all_reduce %ge3A_567 {dim = 0 : i64, kind = #tpu.reduction_kind<sum>} : vector<16xi1> -> vector<16xi32>
        %slice3A_573 = vector.extract_strided_slice %all_reduce_population_count3A_572 {offsets = [0], sizes = [1], strides = [1]} : vector<16xi32> to vector<1xi32>
        %squeeze3A_574 = vector.extract %slice3A_573[0] : i32 from vector<1xi32>
        %add3A_575 = arith.addi %add3A_527, %squeeze3A_574 : i32
        %get3A_576 = arith.index_cast %add3A_75 : i32 to index
        %get3A_577 = arith.constant 144 : index
        %get3A_578 = tpu.vector_load %arg4[%get3A_576, %get3A_577] {strides = array<i32>} : memref<64x1600xf32, #tpu.memory_space<vmem>>, vector<16xf32>,
        %ge3A_579 = arith.cmpf oge, %get3A_578, %broadcast_in_dim3A : vector<16xf32>
        %add3A_580 = arith.constant 416 : i32
        %add3A_581 = arith.addi %add3A_580, %add3A_539 : i32
        %swap3A_582 = arith.index_cast %add3A_581 : i32 to index
        %swap3A_583 = tpu.vector_load %arg5[%swap3A_582] masked %ge3A_579 {strides = array<i32>} : memref<3328xf32, #tpu.memory_space<vmem>>, vector<16xf32>, vector<16xi1>
        tpu.vector_store %arg5[%swap3A_582], %get3A_578 masked %ge3A_579 {strides = array<i32>} : memref<3328xf32, #tpu.memory_space<vmem>>, vector<16xf32>, vector<16xi1>
        %all_reduce_population_count3A_584 = tpu.all_reduce %ge3A_579 {dim = 0 : i64, kind = #tpu.reduction_kind<sum>} : vector<16xi1> -> vector<16xi32>
        %slice3A_585 = vector.extract_strided_slice %all_reduce_population_count3A_584 {offsets = [0], sizes = [1], strides = [1]} : vector<16xi32> to vector<1xi32>
        %squeeze3A_586 = vector.extract %slice3A_585[0] : i32 from vector<1xi32>
        %add3A_587 = arith.addi %add3A_539, %squeeze3A_586 : i32
        %get3A_588 = arith.index_cast %add3A_75 : i32 to index
        %get3A_589 = arith.constant 160 : index
        %get3A_590 = tpu.vector_load %arg4[%get3A_588, %get3A_589] {strides = array<i32>} : memref<64x1600xf32, #tpu.memory_space<vmem>>, vector<16xf32>,
        %ge3A_591 = arith.cmpf oge, %get3A_590, %broadcast_in_dim3A : vector<16xf32>
        %add3A_592 = arith.constant 832 : i32
        %add3A_593 = arith.addi %add3A_592, %add3A_551 : i32
        %swap3A_594 = arith.index_cast %add3A_593 : i32 to index
        %swap3A_595 = tpu.vector_load %arg5[%swap3A_594] masked %ge3A_591 {strides = array<i32>} : memref<3328xf32, #tpu.memory_space<vmem>>, vector<16xf32>, vector<16xi1>
        tpu.vector_store %arg5[%swap3A_594], %get3A_590 masked %ge3A_591 {strides = array<i32>} : memref<3328xf32, #tpu.memory_space<vmem>>, vector<16xf32>, vector<16xi1>
        %all_reduce_population_count3A_596 = tpu.all_reduce %ge3A_591 {dim = 0 : i64, kind = #tpu.reduction_kind<sum>} : vector<16xi1> -> vector<16xi32>
        %slice3A_597 = vector.extract_strided_slice %all_reduce_population_count3A_596 {offsets = [0], sizes = [1], strides = [1]} : vector<16xi32> to vector<1xi32>
        %squeeze3A_598 = vector.extract %slice3A_597[0] : i32 from vector<1xi32>
        %add3A_599 = arith.addi %add3A_551, %squeeze3A_598 : i32
        %get3A_600 = arith.index_cast %add3A_75 : i32 to index
        %get3A_601 = arith.constant 176 : index
        %get3A_602 = tpu.vector_load %arg4[%get3A_600, %get3A_601] {strides = array<i32>} : memref<64x1600xf32, #tpu.memory_space<vmem>>, vector<16xf32>,
        %ge3A_603 = arith.cmpf oge, %get3A_602, %broadcast_in_dim3A : vector<16xf32>
        %add3A_604 = arith.constant 1248 : i32
        %add3A_605 = arith.addi %add3A_604, %add3A_563 : i32
        %swap3A_606 = arith.index_cast %add3A_605 : i32 to index
        %swap3A_607 = tpu.vector_load %arg5[%swap3A_606] masked %ge3A_603 {strides = array<i32>} : memref<3328xf32, #tpu.memory_space<vmem>>, vector<16xf32>, vector<16xi1>
        tpu.vector_store %arg5[%swap3A_606], %get3A_602 masked %ge3A_603 {strides = array<i32>} : memref<3328xf32, #tpu.memory_space<vmem>>, vector<16xf32>, vector<16xi1>
        %all_reduce_population_count3A_608 = tpu.all_reduce %ge3A_603 {dim = 0 : i64, kind = #tpu.reduction_kind<sum>} : vector<16xi1> -> vector<16xi32>
        %slice3A_609 = vector.extract_strided_slice %all_reduce_population_count3A_608 {offsets = [0], sizes = [1], strides = [1]} : vector<16xi32> to vector<1xi32>
        %squeeze3A_610 = vector.extract %slice3A_609[0] : i32 from vector<1xi32>
        %add3A_611 = arith.addi %add3A_563, %squeeze3A_610 : i32
        %get3A_612 = arith.index_cast %add3A_75 : i32 to index
        %get3A_613 = arith.constant 192 : index
        %get3A_614 = tpu.vector_load %arg4[%get3A_612, %get3A_613] {strides = array<i32>} : memref<64x1600xf32, #tpu.memory_space<vmem>>, vector<16xf32>,
        %ge3A_615 = arith.cmpf oge, %get3A_614, %broadcast_in_dim3A : vector<16xf32>
        %add3A_616 = arith.constant 0 : i32
        %add3A_617 = arith.addi %add3A_616, %add3A_575 : i32
        %swap3A_618 = arith.index_cast %add3A_617 : i32 to index
        %swap3A_619 = tpu.vector_load %arg5[%swap3A_618] masked %ge3A_615 {strides = array<i32>} : memref<3328xf32, #tpu.memory_space<vmem>>, vector<16xf32>, vector<16xi1>
        tpu.vector_store %arg5[%swap3A_618], %get3A_614 masked %ge3A_615 {strides = array<i32>} : memref<3328xf32, #tpu.memory_space<vmem>>, vector<16xf32>, vector<16xi1>
        %all_reduce_population_count3A_620 = tpu.all_reduce %ge3A_615 {dim = 0 : i64, kind = #tpu.reduction_kind<sum>} : vector<16xi1> -> vector<16xi32>
        %slice3A_621 = vector.extract_strided_slice %all_reduce_population_count3A_620 {offsets = [0], sizes = [1], strides = [1]} : vector<16xi32> to vector<1xi32>
        %squeeze3A_622 = vector.extract %slice3A_621[0] : i32 from vector<1xi32>
        %add3A_623 = arith.addi %add3A_575, %squeeze3A_622 : i32
        %get3A_624 = arith.index_cast %add3A_75 : i32 to index
        %get3A_625 = arith.constant 208 : index
        %get3A_626 = tpu.vector_load %arg4[%get3A_624, %get3A_625] {strides = array<i32>} : memref<64x1600xf32, #tpu.memory_space<vmem>>, vector<16xf32>,
        %ge3A_627 = arith.cmpf oge, %get3A_626, %broadcast_in_dim3A : vector<16xf32>
        %add3A_628 = arith.constant 416 : i32
        %add3A_629 = arith.addi %add3A_628, %add3A_587 : i32
        %swap3A_630 = arith.index_cast %add3A_629 : i32 to index
        %swap3A_631 = tpu.vector_load %arg5[%swap3A_630] masked %ge3A_627 {strides = array<i32>} : memref<3328xf32, #tpu.memory_space<vmem>>, vector<16xf32>, vector<16xi1>
        tpu.vector_store %arg5[%swap3A_630], %get3A_626 masked %ge3A_627 {strides = array<i32>} : memref<3328xf32, #tpu.memory_space<vmem>>, vector<16xf32>, vector<16xi1>
        %all_reduce_population_count3A_632 = tpu.all_reduce %ge3A_627 {dim = 0 : i64, kind = #tpu.reduction_kind<sum>} : vector<16xi1> -> vector<16xi32>
        %slice3A_633 = vector.extract_strided_slice %all_reduce_population_count3A_632 {offsets = [0], sizes = [1], strides = [1]} : vector<16xi32> to vector<1xi32>
        %squeeze3A_634 = vector.extract %slice3A_633[0] : i32 from vector<1xi32>
        %add3A_635 = arith.addi %add3A_587, %squeeze3A_634 : i32
        %get3A_636 = arith.index_cast %add3A_75 : i32 to index
        %get3A_637 = arith.constant 224 : index
        %get3A_638 = tpu.vector_load %arg4[%get3A_636, %get3A_637] {strides = array<i32>} : memref<64x1600xf32, #tpu.memory_space<vmem>>, vector<16xf32>,
        %ge3A_639 = arith.cmpf oge, %get3A_638, %broadcast_in_dim3A : vector<16xf32>
        %add3A_640 = arith.constant 832 : i32
        %add3A_641 = arith.addi %add3A_640, %add3A_599 : i32
        %swap3A_642 = arith.index_cast %add3A_641 : i32 to index
        %swap3A_643 = tpu.vector_load %arg5[%swap3A_642] masked %ge3A_639 {strides = array<i32>} : memref<3328xf32, #tpu.memory_space<vmem>>, vector<16xf32>, vector<16xi1>
        tpu.vector_store %arg5[%swap3A_642], %get3A_638 masked %ge3A_639 {strides = array<i32>} : memref<3328xf32, #tpu.memory_space<vmem>>, vector<16xf32>, vector<16xi1>
        %all_reduce_population_count3A_644 = tpu.all_reduce %ge3A_639 {dim = 0 : i64, kind = #tpu.reduction_kind<sum>} : vector<16xi1> -> vector<16xi32>
        %slice3A_645 = vector.extract_strided_slice %all_reduce_population_count3A_644 {offsets = [0], sizes = [1], strides = [1]} : vector<16xi32> to vector<1xi32>
        %squeeze3A_646 = vector.extract %slice3A_645[0] : i32 from vector<1xi32>
        %add3A_647 = arith.addi %add3A_599, %squeeze3A_646 : i32
        %get3A_648 = arith.index_cast %add3A_75 : i32 to index
        %get3A_649 = arith.constant 240 : index
        %get3A_650 = tpu.vector_load %arg4[%get3A_648, %get3A_649] {strides = array<i32>} : memref<64x1600xf32, #tpu.memory_space<vmem>>, vector<16xf32>,
        %ge3A_651 = arith.cmpf oge, %get3A_650, %broadcast_in_dim3A : vector<16xf32>
        %add3A_652 = arith.constant 1248 : i32
        %add3A_653 = arith.addi %add3A_652, %add3A_611 : i32
        %swap3A_654 = arith.index_cast %add3A_653 : i32 to index
        %swap3A_655 = tpu.vector_load %arg5[%swap3A_654] masked %ge3A_651 {strides = array<i32>} : memref<3328xf32, #tpu.memory_space<vmem>>, vector<16xf32>, vector<16xi1>
        tpu.vector_store %arg5[%swap3A_654], %get3A_650 masked %ge3A_651 {strides = array<i32>} : memref<3328xf32, #tpu.memory_space<vmem>>, vector<16xf32>, vector<16xi1>
        %all_reduce_population_count3A_656 = tpu.all_reduce %ge3A_651 {dim = 0 : i64, kind = #tpu.reduction_kind<sum>} : vector<16xi1> -> vector<16xi32>
        %slice3A_657 = vector.extract_strided_slice %all_reduce_population_count3A_656 {offsets = [0], sizes = [1], strides = [1]} : vector<16xi32> to vector<1xi32>
        %squeeze3A_658 = vector.extract %slice3A_657[0] : i32 from vector<1xi32>
        %add3A_659 = arith.addi %add3A_611, %squeeze3A_658 : i32
        %get3A_660 = arith.index_cast %add3A_75 : i32 to index
        %get3A_661 = arith.constant 256 : index
        %get3A_662 = tpu.vector_load %arg4[%get3A_660, %get3A_661] {strides = array<i32>} : memref<64x1600xf32, #tpu.memory_space<vmem>>, vector<16xf32>,
        %ge3A_663 = arith.cmpf oge, %get3A_662, %broadcast_in_dim3A : vector<16xf32>
        %add3A_664 = arith.constant 0 : i32
        %add3A_665 = arith.addi %add3A_664, %add3A_623 : i32
        %swap3A_666 = arith.index_cast %add3A_665 : i32 to index
        %swap3A_667 = tpu.vector_load %arg5[%swap3A_666] masked %ge3A_663 {strides = array<i32>} : memref<3328xf32, #tpu.memory_space<vmem>>, vector<16xf32>, vector<16xi1>
        tpu.vector_store %arg5[%swap3A_666], %get3A_662 masked %ge3A_663 {strides = array<i32>} : memref<3328xf32, #tpu.memory_space<vmem>>, vector<16xf32>, vector<16xi1>
        %all_reduce_population_count3A_668 = tpu.all_reduce %ge3A_663 {dim = 0 : i64, kind = #tpu.reduction_kind<sum>} : vector<16xi1> -> vector<16xi32>
        %slice3A_669 = vector.extract_strided_slice %all_reduce_population_count3A_668 {offsets = [0], sizes = [1], strides = [1]} : vector<16xi32> to vector<1xi32>
        %squeeze3A_670 = vector.extract %slice3A_669[0] : i32 from vector<1xi32>
        %add3A_671 = arith.addi %add3A_623, %squeeze3A_670 : i32
        %get3A_672 = arith.index_cast %add3A_75 : i32 to index
        %get3A_673 = arith.constant 272 : index
        %get3A_674 = tpu.vector_load %arg4[%get3A_672, %get3A_673] {strides = array<i32>} : memref<64x1600xf32, #tpu.memory_space<vmem>>, vector<16xf32>,
        %ge3A_675 = arith.cmpf oge, %get3A_674, %broadcast_in_dim3A : vector<16xf32>
        %add3A_676 = arith.constant 416 : i32
        %add3A_677 = arith.addi %add3A_676, %add3A_635 : i32
        %swap3A_678 = arith.index_cast %add3A_677 : i32 to index
        %swap3A_679 = tpu.vector_load %arg5[%swap3A_678] masked %ge3A_675 {strides = array<i32>} : memref<3328xf32, #tpu.memory_space<vmem>>, vector<16xf32>, vector<16xi1>
        tpu.vector_store %arg5[%swap3A_678], %get3A_674 masked %ge3A_675 {strides = array<i32>} : memref<3328xf32, #tpu.memory_space<vmem>>, vector<16xf32>, vector<16xi1>
        %all_reduce_population_count3A_680 = tpu.all_reduce %ge3A_675 {dim = 0 : i64, kind = #tpu.reduction_kind<sum>} : vector<16xi1> -> vector<16xi32>
        %slice3A_681 = vector.extract_strided_slice %all_reduce_population_count3A_680 {offsets = [0], sizes = [1], strides = [1]} : vector<16xi32> to vector<1xi32>
        %squeeze3A_682 = vector.extract %slice3A_681[0] : i32 from vector<1xi32>
        %add3A_683 = arith.addi %add3A_635, %squeeze3A_682 : i32
        %get3A_684 = arith.index_cast %add3A_75 : i32 to index
        %get3A_685 = arith.constant 288 : index
        %get3A_686 = tpu.vector_load %arg4[%get3A_684, %get3A_685] {strides = array<i32>} : memref<64x1600xf32, #tpu.memory_space<vmem>>, vector<16xf32>,
        %ge3A_687 = arith.cmpf oge, %get3A_686, %broadcast_in_dim3A : vector<16xf32>
        %add3A_688 = arith.constant 832 : i32
        %add3A_689 = arith.addi %add3A_688, %add3A_647 : i32
        %swap3A_690 = arith.index_cast %add3A_689 : i32 to index
        %swap3A_691 = tpu.vector_load %arg5[%swap3A_690] masked %ge3A_687 {strides = array<i32>} : memref<3328xf32, #tpu.memory_space<vmem>>, vector<16xf32>, vector<16xi1>
        tpu.vector_store %arg5[%swap3A_690], %get3A_686 masked %ge3A_687 {strides = array<i32>} : memref<3328xf32, #tpu.memory_space<vmem>>, vector<16xf32>, vector<16xi1>
        %all_reduce_population_count3A_692 = tpu.all_reduce %ge3A_687 {dim = 0 : i64, kind = #tpu.reduction_kind<sum>} : vector<16xi1> -> vector<16xi32>
        %slice3A_693 = vector.extract_strided_slice %all_reduce_population_count3A_692 {offsets = [0], sizes = [1], strides = [1]} : vector<16xi32> to vector<1xi32>
        %squeeze3A_694 = vector.extract %slice3A_693[0] : i32 from vector<1xi32>
        %add3A_695 = arith.addi %add3A_647, %squeeze3A_694 : i32
        %get3A_696 = arith.index_cast %add3A_75 : i32 to index
        %get3A_697 = arith.constant 304 : index
        %get3A_698 = tpu.vector_load %arg4[%get3A_696, %get3A_697] {strides = array<i32>} : memref<64x1600xf32, #tpu.memory_space<vmem>>, vector<16xf32>,
        %ge3A_699 = arith.cmpf oge, %get3A_698, %broadcast_in_dim3A : vector<16xf32>
        %add3A_700 = arith.constant 1248 : i32
        %add3A_701 = arith.addi %add3A_700, %add3A_659 : i32
        %swap3A_702 = arith.index_cast %add3A_701 : i32 to index
        %swap3A_703 = tpu.vector_load %arg5[%swap3A_702] masked %ge3A_699 {strides = array<i32>} : memref<3328xf32, #tpu.memory_space<vmem>>, vector<16xf32>, vector<16xi1>
        tpu.vector_store %arg5[%swap3A_702], %get3A_698 masked %ge3A_699 {strides = array<i32>} : memref<3328xf32, #tpu.memory_space<vmem>>, vector<16xf32>, vector<16xi1>
        %all_reduce_population_count3A_704 = tpu.all_reduce %ge3A_699 {dim = 0 : i64, kind = #tpu.reduction_kind<sum>} : vector<16xi1> -> vector<16xi32>
        %slice3A_705 = vector.extract_strided_slice %all_reduce_population_count3A_704 {offsets = [0], sizes = [1], strides = [1]} : vector<16xi32> to vector<1xi32>
        %squeeze3A_706 = vector.extract %slice3A_705[0] : i32 from vector<1xi32>
        %add3A_707 = arith.addi %add3A_659, %squeeze3A_706 : i32
        %get3A_708 = arith.index_cast %add3A_75 : i32 to index
        %get3A_709 = arith.constant 320 : index
        %get3A_710 = tpu.vector_load %arg4[%get3A_708, %get3A_709] {strides = array<i32>} : memref<64x1600xf32, #tpu.memory_space<vmem>>, vector<16xf32>,
        %ge3A_711 = arith.cmpf oge, %get3A_710, %broadcast_in_dim3A : vector<16xf32>
        %add3A_712 = arith.constant 0 : i32
        %add3A_713 = arith.addi %add3A_712, %add3A_671 : i32
        %swap3A_714 = arith.index_cast %add3A_713 : i32 to index
        %swap3A_715 = tpu.vector_load %arg5[%swap3A_714] masked %ge3A_711 {strides = array<i32>} : memref<3328xf32, #tpu.memory_space<vmem>>, vector<16xf32>, vector<16xi1>
        tpu.vector_store %arg5[%swap3A_714], %get3A_710 masked %ge3A_711 {strides = array<i32>} : memref<3328xf32, #tpu.memory_space<vmem>>, vector<16xf32>, vector<16xi1>
        %all_reduce_population_count3A_716 = tpu.all_reduce %ge3A_711 {dim = 0 : i64, kind = #tpu.reduction_kind<sum>} : vector<16xi1> -> vector<16xi32>
        %slice3A_717 = vector.extract_strided_slice %all_reduce_population_count3A_716 {offsets = [0], sizes = [1], strides = [1]} : vector<16xi32> to vector<1xi32>
        %squeeze3A_718 = vector.extract %slice3A_717[0] : i32 from vector<1xi32>
        %add3A_719 = arith.addi %add3A_671, %squeeze3A_718 : i32
        %get3A_720 = arith.index_cast %add3A_75 : i32 to index
        %get3A_721 = arith.constant 336 : index
        %get3A_722 = tpu.vector_load %arg4[%get3A_720, %get3A_721] {strides = array<i32>} : memref<64x1600xf32, #tpu.memory_space<vmem>>, vector<16xf32>,
        %ge3A_723 = arith.cmpf oge, %get3A_722, %broadcast_in_dim3A : vector<16xf32>
        %add3A_724 = arith.constant 416 : i32
        %add3A_725 = arith.addi %add3A_724, %add3A_683 : i32
        %swap3A_726 = arith.index_cast %add3A_725 : i32 to index
        %swap3A_727 = tpu.vector_load %arg5[%swap3A_726] masked %ge3A_723 {strides = array<i32>} : memref<3328xf32, #tpu.memory_space<vmem>>, vector<16xf32>, vector<16xi1>
        tpu.vector_store %arg5[%swap3A_726], %get3A_722 masked %ge3A_723 {strides = array<i32>} : memref<3328xf32, #tpu.memory_space<vmem>>, vector<16xf32>, vector<16xi1>
        %all_reduce_population_count3A_728 = tpu.all_reduce %ge3A_723 {dim = 0 : i64, kind = #tpu.reduction_kind<sum>} : vector<16xi1> -> vector<16xi32>
        %slice3A_729 = vector.extract_strided_slice %all_reduce_population_count3A_728 {offsets = [0], sizes = [1], strides = [1]} : vector<16xi32> to vector<1xi32>
        %squeeze3A_730 = vector.extract %slice3A_729[0] : i32 from vector<1xi32>
        %add3A_731 = arith.addi %add3A_683, %squeeze3A_730 : i32
        %get3A_732 = arith.index_cast %add3A_75 : i32 to index
        %get3A_733 = arith.constant 352 : index
        %get3A_734 = tpu.vector_load %arg4[%get3A_732, %get3A_733] {strides = array<i32>} : memref<64x1600xf32, #tpu.memory_space<vmem>>, vector<16xf32>,
        %ge3A_735 = arith.cmpf oge, %get3A_734, %broadcast_in_dim3A : vector<16xf32>
        %add3A_736 = arith.constant 832 : i32
        %add3A_737 = arith.addi %add3A_736, %add3A_695 : i32
        %swap3A_738 = arith.index_cast %add3A_737 : i32 to index
        %swap3A_739 = tpu.vector_load %arg5[%swap3A_738] masked %ge3A_735 {strides = array<i32>} : memref<3328xf32, #tpu.memory_space<vmem>>, vector<16xf32>, vector<16xi1>
        tpu.vector_store %arg5[%swap3A_738], %get3A_734 masked %ge3A_735 {strides = array<i32>} : memref<3328xf32, #tpu.memory_space<vmem>>, vector<16xf32>, vector<16xi1>
        %all_reduce_population_count3A_740 = tpu.all_reduce %ge3A_735 {dim = 0 : i64, kind = #tpu.reduction_kind<sum>} : vector<16xi1> -> vector<16xi32>
        %slice3A_741 = vector.extract_strided_slice %all_reduce_population_count3A_740 {offsets = [0], sizes = [1], strides = [1]} : vector<16xi32> to vector<1xi32>
        %squeeze3A_742 = vector.extract %slice3A_741[0] : i32 from vector<1xi32>
        %add3A_743 = arith.addi %add3A_695, %squeeze3A_742 : i32
        %get3A_744 = arith.index_cast %add3A_75 : i32 to index
        %get3A_745 = arith.constant 368 : index
        %get3A_746 = tpu.vector_load %arg4[%get3A_744, %get3A_745] {strides = array<i32>} : memref<64x1600xf32, #tpu.memory_space<vmem>>, vector<16xf32>,
        %ge3A_747 = arith.cmpf oge, %get3A_746, %broadcast_in_dim3A : vector<16xf32>
        %add3A_748 = arith.constant 1248 : i32
        %add3A_749 = arith.addi %add3A_748, %add3A_707 : i32
        %swap3A_750 = arith.index_cast %add3A_749 : i32 to index
        %swap3A_751 = tpu.vector_load %arg5[%swap3A_750] masked %ge3A_747 {strides = array<i32>} : memref<3328xf32, #tpu.memory_space<vmem>>, vector<16xf32>, vector<16xi1>
        tpu.vector_store %arg5[%swap3A_750], %get3A_746 masked %ge3A_747 {strides = array<i32>} : memref<3328xf32, #tpu.memory_space<vmem>>, vector<16xf32>, vector<16xi1>
        %all_reduce_population_count3A_752 = tpu.all_reduce %ge3A_747 {dim = 0 : i64, kind = #tpu.reduction_kind<sum>} : vector<16xi1> -> vector<16xi32>
        %slice3A_753 = vector.extract_strided_slice %all_reduce_population_count3A_752 {offsets = [0], sizes = [1], strides = [1]} : vector<16xi32> to vector<1xi32>
        %squeeze3A_754 = vector.extract %slice3A_753[0] : i32 from vector<1xi32>
        %add3A_755 = arith.addi %add3A_707, %squeeze3A_754 : i32
        %get3A_756 = arith.index_cast %add3A_75 : i32 to index
        %get3A_757 = arith.constant 384 : index
        %get3A_758 = tpu.vector_load %arg4[%get3A_756, %get3A_757] {strides = array<i32>} : memref<64x1600xf32, #tpu.memory_space<vmem>>, vector<16xf32>,
        %ge3A_759 = arith.cmpf oge, %get3A_758, %broadcast_in_dim3A : vector<16xf32>
        %add3A_760 = arith.constant 0 : i32
        %add3A_761 = arith.addi %add3A_760, %add3A_719 : i32
        %swap3A_762 = arith.index_cast %add3A_761 : i32 to index
        %swap3A_763 = tpu.vector_load %arg5[%swap3A_762] masked %ge3A_759 {strides = array<i32>} : memref<3328xf32, #tpu.memory_space<vmem>>, vector<16xf32>, vector<16xi1>
        tpu.vector_store %arg5[%swap3A_762], %get3A_758 masked %ge3A_759 {strides = array<i32>} : memref<3328xf32, #tpu.memory_space<vmem>>, vector<16xf32>, vector<16xi1>
        %all_reduce_population_count3A_764 = tpu.all_reduce %ge3A_759 {dim = 0 : i64, kind = #tpu.reduction_kind<sum>} : vector<16xi1> -> vector<16xi32>
        %slice3A_765 = vector.extract_strided_slice %all_reduce_population_count3A_764 {offsets = [0], sizes = [1], strides = [1]} : vector<16xi32> to vector<1xi32>
        %squeeze3A_766 = vector.extract %slice3A_765[0] : i32 from vector<1xi32>
        %add3A_767 = arith.addi %add3A_719, %squeeze3A_766 : i32
        %get3A_768 = arith.index_cast %add3A_75 : i32 to index
        %get3A_769 = arith.constant 400 : index
        %get3A_770 = tpu.vector_load %arg4[%get3A_768, %get3A_769] {strides = array<i32>} : memref<64x1600xf32, #tpu.memory_space<vmem>>, vector<16xf32>,
        %ge3A_771 = arith.cmpf oge, %get3A_770, %broadcast_in_dim3A : vector<16xf32>
        %add3A_772 = arith.constant 416 : i32
        %add3A_773 = arith.addi %add3A_772, %add3A_731 : i32
        %swap3A_774 = arith.index_cast %add3A_773 : i32 to index
        %swap3A_775 = tpu.vector_load %arg5[%swap3A_774] masked %ge3A_771 {strides = array<i32>} : memref<3328xf32, #tpu.memory_space<vmem>>, vector<16xf32>, vector<16xi1>
        tpu.vector_store %arg5[%swap3A_774], %get3A_770 masked %ge3A_771 {strides = array<i32>} : memref<3328xf32, #tpu.memory_space<vmem>>, vector<16xf32>, vector<16xi1>
        %all_reduce_population_count3A_776 = tpu.all_reduce %ge3A_771 {dim = 0 : i64, kind = #tpu.reduction_kind<sum>} : vector<16xi1> -> vector<16xi32>
        %slice3A_777 = vector.extract_strided_slice %all_reduce_population_count3A_776 {offsets = [0], sizes = [1], strides = [1]} : vector<16xi32> to vector<1xi32>
        %squeeze3A_778 = vector.extract %slice3A_777[0] : i32 from vector<1xi32>
        %add3A_779 = arith.addi %add3A_731, %squeeze3A_778 : i32
        %get3A_780 = arith.index_cast %add3A_75 : i32 to index
        %get3A_781 = arith.constant 416 : index
        %get3A_782 = tpu.vector_load %arg4[%get3A_780, %get3A_781] {strides = array<i32>} : memref<64x1600xf32, #tpu.memory_space<vmem>>, vector<16xf32>,
        %ge3A_783 = arith.cmpf oge, %get3A_782, %broadcast_in_dim3A : vector<16xf32>
        %add3A_784 = arith.constant 832 : i32
        %add3A_785 = arith.addi %add3A_784, %add3A_743 : i32
        %swap3A_786 = arith.index_cast %add3A_785 : i32 to index
        %swap3A_787 = tpu.vector_load %arg5[%swap3A_786] masked %ge3A_783 {strides = array<i32>} : memref<3328xf32, #tpu.memory_space<vmem>>, vector<16xf32>, vector<16xi1>
        tpu.vector_store %arg5[%swap3A_786], %get3A_782 masked %ge3A_783 {strides = array<i32>} : memref<3328xf32, #tpu.memory_space<vmem>>, vector<16xf32>, vector<16xi1>
        %all_reduce_population_count3A_788 = tpu.all_reduce %ge3A_783 {dim = 0 : i64, kind = #tpu.reduction_kind<sum>} : vector<16xi1> -> vector<16xi32>
        %slice3A_789 = vector.extract_strided_slice %all_reduce_population_count3A_788 {offsets = [0], sizes = [1], strides = [1]} : vector<16xi32> to vector<1xi32>
        %squeeze3A_790 = vector.extract %slice3A_789[0] : i32 from vector<1xi32>
        %add3A_791 = arith.addi %add3A_743, %squeeze3A_790 : i32
        %get3A_792 = arith.index_cast %add3A_75 : i32 to index
        %get3A_793 = arith.constant 432 : index
        %get3A_794 = tpu.vector_load %arg4[%get3A_792, %get3A_793] {strides = array<i32>} : memref<64x1600xf32, #tpu.memory_space<vmem>>, vector<16xf32>,
        %ge3A_795 = arith.cmpf oge, %get3A_794, %broadcast_in_dim3A : vector<16xf32>
        %add3A_796 = arith.constant 1248 : i32
        %add3A_797 = arith.addi %add3A_796, %add3A_755 : i32
        %swap3A_798 = arith.index_cast %add3A_797 : i32 to index
        %swap3A_799 = tpu.vector_load %arg5[%swap3A_798] masked %ge3A_795 {strides = array<i32>} : memref<3328xf32, #tpu.memory_space<vmem>>, vector<16xf32>, vector<16xi1>
        tpu.vector_store %arg5[%swap3A_798], %get3A_794 masked %ge3A_795 {strides = array<i32>} : memref<3328xf32, #tpu.memory_space<vmem>>, vector<16xf32>, vector<16xi1>
        %all_reduce_population_count3A_800 = tpu.all_reduce %ge3A_795 {dim = 0 : i64, kind = #tpu.reduction_kind<sum>} : vector<16xi1> -> vector<16xi32>
        %slice3A_801 = vector.extract_strided_slice %all_reduce_population_count3A_800 {offsets = [0], sizes = [1], strides = [1]} : vector<16xi32> to vector<1xi32>
        %squeeze3A_802 = vector.extract %slice3A_801[0] : i32 from vector<1xi32>
        %add3A_803 = arith.addi %add3A_755, %squeeze3A_802 : i32
        %get3A_804 = arith.index_cast %add3A_75 : i32 to index
        %get3A_805 = arith.constant 448 : index
        %get3A_806 = tpu.vector_load %arg4[%get3A_804, %get3A_805] {strides = array<i32>} : memref<64x1600xf32, #tpu.memory_space<vmem>>, vector<16xf32>,
        %ge3A_807 = arith.cmpf oge, %get3A_806, %broadcast_in_dim3A : vector<16xf32>
        %add3A_808 = arith.constant 0 : i32
        %add3A_809 = arith.addi %add3A_808, %add3A_767 : i32
        %swap3A_810 = arith.index_cast %add3A_809 : i32 to index
        %swap3A_811 = tpu.vector_load %arg5[%swap3A_810] masked %ge3A_807 {strides = array<i32>} : memref<3328xf32, #tpu.memory_space<vmem>>, vector<16xf32>, vector<16xi1>
        tpu.vector_store %arg5[%swap3A_810], %get3A_806 masked %ge3A_807 {strides = array<i32>} : memref<3328xf32, #tpu.memory_space<vmem>>, vector<16xf32>, vector<16xi1>
        %all_reduce_population_count3A_812 = tpu.all_reduce %ge3A_807 {dim = 0 : i64, kind = #tpu.reduction_kind<sum>} : vector<16xi1> -> vector<16xi32>
        %slice3A_813 = vector.extract_strided_slice %all_reduce_population_count3A_812 {offsets = [0], sizes = [1], strides = [1]} : vector<16xi32> to vector<1xi32>
        %squeeze3A_814 = vector.extract %slice3A_813[0] : i32 from vector<1xi32>
        %add3A_815 = arith.addi %add3A_767, %squeeze3A_814 : i32
        %get3A_816 = arith.index_cast %add3A_75 : i32 to index
        %get3A_817 = arith.constant 464 : index
        %get3A_818 = tpu.vector_load %arg4[%get3A_816, %get3A_817] {strides = array<i32>} : memref<64x1600xf32, #tpu.memory_space<vmem>>, vector<16xf32>,
        %ge3A_819 = arith.cmpf oge, %get3A_818, %broadcast_in_dim3A : vector<16xf32>
        %add3A_820 = arith.constant 416 : i32
        %add3A_821 = arith.addi %add3A_820, %add3A_779 : i32
        %swap3A_822 = arith.index_cast %add3A_821 : i32 to index
        %swap3A_823 = tpu.vector_load %arg5[%swap3A_822] masked %ge3A_819 {strides = array<i32>} : memref<3328xf32, #tpu.memory_space<vmem>>, vector<16xf32>, vector<16xi1>
        tpu.vector_store %arg5[%swap3A_822], %get3A_818 masked %ge3A_819 {strides = array<i32>} : memref<3328xf32, #tpu.memory_space<vmem>>, vector<16xf32>, vector<16xi1>
        %all_reduce_population_count3A_824 = tpu.all_reduce %ge3A_819 {dim = 0 : i64, kind = #tpu.reduction_kind<sum>} : vector<16xi1> -> vector<16xi32>
        %slice3A_825 = vector.extract_strided_slice %all_reduce_population_count3A_824 {offsets = [0], sizes = [1], strides = [1]} : vector<16xi32> to vector<1xi32>
        %squeeze3A_826 = vector.extract %slice3A_825[0] : i32 from vector<1xi32>
        %add3A_827 = arith.addi %add3A_779, %squeeze3A_826 : i32
        %get3A_828 = arith.index_cast %add3A_75 : i32 to index
        %get3A_829 = arith.constant 480 : index
        %get3A_830 = tpu.vector_load %arg4[%get3A_828, %get3A_829] {strides = array<i32>} : memref<64x1600xf32, #tpu.memory_space<vmem>>, vector<16xf32>,
        %ge3A_831 = arith.cmpf oge, %get3A_830, %broadcast_in_dim3A : vector<16xf32>
        %add3A_832 = arith.constant 832 : i32
        %add3A_833 = arith.addi %add3A_832, %add3A_791 : i32
        %swap3A_834 = arith.index_cast %add3A_833 : i32 to index
        %swap3A_835 = tpu.vector_load %arg5[%swap3A_834] masked %ge3A_831 {strides = array<i32>} : memref<3328xf32, #tpu.memory_space<vmem>>, vector<16xf32>, vector<16xi1>
        tpu.vector_store %arg5[%swap3A_834], %get3A_830 masked %ge3A_831 {strides = array<i32>} : memref<3328xf32, #tpu.memory_space<vmem>>, vector<16xf32>, vector<16xi1>
        %all_reduce_population_count3A_836 = tpu.all_reduce %ge3A_831 {dim = 0 : i64, kind = #tpu.reduction_kind<sum>} : vector<16xi1> -> vector<16xi32>
        %slice3A_837 = vector.extract_strided_slice %all_reduce_population_count3A_836 {offsets = [0], sizes = [1], strides = [1]} : vector<16xi32> to vector<1xi32>
        %squeeze3A_838 = vector.extract %slice3A_837[0] : i32 from vector<1xi32>
        %add3A_839 = arith.addi %add3A_791, %squeeze3A_838 : i32
        %get3A_840 = arith.index_cast %add3A_75 : i32 to index
        %get3A_841 = arith.constant 496 : index
        %get3A_842 = tpu.vector_load %arg4[%get3A_840, %get3A_841] {strides = array<i32>} : memref<64x1600xf32, #tpu.memory_space<vmem>>, vector<16xf32>,
        %ge3A_843 = arith.cmpf oge, %get3A_842, %broadcast_in_dim3A : vector<16xf32>
        %add3A_844 = arith.constant 1248 : i32
        %add3A_845 = arith.addi %add3A_844, %add3A_803 : i32
        %swap3A_846 = arith.index_cast %add3A_845 : i32 to index
        %swap3A_847 = tpu.vector_load %arg5[%swap3A_846] masked %ge3A_843 {strides = array<i32>} : memref<3328xf32, #tpu.memory_space<vmem>>, vector<16xf32>, vector<16xi1>
        tpu.vector_store %arg5[%swap3A_846], %get3A_842 masked %ge3A_843 {strides = array<i32>} : memref<3328xf32, #tpu.memory_space<vmem>>, vector<16xf32>, vector<16xi1>
        %all_reduce_population_count3A_848 = tpu.all_reduce %ge3A_843 {dim = 0 : i64, kind = #tpu.reduction_kind<sum>} : vector<16xi1> -> vector<16xi32>
        %slice3A_849 = vector.extract_strided_slice %all_reduce_population_count3A_848 {offsets = [0], sizes = [1], strides = [1]} : vector<16xi32> to vector<1xi32>
        %squeeze3A_850 = vector.extract %slice3A_849[0] : i32 from vector<1xi32>
        %add3A_851 = arith.addi %add3A_803, %squeeze3A_850 : i32
        %get3A_852 = arith.index_cast %add3A_75 : i32 to index
        %get3A_853 = arith.constant 512 : index
        %get3A_854 = tpu.vector_load %arg4[%get3A_852, %get3A_853] {strides = array<i32>} : memref<64x1600xf32, #tpu.memory_space<vmem>>, vector<16xf32>,
        %ge3A_855 = arith.cmpf oge, %get3A_854, %broadcast_in_dim3A : vector<16xf32>
        %add3A_856 = arith.constant 0 : i32
        %add3A_857 = arith.addi %add3A_856, %add3A_815 : i32
        %swap3A_858 = arith.index_cast %add3A_857 : i32 to index
        %swap3A_859 = tpu.vector_load %arg5[%swap3A_858] masked %ge3A_855 {strides = array<i32>} : memref<3328xf32, #tpu.memory_space<vmem>>, vector<16xf32>, vector<16xi1>
        tpu.vector_store %arg5[%swap3A_858], %get3A_854 masked %ge3A_855 {strides = array<i32>} : memref<3328xf32, #tpu.memory_space<vmem>>, vector<16xf32>, vector<16xi1>
        %all_reduce_population_count3A_860 = tpu.all_reduce %ge3A_855 {dim = 0 : i64, kind = #tpu.reduction_kind<sum>} : vector<16xi1> -> vector<16xi32>
        %slice3A_861 = vector.extract_strided_slice %all_reduce_population_count3A_860 {offsets = [0], sizes = [1], strides = [1]} : vector<16xi32> to vector<1xi32>
        %squeeze3A_862 = vector.extract %slice3A_861[0] : i32 from vector<1xi32>
        %add3A_863 = arith.addi %add3A_815, %squeeze3A_862 : i32
        %get3A_864 = arith.index_cast %add3A_75 : i32 to index
        %get3A_865 = arith.constant 528 : index
        %get3A_866 = tpu.vector_load %arg4[%get3A_864, %get3A_865] {strides = array<i32>} : memref<64x1600xf32, #tpu.memory_space<vmem>>, vector<16xf32>,
        %ge3A_867 = arith.cmpf oge, %get3A_866, %broadcast_in_dim3A : vector<16xf32>
        %add3A_868 = arith.constant 416 : i32
        %add3A_869 = arith.addi %add3A_868, %add3A_827 : i32
        %swap3A_870 = arith.index_cast %add3A_869 : i32 to index
        %swap3A_871 = tpu.vector_load %arg5[%swap3A_870] masked %ge3A_867 {strides = array<i32>} : memref<3328xf32, #tpu.memory_space<vmem>>, vector<16xf32>, vector<16xi1>
        tpu.vector_store %arg5[%swap3A_870], %get3A_866 masked %ge3A_867 {strides = array<i32>} : memref<3328xf32, #tpu.memory_space<vmem>>, vector<16xf32>, vector<16xi1>
        %all_reduce_population_count3A_872 = tpu.all_reduce %ge3A_867 {dim = 0 : i64, kind = #tpu.reduction_kind<sum>} : vector<16xi1> -> vector<16xi32>
        %slice3A_873 = vector.extract_strided_slice %all_reduce_population_count3A_872 {offsets = [0], sizes = [1], strides = [1]} : vector<16xi32> to vector<1xi32>
        %squeeze3A_874 = vector.extract %slice3A_873[0] : i32 from vector<1xi32>
        %add3A_875 = arith.addi %add3A_827, %squeeze3A_874 : i32
        %get3A_876 = arith.index_cast %add3A_75 : i32 to index
        %get3A_877 = arith.constant 544 : index
        %get3A_878 = tpu.vector_load %arg4[%get3A_876, %get3A_877] {strides = array<i32>} : memref<64x1600xf32, #tpu.memory_space<vmem>>, vector<16xf32>,
        %ge3A_879 = arith.cmpf oge, %get3A_878, %broadcast_in_dim3A : vector<16xf32>
        %add3A_880 = arith.constant 832 : i32
        %add3A_881 = arith.addi %add3A_880, %add3A_839 : i32
        %swap3A_882 = arith.index_cast %add3A_881 : i32 to index
        %swap3A_883 = tpu.vector_load %arg5[%swap3A_882] masked %ge3A_879 {strides = array<i32>} : memref<3328xf32, #tpu.memory_space<vmem>>, vector<16xf32>, vector<16xi1>
        tpu.vector_store %arg5[%swap3A_882], %get3A_878 masked %ge3A_879 {strides = array<i32>} : memref<3328xf32, #tpu.memory_space<vmem>>, vector<16xf32>, vector<16xi1>
        %all_reduce_population_count3A_884 = tpu.all_reduce %ge3A_879 {dim = 0 : i64, kind = #tpu.reduction_kind<sum>} : vector<16xi1> -> vector<16xi32>
        %slice3A_885 = vector.extract_strided_slice %all_reduce_population_count3A_884 {offsets = [0], sizes = [1], strides = [1]} : vector<16xi32> to vector<1xi32>
        %squeeze3A_886 = vector.extract %slice3A_885[0] : i32 from vector<1xi32>
        %add3A_887 = arith.addi %add3A_839, %squeeze3A_886 : i32
        %get3A_888 = arith.index_cast %add3A_75 : i32 to index
        %get3A_889 = arith.constant 560 : index
        %get3A_890 = tpu.vector_load %arg4[%get3A_888, %get3A_889] {strides = array<i32>} : memref<64x1600xf32, #tpu.memory_space<vmem>>, vector<16xf32>,
        %ge3A_891 = arith.cmpf oge, %get3A_890, %broadcast_in_dim3A : vector<16xf32>
        %add3A_892 = arith.constant 1248 : i32
        %add3A_893 = arith.addi %add3A_892, %add3A_851 : i32
        %swap3A_894 = arith.index_cast %add3A_893 : i32 to index
        %swap3A_895 = tpu.vector_load %arg5[%swap3A_894] masked %ge3A_891 {strides = array<i32>} : memref<3328xf32, #tpu.memory_space<vmem>>, vector<16xf32>, vector<16xi1>
        tpu.vector_store %arg5[%swap3A_894], %get3A_890 masked %ge3A_891 {strides = array<i32>} : memref<3328xf32, #tpu.memory_space<vmem>>, vector<16xf32>, vector<16xi1>
        %all_reduce_population_count3A_896 = tpu.all_reduce %ge3A_891 {dim = 0 : i64, kind = #tpu.reduction_kind<sum>} : vector<16xi1> -> vector<16xi32>
        %slice3A_897 = vector.extract_strided_slice %all_reduce_population_count3A_896 {offsets = [0], sizes = [1], strides = [1]} : vector<16xi32> to vector<1xi32>
        %squeeze3A_898 = vector.extract %slice3A_897[0] : i32 from vector<1xi32>
        %add3A_899 = arith.addi %add3A_851, %squeeze3A_898 : i32
        %get3A_900 = arith.index_cast %add3A_75 : i32 to index
        %get3A_901 = arith.constant 576 : index
        %get3A_902 = tpu.vector_load %arg4[%get3A_900, %get3A_901] {strides = array<i32>} : memref<64x1600xf32, #tpu.memory_space<vmem>>, vector<16xf32>,
        %ge3A_903 = arith.cmpf oge, %get3A_902, %broadcast_in_dim3A : vector<16xf32>
        %add3A_904 = arith.constant 0 : i32
        %add3A_905 = arith.addi %add3A_904, %add3A_863 : i32
        %swap3A_906 = arith.index_cast %add3A_905 : i32 to index
        %swap3A_907 = tpu.vector_load %arg5[%swap3A_906] masked %ge3A_903 {strides = array<i32>} : memref<3328xf32, #tpu.memory_space<vmem>>, vector<16xf32>, vector<16xi1>
        tpu.vector_store %arg5[%swap3A_906], %get3A_902 masked %ge3A_903 {strides = array<i32>} : memref<3328xf32, #tpu.memory_space<vmem>>, vector<16xf32>, vector<16xi1>
        %all_reduce_population_count3A_908 = tpu.all_reduce %ge3A_903 {dim = 0 : i64, kind = #tpu.reduction_kind<sum>} : vector<16xi1> -> vector<16xi32>
        %slice3A_909 = vector.extract_strided_slice %all_reduce_population_count3A_908 {offsets = [0], sizes = [1], strides = [1]} : vector<16xi32> to vector<1xi32>
        %squeeze3A_910 = vector.extract %slice3A_909[0] : i32 from vector<1xi32>
        %add3A_911 = arith.addi %add3A_863, %squeeze3A_910 : i32
        %get3A_912 = arith.index_cast %add3A_75 : i32 to index
        %get3A_913 = arith.constant 592 : index
        %get3A_914 = tpu.vector_load %arg4[%get3A_912, %get3A_913] {strides = array<i32>} : memref<64x1600xf32, #tpu.memory_space<vmem>>, vector<16xf32>,
        %ge3A_915 = arith.cmpf oge, %get3A_914, %broadcast_in_dim3A : vector<16xf32>
        %add3A_916 = arith.constant 416 : i32
        %add3A_917 = arith.addi %add3A_916, %add3A_875 : i32
        %swap3A_918 = arith.index_cast %add3A_917 : i32 to index
        %swap3A_919 = tpu.vector_load %arg5[%swap3A_918] masked %ge3A_915 {strides = array<i32>} : memref<3328xf32, #tpu.memory_space<vmem>>, vector<16xf32>, vector<16xi1>
        tpu.vector_store %arg5[%swap3A_918], %get3A_914 masked %ge3A_915 {strides = array<i32>} : memref<3328xf32, #tpu.memory_space<vmem>>, vector<16xf32>, vector<16xi1>
        %all_reduce_population_count3A_920 = tpu.all_reduce %ge3A_915 {dim = 0 : i64, kind = #tpu.reduction_kind<sum>} : vector<16xi1> -> vector<16xi32>
        %slice3A_921 = vector.extract_strided_slice %all_reduce_population_count3A_920 {offsets = [0], sizes = [1], strides = [1]} : vector<16xi32> to vector<1xi32>
        %squeeze3A_922 = vector.extract %slice3A_921[0] : i32 from vector<1xi32>
        %add3A_923 = arith.addi %add3A_875, %squeeze3A_922 : i32
        %get3A_924 = arith.index_cast %add3A_75 : i32 to index
        %get3A_925 = arith.constant 608 : index
        %get3A_926 = tpu.vector_load %arg4[%get3A_924, %get3A_925] {strides = array<i32>} : memref<64x1600xf32, #tpu.memory_space<vmem>>, vector<16xf32>,
        %ge3A_927 = arith.cmpf oge, %get3A_926, %broadcast_in_dim3A : vector<16xf32>
        %add3A_928 = arith.constant 832 : i32
        %add3A_929 = arith.addi %add3A_928, %add3A_887 : i32
        %swap3A_930 = arith.index_cast %add3A_929 : i32 to index
        %swap3A_931 = tpu.vector_load %arg5[%swap3A_930] masked %ge3A_927 {strides = array<i32>} : memref<3328xf32, #tpu.memory_space<vmem>>, vector<16xf32>, vector<16xi1>
        tpu.vector_store %arg5[%swap3A_930], %get3A_926 masked %ge3A_927 {strides = array<i32>} : memref<3328xf32, #tpu.memory_space<vmem>>, vector<16xf32>, vector<16xi1>
        %all_reduce_population_count3A_932 = tpu.all_reduce %ge3A_927 {dim = 0 : i64, kind = #tpu.reduction_kind<sum>} : vector<16xi1> -> vector<16xi32>
        %slice3A_933 = vector.extract_strided_slice %all_reduce_population_count3A_932 {offsets = [0], sizes = [1], strides = [1]} : vector<16xi32> to vector<1xi32>
        %squeeze3A_934 = vector.extract %slice3A_933[0] : i32 from vector<1xi32>
        %add3A_935 = arith.addi %add3A_887, %squeeze3A_934 : i32
        %get3A_936 = arith.index_cast %add3A_75 : i32 to index
        %get3A_937 = arith.constant 624 : index
        %get3A_938 = tpu.vector_load %arg4[%get3A_936, %get3A_937] {strides = array<i32>} : memref<64x1600xf32, #tpu.memory_space<vmem>>, vector<16xf32>,
        %ge3A_939 = arith.cmpf oge, %get3A_938, %broadcast_in_dim3A : vector<16xf32>
        %add3A_940 = arith.constant 1248 : i32
        %add3A_941 = arith.addi %add3A_940, %add3A_899 : i32
        %swap3A_942 = arith.index_cast %add3A_941 : i32 to index
        %swap3A_943 = tpu.vector_load %arg5[%swap3A_942] masked %ge3A_939 {strides = array<i32>} : memref<3328xf32, #tpu.memory_space<vmem>>, vector<16xf32>, vector<16xi1>
        tpu.vector_store %arg5[%swap3A_942], %get3A_938 masked %ge3A_939 {strides = array<i32>} : memref<3328xf32, #tpu.memory_space<vmem>>, vector<16xf32>, vector<16xi1>
        %all_reduce_population_count3A_944 = tpu.all_reduce %ge3A_939 {dim = 0 : i64, kind = #tpu.reduction_kind<sum>} : vector<16xi1> -> vector<16xi32>
        %slice3A_945 = vector.extract_strided_slice %all_reduce_population_count3A_944 {offsets = [0], sizes = [1], strides = [1]} : vector<16xi32> to vector<1xi32>
        %squeeze3A_946 = vector.extract %slice3A_945[0] : i32 from vector<1xi32>
        %add3A_947 = arith.addi %add3A_899, %squeeze3A_946 : i32
        %get3A_948 = arith.index_cast %add3A_75 : i32 to index
        %get3A_949 = arith.constant 640 : index
        %get3A_950 = tpu.vector_load %arg4[%get3A_948, %get3A_949] {strides = array<i32>} : memref<64x1600xf32, #tpu.memory_space<vmem>>, vector<16xf32>,
        %ge3A_951 = arith.cmpf oge, %get3A_950, %broadcast_in_dim3A : vector<16xf32>
        %add3A_952 = arith.constant 0 : i32
        %add3A_953 = arith.addi %add3A_952, %add3A_911 : i32
        %swap3A_954 = arith.index_cast %add3A_953 : i32 to index
        %swap3A_955 = tpu.vector_load %arg5[%swap3A_954] masked %ge3A_951 {strides = array<i32>} : memref<3328xf32, #tpu.memory_space<vmem>>, vector<16xf32>, vector<16xi1>
        tpu.vector_store %arg5[%swap3A_954], %get3A_950 masked %ge3A_951 {strides = array<i32>} : memref<3328xf32, #tpu.memory_space<vmem>>, vector<16xf32>, vector<16xi1>
        %all_reduce_population_count3A_956 = tpu.all_reduce %ge3A_951 {dim = 0 : i64, kind = #tpu.reduction_kind<sum>} : vector<16xi1> -> vector<16xi32>
        %slice3A_957 = vector.extract_strided_slice %all_reduce_population_count3A_956 {offsets = [0], sizes = [1], strides = [1]} : vector<16xi32> to vector<1xi32>
        %squeeze3A_958 = vector.extract %slice3A_957[0] : i32 from vector<1xi32>
        %add3A_959 = arith.addi %add3A_911, %squeeze3A_958 : i32
        %get3A_960 = arith.index_cast %add3A_75 : i32 to index
        %get3A_961 = arith.constant 656 : index
        %get3A_962 = tpu.vector_load %arg4[%get3A_960, %get3A_961] {strides = array<i32>} : memref<64x1600xf32, #tpu.memory_space<vmem>>, vector<16xf32>,
        %ge3A_963 = arith.cmpf oge, %get3A_962, %broadcast_in_dim3A : vector<16xf32>
        %add3A_964 = arith.constant 416 : i32
        %add3A_965 = arith.addi %add3A_964, %add3A_923 : i32
        %swap3A_966 = arith.index_cast %add3A_965 : i32 to index
        %swap3A_967 = tpu.vector_load %arg5[%swap3A_966] masked %ge3A_963 {strides = array<i32>} : memref<3328xf32, #tpu.memory_space<vmem>>, vector<16xf32>, vector<16xi1>
        tpu.vector_store %arg5[%swap3A_966], %get3A_962 masked %ge3A_963 {strides = array<i32>} : memref<3328xf32, #tpu.memory_space<vmem>>, vector<16xf32>, vector<16xi1>
        %all_reduce_population_count3A_968 = tpu.all_reduce %ge3A_963 {dim = 0 : i64, kind = #tpu.reduction_kind<sum>} : vector<16xi1> -> vector<16xi32>
        %slice3A_969 = vector.extract_strided_slice %all_reduce_population_count3A_968 {offsets = [0], sizes = [1], strides = [1]} : vector<16xi32> to vector<1xi32>
        %squeeze3A_970 = vector.extract %slice3A_969[0] : i32 from vector<1xi32>
        %add3A_971 = arith.addi %add3A_923, %squeeze3A_970 : i32
        %get3A_972 = arith.index_cast %add3A_75 : i32 to index
        %get3A_973 = arith.constant 672 : index
        %get3A_974 = tpu.vector_load %arg4[%get3A_972, %get3A_973] {strides = array<i32>} : memref<64x1600xf32, #tpu.memory_space<vmem>>, vector<16xf32>,
        %ge3A_975 = arith.cmpf oge, %get3A_974, %broadcast_in_dim3A : vector<16xf32>
        %add3A_976 = arith.constant 832 : i32
        %add3A_977 = arith.addi %add3A_976, %add3A_935 : i32
        %swap3A_978 = arith.index_cast %add3A_977 : i32 to index
        %swap3A_979 = tpu.vector_load %arg5[%swap3A_978] masked %ge3A_975 {strides = array<i32>} : memref<3328xf32, #tpu.memory_space<vmem>>, vector<16xf32>, vector<16xi1>
        tpu.vector_store %arg5[%swap3A_978], %get3A_974 masked %ge3A_975 {strides = array<i32>} : memref<3328xf32, #tpu.memory_space<vmem>>, vector<16xf32>, vector<16xi1>
        %all_reduce_population_count3A_980 = tpu.all_reduce %ge3A_975 {dim = 0 : i64, kind = #tpu.reduction_kind<sum>} : vector<16xi1> -> vector<16xi32>
        %slice3A_981 = vector.extract_strided_slice %all_reduce_population_count3A_980 {offsets = [0], sizes = [1], strides = [1]} : vector<16xi32> to vector<1xi32>
        %squeeze3A_982 = vector.extract %slice3A_981[0] : i32 from vector<1xi32>
        %add3A_983 = arith.addi %add3A_935, %squeeze3A_982 : i32
        %get3A_984 = arith.index_cast %add3A_75 : i32 to index
        %get3A_985 = arith.constant 688 : index
        %get3A_986 = tpu.vector_load %arg4[%get3A_984, %get3A_985] {strides = array<i32>} : memref<64x1600xf32, #tpu.memory_space<vmem>>, vector<16xf32>,
        %ge3A_987 = arith.cmpf oge, %get3A_986, %broadcast_in_dim3A : vector<16xf32>
        %add3A_988 = arith.constant 1248 : i32
        %add3A_989 = arith.addi %add3A_988, %add3A_947 : i32
        %swap3A_990 = arith.index_cast %add3A_989 : i32 to index
        %swap3A_991 = tpu.vector_load %arg5[%swap3A_990] masked %ge3A_987 {strides = array<i32>} : memref<3328xf32, #tpu.memory_space<vmem>>, vector<16xf32>, vector<16xi1>
        tpu.vector_store %arg5[%swap3A_990], %get3A_986 masked %ge3A_987 {strides = array<i32>} : memref<3328xf32, #tpu.memory_space<vmem>>, vector<16xf32>, vector<16xi1>
        %all_reduce_population_count3A_992 = tpu.all_reduce %ge3A_987 {dim = 0 : i64, kind = #tpu.reduction_kind<sum>} : vector<16xi1> -> vector<16xi32>
        %slice3A_993 = vector.extract_strided_slice %all_reduce_population_count3A_992 {offsets = [0], sizes = [1], strides = [1]} : vector<16xi32> to vector<1xi32>
        %squeeze3A_994 = vector.extract %slice3A_993[0] : i32 from vector<1xi32>
        %add3A_995 = arith.addi %add3A_947, %squeeze3A_994 : i32
        %get3A_996 = arith.index_cast %add3A_75 : i32 to index
        %get3A_997 = arith.constant 704 : index
        %get3A_998 = tpu.vector_load %arg4[%get3A_996, %get3A_997] {strides = array<i32>} : memref<64x1600xf32, #tpu.memory_space<vmem>>, vector<16xf32>,
        %ge3A_999 = arith.cmpf oge, %get3A_998, %broadcast_in_dim3A : vector<16xf32>
        %add3A_1000 = arith.constant 0 : i32
        %add3A_1001 = arith.addi %add3A_1000, %add3A_959 : i32
        %swap3A_1002 = arith.index_cast %add3A_1001 : i32 to index
        %swap3A_1003 = tpu.vector_load %arg5[%swap3A_1002] masked %ge3A_999 {strides = array<i32>} : memref<3328xf32, #tpu.memory_space<vmem>>, vector<16xf32>, vector<16xi1>
        tpu.vector_store %arg5[%swap3A_1002], %get3A_998 masked %ge3A_999 {strides = array<i32>} : memref<3328xf32, #tpu.memory_space<vmem>>, vector<16xf32>, vector<16xi1>
        %all_reduce_population_count3A_1004 = tpu.all_reduce %ge3A_999 {dim = 0 : i64, kind = #tpu.reduction_kind<sum>} : vector<16xi1> -> vector<16xi32>
        %slice3A_1005 = vector.extract_strided_slice %all_reduce_population_count3A_1004 {offsets = [0], sizes = [1], strides = [1]} : vector<16xi32> to vector<1xi32>
        %squeeze3A_1006 = vector.extract %slice3A_1005[0] : i32 from vector<1xi32>
        %add3A_1007 = arith.addi %add3A_959, %squeeze3A_1006 : i32
        %get3A_1008 = arith.index_cast %add3A_75 : i32 to index
        %get3A_1009 = arith.constant 720 : index
        %get3A_1010 = tpu.vector_load %arg4[%get3A_1008, %get3A_1009] {strides = array<i32>} : memref<64x1600xf32, #tpu.memory_space<vmem>>, vector<16xf32>,
        %ge3A_1011 = arith.cmpf oge, %get3A_1010, %broadcast_in_dim3A : vector<16xf32>
        %add3A_1012 = arith.constant 416 : i32
        %add3A_1013 = arith.addi %add3A_1012, %add3A_971 : i32
        %swap3A_1014 = arith.index_cast %add3A_1013 : i32 to index
        %swap3A_1015 = tpu.vector_load %arg5[%swap3A_1014] masked %ge3A_1011 {strides = array<i32>} : memref<3328xf32, #tpu.memory_space<vmem>>, vector<16xf32>, vector<16xi1>
        tpu.vector_store %arg5[%swap3A_1014], %get3A_1010 masked %ge3A_1011 {strides = array<i32>} : memref<3328xf32, #tpu.memory_space<vmem>>, vector<16xf32>, vector<16xi1>
        %all_reduce_population_count3A_1016 = tpu.all_reduce %ge3A_1011 {dim = 0 : i64, kind = #tpu.reduction_kind<sum>} : vector<16xi1> -> vector<16xi32>
        %slice3A_1017 = vector.extract_strided_slice %all_reduce_population_count3A_1016 {offsets = [0], sizes = [1], strides = [1]} : vector<16xi32> to vector<1xi32>
        %squeeze3A_1018 = vector.extract %slice3A_1017[0] : i32 from vector<1xi32>
        %add3A_1019 = arith.addi %add3A_971, %squeeze3A_1018 : i32
        %get3A_1020 = arith.index_cast %add3A_75 : i32 to index
        %get3A_1021 = arith.constant 736 : index
        %get3A_1022 = tpu.vector_load %arg4[%get3A_1020, %get3A_1021] {strides = array<i32>} : memref<64x1600xf32, #tpu.memory_space<vmem>>, vector<16xf32>,
        %ge3A_1023 = arith.cmpf oge, %get3A_1022, %broadcast_in_dim3A : vector<16xf32>
        %add3A_1024 = arith.constant 832 : i32
        %add3A_1025 = arith.addi %add3A_1024, %add3A_983 : i32
        %swap3A_1026 = arith.index_cast %add3A_1025 : i32 to index
        %swap3A_1027 = tpu.vector_load %arg5[%swap3A_1026] masked %ge3A_1023 {strides = array<i32>} : memref<3328xf32, #tpu.memory_space<vmem>>, vector<16xf32>, vector<16xi1>
        tpu.vector_store %arg5[%swap3A_1026], %get3A_1022 masked %ge3A_1023 {strides = array<i32>} : memref<3328xf32, #tpu.memory_space<vmem>>, vector<16xf32>, vector<16xi1>
        %all_reduce_population_count3A_1028 = tpu.all_reduce %ge3A_1023 {dim = 0 : i64, kind = #tpu.reduction_kind<sum>} : vector<16xi1> -> vector<16xi32>
        %slice3A_1029 = vector.extract_strided_slice %all_reduce_population_count3A_1028 {offsets = [0], sizes = [1], strides = [1]} : vector<16xi32> to vector<1xi32>
        %squeeze3A_1030 = vector.extract %slice3A_1029[0] : i32 from vector<1xi32>
        %add3A_1031 = arith.addi %add3A_983, %squeeze3A_1030 : i32
        %get3A_1032 = arith.index_cast %add3A_75 : i32 to index
        %get3A_1033 = arith.constant 752 : index
        %get3A_1034 = tpu.vector_load %arg4[%get3A_1032, %get3A_1033] {strides = array<i32>} : memref<64x1600xf32, #tpu.memory_space<vmem>>, vector<16xf32>,
        %ge3A_1035 = arith.cmpf oge, %get3A_1034, %broadcast_in_dim3A : vector<16xf32>
        %add3A_1036 = arith.constant 1248 : i32
        %add3A_1037 = arith.addi %add3A_1036, %add3A_995 : i32
        %swap3A_1038 = arith.index_cast %add3A_1037 : i32 to index
        %swap3A_1039 = tpu.vector_load %arg5[%swap3A_1038] masked %ge3A_1035 {strides = array<i32>} : memref<3328xf32, #tpu.memory_space<vmem>>, vector<16xf32>, vector<16xi1>
        tpu.vector_store %arg5[%swap3A_1038], %get3A_1034 masked %ge3A_1035 {strides = array<i32>} : memref<3328xf32, #tpu.memory_space<vmem>>, vector<16xf32>, vector<16xi1>
        %all_reduce_population_count3A_1040 = tpu.all_reduce %ge3A_1035 {dim = 0 : i64, kind = #tpu.reduction_kind<sum>} : vector<16xi1> -> vector<16xi32>
        %slice3A_1041 = vector.extract_strided_slice %all_reduce_population_count3A_1040 {offsets = [0], sizes = [1], strides = [1]} : vector<16xi32> to vector<1xi32>
        %squeeze3A_1042 = vector.extract %slice3A_1041[0] : i32 from vector<1xi32>
        %add3A_1043 = arith.addi %add3A_995, %squeeze3A_1042 : i32
        %get3A_1044 = arith.index_cast %add3A_75 : i32 to index
        %get3A_1045 = arith.constant 768 : index
        %get3A_1046 = tpu.vector_load %arg4[%get3A_1044, %get3A_1045] {strides = array<i32>} : memref<64x1600xf32, #tpu.memory_space<vmem>>, vector<16xf32>,
        %ge3A_1047 = arith.cmpf oge, %get3A_1046, %broadcast_in_dim3A : vector<16xf32>
        %add3A_1048 = arith.constant 0 : i32
        %add3A_1049 = arith.addi %add3A_1048, %add3A_1007 : i32
        %swap3A_1050 = arith.index_cast %add3A_1049 : i32 to index
        %swap3A_1051 = tpu.vector_load %arg5[%swap3A_1050] masked %ge3A_1047 {strides = array<i32>} : memref<3328xf32, #tpu.memory_space<vmem>>, vector<16xf32>, vector<16xi1>
        tpu.vector_store %arg5[%swap3A_1050], %get3A_1046 masked %ge3A_1047 {strides = array<i32>} : memref<3328xf32, #tpu.memory_space<vmem>>, vector<16xf32>, vector<16xi1>
        %all_reduce_population_count3A_1052 = tpu.all_reduce %ge3A_1047 {dim = 0 : i64, kind = #tpu.reduction_kind<sum>} : vector<16xi1> -> vector<16xi32>
        %slice3A_1053 = vector.extract_strided_slice %all_reduce_population_count3A_1052 {offsets = [0], sizes = [1], strides = [1]} : vector<16xi32> to vector<1xi32>
        %squeeze3A_1054 = vector.extract %slice3A_1053[0] : i32 from vector<1xi32>
        %add3A_1055 = arith.addi %add3A_1007, %squeeze3A_1054 : i32
        %get3A_1056 = arith.index_cast %add3A_75 : i32 to index
        %get3A_1057 = arith.constant 784 : index
        %get3A_1058 = tpu.vector_load %arg4[%get3A_1056, %get3A_1057] {strides = array<i32>} : memref<64x1600xf32, #tpu.memory_space<vmem>>, vector<16xf32>,
        %ge3A_1059 = arith.cmpf oge, %get3A_1058, %broadcast_in_dim3A : vector<16xf32>
        %add3A_1060 = arith.constant 416 : i32
        %add3A_1061 = arith.addi %add3A_1060, %add3A_1019 : i32
        %swap3A_1062 = arith.index_cast %add3A_1061 : i32 to index
        %swap3A_1063 = tpu.vector_load %arg5[%swap3A_1062] masked %ge3A_1059 {strides = array<i32>} : memref<3328xf32, #tpu.memory_space<vmem>>, vector<16xf32>, vector<16xi1>
        tpu.vector_store %arg5[%swap3A_1062], %get3A_1058 masked %ge3A_1059 {strides = array<i32>} : memref<3328xf32, #tpu.memory_space<vmem>>, vector<16xf32>, vector<16xi1>
        %all_reduce_population_count3A_1064 = tpu.all_reduce %ge3A_1059 {dim = 0 : i64, kind = #tpu.reduction_kind<sum>} : vector<16xi1> -> vector<16xi32>
        %slice3A_1065 = vector.extract_strided_slice %all_reduce_population_count3A_1064 {offsets = [0], sizes = [1], strides = [1]} : vector<16xi32> to vector<1xi32>
        %squeeze3A_1066 = vector.extract %slice3A_1065[0] : i32 from vector<1xi32>
        %add3A_1067 = arith.addi %add3A_1019, %squeeze3A_1066 : i32
        %get3A_1068 = arith.index_cast %add3A_75 : i32 to index
        %get3A_1069 = arith.constant 800 : index
        %get3A_1070 = tpu.vector_load %arg4[%get3A_1068, %get3A_1069] {strides = array<i32>} : memref<64x1600xf32, #tpu.memory_space<vmem>>, vector<16xf32>,
        %ge3A_1071 = arith.cmpf oge, %get3A_1070, %broadcast_in_dim3A : vector<16xf32>
        %add3A_1072 = arith.constant 832 : i32
        %add3A_1073 = arith.addi %add3A_1072, %add3A_1031 : i32
        %swap3A_1074 = arith.index_cast %add3A_1073 : i32 to index
        %swap3A_1075 = tpu.vector_load %arg5[%swap3A_1074] masked %ge3A_1071 {strides = array<i32>} : memref<3328xf32, #tpu.memory_space<vmem>>, vector<16xf32>, vector<16xi1>
        tpu.vector_store %arg5[%swap3A_1074], %get3A_1070 masked %ge3A_1071 {strides = array<i32>} : memref<3328xf32, #tpu.memory_space<vmem>>, vector<16xf32>, vector<16xi1>
        %all_reduce_population_count3A_1076 = tpu.all_reduce %ge3A_1071 {dim = 0 : i64, kind = #tpu.reduction_kind<sum>} : vector<16xi1> -> vector<16xi32>
        %slice3A_1077 = vector.extract_strided_slice %all_reduce_population_count3A_1076 {offsets = [0], sizes = [1], strides = [1]} : vector<16xi32> to vector<1xi32>
        %squeeze3A_1078 = vector.extract %slice3A_1077[0] : i32 from vector<1xi32>
        %add3A_1079 = arith.addi %add3A_1031, %squeeze3A_1078 : i32
        %get3A_1080 = arith.index_cast %add3A_75 : i32 to index
        %get3A_1081 = arith.constant 816 : index
        %get3A_1082 = tpu.vector_load %arg4[%get3A_1080, %get3A_1081] {strides = array<i32>} : memref<64x1600xf32, #tpu.memory_space<vmem>>, vector<16xf32>,
        %ge3A_1083 = arith.cmpf oge, %get3A_1082, %broadcast_in_dim3A : vector<16xf32>
        %add3A_1084 = arith.constant 1248 : i32
        %add3A_1085 = arith.addi %add3A_1084, %add3A_1043 : i32
        %swap3A_1086 = arith.index_cast %add3A_1085 : i32 to index
        %swap3A_1087 = tpu.vector_load %arg5[%swap3A_1086] masked %ge3A_1083 {strides = array<i32>} : memref<3328xf32, #tpu.memory_space<vmem>>, vector<16xf32>, vector<16xi1>
        tpu.vector_store %arg5[%swap3A_1086], %get3A_1082 masked %ge3A_1083 {strides = array<i32>} : memref<3328xf32, #tpu.memory_space<vmem>>, vector<16xf32>, vector<16xi1>
        %all_reduce_population_count3A_1088 = tpu.all_reduce %ge3A_1083 {dim = 0 : i64, kind = #tpu.reduction_kind<sum>} : vector<16xi1> -> vector<16xi32>
        %slice3A_1089 = vector.extract_strided_slice %all_reduce_population_count3A_1088 {offsets = [0], sizes = [1], strides = [1]} : vector<16xi32> to vector<1xi32>
        %squeeze3A_1090 = vector.extract %slice3A_1089[0] : i32 from vector<1xi32>
        %add3A_1091 = arith.addi %add3A_1043, %squeeze3A_1090 : i32
        %get3A_1092 = arith.index_cast %add3A_75 : i32 to index
        %get3A_1093 = arith.constant 832 : index
        %get3A_1094 = tpu.vector_load %arg4[%get3A_1092, %get3A_1093] {strides = array<i32>} : memref<64x1600xf32, #tpu.memory_space<vmem>>, vector<16xf32>,
        %ge3A_1095 = arith.cmpf oge, %get3A_1094, %broadcast_in_dim3A : vector<16xf32>
        %add3A_1096 = arith.constant 0 : i32
        %add3A_1097 = arith.addi %add3A_1096, %add3A_1055 : i32
        %swap3A_1098 = arith.index_cast %add3A_1097 : i32 to index
        %swap3A_1099 = tpu.vector_load %arg5[%swap3A_1098] masked %ge3A_1095 {strides = array<i32>} : memref<3328xf32, #tpu.memory_space<vmem>>, vector<16xf32>, vector<16xi1>
        tpu.vector_store %arg5[%swap3A_1098], %get3A_1094 masked %ge3A_1095 {strides = array<i32>} : memref<3328xf32, #tpu.memory_space<vmem>>, vector<16xf32>, vector<16xi1>
        %all_reduce_population_count3A_1100 = tpu.all_reduce %ge3A_1095 {dim = 0 : i64, kind = #tpu.reduction_kind<sum>} : vector<16xi1> -> vector<16xi32>
        %slice3A_1101 = vector.extract_strided_slice %all_reduce_population_count3A_1100 {offsets = [0], sizes = [1], strides = [1]} : vector<16xi32> to vector<1xi32>
        %squeeze3A_1102 = vector.extract %slice3A_1101[0] : i32 from vector<1xi32>
        %add3A_1103 = arith.addi %add3A_1055, %squeeze3A_1102 : i32
        %get3A_1104 = arith.index_cast %add3A_75 : i32 to index
        %get3A_1105 = arith.constant 848 : index
        %get3A_1106 = tpu.vector_load %arg4[%get3A_1104, %get3A_1105] {strides = array<i32>} : memref<64x1600xf32, #tpu.memory_space<vmem>>, vector<16xf32>,
        %ge3A_1107 = arith.cmpf oge, %get3A_1106, %broadcast_in_dim3A : vector<16xf32>
        %add3A_1108 = arith.constant 416 : i32
        %add3A_1109 = arith.addi %add3A_1108, %add3A_1067 : i32
        %swap3A_1110 = arith.index_cast %add3A_1109 : i32 to index
        %swap3A_1111 = tpu.vector_load %arg5[%swap3A_1110] masked %ge3A_1107 {strides = array<i32>} : memref<3328xf32, #tpu.memory_space<vmem>>, vector<16xf32>, vector<16xi1>
        tpu.vector_store %arg5[%swap3A_1110], %get3A_1106 masked %ge3A_1107 {strides = array<i32>} : memref<3328xf32, #tpu.memory_space<vmem>>, vector<16xf32>, vector<16xi1>
        %all_reduce_population_count3A_1112 = tpu.all_reduce %ge3A_1107 {dim = 0 : i64, kind = #tpu.reduction_kind<sum>} : vector<16xi1> -> vector<16xi32>
        %slice3A_1113 = vector.extract_strided_slice %all_reduce_population_count3A_1112 {offsets = [0], sizes = [1], strides = [1]} : vector<16xi32> to vector<1xi32>
        %squeeze3A_1114 = vector.extract %slice3A_1113[0] : i32 from vector<1xi32>
        %add3A_1115 = arith.addi %add3A_1067, %squeeze3A_1114 : i32
        %get3A_1116 = arith.index_cast %add3A_75 : i32 to index
        %get3A_1117 = arith.constant 864 : index
        %get3A_1118 = tpu.vector_load %arg4[%get3A_1116, %get3A_1117] {strides = array<i32>} : memref<64x1600xf32, #tpu.memory_space<vmem>>, vector<16xf32>,
        %ge3A_1119 = arith.cmpf oge, %get3A_1118, %broadcast_in_dim3A : vector<16xf32>
        %add3A_1120 = arith.constant 832 : i32
        %add3A_1121 = arith.addi %add3A_1120, %add3A_1079 : i32
        %swap3A_1122 = arith.index_cast %add3A_1121 : i32 to index
        %swap3A_1123 = tpu.vector_load %arg5[%swap3A_1122] masked %ge3A_1119 {strides = array<i32>} : memref<3328xf32, #tpu.memory_space<vmem>>, vector<16xf32>, vector<16xi1>
        tpu.vector_store %arg5[%swap3A_1122], %get3A_1118 masked %ge3A_1119 {strides = array<i32>} : memref<3328xf32, #tpu.memory_space<vmem>>, vector<16xf32>, vector<16xi1>
        %all_reduce_population_count3A_1124 = tpu.all_reduce %ge3A_1119 {dim = 0 : i64, kind = #tpu.reduction_kind<sum>} : vector<16xi1> -> vector<16xi32>
        %slice3A_1125 = vector.extract_strided_slice %all_reduce_population_count3A_1124 {offsets = [0], sizes = [1], strides = [1]} : vector<16xi32> to vector<1xi32>
        %squeeze3A_1126 = vector.extract %slice3A_1125[0] : i32 from vector<1xi32>
        %add3A_1127 = arith.addi %add3A_1079, %squeeze3A_1126 : i32
        %get3A_1128 = arith.index_cast %add3A_75 : i32 to index
        %get3A_1129 = arith.constant 880 : index
        %get3A_1130 = tpu.vector_load %arg4[%get3A_1128, %get3A_1129] {strides = array<i32>} : memref<64x1600xf32, #tpu.memory_space<vmem>>, vector<16xf32>,
        %ge3A_1131 = arith.cmpf oge, %get3A_1130, %broadcast_in_dim3A : vector<16xf32>
        %add3A_1132 = arith.constant 1248 : i32
        %add3A_1133 = arith.addi %add3A_1132, %add3A_1091 : i32
        %swap3A_1134 = arith.index_cast %add3A_1133 : i32 to index
        %swap3A_1135 = tpu.vector_load %arg5[%swap3A_1134] masked %ge3A_1131 {strides = array<i32>} : memref<3328xf32, #tpu.memory_space<vmem>>, vector<16xf32>, vector<16xi1>
        tpu.vector_store %arg5[%swap3A_1134], %get3A_1130 masked %ge3A_1131 {strides = array<i32>} : memref<3328xf32, #tpu.memory_space<vmem>>, vector<16xf32>, vector<16xi1>
        %all_reduce_population_count3A_1136 = tpu.all_reduce %ge3A_1131 {dim = 0 : i64, kind = #tpu.reduction_kind<sum>} : vector<16xi1> -> vector<16xi32>
        %slice3A_1137 = vector.extract_strided_slice %all_reduce_population_count3A_1136 {offsets = [0], sizes = [1], strides = [1]} : vector<16xi32> to vector<1xi32>
        %squeeze3A_1138 = vector.extract %slice3A_1137[0] : i32 from vector<1xi32>
        %add3A_1139 = arith.addi %add3A_1091, %squeeze3A_1138 : i32
        %get3A_1140 = arith.index_cast %add3A_75 : i32 to index
        %get3A_1141 = arith.constant 896 : index
        %get3A_1142 = tpu.vector_load %arg4[%get3A_1140, %get3A_1141] {strides = array<i32>} : memref<64x1600xf32, #tpu.memory_space<vmem>>, vector<16xf32>,
        %ge3A_1143 = arith.cmpf oge, %get3A_1142, %broadcast_in_dim3A : vector<16xf32>
        %add3A_1144 = arith.constant 0 : i32
        %add3A_1145 = arith.addi %add3A_1144, %add3A_1103 : i32
        %swap3A_1146 = arith.index_cast %add3A_1145 : i32 to index
        %swap3A_1147 = tpu.vector_load %arg5[%swap3A_1146] masked %ge3A_1143 {strides = array<i32>} : memref<3328xf32, #tpu.memory_space<vmem>>, vector<16xf32>, vector<16xi1>
        tpu.vector_store %arg5[%swap3A_1146], %get3A_1142 masked %ge3A_1143 {strides = array<i32>} : memref<3328xf32, #tpu.memory_space<vmem>>, vector<16xf32>, vector<16xi1>
        %all_reduce_population_count3A_1148 = tpu.all_reduce %ge3A_1143 {dim = 0 : i64, kind = #tpu.reduction_kind<sum>} : vector<16xi1> -> vector<16xi32>
        %slice3A_1149 = vector.extract_strided_slice %all_reduce_population_count3A_1148 {offsets = [0], sizes = [1], strides = [1]} : vector<16xi32> to vector<1xi32>
        %squeeze3A_1150 = vector.extract %slice3A_1149[0] : i32 from vector<1xi32>
        %add3A_1151 = arith.addi %add3A_1103, %squeeze3A_1150 : i32
        %get3A_1152 = arith.index_cast %add3A_75 : i32 to index
        %get3A_1153 = arith.constant 912 : index
        %get3A_1154 = tpu.vector_load %arg4[%get3A_1152, %get3A_1153] {strides = array<i32>} : memref<64x1600xf32, #tpu.memory_space<vmem>>, vector<16xf32>,
        %ge3A_1155 = arith.cmpf oge, %get3A_1154, %broadcast_in_dim3A : vector<16xf32>
        %add3A_1156 = arith.constant 416 : i32
        %add3A_1157 = arith.addi %add3A_1156, %add3A_1115 : i32
        %swap3A_1158 = arith.index_cast %add3A_1157 : i32 to index
        %swap3A_1159 = tpu.vector_load %arg5[%swap3A_1158] masked %ge3A_1155 {strides = array<i32>} : memref<3328xf32, #tpu.memory_space<vmem>>, vector<16xf32>, vector<16xi1>
        tpu.vector_store %arg5[%swap3A_1158], %get3A_1154 masked %ge3A_1155 {strides = array<i32>} : memref<3328xf32, #tpu.memory_space<vmem>>, vector<16xf32>, vector<16xi1>
        %all_reduce_population_count3A_1160 = tpu.all_reduce %ge3A_1155 {dim = 0 : i64, kind = #tpu.reduction_kind<sum>} : vector<16xi1> -> vector<16xi32>
        %slice3A_1161 = vector.extract_strided_slice %all_reduce_population_count3A_1160 {offsets = [0], sizes = [1], strides = [1]} : vector<16xi32> to vector<1xi32>
        %squeeze3A_1162 = vector.extract %slice3A_1161[0] : i32 from vector<1xi32>
        %add3A_1163 = arith.addi %add3A_1115, %squeeze3A_1162 : i32
        %get3A_1164 = arith.index_cast %add3A_75 : i32 to index
        %get3A_1165 = arith.constant 928 : index
        %get3A_1166 = tpu.vector_load %arg4[%get3A_1164, %get3A_1165] {strides = array<i32>} : memref<64x1600xf32, #tpu.memory_space<vmem>>, vector<16xf32>,
        %ge3A_1167 = arith.cmpf oge, %get3A_1166, %broadcast_in_dim3A : vector<16xf32>
        %add3A_1168 = arith.constant 832 : i32
        %add3A_1169 = arith.addi %add3A_1168, %add3A_1127 : i32
        %swap3A_1170 = arith.index_cast %add3A_1169 : i32 to index
        %swap3A_1171 = tpu.vector_load %arg5[%swap3A_1170] masked %ge3A_1167 {strides = array<i32>} : memref<3328xf32, #tpu.memory_space<vmem>>, vector<16xf32>, vector<16xi1>
        tpu.vector_store %arg5[%swap3A_1170], %get3A_1166 masked %ge3A_1167 {strides = array<i32>} : memref<3328xf32, #tpu.memory_space<vmem>>, vector<16xf32>, vector<16xi1>
        %all_reduce_population_count3A_1172 = tpu.all_reduce %ge3A_1167 {dim = 0 : i64, kind = #tpu.reduction_kind<sum>} : vector<16xi1> -> vector<16xi32>
        %slice3A_1173 = vector.extract_strided_slice %all_reduce_population_count3A_1172 {offsets = [0], sizes = [1], strides = [1]} : vector<16xi32> to vector<1xi32>
        %squeeze3A_1174 = vector.extract %slice3A_1173[0] : i32 from vector<1xi32>
        %add3A_1175 = arith.addi %add3A_1127, %squeeze3A_1174 : i32
        %get3A_1176 = arith.index_cast %add3A_75 : i32 to index
        %get3A_1177 = arith.constant 944 : index
        %get3A_1178 = tpu.vector_load %arg4[%get3A_1176, %get3A_1177] {strides = array<i32>} : memref<64x1600xf32, #tpu.memory_space<vmem>>, vector<16xf32>,
        %ge3A_1179 = arith.cmpf oge, %get3A_1178, %broadcast_in_dim3A : vector<16xf32>
        %add3A_1180 = arith.constant 1248 : i32
        %add3A_1181 = arith.addi %add3A_1180, %add3A_1139 : i32
        %swap3A_1182 = arith.index_cast %add3A_1181 : i32 to index
        %swap3A_1183 = tpu.vector_load %arg5[%swap3A_1182] masked %ge3A_1179 {strides = array<i32>} : memref<3328xf32, #tpu.memory_space<vmem>>, vector<16xf32>, vector<16xi1>
        tpu.vector_store %arg5[%swap3A_1182], %get3A_1178 masked %ge3A_1179 {strides = array<i32>} : memref<3328xf32, #tpu.memory_space<vmem>>, vector<16xf32>, vector<16xi1>
        %all_reduce_population_count3A_1184 = tpu.all_reduce %ge3A_1179 {dim = 0 : i64, kind = #tpu.reduction_kind<sum>} : vector<16xi1> -> vector<16xi32>
        %slice3A_1185 = vector.extract_strided_slice %all_reduce_population_count3A_1184 {offsets = [0], sizes = [1], strides = [1]} : vector<16xi32> to vector<1xi32>
        %squeeze3A_1186 = vector.extract %slice3A_1185[0] : i32 from vector<1xi32>
        %add3A_1187 = arith.addi %add3A_1139, %squeeze3A_1186 : i32
        %get3A_1188 = arith.index_cast %add3A_75 : i32 to index
        %get3A_1189 = arith.constant 960 : index
        %get3A_1190 = tpu.vector_load %arg4[%get3A_1188, %get3A_1189] {strides = array<i32>} : memref<64x1600xf32, #tpu.memory_space<vmem>>, vector<16xf32>,
        %ge3A_1191 = arith.cmpf oge, %get3A_1190, %broadcast_in_dim3A : vector<16xf32>
        %add3A_1192 = arith.constant 0 : i32
        %add3A_1193 = arith.addi %add3A_1192, %add3A_1151 : i32
        %swap3A_1194 = arith.index_cast %add3A_1193 : i32 to index
        %swap3A_1195 = tpu.vector_load %arg5[%swap3A_1194] masked %ge3A_1191 {strides = array<i32>} : memref<3328xf32, #tpu.memory_space<vmem>>, vector<16xf32>, vector<16xi1>
        tpu.vector_store %arg5[%swap3A_1194], %get3A_1190 masked %ge3A_1191 {strides = array<i32>} : memref<3328xf32, #tpu.memory_space<vmem>>, vector<16xf32>, vector<16xi1>
        %all_reduce_population_count3A_1196 = tpu.all_reduce %ge3A_1191 {dim = 0 : i64, kind = #tpu.reduction_kind<sum>} : vector<16xi1> -> vector<16xi32>
        %slice3A_1197 = vector.extract_strided_slice %all_reduce_population_count3A_1196 {offsets = [0], sizes = [1], strides = [1]} : vector<16xi32> to vector<1xi32>
        %squeeze3A_1198 = vector.extract %slice3A_1197[0] : i32 from vector<1xi32>
        %add3A_1199 = arith.addi %add3A_1151, %squeeze3A_1198 : i32
        %get3A_1200 = arith.index_cast %add3A_75 : i32 to index
        %get3A_1201 = arith.constant 976 : index
        %get3A_1202 = tpu.vector_load %arg4[%get3A_1200, %get3A_1201] {strides = array<i32>} : memref<64x1600xf32, #tpu.memory_space<vmem>>, vector<16xf32>,
        %ge3A_1203 = arith.cmpf oge, %get3A_1202, %broadcast_in_dim3A : vector<16xf32>
        %add3A_1204 = arith.constant 416 : i32
        %add3A_1205 = arith.addi %add3A_1204, %add3A_1163 : i32
        %swap3A_1206 = arith.index_cast %add3A_1205 : i32 to index
        %swap3A_1207 = tpu.vector_load %arg5[%swap3A_1206] masked %ge3A_1203 {strides = array<i32>} : memref<3328xf32, #tpu.memory_space<vmem>>, vector<16xf32>, vector<16xi1>
        tpu.vector_store %arg5[%swap3A_1206], %get3A_1202 masked %ge3A_1203 {strides = array<i32>} : memref<3328xf32, #tpu.memory_space<vmem>>, vector<16xf32>, vector<16xi1>
        %all_reduce_population_count3A_1208 = tpu.all_reduce %ge3A_1203 {dim = 0 : i64, kind = #tpu.reduction_kind<sum>} : vector<16xi1> -> vector<16xi32>
        %slice3A_1209 = vector.extract_strided_slice %all_reduce_population_count3A_1208 {offsets = [0], sizes = [1], strides = [1]} : vector<16xi32> to vector<1xi32>
        %squeeze3A_1210 = vector.extract %slice3A_1209[0] : i32 from vector<1xi32>
        %add3A_1211 = arith.addi %add3A_1163, %squeeze3A_1210 : i32
        %get3A_1212 = arith.index_cast %add3A_75 : i32 to index
        %get3A_1213 = arith.constant 992 : index
        %get3A_1214 = tpu.vector_load %arg4[%get3A_1212, %get3A_1213] {strides = array<i32>} : memref<64x1600xf32, #tpu.memory_space<vmem>>, vector<16xf32>,
        %ge3A_1215 = arith.cmpf oge, %get3A_1214, %broadcast_in_dim3A : vector<16xf32>
        %add3A_1216 = arith.constant 832 : i32
        %add3A_1217 = arith.addi %add3A_1216, %add3A_1175 : i32
        %swap3A_1218 = arith.index_cast %add3A_1217 : i32 to index
        %swap3A_1219 = tpu.vector_load %arg5[%swap3A_1218] masked %ge3A_1215 {strides = array<i32>} : memref<3328xf32, #tpu.memory_space<vmem>>, vector<16xf32>, vector<16xi1>
        tpu.vector_store %arg5[%swap3A_1218], %get3A_1214 masked %ge3A_1215 {strides = array<i32>} : memref<3328xf32, #tpu.memory_space<vmem>>, vector<16xf32>, vector<16xi1>
        %all_reduce_population_count3A_1220 = tpu.all_reduce %ge3A_1215 {dim = 0 : i64, kind = #tpu.reduction_kind<sum>} : vector<16xi1> -> vector<16xi32>
        %slice3A_1221 = vector.extract_strided_slice %all_reduce_population_count3A_1220 {offsets = [0], sizes = [1], strides = [1]} : vector<16xi32> to vector<1xi32>
        %squeeze3A_1222 = vector.extract %slice3A_1221[0] : i32 from vector<1xi32>
        %add3A_1223 = arith.addi %add3A_1175, %squeeze3A_1222 : i32
        %get3A_1224 = arith.index_cast %add3A_75 : i32 to index
        %get3A_1225 = arith.constant 1008 : index
        %get3A_1226 = tpu.vector_load %arg4[%get3A_1224, %get3A_1225] {strides = array<i32>} : memref<64x1600xf32, #tpu.memory_space<vmem>>, vector<16xf32>,
        %ge3A_1227 = arith.cmpf oge, %get3A_1226, %broadcast_in_dim3A : vector<16xf32>
        %add3A_1228 = arith.constant 1248 : i32
        %add3A_1229 = arith.addi %add3A_1228, %add3A_1187 : i32
        %swap3A_1230 = arith.index_cast %add3A_1229 : i32 to index
        %swap3A_1231 = tpu.vector_load %arg5[%swap3A_1230] masked %ge3A_1227 {strides = array<i32>} : memref<3328xf32, #tpu.memory_space<vmem>>, vector<16xf32>, vector<16xi1>
        tpu.vector_store %arg5[%swap3A_1230], %get3A_1226 masked %ge3A_1227 {strides = array<i32>} : memref<3328xf32, #tpu.memory_space<vmem>>, vector<16xf32>, vector<16xi1>
        %all_reduce_population_count3A_1232 = tpu.all_reduce %ge3A_1227 {dim = 0 : i64, kind = #tpu.reduction_kind<sum>} : vector<16xi1> -> vector<16xi32>
        %slice3A_1233 = vector.extract_strided_slice %all_reduce_population_count3A_1232 {offsets = [0], sizes = [1], strides = [1]} : vector<16xi32> to vector<1xi32>
        %squeeze3A_1234 = vector.extract %slice3A_1233[0] : i32 from vector<1xi32>
        %add3A_1235 = arith.addi %add3A_1187, %squeeze3A_1234 : i32
        %get3A_1236 = arith.index_cast %add3A_75 : i32 to index
        %get3A_1237 = arith.constant 1024 : index
        %get3A_1238 = tpu.vector_load %arg4[%get3A_1236, %get3A_1237] {strides = array<i32>} : memref<64x1600xf32, #tpu.memory_space<vmem>>, vector<16xf32>,
        %ge3A_1239 = arith.cmpf oge, %get3A_1238, %broadcast_in_dim3A : vector<16xf32>
        %add3A_1240 = arith.constant 0 : i32
        %add3A_1241 = arith.addi %add3A_1240, %add3A_1199 : i32
        %swap3A_1242 = arith.index_cast %add3A_1241 : i32 to index
        %swap3A_1243 = tpu.vector_load %arg5[%swap3A_1242] masked %ge3A_1239 {strides = array<i32>} : memref<3328xf32, #tpu.memory_space<vmem>>, vector<16xf32>, vector<16xi1>
        tpu.vector_store %arg5[%swap3A_1242], %get3A_1238 masked %ge3A_1239 {strides = array<i32>} : memref<3328xf32, #tpu.memory_space<vmem>>, vector<16xf32>, vector<16xi1>
        %all_reduce_population_count3A_1244 = tpu.all_reduce %ge3A_1239 {dim = 0 : i64, kind = #tpu.reduction_kind<sum>} : vector<16xi1> -> vector<16xi32>
        %slice3A_1245 = vector.extract_strided_slice %all_reduce_population_count3A_1244 {offsets = [0], sizes = [1], strides = [1]} : vector<16xi32> to vector<1xi32>
        %squeeze3A_1246 = vector.extract %slice3A_1245[0] : i32 from vector<1xi32>
        %add3A_1247 = arith.addi %add3A_1199, %squeeze3A_1246 : i32
        %get3A_1248 = arith.index_cast %add3A_75 : i32 to index
        %get3A_1249 = arith.constant 1040 : index
        %get3A_1250 = tpu.vector_load %arg4[%get3A_1248, %get3A_1249] {strides = array<i32>} : memref<64x1600xf32, #tpu.memory_space<vmem>>, vector<16xf32>,
        %ge3A_1251 = arith.cmpf oge, %get3A_1250, %broadcast_in_dim3A : vector<16xf32>
        %add3A_1252 = arith.constant 416 : i32
        %add3A_1253 = arith.addi %add3A_1252, %add3A_1211 : i32
        %swap3A_1254 = arith.index_cast %add3A_1253 : i32 to index
        %swap3A_1255 = tpu.vector_load %arg5[%swap3A_1254] masked %ge3A_1251 {strides = array<i32>} : memref<3328xf32, #tpu.memory_space<vmem>>, vector<16xf32>, vector<16xi1>
        tpu.vector_store %arg5[%swap3A_1254], %get3A_1250 masked %ge3A_1251 {strides = array<i32>} : memref<3328xf32, #tpu.memory_space<vmem>>, vector<16xf32>, vector<16xi1>
        %all_reduce_population_count3A_1256 = tpu.all_reduce %ge3A_1251 {dim = 0 : i64, kind = #tpu.reduction_kind<sum>} : vector<16xi1> -> vector<16xi32>
        %slice3A_1257 = vector.extract_strided_slice %all_reduce_population_count3A_1256 {offsets = [0], sizes = [1], strides = [1]} : vector<16xi32> to vector<1xi32>
        %squeeze3A_1258 = vector.extract %slice3A_1257[0] : i32 from vector<1xi32>
        %add3A_1259 = arith.addi %add3A_1211, %squeeze3A_1258 : i32
        %get3A_1260 = arith.index_cast %add3A_75 : i32 to index
        %get3A_1261 = arith.constant 1056 : index
        %get3A_1262 = tpu.vector_load %arg4[%get3A_1260, %get3A_1261] {strides = array<i32>} : memref<64x1600xf32, #tpu.memory_space<vmem>>, vector<16xf32>,
        %ge3A_1263 = arith.cmpf oge, %get3A_1262, %broadcast_in_dim3A : vector<16xf32>
        %add3A_1264 = arith.constant 832 : i32
        %add3A_1265 = arith.addi %add3A_1264, %add3A_1223 : i32
        %swap3A_1266 = arith.index_cast %add3A_1265 : i32 to index
        %swap3A_1267 = tpu.vector_load %arg5[%swap3A_1266] masked %ge3A_1263 {strides = array<i32>} : memref<3328xf32, #tpu.memory_space<vmem>>, vector<16xf32>, vector<16xi1>
        tpu.vector_store %arg5[%swap3A_1266], %get3A_1262 masked %ge3A_1263 {strides = array<i32>} : memref<3328xf32, #tpu.memory_space<vmem>>, vector<16xf32>, vector<16xi1>
        %all_reduce_population_count3A_1268 = tpu.all_reduce %ge3A_1263 {dim = 0 : i64, kind = #tpu.reduction_kind<sum>} : vector<16xi1> -> vector<16xi32>
        %slice3A_1269 = vector.extract_strided_slice %all_reduce_population_count3A_1268 {offsets = [0], sizes = [1], strides = [1]} : vector<16xi32> to vector<1xi32>
        %squeeze3A_1270 = vector.extract %slice3A_1269[0] : i32 from vector<1xi32>
        %add3A_1271 = arith.addi %add3A_1223, %squeeze3A_1270 : i32
        %get3A_1272 = arith.index_cast %add3A_75 : i32 to index
        %get3A_1273 = arith.constant 1072 : index
        %get3A_1274 = tpu.vector_load %arg4[%get3A_1272, %get3A_1273] {strides = array<i32>} : memref<64x1600xf32, #tpu.memory_space<vmem>>, vector<16xf32>,
        %ge3A_1275 = arith.cmpf oge, %get3A_1274, %broadcast_in_dim3A : vector<16xf32>
        %add3A_1276 = arith.constant 1248 : i32
        %add3A_1277 = arith.addi %add3A_1276, %add3A_1235 : i32
        %swap3A_1278 = arith.index_cast %add3A_1277 : i32 to index
        %swap3A_1279 = tpu.vector_load %arg5[%swap3A_1278] masked %ge3A_1275 {strides = array<i32>} : memref<3328xf32, #tpu.memory_space<vmem>>, vector<16xf32>, vector<16xi1>
        tpu.vector_store %arg5[%swap3A_1278], %get3A_1274 masked %ge3A_1275 {strides = array<i32>} : memref<3328xf32, #tpu.memory_space<vmem>>, vector<16xf32>, vector<16xi1>
        %all_reduce_population_count3A_1280 = tpu.all_reduce %ge3A_1275 {dim = 0 : i64, kind = #tpu.reduction_kind<sum>} : vector<16xi1> -> vector<16xi32>
        %slice3A_1281 = vector.extract_strided_slice %all_reduce_population_count3A_1280 {offsets = [0], sizes = [1], strides = [1]} : vector<16xi32> to vector<1xi32>
        %squeeze3A_1282 = vector.extract %slice3A_1281[0] : i32 from vector<1xi32>
        %add3A_1283 = arith.addi %add3A_1235, %squeeze3A_1282 : i32
        %get3A_1284 = arith.index_cast %add3A_75 : i32 to index
        %get3A_1285 = arith.constant 1088 : index
        %get3A_1286 = tpu.vector_load %arg4[%get3A_1284, %get3A_1285] {strides = array<i32>} : memref<64x1600xf32, #tpu.memory_space<vmem>>, vector<16xf32>,
        %ge3A_1287 = arith.cmpf oge, %get3A_1286, %broadcast_in_dim3A : vector<16xf32>
        %add3A_1288 = arith.constant 0 : i32
        %add3A_1289 = arith.addi %add3A_1288, %add3A_1247 : i32
        %swap3A_1290 = arith.index_cast %add3A_1289 : i32 to index
        %swap3A_1291 = tpu.vector_load %arg5[%swap3A_1290] masked %ge3A_1287 {strides = array<i32>} : memref<3328xf32, #tpu.memory_space<vmem>>, vector<16xf32>, vector<16xi1>
        tpu.vector_store %arg5[%swap3A_1290], %get3A_1286 masked %ge3A_1287 {strides = array<i32>} : memref<3328xf32, #tpu.memory_space<vmem>>, vector<16xf32>, vector<16xi1>
        %all_reduce_population_count3A_1292 = tpu.all_reduce %ge3A_1287 {dim = 0 : i64, kind = #tpu.reduction_kind<sum>} : vector<16xi1> -> vector<16xi32>
        %slice3A_1293 = vector.extract_strided_slice %all_reduce_population_count3A_1292 {offsets = [0], sizes = [1], strides = [1]} : vector<16xi32> to vector<1xi32>
        %squeeze3A_1294 = vector.extract %slice3A_1293[0] : i32 from vector<1xi32>
        %add3A_1295 = arith.addi %add3A_1247, %squeeze3A_1294 : i32
        %get3A_1296 = arith.index_cast %add3A_75 : i32 to index
        %get3A_1297 = arith.constant 1104 : index
        %get3A_1298 = tpu.vector_load %arg4[%get3A_1296, %get3A_1297] {strides = array<i32>} : memref<64x1600xf32, #tpu.memory_space<vmem>>, vector<16xf32>,
        %ge3A_1299 = arith.cmpf oge, %get3A_1298, %broadcast_in_dim3A : vector<16xf32>
        %add3A_1300 = arith.constant 416 : i32
        %add3A_1301 = arith.addi %add3A_1300, %add3A_1259 : i32
        %swap3A_1302 = arith.index_cast %add3A_1301 : i32 to index
        %swap3A_1303 = tpu.vector_load %arg5[%swap3A_1302] masked %ge3A_1299 {strides = array<i32>} : memref<3328xf32, #tpu.memory_space<vmem>>, vector<16xf32>, vector<16xi1>
        tpu.vector_store %arg5[%swap3A_1302], %get3A_1298 masked %ge3A_1299 {strides = array<i32>} : memref<3328xf32, #tpu.memory_space<vmem>>, vector<16xf32>, vector<16xi1>
        %all_reduce_population_count3A_1304 = tpu.all_reduce %ge3A_1299 {dim = 0 : i64, kind = #tpu.reduction_kind<sum>} : vector<16xi1> -> vector<16xi32>
        %slice3A_1305 = vector.extract_strided_slice %all_reduce_population_count3A_1304 {offsets = [0], sizes = [1], strides = [1]} : vector<16xi32> to vector<1xi32>
        %squeeze3A_1306 = vector.extract %slice3A_1305[0] : i32 from vector<1xi32>
        %add3A_1307 = arith.addi %add3A_1259, %squeeze3A_1306 : i32
        %get3A_1308 = arith.index_cast %add3A_75 : i32 to index
        %get3A_1309 = arith.constant 1120 : index
        %get3A_1310 = tpu.vector_load %arg4[%get3A_1308, %get3A_1309] {strides = array<i32>} : memref<64x1600xf32, #tpu.memory_space<vmem>>, vector<16xf32>,
        %ge3A_1311 = arith.cmpf oge, %get3A_1310, %broadcast_in_dim3A : vector<16xf32>
        %add3A_1312 = arith.constant 832 : i32
        %add3A_1313 = arith.addi %add3A_1312, %add3A_1271 : i32
        %swap3A_1314 = arith.index_cast %add3A_1313 : i32 to index
        %swap3A_1315 = tpu.vector_load %arg5[%swap3A_1314] masked %ge3A_1311 {strides = array<i32>} : memref<3328xf32, #tpu.memory_space<vmem>>, vector<16xf32>, vector<16xi1>
        tpu.vector_store %arg5[%swap3A_1314], %get3A_1310 masked %ge3A_1311 {strides = array<i32>} : memref<3328xf32, #tpu.memory_space<vmem>>, vector<16xf32>, vector<16xi1>
        %all_reduce_population_count3A_1316 = tpu.all_reduce %ge3A_1311 {dim = 0 : i64, kind = #tpu.reduction_kind<sum>} : vector<16xi1> -> vector<16xi32>
        %slice3A_1317 = vector.extract_strided_slice %all_reduce_population_count3A_1316 {offsets = [0], sizes = [1], strides = [1]} : vector<16xi32> to vector<1xi32>
        %squeeze3A_1318 = vector.extract %slice3A_1317[0] : i32 from vector<1xi32>
        %add3A_1319 = arith.addi %add3A_1271, %squeeze3A_1318 : i32
        %get3A_1320 = arith.index_cast %add3A_75 : i32 to index
        %get3A_1321 = arith.constant 1136 : index
        %get3A_1322 = tpu.vector_load %arg4[%get3A_1320, %get3A_1321] {strides = array<i32>} : memref<64x1600xf32, #tpu.memory_space<vmem>>, vector<16xf32>,
        %ge3A_1323 = arith.cmpf oge, %get3A_1322, %broadcast_in_dim3A : vector<16xf32>
        %add3A_1324 = arith.constant 1248 : i32
        %add3A_1325 = arith.addi %add3A_1324, %add3A_1283 : i32
        %swap3A_1326 = arith.index_cast %add3A_1325 : i32 to index
        %swap3A_1327 = tpu.vector_load %arg5[%swap3A_1326] masked %ge3A_1323 {strides = array<i32>} : memref<3328xf32, #tpu.memory_space<vmem>>, vector<16xf32>, vector<16xi1>
        tpu.vector_store %arg5[%swap3A_1326], %get3A_1322 masked %ge3A_1323 {strides = array<i32>} : memref<3328xf32, #tpu.memory_space<vmem>>, vector<16xf32>, vector<16xi1>
        %all_reduce_population_count3A_1328 = tpu.all_reduce %ge3A_1323 {dim = 0 : i64, kind = #tpu.reduction_kind<sum>} : vector<16xi1> -> vector<16xi32>
        %slice3A_1329 = vector.extract_strided_slice %all_reduce_population_count3A_1328 {offsets = [0], sizes = [1], strides = [1]} : vector<16xi32> to vector<1xi32>
        %squeeze3A_1330 = vector.extract %slice3A_1329[0] : i32 from vector<1xi32>
        %add3A_1331 = arith.addi %add3A_1283, %squeeze3A_1330 : i32
        %get3A_1332 = arith.index_cast %add3A_75 : i32 to index
        %get3A_1333 = arith.constant 1152 : index
        %get3A_1334 = tpu.vector_load %arg4[%get3A_1332, %get3A_1333] {strides = array<i32>} : memref<64x1600xf32, #tpu.memory_space<vmem>>, vector<16xf32>,
        %ge3A_1335 = arith.cmpf oge, %get3A_1334, %broadcast_in_dim3A : vector<16xf32>
        %add3A_1336 = arith.constant 0 : i32
        %add3A_1337 = arith.addi %add3A_1336, %add3A_1295 : i32
        %swap3A_1338 = arith.index_cast %add3A_1337 : i32 to index
        %swap3A_1339 = tpu.vector_load %arg5[%swap3A_1338] masked %ge3A_1335 {strides = array<i32>} : memref<3328xf32, #tpu.memory_space<vmem>>, vector<16xf32>, vector<16xi1>
        tpu.vector_store %arg5[%swap3A_1338], %get3A_1334 masked %ge3A_1335 {strides = array<i32>} : memref<3328xf32, #tpu.memory_space<vmem>>, vector<16xf32>, vector<16xi1>
        %all_reduce_population_count3A_1340 = tpu.all_reduce %ge3A_1335 {dim = 0 : i64, kind = #tpu.reduction_kind<sum>} : vector<16xi1> -> vector<16xi32>
        %slice3A_1341 = vector.extract_strided_slice %all_reduce_population_count3A_1340 {offsets = [0], sizes = [1], strides = [1]} : vector<16xi32> to vector<1xi32>
        %squeeze3A_1342 = vector.extract %slice3A_1341[0] : i32 from vector<1xi32>
        %add3A_1343 = arith.addi %add3A_1295, %squeeze3A_1342 : i32
        %get3A_1344 = arith.index_cast %add3A_75 : i32 to index
        %get3A_1345 = arith.constant 1168 : index
        %get3A_1346 = tpu.vector_load %arg4[%get3A_1344, %get3A_1345] {strides = array<i32>} : memref<64x1600xf32, #tpu.memory_space<vmem>>, vector<16xf32>,
        %ge3A_1347 = arith.cmpf oge, %get3A_1346, %broadcast_in_dim3A : vector<16xf32>
        %add3A_1348 = arith.constant 416 : i32
        %add3A_1349 = arith.addi %add3A_1348, %add3A_1307 : i32
        %swap3A_1350 = arith.index_cast %add3A_1349 : i32 to index
        %swap3A_1351 = tpu.vector_load %arg5[%swap3A_1350] masked %ge3A_1347 {strides = array<i32>} : memref<3328xf32, #tpu.memory_space<vmem>>, vector<16xf32>, vector<16xi1>
        tpu.vector_store %arg5[%swap3A_1350], %get3A_1346 masked %ge3A_1347 {strides = array<i32>} : memref<3328xf32, #tpu.memory_space<vmem>>, vector<16xf32>, vector<16xi1>
        %all_reduce_population_count3A_1352 = tpu.all_reduce %ge3A_1347 {dim = 0 : i64, kind = #tpu.reduction_kind<sum>} : vector<16xi1> -> vector<16xi32>
        %slice3A_1353 = vector.extract_strided_slice %all_reduce_population_count3A_1352 {offsets = [0], sizes = [1], strides = [1]} : vector<16xi32> to vector<1xi32>
        %squeeze3A_1354 = vector.extract %slice3A_1353[0] : i32 from vector<1xi32>
        %add3A_1355 = arith.addi %add3A_1307, %squeeze3A_1354 : i32
        %get3A_1356 = arith.index_cast %add3A_75 : i32 to index
        %get3A_1357 = arith.constant 1184 : index
        %get3A_1358 = tpu.vector_load %arg4[%get3A_1356, %get3A_1357] {strides = array<i32>} : memref<64x1600xf32, #tpu.memory_space<vmem>>, vector<16xf32>,
        %ge3A_1359 = arith.cmpf oge, %get3A_1358, %broadcast_in_dim3A : vector<16xf32>
        %add3A_1360 = arith.constant 832 : i32
        %add3A_1361 = arith.addi %add3A_1360, %add3A_1319 : i32
        %swap3A_1362 = arith.index_cast %add3A_1361 : i32 to index
        %swap3A_1363 = tpu.vector_load %arg5[%swap3A_1362] masked %ge3A_1359 {strides = array<i32>} : memref<3328xf32, #tpu.memory_space<vmem>>, vector<16xf32>, vector<16xi1>
        tpu.vector_store %arg5[%swap3A_1362], %get3A_1358 masked %ge3A_1359 {strides = array<i32>} : memref<3328xf32, #tpu.memory_space<vmem>>, vector<16xf32>, vector<16xi1>
        %all_reduce_population_count3A_1364 = tpu.all_reduce %ge3A_1359 {dim = 0 : i64, kind = #tpu.reduction_kind<sum>} : vector<16xi1> -> vector<16xi32>
        %slice3A_1365 = vector.extract_strided_slice %all_reduce_population_count3A_1364 {offsets = [0], sizes = [1], strides = [1]} : vector<16xi32> to vector<1xi32>
        %squeeze3A_1366 = vector.extract %slice3A_1365[0] : i32 from vector<1xi32>
        %add3A_1367 = arith.addi %add3A_1319, %squeeze3A_1366 : i32
        %get3A_1368 = arith.index_cast %add3A_75 : i32 to index
        %get3A_1369 = arith.constant 1200 : index
        %get3A_1370 = tpu.vector_load %arg4[%get3A_1368, %get3A_1369] {strides = array<i32>} : memref<64x1600xf32, #tpu.memory_space<vmem>>, vector<16xf32>,
        %ge3A_1371 = arith.cmpf oge, %get3A_1370, %broadcast_in_dim3A : vector<16xf32>
        %add3A_1372 = arith.constant 1248 : i32
        %add3A_1373 = arith.addi %add3A_1372, %add3A_1331 : i32
        %swap3A_1374 = arith.index_cast %add3A_1373 : i32 to index
        %swap3A_1375 = tpu.vector_load %arg5[%swap3A_1374] masked %ge3A_1371 {strides = array<i32>} : memref<3328xf32, #tpu.memory_space<vmem>>, vector<16xf32>, vector<16xi1>
        tpu.vector_store %arg5[%swap3A_1374], %get3A_1370 masked %ge3A_1371 {strides = array<i32>} : memref<3328xf32, #tpu.memory_space<vmem>>, vector<16xf32>, vector<16xi1>
        %all_reduce_population_count3A_1376 = tpu.all_reduce %ge3A_1371 {dim = 0 : i64, kind = #tpu.reduction_kind<sum>} : vector<16xi1> -> vector<16xi32>
        %slice3A_1377 = vector.extract_strided_slice %all_reduce_population_count3A_1376 {offsets = [0], sizes = [1], strides = [1]} : vector<16xi32> to vector<1xi32>
        %squeeze3A_1378 = vector.extract %slice3A_1377[0] : i32 from vector<1xi32>
        %add3A_1379 = arith.addi %add3A_1331, %squeeze3A_1378 : i32
        %get3A_1380 = arith.index_cast %add3A_75 : i32 to index
        %get3A_1381 = arith.constant 1216 : index
        %get3A_1382 = tpu.vector_load %arg4[%get3A_1380, %get3A_1381] {strides = array<i32>} : memref<64x1600xf32, #tpu.memory_space<vmem>>, vector<16xf32>,
        %ge3A_1383 = arith.cmpf oge, %get3A_1382, %broadcast_in_dim3A : vector<16xf32>
        %add3A_1384 = arith.constant 0 : i32
        %add3A_1385 = arith.addi %add3A_1384, %add3A_1343 : i32
        %swap3A_1386 = arith.index_cast %add3A_1385 : i32 to index
        %swap3A_1387 = tpu.vector_load %arg5[%swap3A_1386] masked %ge3A_1383 {strides = array<i32>} : memref<3328xf32, #tpu.memory_space<vmem>>, vector<16xf32>, vector<16xi1>
        tpu.vector_store %arg5[%swap3A_1386], %get3A_1382 masked %ge3A_1383 {strides = array<i32>} : memref<3328xf32, #tpu.memory_space<vmem>>, vector<16xf32>, vector<16xi1>
        %all_reduce_population_count3A_1388 = tpu.all_reduce %ge3A_1383 {dim = 0 : i64, kind = #tpu.reduction_kind<sum>} : vector<16xi1> -> vector<16xi32>
        %slice3A_1389 = vector.extract_strided_slice %all_reduce_population_count3A_1388 {offsets = [0], sizes = [1], strides = [1]} : vector<16xi32> to vector<1xi32>
        %squeeze3A_1390 = vector.extract %slice3A_1389[0] : i32 from vector<1xi32>
        %add3A_1391 = arith.addi %add3A_1343, %squeeze3A_1390 : i32
        %get3A_1392 = arith.index_cast %add3A_75 : i32 to index
        %get3A_1393 = arith.constant 1232 : index
        %get3A_1394 = tpu.vector_load %arg4[%get3A_1392, %get3A_1393] {strides = array<i32>} : memref<64x1600xf32, #tpu.memory_space<vmem>>, vector<16xf32>,
        %ge3A_1395 = arith.cmpf oge, %get3A_1394, %broadcast_in_dim3A : vector<16xf32>
        %add3A_1396 = arith.constant 416 : i32
        %add3A_1397 = arith.addi %add3A_1396, %add3A_1355 : i32
        %swap3A_1398 = arith.index_cast %add3A_1397 : i32 to index
        %swap3A_1399 = tpu.vector_load %arg5[%swap3A_1398] masked %ge3A_1395 {strides = array<i32>} : memref<3328xf32, #tpu.memory_space<vmem>>, vector<16xf32>, vector<16xi1>
        tpu.vector_store %arg5[%swap3A_1398], %get3A_1394 masked %ge3A_1395 {strides = array<i32>} : memref<3328xf32, #tpu.memory_space<vmem>>, vector<16xf32>, vector<16xi1>
        %all_reduce_population_count3A_1400 = tpu.all_reduce %ge3A_1395 {dim = 0 : i64, kind = #tpu.reduction_kind<sum>} : vector<16xi1> -> vector<16xi32>
        %slice3A_1401 = vector.extract_strided_slice %all_reduce_population_count3A_1400 {offsets = [0], sizes = [1], strides = [1]} : vector<16xi32> to vector<1xi32>
        %squeeze3A_1402 = vector.extract %slice3A_1401[0] : i32 from vector<1xi32>
        %add3A_1403 = arith.addi %add3A_1355, %squeeze3A_1402 : i32
        %get3A_1404 = arith.index_cast %add3A_75 : i32 to index
        %get3A_1405 = arith.constant 1248 : index
        %get3A_1406 = tpu.vector_load %arg4[%get3A_1404, %get3A_1405] {strides = array<i32>} : memref<64x1600xf32, #tpu.memory_space<vmem>>, vector<16xf32>,
        %ge3A_1407 = arith.cmpf oge, %get3A_1406, %broadcast_in_dim3A : vector<16xf32>
        %add3A_1408 = arith.constant 832 : i32
        %add3A_1409 = arith.addi %add3A_1408, %add3A_1367 : i32
        %swap3A_1410 = arith.index_cast %add3A_1409 : i32 to index
        %swap3A_1411 = tpu.vector_load %arg5[%swap3A_1410] masked %ge3A_1407 {strides = array<i32>} : memref<3328xf32, #tpu.memory_space<vmem>>, vector<16xf32>, vector<16xi1>
        tpu.vector_store %arg5[%swap3A_1410], %get3A_1406 masked %ge3A_1407 {strides = array<i32>} : memref<3328xf32, #tpu.memory_space<vmem>>, vector<16xf32>, vector<16xi1>
        %all_reduce_population_count3A_1412 = tpu.all_reduce %ge3A_1407 {dim = 0 : i64, kind = #tpu.reduction_kind<sum>} : vector<16xi1> -> vector<16xi32>
        %slice3A_1413 = vector.extract_strided_slice %all_reduce_population_count3A_1412 {offsets = [0], sizes = [1], strides = [1]} : vector<16xi32> to vector<1xi32>
        %squeeze3A_1414 = vector.extract %slice3A_1413[0] : i32 from vector<1xi32>
        %add3A_1415 = arith.addi %add3A_1367, %squeeze3A_1414 : i32
        %get3A_1416 = arith.index_cast %add3A_75 : i32 to index
        %get3A_1417 = arith.constant 1264 : index
        %get3A_1418 = tpu.vector_load %arg4[%get3A_1416, %get3A_1417] {strides = array<i32>} : memref<64x1600xf32, #tpu.memory_space<vmem>>, vector<16xf32>,
        %ge3A_1419 = arith.cmpf oge, %get3A_1418, %broadcast_in_dim3A : vector<16xf32>
        %add3A_1420 = arith.constant 1248 : i32
        %add3A_1421 = arith.addi %add3A_1420, %add3A_1379 : i32
        %swap3A_1422 = arith.index_cast %add3A_1421 : i32 to index
        %swap3A_1423 = tpu.vector_load %arg5[%swap3A_1422] masked %ge3A_1419 {strides = array<i32>} : memref<3328xf32, #tpu.memory_space<vmem>>, vector<16xf32>, vector<16xi1>
        tpu.vector_store %arg5[%swap3A_1422], %get3A_1418 masked %ge3A_1419 {strides = array<i32>} : memref<3328xf32, #tpu.memory_space<vmem>>, vector<16xf32>, vector<16xi1>
        %all_reduce_population_count3A_1424 = tpu.all_reduce %ge3A_1419 {dim = 0 : i64, kind = #tpu.reduction_kind<sum>} : vector<16xi1> -> vector<16xi32>
        %slice3A_1425 = vector.extract_strided_slice %all_reduce_population_count3A_1424 {offsets = [0], sizes = [1], strides = [1]} : vector<16xi32> to vector<1xi32>
        %squeeze3A_1426 = vector.extract %slice3A_1425[0] : i32 from vector<1xi32>
        %add3A_1427 = arith.addi %add3A_1379, %squeeze3A_1426 : i32
        %get3A_1428 = arith.index_cast %add3A_75 : i32 to index
        %get3A_1429 = arith.constant 1280 : index
        %get3A_1430 = tpu.vector_load %arg4[%get3A_1428, %get3A_1429] {strides = array<i32>} : memref<64x1600xf32, #tpu.memory_space<vmem>>, vector<16xf32>,
        %ge3A_1431 = arith.cmpf oge, %get3A_1430, %broadcast_in_dim3A : vector<16xf32>
        %add3A_1432 = arith.constant 0 : i32
        %add3A_1433 = arith.addi %add3A_1432, %add3A_1391 : i32
        %swap3A_1434 = arith.index_cast %add3A_1433 : i32 to index
        %swap3A_1435 = tpu.vector_load %arg5[%swap3A_1434] masked %ge3A_1431 {strides = array<i32>} : memref<3328xf32, #tpu.memory_space<vmem>>, vector<16xf32>, vector<16xi1>
        tpu.vector_store %arg5[%swap3A_1434], %get3A_1430 masked %ge3A_1431 {strides = array<i32>} : memref<3328xf32, #tpu.memory_space<vmem>>, vector<16xf32>, vector<16xi1>
        %all_reduce_population_count3A_1436 = tpu.all_reduce %ge3A_1431 {dim = 0 : i64, kind = #tpu.reduction_kind<sum>} : vector<16xi1> -> vector<16xi32>
        %slice3A_1437 = vector.extract_strided_slice %all_reduce_population_count3A_1436 {offsets = [0], sizes = [1], strides = [1]} : vector<16xi32> to vector<1xi32>
        %squeeze3A_1438 = vector.extract %slice3A_1437[0] : i32 from vector<1xi32>
        %add3A_1439 = arith.addi %add3A_1391, %squeeze3A_1438 : i32
        %get3A_1440 = arith.index_cast %add3A_75 : i32 to index
        %get3A_1441 = arith.constant 1296 : index
        %get3A_1442 = tpu.vector_load %arg4[%get3A_1440, %get3A_1441] {strides = array<i32>} : memref<64x1600xf32, #tpu.memory_space<vmem>>, vector<16xf32>,
        %ge3A_1443 = arith.cmpf oge, %get3A_1442, %broadcast_in_dim3A : vector<16xf32>
        %add3A_1444 = arith.constant 416 : i32
        %add3A_1445 = arith.addi %add3A_1444, %add3A_1403 : i32
        %swap3A_1446 = arith.index_cast %add3A_1445 : i32 to index
        %swap3A_1447 = tpu.vector_load %arg5[%swap3A_1446] masked %ge3A_1443 {strides = array<i32>} : memref<3328xf32, #tpu.memory_space<vmem>>, vector<16xf32>, vector<16xi1>
        tpu.vector_store %arg5[%swap3A_1446], %get3A_1442 masked %ge3A_1443 {strides = array<i32>} : memref<3328xf32, #tpu.memory_space<vmem>>, vector<16xf32>, vector<16xi1>
        %all_reduce_population_count3A_1448 = tpu.all_reduce %ge3A_1443 {dim = 0 : i64, kind = #tpu.reduction_kind<sum>} : vector<16xi1> -> vector<16xi32>
        %slice3A_1449 = vector.extract_strided_slice %all_reduce_population_count3A_1448 {offsets = [0], sizes = [1], strides = [1]} : vector<16xi32> to vector<1xi32>
        %squeeze3A_1450 = vector.extract %slice3A_1449[0] : i32 from vector<1xi32>
        %add3A_1451 = arith.addi %add3A_1403, %squeeze3A_1450 : i32
        %get3A_1452 = arith.index_cast %add3A_75 : i32 to index
        %get3A_1453 = arith.constant 1312 : index
        %get3A_1454 = tpu.vector_load %arg4[%get3A_1452, %get3A_1453] {strides = array<i32>} : memref<64x1600xf32, #tpu.memory_space<vmem>>, vector<16xf32>,
        %ge3A_1455 = arith.cmpf oge, %get3A_1454, %broadcast_in_dim3A : vector<16xf32>
        %add3A_1456 = arith.constant 832 : i32
        %add3A_1457 = arith.addi %add3A_1456, %add3A_1415 : i32
        %swap3A_1458 = arith.index_cast %add3A_1457 : i32 to index
        %swap3A_1459 = tpu.vector_load %arg5[%swap3A_1458] masked %ge3A_1455 {strides = array<i32>} : memref<3328xf32, #tpu.memory_space<vmem>>, vector<16xf32>, vector<16xi1>
        tpu.vector_store %arg5[%swap3A_1458], %get3A_1454 masked %ge3A_1455 {strides = array<i32>} : memref<3328xf32, #tpu.memory_space<vmem>>, vector<16xf32>, vector<16xi1>
        %all_reduce_population_count3A_1460 = tpu.all_reduce %ge3A_1455 {dim = 0 : i64, kind = #tpu.reduction_kind<sum>} : vector<16xi1> -> vector<16xi32>
        %slice3A_1461 = vector.extract_strided_slice %all_reduce_population_count3A_1460 {offsets = [0], sizes = [1], strides = [1]} : vector<16xi32> to vector<1xi32>
        %squeeze3A_1462 = vector.extract %slice3A_1461[0] : i32 from vector<1xi32>
        %add3A_1463 = arith.addi %add3A_1415, %squeeze3A_1462 : i32
        %get3A_1464 = arith.index_cast %add3A_75 : i32 to index
        %get3A_1465 = arith.constant 1328 : index
        %get3A_1466 = tpu.vector_load %arg4[%get3A_1464, %get3A_1465] {strides = array<i32>} : memref<64x1600xf32, #tpu.memory_space<vmem>>, vector<16xf32>,
        %ge3A_1467 = arith.cmpf oge, %get3A_1466, %broadcast_in_dim3A : vector<16xf32>
        %add3A_1468 = arith.constant 1248 : i32
        %add3A_1469 = arith.addi %add3A_1468, %add3A_1427 : i32
        %swap3A_1470 = arith.index_cast %add3A_1469 : i32 to index
        %swap3A_1471 = tpu.vector_load %arg5[%swap3A_1470] masked %ge3A_1467 {strides = array<i32>} : memref<3328xf32, #tpu.memory_space<vmem>>, vector<16xf32>, vector<16xi1>
        tpu.vector_store %arg5[%swap3A_1470], %get3A_1466 masked %ge3A_1467 {strides = array<i32>} : memref<3328xf32, #tpu.memory_space<vmem>>, vector<16xf32>, vector<16xi1>
        %all_reduce_population_count3A_1472 = tpu.all_reduce %ge3A_1467 {dim = 0 : i64, kind = #tpu.reduction_kind<sum>} : vector<16xi1> -> vector<16xi32>
        %slice3A_1473 = vector.extract_strided_slice %all_reduce_population_count3A_1472 {offsets = [0], sizes = [1], strides = [1]} : vector<16xi32> to vector<1xi32>
        %squeeze3A_1474 = vector.extract %slice3A_1473[0] : i32 from vector<1xi32>
        %add3A_1475 = arith.addi %add3A_1427, %squeeze3A_1474 : i32
        %get3A_1476 = arith.index_cast %add3A_75 : i32 to index
        %get3A_1477 = arith.constant 1344 : index
        %get3A_1478 = tpu.vector_load %arg4[%get3A_1476, %get3A_1477] {strides = array<i32>} : memref<64x1600xf32, #tpu.memory_space<vmem>>, vector<16xf32>,
        %ge3A_1479 = arith.cmpf oge, %get3A_1478, %broadcast_in_dim3A : vector<16xf32>
        %add3A_1480 = arith.constant 0 : i32
        %add3A_1481 = arith.addi %add3A_1480, %add3A_1439 : i32
        %swap3A_1482 = arith.index_cast %add3A_1481 : i32 to index
        %swap3A_1483 = tpu.vector_load %arg5[%swap3A_1482] masked %ge3A_1479 {strides = array<i32>} : memref<3328xf32, #tpu.memory_space<vmem>>, vector<16xf32>, vector<16xi1>
        tpu.vector_store %arg5[%swap3A_1482], %get3A_1478 masked %ge3A_1479 {strides = array<i32>} : memref<3328xf32, #tpu.memory_space<vmem>>, vector<16xf32>, vector<16xi1>
        %all_reduce_population_count3A_1484 = tpu.all_reduce %ge3A_1479 {dim = 0 : i64, kind = #tpu.reduction_kind<sum>} : vector<16xi1> -> vector<16xi32>
        %slice3A_1485 = vector.extract_strided_slice %all_reduce_population_count3A_1484 {offsets = [0], sizes = [1], strides = [1]} : vector<16xi32> to vector<1xi32>
        %squeeze3A_1486 = vector.extract %slice3A_1485[0] : i32 from vector<1xi32>
        %add3A_1487 = arith.addi %add3A_1439, %squeeze3A_1486 : i32
        %get3A_1488 = arith.index_cast %add3A_75 : i32 to index
        %get3A_1489 = arith.constant 1360 : index
        %get3A_1490 = tpu.vector_load %arg4[%get3A_1488, %get3A_1489] {strides = array<i32>} : memref<64x1600xf32, #tpu.memory_space<vmem>>, vector<16xf32>,
        %ge3A_1491 = arith.cmpf oge, %get3A_1490, %broadcast_in_dim3A : vector<16xf32>
        %add3A_1492 = arith.constant 416 : i32
        %add3A_1493 = arith.addi %add3A_1492, %add3A_1451 : i32
        %swap3A_1494 = arith.index_cast %add3A_1493 : i32 to index
        %swap3A_1495 = tpu.vector_load %arg5[%swap3A_1494] masked %ge3A_1491 {strides = array<i32>} : memref<3328xf32, #tpu.memory_space<vmem>>, vector<16xf32>, vector<16xi1>
        tpu.vector_store %arg5[%swap3A_1494], %get3A_1490 masked %ge3A_1491 {strides = array<i32>} : memref<3328xf32, #tpu.memory_space<vmem>>, vector<16xf32>, vector<16xi1>
        %all_reduce_population_count3A_1496 = tpu.all_reduce %ge3A_1491 {dim = 0 : i64, kind = #tpu.reduction_kind<sum>} : vector<16xi1> -> vector<16xi32>
        %slice3A_1497 = vector.extract_strided_slice %all_reduce_population_count3A_1496 {offsets = [0], sizes = [1], strides = [1]} : vector<16xi32> to vector<1xi32>
        %squeeze3A_1498 = vector.extract %slice3A_1497[0] : i32 from vector<1xi32>
        %add3A_1499 = arith.addi %add3A_1451, %squeeze3A_1498 : i32
        %get3A_1500 = arith.index_cast %add3A_75 : i32 to index
        %get3A_1501 = arith.constant 1376 : index
        %get3A_1502 = tpu.vector_load %arg4[%get3A_1500, %get3A_1501] {strides = array<i32>} : memref<64x1600xf32, #tpu.memory_space<vmem>>, vector<16xf32>,
        %ge3A_1503 = arith.cmpf oge, %get3A_1502, %broadcast_in_dim3A : vector<16xf32>
        %add3A_1504 = arith.constant 832 : i32
        %add3A_1505 = arith.addi %add3A_1504, %add3A_1463 : i32
        %swap3A_1506 = arith.index_cast %add3A_1505 : i32 to index
        %swap3A_1507 = tpu.vector_load %arg5[%swap3A_1506] masked %ge3A_1503 {strides = array<i32>} : memref<3328xf32, #tpu.memory_space<vmem>>, vector<16xf32>, vector<16xi1>
        tpu.vector_store %arg5[%swap3A_1506], %get3A_1502 masked %ge3A_1503 {strides = array<i32>} : memref<3328xf32, #tpu.memory_space<vmem>>, vector<16xf32>, vector<16xi1>
        %all_reduce_population_count3A_1508 = tpu.all_reduce %ge3A_1503 {dim = 0 : i64, kind = #tpu.reduction_kind<sum>} : vector<16xi1> -> vector<16xi32>
        %slice3A_1509 = vector.extract_strided_slice %all_reduce_population_count3A_1508 {offsets = [0], sizes = [1], strides = [1]} : vector<16xi32> to vector<1xi32>
        %squeeze3A_1510 = vector.extract %slice3A_1509[0] : i32 from vector<1xi32>
        %add3A_1511 = arith.addi %add3A_1463, %squeeze3A_1510 : i32
        %get3A_1512 = arith.index_cast %add3A_75 : i32 to index
        %get3A_1513 = arith.constant 1392 : index
        %get3A_1514 = tpu.vector_load %arg4[%get3A_1512, %get3A_1513] {strides = array<i32>} : memref<64x1600xf32, #tpu.memory_space<vmem>>, vector<16xf32>,
        %ge3A_1515 = arith.cmpf oge, %get3A_1514, %broadcast_in_dim3A : vector<16xf32>
        %add3A_1516 = arith.constant 1248 : i32
        %add3A_1517 = arith.addi %add3A_1516, %add3A_1475 : i32
        %swap3A_1518 = arith.index_cast %add3A_1517 : i32 to index
        %swap3A_1519 = tpu.vector_load %arg5[%swap3A_1518] masked %ge3A_1515 {strides = array<i32>} : memref<3328xf32, #tpu.memory_space<vmem>>, vector<16xf32>, vector<16xi1>
        tpu.vector_store %arg5[%swap3A_1518], %get3A_1514 masked %ge3A_1515 {strides = array<i32>} : memref<3328xf32, #tpu.memory_space<vmem>>, vector<16xf32>, vector<16xi1>
        %all_reduce_population_count3A_1520 = tpu.all_reduce %ge3A_1515 {dim = 0 : i64, kind = #tpu.reduction_kind<sum>} : vector<16xi1> -> vector<16xi32>
        %slice3A_1521 = vector.extract_strided_slice %all_reduce_population_count3A_1520 {offsets = [0], sizes = [1], strides = [1]} : vector<16xi32> to vector<1xi32>
        %squeeze3A_1522 = vector.extract %slice3A_1521[0] : i32 from vector<1xi32>
        %add3A_1523 = arith.addi %add3A_1475, %squeeze3A_1522 : i32
        %get3A_1524 = arith.index_cast %add3A_75 : i32 to index
        %get3A_1525 = arith.constant 1408 : index
        %get3A_1526 = tpu.vector_load %arg4[%get3A_1524, %get3A_1525] {strides = array<i32>} : memref<64x1600xf32, #tpu.memory_space<vmem>>, vector<16xf32>,
        %ge3A_1527 = arith.cmpf oge, %get3A_1526, %broadcast_in_dim3A : vector<16xf32>
        %add3A_1528 = arith.constant 0 : i32
        %add3A_1529 = arith.addi %add3A_1528, %add3A_1487 : i32
        %swap3A_1530 = arith.index_cast %add3A_1529 : i32 to index
        %swap3A_1531 = tpu.vector_load %arg5[%swap3A_1530] masked %ge3A_1527 {strides = array<i32>} : memref<3328xf32, #tpu.memory_space<vmem>>, vector<16xf32>, vector<16xi1>
        tpu.vector_store %arg5[%swap3A_1530], %get3A_1526 masked %ge3A_1527 {strides = array<i32>} : memref<3328xf32, #tpu.memory_space<vmem>>, vector<16xf32>, vector<16xi1>
        %all_reduce_population_count3A_1532 = tpu.all_reduce %ge3A_1527 {dim = 0 : i64, kind = #tpu.reduction_kind<sum>} : vector<16xi1> -> vector<16xi32>
        %slice3A_1533 = vector.extract_strided_slice %all_reduce_population_count3A_1532 {offsets = [0], sizes = [1], strides = [1]} : vector<16xi32> to vector<1xi32>
        %squeeze3A_1534 = vector.extract %slice3A_1533[0] : i32 from vector<1xi32>
        %add3A_1535 = arith.addi %add3A_1487, %squeeze3A_1534 : i32
        %get3A_1536 = arith.index_cast %add3A_75 : i32 to index
        %get3A_1537 = arith.constant 1424 : index
        %get3A_1538 = tpu.vector_load %arg4[%get3A_1536, %get3A_1537] {strides = array<i32>} : memref<64x1600xf32, #tpu.memory_space<vmem>>, vector<16xf32>,
        %ge3A_1539 = arith.cmpf oge, %get3A_1538, %broadcast_in_dim3A : vector<16xf32>
        %add3A_1540 = arith.constant 416 : i32
        %add3A_1541 = arith.addi %add3A_1540, %add3A_1499 : i32
        %swap3A_1542 = arith.index_cast %add3A_1541 : i32 to index
        %swap3A_1543 = tpu.vector_load %arg5[%swap3A_1542] masked %ge3A_1539 {strides = array<i32>} : memref<3328xf32, #tpu.memory_space<vmem>>, vector<16xf32>, vector<16xi1>
        tpu.vector_store %arg5[%swap3A_1542], %get3A_1538 masked %ge3A_1539 {strides = array<i32>} : memref<3328xf32, #tpu.memory_space<vmem>>, vector<16xf32>, vector<16xi1>
        %all_reduce_population_count3A_1544 = tpu.all_reduce %ge3A_1539 {dim = 0 : i64, kind = #tpu.reduction_kind<sum>} : vector<16xi1> -> vector<16xi32>
        %slice3A_1545 = vector.extract_strided_slice %all_reduce_population_count3A_1544 {offsets = [0], sizes = [1], strides = [1]} : vector<16xi32> to vector<1xi32>
        %squeeze3A_1546 = vector.extract %slice3A_1545[0] : i32 from vector<1xi32>
        %add3A_1547 = arith.addi %add3A_1499, %squeeze3A_1546 : i32
        %get3A_1548 = arith.index_cast %add3A_75 : i32 to index
        %get3A_1549 = arith.constant 1440 : index
        %get3A_1550 = tpu.vector_load %arg4[%get3A_1548, %get3A_1549] {strides = array<i32>} : memref<64x1600xf32, #tpu.memory_space<vmem>>, vector<16xf32>,
        %ge3A_1551 = arith.cmpf oge, %get3A_1550, %broadcast_in_dim3A : vector<16xf32>
        %add3A_1552 = arith.constant 832 : i32
        %add3A_1553 = arith.addi %add3A_1552, %add3A_1511 : i32
        %swap3A_1554 = arith.index_cast %add3A_1553 : i32 to index
        %swap3A_1555 = tpu.vector_load %arg5[%swap3A_1554] masked %ge3A_1551 {strides = array<i32>} : memref<3328xf32, #tpu.memory_space<vmem>>, vector<16xf32>, vector<16xi1>
        tpu.vector_store %arg5[%swap3A_1554], %get3A_1550 masked %ge3A_1551 {strides = array<i32>} : memref<3328xf32, #tpu.memory_space<vmem>>, vector<16xf32>, vector<16xi1>
        %all_reduce_population_count3A_1556 = tpu.all_reduce %ge3A_1551 {dim = 0 : i64, kind = #tpu.reduction_kind<sum>} : vector<16xi1> -> vector<16xi32>
        %slice3A_1557 = vector.extract_strided_slice %all_reduce_population_count3A_1556 {offsets = [0], sizes = [1], strides = [1]} : vector<16xi32> to vector<1xi32>
        %squeeze3A_1558 = vector.extract %slice3A_1557[0] : i32 from vector<1xi32>
        %add3A_1559 = arith.addi %add3A_1511, %squeeze3A_1558 : i32
        %get3A_1560 = arith.index_cast %add3A_75 : i32 to index
        %get3A_1561 = arith.constant 1456 : index
        %get3A_1562 = tpu.vector_load %arg4[%get3A_1560, %get3A_1561] {strides = array<i32>} : memref<64x1600xf32, #tpu.memory_space<vmem>>, vector<16xf32>,
        %ge3A_1563 = arith.cmpf oge, %get3A_1562, %broadcast_in_dim3A : vector<16xf32>
        %add3A_1564 = arith.constant 1248 : i32
        %add3A_1565 = arith.addi %add3A_1564, %add3A_1523 : i32
        %swap3A_1566 = arith.index_cast %add3A_1565 : i32 to index
        %swap3A_1567 = tpu.vector_load %arg5[%swap3A_1566] masked %ge3A_1563 {strides = array<i32>} : memref<3328xf32, #tpu.memory_space<vmem>>, vector<16xf32>, vector<16xi1>
        tpu.vector_store %arg5[%swap3A_1566], %get3A_1562 masked %ge3A_1563 {strides = array<i32>} : memref<3328xf32, #tpu.memory_space<vmem>>, vector<16xf32>, vector<16xi1>
        %all_reduce_population_count3A_1568 = tpu.all_reduce %ge3A_1563 {dim = 0 : i64, kind = #tpu.reduction_kind<sum>} : vector<16xi1> -> vector<16xi32>
        %slice3A_1569 = vector.extract_strided_slice %all_reduce_population_count3A_1568 {offsets = [0], sizes = [1], strides = [1]} : vector<16xi32> to vector<1xi32>
        %squeeze3A_1570 = vector.extract %slice3A_1569[0] : i32 from vector<1xi32>
        %add3A_1571 = arith.addi %add3A_1523, %squeeze3A_1570 : i32
        %get3A_1572 = arith.index_cast %add3A_75 : i32 to index
        %get3A_1573 = arith.constant 1472 : index
        %get3A_1574 = tpu.vector_load %arg4[%get3A_1572, %get3A_1573] {strides = array<i32>} : memref<64x1600xf32, #tpu.memory_space<vmem>>, vector<16xf32>,
        %ge3A_1575 = arith.cmpf oge, %get3A_1574, %broadcast_in_dim3A : vector<16xf32>
        %add3A_1576 = arith.constant 0 : i32
        %add3A_1577 = arith.addi %add3A_1576, %add3A_1535 : i32
        %swap3A_1578 = arith.index_cast %add3A_1577 : i32 to index
        %swap3A_1579 = tpu.vector_load %arg5[%swap3A_1578] masked %ge3A_1575 {strides = array<i32>} : memref<3328xf32, #tpu.memory_space<vmem>>, vector<16xf32>, vector<16xi1>
        tpu.vector_store %arg5[%swap3A_1578], %get3A_1574 masked %ge3A_1575 {strides = array<i32>} : memref<3328xf32, #tpu.memory_space<vmem>>, vector<16xf32>, vector<16xi1>
        %all_reduce_population_count3A_1580 = tpu.all_reduce %ge3A_1575 {dim = 0 : i64, kind = #tpu.reduction_kind<sum>} : vector<16xi1> -> vector<16xi32>
        %slice3A_1581 = vector.extract_strided_slice %all_reduce_population_count3A_1580 {offsets = [0], sizes = [1], strides = [1]} : vector<16xi32> to vector<1xi32>
        %squeeze3A_1582 = vector.extract %slice3A_1581[0] : i32 from vector<1xi32>
        %add3A_1583 = arith.addi %add3A_1535, %squeeze3A_1582 : i32
        %get3A_1584 = arith.index_cast %add3A_75 : i32 to index
        %get3A_1585 = arith.constant 1488 : index
        %get3A_1586 = tpu.vector_load %arg4[%get3A_1584, %get3A_1585] {strides = array<i32>} : memref<64x1600xf32, #tpu.memory_space<vmem>>, vector<16xf32>,
        %ge3A_1587 = arith.cmpf oge, %get3A_1586, %broadcast_in_dim3A : vector<16xf32>
        %add3A_1588 = arith.constant 416 : i32
        %add3A_1589 = arith.addi %add3A_1588, %add3A_1547 : i32
        %swap3A_1590 = arith.index_cast %add3A_1589 : i32 to index
        %swap3A_1591 = tpu.vector_load %arg5[%swap3A_1590] masked %ge3A_1587 {strides = array<i32>} : memref<3328xf32, #tpu.memory_space<vmem>>, vector<16xf32>, vector<16xi1>
        tpu.vector_store %arg5[%swap3A_1590], %get3A_1586 masked %ge3A_1587 {strides = array<i32>} : memref<3328xf32, #tpu.memory_space<vmem>>, vector<16xf32>, vector<16xi1>
        %all_reduce_population_count3A_1592 = tpu.all_reduce %ge3A_1587 {dim = 0 : i64, kind = #tpu.reduction_kind<sum>} : vector<16xi1> -> vector<16xi32>
        %slice3A_1593 = vector.extract_strided_slice %all_reduce_population_count3A_1592 {offsets = [0], sizes = [1], strides = [1]} : vector<16xi32> to vector<1xi32>
        %squeeze3A_1594 = vector.extract %slice3A_1593[0] : i32 from vector<1xi32>
        %add3A_1595 = arith.addi %add3A_1547, %squeeze3A_1594 : i32
        %get3A_1596 = arith.index_cast %add3A_75 : i32 to index
        %get3A_1597 = arith.constant 1504 : index
        %get3A_1598 = tpu.vector_load %arg4[%get3A_1596, %get3A_1597] {strides = array<i32>} : memref<64x1600xf32, #tpu.memory_space<vmem>>, vector<16xf32>,
        %ge3A_1599 = arith.cmpf oge, %get3A_1598, %broadcast_in_dim3A : vector<16xf32>
        %add3A_1600 = arith.constant 832 : i32
        %add3A_1601 = arith.addi %add3A_1600, %add3A_1559 : i32
        %swap3A_1602 = arith.index_cast %add3A_1601 : i32 to index
        %swap3A_1603 = tpu.vector_load %arg5[%swap3A_1602] masked %ge3A_1599 {strides = array<i32>} : memref<3328xf32, #tpu.memory_space<vmem>>, vector<16xf32>, vector<16xi1>
        tpu.vector_store %arg5[%swap3A_1602], %get3A_1598 masked %ge3A_1599 {strides = array<i32>} : memref<3328xf32, #tpu.memory_space<vmem>>, vector<16xf32>, vector<16xi1>
        %all_reduce_population_count3A_1604 = tpu.all_reduce %ge3A_1599 {dim = 0 : i64, kind = #tpu.reduction_kind<sum>} : vector<16xi1> -> vector<16xi32>
        %slice3A_1605 = vector.extract_strided_slice %all_reduce_population_count3A_1604 {offsets = [0], sizes = [1], strides = [1]} : vector<16xi32> to vector<1xi32>
        %squeeze3A_1606 = vector.extract %slice3A_1605[0] : i32 from vector<1xi32>
        %add3A_1607 = arith.addi %add3A_1559, %squeeze3A_1606 : i32
        %get3A_1608 = arith.index_cast %add3A_75 : i32 to index
        %get3A_1609 = arith.constant 1520 : index
        %get3A_1610 = tpu.vector_load %arg4[%get3A_1608, %get3A_1609] {strides = array<i32>} : memref<64x1600xf32, #tpu.memory_space<vmem>>, vector<16xf32>,
        %ge3A_1611 = arith.cmpf oge, %get3A_1610, %broadcast_in_dim3A : vector<16xf32>
        %add3A_1612 = arith.constant 1248 : i32
        %add3A_1613 = arith.addi %add3A_1612, %add3A_1571 : i32
        %swap3A_1614 = arith.index_cast %add3A_1613 : i32 to index
        %swap3A_1615 = tpu.vector_load %arg5[%swap3A_1614] masked %ge3A_1611 {strides = array<i32>} : memref<3328xf32, #tpu.memory_space<vmem>>, vector<16xf32>, vector<16xi1>
        tpu.vector_store %arg5[%swap3A_1614], %get3A_1610 masked %ge3A_1611 {strides = array<i32>} : memref<3328xf32, #tpu.memory_space<vmem>>, vector<16xf32>, vector<16xi1>
        %all_reduce_population_count3A_1616 = tpu.all_reduce %ge3A_1611 {dim = 0 : i64, kind = #tpu.reduction_kind<sum>} : vector<16xi1> -> vector<16xi32>
        %slice3A_1617 = vector.extract_strided_slice %all_reduce_population_count3A_1616 {offsets = [0], sizes = [1], strides = [1]} : vector<16xi32> to vector<1xi32>
        %squeeze3A_1618 = vector.extract %slice3A_1617[0] : i32 from vector<1xi32>
        %add3A_1619 = arith.addi %add3A_1571, %squeeze3A_1618 : i32
        %get3A_1620 = arith.index_cast %add3A_75 : i32 to index
        %get3A_1621 = arith.constant 1536 : index
        %get3A_1622 = tpu.vector_load %arg4[%get3A_1620, %get3A_1621] {strides = array<i32>} : memref<64x1600xf32, #tpu.memory_space<vmem>>, vector<16xf32>,
        %ge3A_1623 = arith.cmpf oge, %get3A_1622, %broadcast_in_dim3A : vector<16xf32>
        %add3A_1624 = arith.constant 0 : i32
        %add3A_1625 = arith.addi %add3A_1624, %add3A_1583 : i32
        %swap3A_1626 = arith.index_cast %add3A_1625 : i32 to index
        %swap3A_1627 = tpu.vector_load %arg5[%swap3A_1626] masked %ge3A_1623 {strides = array<i32>} : memref<3328xf32, #tpu.memory_space<vmem>>, vector<16xf32>, vector<16xi1>
        tpu.vector_store %arg5[%swap3A_1626], %get3A_1622 masked %ge3A_1623 {strides = array<i32>} : memref<3328xf32, #tpu.memory_space<vmem>>, vector<16xf32>, vector<16xi1>
        %all_reduce_population_count3A_1628 = tpu.all_reduce %ge3A_1623 {dim = 0 : i64, kind = #tpu.reduction_kind<sum>} : vector<16xi1> -> vector<16xi32>
        %slice3A_1629 = vector.extract_strided_slice %all_reduce_population_count3A_1628 {offsets = [0], sizes = [1], strides = [1]} : vector<16xi32> to vector<1xi32>
        %squeeze3A_1630 = vector.extract %slice3A_1629[0] : i32 from vector<1xi32>
        %add3A_1631 = arith.addi %add3A_1583, %squeeze3A_1630 : i32
        %get3A_1632 = arith.index_cast %add3A_75 : i32 to index
        %get3A_1633 = arith.constant 1552 : index
        %get3A_1634 = tpu.vector_load %arg4[%get3A_1632, %get3A_1633] {strides = array<i32>} : memref<64x1600xf32, #tpu.memory_space<vmem>>, vector<16xf32>,
        %ge3A_1635 = arith.cmpf oge, %get3A_1634, %broadcast_in_dim3A : vector<16xf32>
        %add3A_1636 = arith.constant 416 : i32
        %add3A_1637 = arith.addi %add3A_1636, %add3A_1595 : i32
        %swap3A_1638 = arith.index_cast %add3A_1637 : i32 to index
        %swap3A_1639 = tpu.vector_load %arg5[%swap3A_1638] masked %ge3A_1635 {strides = array<i32>} : memref<3328xf32, #tpu.memory_space<vmem>>, vector<16xf32>, vector<16xi1>
        tpu.vector_store %arg5[%swap3A_1638], %get3A_1634 masked %ge3A_1635 {strides = array<i32>} : memref<3328xf32, #tpu.memory_space<vmem>>, vector<16xf32>, vector<16xi1>
        %all_reduce_population_count3A_1640 = tpu.all_reduce %ge3A_1635 {dim = 0 : i64, kind = #tpu.reduction_kind<sum>} : vector<16xi1> -> vector<16xi32>
        %slice3A_1641 = vector.extract_strided_slice %all_reduce_population_count3A_1640 {offsets = [0], sizes = [1], strides = [1]} : vector<16xi32> to vector<1xi32>
        %squeeze3A_1642 = vector.extract %slice3A_1641[0] : i32 from vector<1xi32>
        %add3A_1643 = arith.addi %add3A_1595, %squeeze3A_1642 : i32
        %get3A_1644 = arith.index_cast %add3A_75 : i32 to index
        %get3A_1645 = arith.constant 1568 : index
        %get3A_1646 = tpu.vector_load %arg4[%get3A_1644, %get3A_1645] {strides = array<i32>} : memref<64x1600xf32, #tpu.memory_space<vmem>>, vector<16xf32>,
        %ge3A_1647 = arith.cmpf oge, %get3A_1646, %broadcast_in_dim3A : vector<16xf32>
        %add3A_1648 = arith.constant 832 : i32
        %add3A_1649 = arith.addi %add3A_1648, %add3A_1607 : i32
        %swap3A_1650 = arith.index_cast %add3A_1649 : i32 to index
        %swap3A_1651 = tpu.vector_load %arg5[%swap3A_1650] masked %ge3A_1647 {strides = array<i32>} : memref<3328xf32, #tpu.memory_space<vmem>>, vector<16xf32>, vector<16xi1>
        tpu.vector_store %arg5[%swap3A_1650], %get3A_1646 masked %ge3A_1647 {strides = array<i32>} : memref<3328xf32, #tpu.memory_space<vmem>>, vector<16xf32>, vector<16xi1>
        %all_reduce_population_count3A_1652 = tpu.all_reduce %ge3A_1647 {dim = 0 : i64, kind = #tpu.reduction_kind<sum>} : vector<16xi1> -> vector<16xi32>
        %slice3A_1653 = vector.extract_strided_slice %all_reduce_population_count3A_1652 {offsets = [0], sizes = [1], strides = [1]} : vector<16xi32> to vector<1xi32>
        %squeeze3A_1654 = vector.extract %slice3A_1653[0] : i32 from vector<1xi32>
        %add3A_1655 = arith.addi %add3A_1607, %squeeze3A_1654 : i32
        %get3A_1656 = arith.index_cast %add3A_75 : i32 to index
        %get3A_1657 = arith.constant 1584 : index
        %get3A_1658 = tpu.vector_load %arg4[%get3A_1656, %get3A_1657] {strides = array<i32>} : memref<64x1600xf32, #tpu.memory_space<vmem>>, vector<16xf32>,
        %ge3A_1659 = arith.cmpf oge, %get3A_1658, %broadcast_in_dim3A : vector<16xf32>
        %add3A_1660 = arith.constant 1248 : i32
        %add3A_1661 = arith.addi %add3A_1660, %add3A_1619 : i32
        %swap3A_1662 = arith.index_cast %add3A_1661 : i32 to index
        %swap3A_1663 = tpu.vector_load %arg5[%swap3A_1662] masked %ge3A_1659 {strides = array<i32>} : memref<3328xf32, #tpu.memory_space<vmem>>, vector<16xf32>, vector<16xi1>
        tpu.vector_store %arg5[%swap3A_1662], %get3A_1658 masked %ge3A_1659 {strides = array<i32>} : memref<3328xf32, #tpu.memory_space<vmem>>, vector<16xf32>, vector<16xi1>
        %all_reduce_population_count3A_1664 = tpu.all_reduce %ge3A_1659 {dim = 0 : i64, kind = #tpu.reduction_kind<sum>} : vector<16xi1> -> vector<16xi32>
        %slice3A_1665 = vector.extract_strided_slice %all_reduce_population_count3A_1664 {offsets = [0], sizes = [1], strides = [1]} : vector<16xi32> to vector<1xi32>
        %squeeze3A_1666 = vector.extract %slice3A_1665[0] : i32 from vector<1xi32>
        %add3A_1667 = arith.addi %add3A_1619, %squeeze3A_1666 : i32
        %broadcast_in_dim3A_1668 = arith.constant 0xFF800000 : f32
        %broadcast_in_dim3A_1669 = vector.broadcast %broadcast_in_dim3A_1668 : f32 to vector<16xf32>
        %add3A_1670 = arith.constant 0 : i32
        %add3A_1671 = arith.addi %add3A_1670, %add3A_1631 : i32
        %swap3A_1672 = arith.index_cast %add3A_1671 : i32 to index
        %swap3A_1673 = tpu.vector_load %arg5[%swap3A_1672] {strides = array<i32>} : memref<3328xf32, #tpu.memory_space<vmem>>, vector<16xf32>,
        tpu.vector_store %arg5[%swap3A_1672], %broadcast_in_dim3A_1669 {strides = array<i32>} : memref<3328xf32, #tpu.memory_space<vmem>>, vector<16xf32>,
        %add3A_1674 = arith.constant 416 : i32
        %add3A_1675 = arith.addi %add3A_1674, %add3A_1643 : i32
        %swap3A_1676 = arith.index_cast %add3A_1675 : i32 to index
        %swap3A_1677 = tpu.vector_load %arg5[%swap3A_1676] {strides = array<i32>} : memref<3328xf32, #tpu.memory_space<vmem>>, vector<16xf32>,
        tpu.vector_store %arg5[%swap3A_1676], %broadcast_in_dim3A_1669 {strides = array<i32>} : memref<3328xf32, #tpu.memory_space<vmem>>, vector<16xf32>,
        %add3A_1678 = arith.constant 832 : i32
        %add3A_1679 = arith.addi %add3A_1678, %add3A_1655 : i32
        %swap3A_1680 = arith.index_cast %add3A_1679 : i32 to index
        %swap3A_1681 = tpu.vector_load %arg5[%swap3A_1680] {strides = array<i32>} : memref<3328xf32, #tpu.memory_space<vmem>>, vector<16xf32>,
        tpu.vector_store %arg5[%swap3A_1680], %broadcast_in_dim3A_1669 {strides = array<i32>} : memref<3328xf32, #tpu.memory_space<vmem>>, vector<16xf32>,
        %add3A_1682 = arith.constant 1248 : i32
        %add3A_1683 = arith.addi %add3A_1682, %add3A_1667 : i32
        %swap3A_1684 = arith.index_cast %add3A_1683 : i32 to index
        %swap3A_1685 = tpu.vector_load %arg5[%swap3A_1684] {strides = array<i32>} : memref<3328xf32, #tpu.memory_space<vmem>>, vector<16xf32>,
        tpu.vector_store %arg5[%swap3A_1684], %broadcast_in_dim3A_1669 {strides = array<i32>} : memref<3328xf32, #tpu.memory_space<vmem>>, vector<16xf32>,
        %add3A_1686 = arith.constant 16 : i32
        %add3A_1687 = arith.addi %add3A_1631, %add3A_1686 : i32
        %sub3A_1688 = arith.constant 1 : i32
        %sub3A_1689 = arith.subi %add3A_1687, %sub3A_1688 : i32
        %jit3A_1690 = arith.constant 16 : i32
        %div3A_1691 = arith.divsi %sub3A_1689, %jit3A_1690 : i32
        %sign3A_1692 = arith.constant 0 : i32
        %sign3A_1693 = arith.cmpi sgt, %sub3A_1689, %sign3A_1692 : i32
        %sign3A_1694 = arith.extui %sign3A_1693 : i1 to i32
        %sign3A_1695 = arith.constant 0 : i32
        %sign3A_1696 = arith.cmpi slt, %sub3A_1689, %sign3A_1695 : i32
        %sign3A_1697 = arith.extui %sign3A_1696 : i1 to i32
        %sign3A_1698 = arith.subi %sign3A_1694, %sign3A_1697 : i32
        %sign3A_1699 = arith.constant 0 : i32
        %sign3A_1700 = arith.cmpi sgt, %jit3A_1690, %sign3A_1699 : i32
        %sign3A_1701 = arith.extui %sign3A_1700 : i1 to i32
        %sign3A_1702 = arith.constant 0 : i32
        %sign3A_1703 = arith.cmpi slt, %jit3A_1690, %sign3A_1702 : i32
        %sign3A_1704 = arith.extui %sign3A_1703 : i1 to i32
        %sign3A_1705 = arith.subi %sign3A_1701, %sign3A_1704 : i32
        %ne3A_1706 = arith.cmpi ne, %sign3A_1698, %sign3A_1705 : i32
        %rem3A_1707 = arith.remsi %sub3A_1689, %jit3A_1690 : i32
        %ne3A_1708 = arith.constant 0 : i32
        %ne3A_1709 = arith.cmpi ne, %rem3A_1707, %ne3A_1708 : i32
        %and3A_1710 = arith.andi %ne3A_1706, %ne3A_1709 : i1
        %sub3A_1711 = arith.constant 1 : i32
        %sub3A_1712 = arith.subi %div3A_1691, %sub3A_1711 : i32
        %select_n3A_1713 = arith.select %and3A_1710, %sub3A_1712, %div3A_1691 : i32
        %while3A_1714 = arith.constant 0 : i32
        %while3A_1715 = arith.subi %select_n3A_1713, %while3A_1714 : i32
        %while3A_1716 = arith.addi %while3A_1714, %while3A_1715 : i32
        %while3A_1717 = arith.constant 1 : i32
        %while3A_1718 = arith.divsi %while3A_1715, %while3A_1717 : i32
        %while3A_1719 = arith.muli %while3A_1718, %while3A_1717 : i32
        %while3A_1720 = arith.addi %while3A_1714, %while3A_1719 : i32
        %while3A_1721 = arith.constant 1 : i32
        %while3A_1722:2 = scf.for %while3A_1848 = %while3A_1714 to %while3A_1720 step %while3A_1721 iter_args(%while3A_1849 = %broadcast_in_dim3A_1669, %while3A_1850 = %broadcast_in_dim3A_1669) -> (vector<16xf32>, vector<16xf32>)  : i32 {
          %mul3A_1851 = arith.constant 16 : i32
          %mul3A_1852 = arith.muli %while3A_1848, %mul3A_1851 : i32
          %add3A_1853 = arith.constant 0 : i32
          %add3A_1854 = arith.addi %add3A_1853, %mul3A_1852 : i32
          %get3A_1855 = arith.index_cast %add3A_1854 : i32 to index
          %get3A_1856 = tpu.vector_load %arg5[%get3A_1855] {strides = array<i32>} : memref<3328xf32, #tpu.memory_space<vmem>>, vector<16xf32>,
          %masked_sort3A_1857 = arith.constant dense<true> : vector<16xi1>
          %masked_sort3A_1858, %masked_sort3A_1859, %masked_sort3A_1860 = tpu.sort %get3A_1856, %get3A_1856 masked %masked_sort3A_1857 : (vector<16xf32>, vector<16xf32>, vector<16xi1>) -> (vector<16xi1>, vector<16xf32>, vector<16xf32>)
          %max3A_1861 = arith.maximumf %while3A_1850, %masked_sort3A_1859 : vector<16xf32>
          %masked_sort3A_1862 = arith.constant dense<true> : vector<16xi1>
          %masked_sort3A_1863, %masked_sort3A_1864, %masked_sort3A_1865 = tpu.sort %max3A_1861, %max3A_1861 masked %masked_sort3A_1862 : (vector<16xf32>, vector<16xf32>, vector<16xi1>) -> (vector<16xi1>, vector<16xf32>, vector<16xf32>)
          %max3A_1866 = arith.maximumf %while3A_1849, %masked_sort3A_1864 : vector<16xf32>
          %min3A_1867 = arith.minimumf %while3A_1849, %masked_sort3A_1864 : vector<16xf32>
          %masked_sort3A_1868 = arith.constant dense<true> : vector<16xi1>
          %masked_sort3A_1869, %masked_sort3A_1870, %masked_sort3A_1871 = tpu.sort %max3A_1866, %max3A_1866 masked %masked_sort3A_1868 {descending = true} : (vector<16xf32>, vector<16xf32>, vector<16xi1>) -> (vector<16xi1>, vector<16xf32>, vector<16xf32>)
          %masked_sort3A_1872 = arith.constant dense<true> : vector<16xi1>
          %masked_sort3A_1873, %masked_sort3A_1874, %masked_sort3A_1875 = tpu.sort %min3A_1867, %min3A_1867 masked %masked_sort3A_1872 {descending = true} : (vector<16xf32>, vector<16xf32>, vector<16xi1>) -> (vector<16xi1>, vector<16xf32>, vector<16xf32>)
          scf.yield %masked_sort3A_1870, %masked_sort3A_1874 : vector<16xf32>, vector<16xf32>
        }
        %while3A_1723 = arith.constant 1 : i32
        %while3A_1724:2 = scf.for %while3A_1848 = %while3A_1720 to %while3A_1716 step %while3A_1723 iter_args(%while3A_1849 = %while3A_1722#0, %while3A_1850 = %while3A_1722#1) -> (vector<16xf32>, vector<16xf32>)  : i32 {
          %mul3A_1851 = arith.constant 16 : i32
          %mul3A_1852 = arith.muli %while3A_1848, %mul3A_1851 : i32
          %add3A_1853 = arith.constant 0 : i32
          %add3A_1854 = arith.addi %add3A_1853, %mul3A_1852 : i32
          %get3A_1855 = arith.index_cast %add3A_1854 : i32 to index
          %get3A_1856 = tpu.vector_load %arg5[%get3A_1855] {strides = array<i32>} : memref<3328xf32, #tpu.memory_space<vmem>>, vector<16xf32>,
          %masked_sort3A_1857 = arith.constant dense<true> : vector<16xi1>
          %masked_sort3A_1858, %masked_sort3A_1859, %masked_sort3A_1860 = tpu.sort %get3A_1856, %get3A_1856 masked %masked_sort3A_1857 : (vector<16xf32>, vector<16xf32>, vector<16xi1>) -> (vector<16xi1>, vector<16xf32>, vector<16xf32>)
          %max3A_1861 = arith.maximumf %while3A_1850, %masked_sort3A_1859 : vector<16xf32>
          %masked_sort3A_1862 = arith.constant dense<true> : vector<16xi1>
          %masked_sort3A_1863, %masked_sort3A_1864, %masked_sort3A_1865 = tpu.sort %max3A_1861, %max3A_1861 masked %masked_sort3A_1862 : (vector<16xf32>, vector<16xf32>, vector<16xi1>) -> (vector<16xi1>, vector<16xf32>, vector<16xf32>)
          %max3A_1866 = arith.maximumf %while3A_1849, %masked_sort3A_1864 : vector<16xf32>
          %min3A_1867 = arith.minimumf %while3A_1849, %masked_sort3A_1864 : vector<16xf32>
          %masked_sort3A_1868 = arith.constant dense<true> : vector<16xi1>
          %masked_sort3A_1869, %masked_sort3A_1870, %masked_sort3A_1871 = tpu.sort %max3A_1866, %max3A_1866 masked %masked_sort3A_1868 {descending = true} : (vector<16xf32>, vector<16xf32>, vector<16xi1>) -> (vector<16xi1>, vector<16xf32>, vector<16xf32>)
          %masked_sort3A_1872 = arith.constant dense<true> : vector<16xi1>
          %masked_sort3A_1873, %masked_sort3A_1874, %masked_sort3A_1875 = tpu.sort %min3A_1867, %min3A_1867 masked %masked_sort3A_1872 {descending = true} : (vector<16xf32>, vector<16xf32>, vector<16xi1>) -> (vector<16xi1>, vector<16xf32>, vector<16xf32>)
          scf.yield %masked_sort3A_1870, %masked_sort3A_1874 : vector<16xf32>, vector<16xf32>
        }
        %add3A_1725 = arith.constant 16 : i32
        %add3A_1726 = arith.addi %add3A_1643, %add3A_1725 : i32
        %sub3A_1727 = arith.constant 1 : i32
        %sub3A_1728 = arith.subi %add3A_1726, %sub3A_1727 : i32
        %jit3A_1729 = arith.constant 16 : i32
        %div3A_1730 = arith.divsi %sub3A_1728, %jit3A_1729 : i32
        %sign3A_1731 = arith.constant 0 : i32
        %sign3A_1732 = arith.cmpi sgt, %sub3A_1728, %sign3A_1731 : i32
        %sign3A_1733 = arith.extui %sign3A_1732 : i1 to i32
        %sign3A_1734 = arith.constant 0 : i32
        %sign3A_1735 = arith.cmpi slt, %sub3A_1728, %sign3A_1734 : i32
        %sign3A_1736 = arith.extui %sign3A_1735 : i1 to i32
        %sign3A_1737 = arith.subi %sign3A_1733, %sign3A_1736 : i32
        %sign3A_1738 = arith.constant 0 : i32
        %sign3A_1739 = arith.cmpi sgt, %jit3A_1729, %sign3A_1738 : i32
        %sign3A_1740 = arith.extui %sign3A_1739 : i1 to i32
        %sign3A_1741 = arith.constant 0 : i32
        %sign3A_1742 = arith.cmpi slt, %jit3A_1729, %sign3A_1741 : i32
        %sign3A_1743 = arith.extui %sign3A_1742 : i1 to i32
        %sign3A_1744 = arith.subi %sign3A_1740, %sign3A_1743 : i32
        %ne3A_1745 = arith.cmpi ne, %sign3A_1737, %sign3A_1744 : i32
        %rem3A_1746 = arith.remsi %sub3A_1728, %jit3A_1729 : i32
        %ne3A_1747 = arith.constant 0 : i32
        %ne3A_1748 = arith.cmpi ne, %rem3A_1746, %ne3A_1747 : i32
        %and3A_1749 = arith.andi %ne3A_1745, %ne3A_1748 : i1
        %sub3A_1750 = arith.constant 1 : i32
        %sub3A_1751 = arith.subi %div3A_1730, %sub3A_1750 : i32
        %select_n3A_1752 = arith.select %and3A_1749, %sub3A_1751, %div3A_1730 : i32
        %while3A_1753 = arith.constant 0 : i32
        %while3A_1754 = arith.subi %select_n3A_1752, %while3A_1753 : i32
        %while3A_1755 = arith.addi %while3A_1753, %while3A_1754 : i32
        %while3A_1756 = arith.constant 1 : i32
        %while3A_1757 = arith.divsi %while3A_1754, %while3A_1756 : i32
        %while3A_1758 = arith.muli %while3A_1757, %while3A_1756 : i32
        %while3A_1759 = arith.addi %while3A_1753, %while3A_1758 : i32
        %while3A_1760 = arith.constant 1 : i32
        %while3A_1761:2 = scf.for %while3A_1848 = %while3A_1753 to %while3A_1759 step %while3A_1760 iter_args(%while3A_1849 = %while3A_1724#0, %while3A_1850 = %while3A_1724#1) -> (vector<16xf32>, vector<16xf32>)  : i32 {
          %mul3A_1851 = arith.constant 16 : i32
          %mul3A_1852 = arith.muli %while3A_1848, %mul3A_1851 : i32
          %add3A_1853 = arith.constant 416 : i32
          %add3A_1854 = arith.addi %add3A_1853, %mul3A_1852 : i32
          %get3A_1855 = arith.index_cast %add3A_1854 : i32 to index
          %get3A_1856 = tpu.vector_load %arg5[%get3A_1855] {strides = array<i32>} : memref<3328xf32, #tpu.memory_space<vmem>>, vector<16xf32>,
          %masked_sort3A_1857 = arith.constant dense<true> : vector<16xi1>
          %masked_sort3A_1858, %masked_sort3A_1859, %masked_sort3A_1860 = tpu.sort %get3A_1856, %get3A_1856 masked %masked_sort3A_1857 : (vector<16xf32>, vector<16xf32>, vector<16xi1>) -> (vector<16xi1>, vector<16xf32>, vector<16xf32>)
          %max3A_1861 = arith.maximumf %while3A_1850, %masked_sort3A_1859 : vector<16xf32>
          %masked_sort3A_1862 = arith.constant dense<true> : vector<16xi1>
          %masked_sort3A_1863, %masked_sort3A_1864, %masked_sort3A_1865 = tpu.sort %max3A_1861, %max3A_1861 masked %masked_sort3A_1862 : (vector<16xf32>, vector<16xf32>, vector<16xi1>) -> (vector<16xi1>, vector<16xf32>, vector<16xf32>)
          %max3A_1866 = arith.maximumf %while3A_1849, %masked_sort3A_1864 : vector<16xf32>
          %min3A_1867 = arith.minimumf %while3A_1849, %masked_sort3A_1864 : vector<16xf32>
          %masked_sort3A_1868 = arith.constant dense<true> : vector<16xi1>
          %masked_sort3A_1869, %masked_sort3A_1870, %masked_sort3A_1871 = tpu.sort %max3A_1866, %max3A_1866 masked %masked_sort3A_1868 {descending = true} : (vector<16xf32>, vector<16xf32>, vector<16xi1>) -> (vector<16xi1>, vector<16xf32>, vector<16xf32>)
          %masked_sort3A_1872 = arith.constant dense<true> : vector<16xi1>
          %masked_sort3A_1873, %masked_sort3A_1874, %masked_sort3A_1875 = tpu.sort %min3A_1867, %min3A_1867 masked %masked_sort3A_1872 {descending = true} : (vector<16xf32>, vector<16xf32>, vector<16xi1>) -> (vector<16xi1>, vector<16xf32>, vector<16xf32>)
          scf.yield %masked_sort3A_1870, %masked_sort3A_1874 : vector<16xf32>, vector<16xf32>
        }
        %while3A_1762 = arith.constant 1 : i32
        %while3A_1763:2 = scf.for %while3A_1848 = %while3A_1759 to %while3A_1755 step %while3A_1762 iter_args(%while3A_1849 = %while3A_1761#0, %while3A_1850 = %while3A_1761#1) -> (vector<16xf32>, vector<16xf32>)  : i32 {
          %mul3A_1851 = arith.constant 16 : i32
          %mul3A_1852 = arith.muli %while3A_1848, %mul3A_1851 : i32
          %add3A_1853 = arith.constant 416 : i32
          %add3A_1854 = arith.addi %add3A_1853, %mul3A_1852 : i32
          %get3A_1855 = arith.index_cast %add3A_1854 : i32 to index
          %get3A_1856 = tpu.vector_load %arg5[%get3A_1855] {strides = array<i32>} : memref<3328xf32, #tpu.memory_space<vmem>>, vector<16xf32>,
          %masked_sort3A_1857 = arith.constant dense<true> : vector<16xi1>
          %masked_sort3A_1858, %masked_sort3A_1859, %masked_sort3A_1860 = tpu.sort %get3A_1856, %get3A_1856 masked %masked_sort3A_1857 : (vector<16xf32>, vector<16xf32>, vector<16xi1>) -> (vector<16xi1>, vector<16xf32>, vector<16xf32>)
          %max3A_1861 = arith.maximumf %while3A_1850, %masked_sort3A_1859 : vector<16xf32>
          %masked_sort3A_1862 = arith.constant dense<true> : vector<16xi1>
          %masked_sort3A_1863, %masked_sort3A_1864, %masked_sort3A_1865 = tpu.sort %max3A_1861, %max3A_1861 masked %masked_sort3A_1862 : (vector<16xf32>, vector<16xf32>, vector<16xi1>) -> (vector<16xi1>, vector<16xf32>, vector<16xf32>)
          %max3A_1866 = arith.maximumf %while3A_1849, %masked_sort3A_1864 : vector<16xf32>
          %min3A_1867 = arith.minimumf %while3A_1849, %masked_sort3A_1864 : vector<16xf32>
          %masked_sort3A_1868 = arith.constant dense<true> : vector<16xi1>
          %masked_sort3A_1869, %masked_sort3A_1870, %masked_sort3A_1871 = tpu.sort %max3A_1866, %max3A_1866 masked %masked_sort3A_1868 {descending = true} : (vector<16xf32>, vector<16xf32>, vector<16xi1>) -> (vector<16xi1>, vector<16xf32>, vector<16xf32>)
          %masked_sort3A_1872 = arith.constant dense<true> : vector<16xi1>
          %masked_sort3A_1873, %masked_sort3A_1874, %masked_sort3A_1875 = tpu.sort %min3A_1867, %min3A_1867 masked %masked_sort3A_1872 {descending = true} : (vector<16xf32>, vector<16xf32>, vector<16xi1>) -> (vector<16xi1>, vector<16xf32>, vector<16xf32>)
          scf.yield %masked_sort3A_1870, %masked_sort3A_1874 : vector<16xf32>, vector<16xf32>
        }
        %add3A_1764 = arith.constant 16 : i32
        %add3A_1765 = arith.addi %add3A_1655, %add3A_1764 : i32
        %sub3A_1766 = arith.constant 1 : i32
        %sub3A_1767 = arith.subi %add3A_1765, %sub3A_1766 : i32
        %jit3A_1768 = arith.constant 16 : i32
        %div3A_1769 = arith.divsi %sub3A_1767, %jit3A_1768 : i32
        %sign3A_1770 = arith.constant 0 : i32
        %sign3A_1771 = arith.cmpi sgt, %sub3A_1767, %sign3A_1770 : i32
        %sign3A_1772 = arith.extui %sign3A_1771 : i1 to i32
        %sign3A_1773 = arith.constant 0 : i32
        %sign3A_1774 = arith.cmpi slt, %sub3A_1767, %sign3A_1773 : i32
        %sign3A_1775 = arith.extui %sign3A_1774 : i1 to i32
        %sign3A_1776 = arith.subi %sign3A_1772, %sign3A_1775 : i32
        %sign3A_1777 = arith.constant 0 : i32
        %sign3A_1778 = arith.cmpi sgt, %jit3A_1768, %sign3A_1777 : i32
        %sign3A_1779 = arith.extui %sign3A_1778 : i1 to i32
        %sign3A_1780 = arith.constant 0 : i32
        %sign3A_1781 = arith.cmpi slt, %jit3A_1768, %sign3A_1780 : i32
        %sign3A_1782 = arith.extui %sign3A_1781 : i1 to i32
        %sign3A_1783 = arith.subi %sign3A_1779, %sign3A_1782 : i32
        %ne3A_1784 = arith.cmpi ne, %sign3A_1776, %sign3A_1783 : i32
        %rem3A_1785 = arith.remsi %sub3A_1767, %jit3A_1768 : i32
        %ne3A_1786 = arith.constant 0 : i32
        %ne3A_1787 = arith.cmpi ne, %rem3A_1785, %ne3A_1786 : i32
        %and3A_1788 = arith.andi %ne3A_1784, %ne3A_1787 : i1
        %sub3A_1789 = arith.constant 1 : i32
        %sub3A_1790 = arith.subi %div3A_1769, %sub3A_1789 : i32
        %select_n3A_1791 = arith.select %and3A_1788, %sub3A_1790, %div3A_1769 : i32
        %while3A_1792 = arith.constant 0 : i32
        %while3A_1793 = arith.subi %select_n3A_1791, %while3A_1792 : i32
        %while3A_1794 = arith.addi %while3A_1792, %while3A_1793 : i32
        %while3A_1795 = arith.constant 1 : i32
        %while3A_1796 = arith.divsi %while3A_1793, %while3A_1795 : i32
        %while3A_1797 = arith.muli %while3A_1796, %while3A_1795 : i32
        %while3A_1798 = arith.addi %while3A_1792, %while3A_1797 : i32
        %while3A_1799 = arith.constant 1 : i32
        %while3A_1800:2 = scf.for %while3A_1848 = %while3A_1792 to %while3A_1798 step %while3A_1799 iter_args(%while3A_1849 = %while3A_1763#0, %while3A_1850 = %while3A_1763#1) -> (vector<16xf32>, vector<16xf32>)  : i32 {
          %mul3A_1851 = arith.constant 16 : i32
          %mul3A_1852 = arith.muli %while3A_1848, %mul3A_1851 : i32
          %add3A_1853 = arith.constant 832 : i32
          %add3A_1854 = arith.addi %add3A_1853, %mul3A_1852 : i32
          %get3A_1855 = arith.index_cast %add3A_1854 : i32 to index
          %get3A_1856 = tpu.vector_load %arg5[%get3A_1855] {strides = array<i32>} : memref<3328xf32, #tpu.memory_space<vmem>>, vector<16xf32>,
          %masked_sort3A_1857 = arith.constant dense<true> : vector<16xi1>
          %masked_sort3A_1858, %masked_sort3A_1859, %masked_sort3A_1860 = tpu.sort %get3A_1856, %get3A_1856 masked %masked_sort3A_1857 : (vector<16xf32>, vector<16xf32>, vector<16xi1>) -> (vector<16xi1>, vector<16xf32>, vector<16xf32>)
          %max3A_1861 = arith.maximumf %while3A_1850, %masked_sort3A_1859 : vector<16xf32>
          %masked_sort3A_1862 = arith.constant dense<true> : vector<16xi1>
          %masked_sort3A_1863, %masked_sort3A_1864, %masked_sort3A_1865 = tpu.sort %max3A_1861, %max3A_1861 masked %masked_sort3A_1862 : (vector<16xf32>, vector<16xf32>, vector<16xi1>) -> (vector<16xi1>, vector<16xf32>, vector<16xf32>)
          %max3A_1866 = arith.maximumf %while3A_1849, %masked_sort3A_1864 : vector<16xf32>
          %min3A_1867 = arith.minimumf %while3A_1849, %masked_sort3A_1864 : vector<16xf32>
          %masked_sort3A_1868 = arith.constant dense<true> : vector<16xi1>
          %masked_sort3A_1869, %masked_sort3A_1870, %masked_sort3A_1871 = tpu.sort %max3A_1866, %max3A_1866 masked %masked_sort3A_1868 {descending = true} : (vector<16xf32>, vector<16xf32>, vector<16xi1>) -> (vector<16xi1>, vector<16xf32>, vector<16xf32>)
          %masked_sort3A_1872 = arith.constant dense<true> : vector<16xi1>
          %masked_sort3A_1873, %masked_sort3A_1874, %masked_sort3A_1875 = tpu.sort %min3A_1867, %min3A_1867 masked %masked_sort3A_1872 {descending = true} : (vector<16xf32>, vector<16xf32>, vector<16xi1>) -> (vector<16xi1>, vector<16xf32>, vector<16xf32>)
          scf.yield %masked_sort3A_1870, %masked_sort3A_1874 : vector<16xf32>, vector<16xf32>
        }
        %while3A_1801 = arith.constant 1 : i32
        %while3A_1802:2 = scf.for %while3A_1848 = %while3A_1798 to %while3A_1794 step %while3A_1801 iter_args(%while3A_1849 = %while3A_1800#0, %while3A_1850 = %while3A_1800#1) -> (vector<16xf32>, vector<16xf32>)  : i32 {
          %mul3A_1851 = arith.constant 16 : i32
          %mul3A_1852 = arith.muli %while3A_1848, %mul3A_1851 : i32
          %add3A_1853 = arith.constant 832 : i32
          %add3A_1854 = arith.addi %add3A_1853, %mul3A_1852 : i32
          %get3A_1855 = arith.index_cast %add3A_1854 : i32 to index
          %get3A_1856 = tpu.vector_load %arg5[%get3A_1855] {strides = array<i32>} : memref<3328xf32, #tpu.memory_space<vmem>>, vector<16xf32>,
          %masked_sort3A_1857 = arith.constant dense<true> : vector<16xi1>
          %masked_sort3A_1858, %masked_sort3A_1859, %masked_sort3A_1860 = tpu.sort %get3A_1856, %get3A_1856 masked %masked_sort3A_1857 : (vector<16xf32>, vector<16xf32>, vector<16xi1>) -> (vector<16xi1>, vector<16xf32>, vector<16xf32>)
          %max3A_1861 = arith.maximumf %while3A_1850, %masked_sort3A_1859 : vector<16xf32>
          %masked_sort3A_1862 = arith.constant dense<true> : vector<16xi1>
          %masked_sort3A_1863, %masked_sort3A_1864, %masked_sort3A_1865 = tpu.sort %max3A_1861, %max3A_1861 masked %masked_sort3A_1862 : (vector<16xf32>, vector<16xf32>, vector<16xi1>) -> (vector<16xi1>, vector<16xf32>, vector<16xf32>)
          %max3A_1866 = arith.maximumf %while3A_1849, %masked_sort3A_1864 : vector<16xf32>
          %min3A_1867 = arith.minimumf %while3A_1849, %masked_sort3A_1864 : vector<16xf32>
          %masked_sort3A_1868 = arith.constant dense<true> : vector<16xi1>
          %masked_sort3A_1869, %masked_sort3A_1870, %masked_sort3A_1871 = tpu.sort %max3A_1866, %max3A_1866 masked %masked_sort3A_1868 {descending = true} : (vector<16xf32>, vector<16xf32>, vector<16xi1>) -> (vector<16xi1>, vector<16xf32>, vector<16xf32>)
          %masked_sort3A_1872 = arith.constant dense<true> : vector<16xi1>
          %masked_sort3A_1873, %masked_sort3A_1874, %masked_sort3A_1875 = tpu.sort %min3A_1867, %min3A_1867 masked %masked_sort3A_1872 {descending = true} : (vector<16xf32>, vector<16xf32>, vector<16xi1>) -> (vector<16xi1>, vector<16xf32>, vector<16xf32>)
          scf.yield %masked_sort3A_1870, %masked_sort3A_1874 : vector<16xf32>, vector<16xf32>
        }
        %add3A_1803 = arith.constant 16 : i32
        %add3A_1804 = arith.addi %add3A_1667, %add3A_1803 : i32
        %sub3A_1805 = arith.constant 1 : i32
        %sub3A_1806 = arith.subi %add3A_1804, %sub3A_1805 : i32
        %jit3A_1807 = arith.constant 16 : i32
        %div3A_1808 = arith.divsi %sub3A_1806, %jit3A_1807 : i32
        %sign3A_1809 = arith.constant 0 : i32
        %sign3A_1810 = arith.cmpi sgt, %sub3A_1806, %sign3A_1809 : i32
        %sign3A_1811 = arith.extui %sign3A_1810 : i1 to i32
        %sign3A_1812 = arith.constant 0 : i32
        %sign3A_1813 = arith.cmpi slt, %sub3A_1806, %sign3A_1812 : i32
        %sign3A_1814 = arith.extui %sign3A_1813 : i1 to i32
        %sign3A_1815 = arith.subi %sign3A_1811, %sign3A_1814 : i32
        %sign3A_1816 = arith.constant 0 : i32
        %sign3A_1817 = arith.cmpi sgt, %jit3A_1807, %sign3A_1816 : i32
        %sign3A_1818 = arith.extui %sign3A_1817 : i1 to i32
        %sign3A_1819 = arith.constant 0 : i32
        %sign3A_1820 = arith.cmpi slt, %jit3A_1807, %sign3A_1819 : i32
        %sign3A_1821 = arith.extui %sign3A_1820 : i1 to i32
        %sign3A_1822 = arith.subi %sign3A_1818, %sign3A_1821 : i32
        %ne3A_1823 = arith.cmpi ne, %sign3A_1815, %sign3A_1822 : i32
        %rem3A_1824 = arith.remsi %sub3A_1806, %jit3A_1807 : i32
        %ne3A_1825 = arith.constant 0 : i32
        %ne3A_1826 = arith.cmpi ne, %rem3A_1824, %ne3A_1825 : i32
        %and3A_1827 = arith.andi %ne3A_1823, %ne3A_1826 : i1
        %sub3A_1828 = arith.constant 1 : i32
        %sub3A_1829 = arith.subi %div3A_1808, %sub3A_1828 : i32
        %select_n3A_1830 = arith.select %and3A_1827, %sub3A_1829, %div3A_1808 : i32
        %while3A_1831 = arith.constant 0 : i32
        %while3A_1832 = arith.subi %select_n3A_1830, %while3A_1831 : i32
        %while3A_1833 = arith.addi %while3A_1831, %while3A_1832 : i32
        %while3A_1834 = arith.constant 1 : i32
        %while3A_1835 = arith.divsi %while3A_1832, %while3A_1834 : i32
        %while3A_1836 = arith.muli %while3A_1835, %while3A_1834 : i32
        %while3A_1837 = arith.addi %while3A_1831, %while3A_1836 : i32
        %while3A_1838 = arith.constant 1 : i32
        %while3A_1839:2 = scf.for %while3A_1848 = %while3A_1831 to %while3A_1837 step %while3A_1838 iter_args(%while3A_1849 = %while3A_1802#0, %while3A_1850 = %while3A_1802#1) -> (vector<16xf32>, vector<16xf32>)  : i32 {
          %mul3A_1851 = arith.constant 16 : i32
          %mul3A_1852 = arith.muli %while3A_1848, %mul3A_1851 : i32
          %add3A_1853 = arith.constant 1248 : i32
          %add3A_1854 = arith.addi %add3A_1853, %mul3A_1852 : i32
          %get3A_1855 = arith.index_cast %add3A_1854 : i32 to index
          %get3A_1856 = tpu.vector_load %arg5[%get3A_1855] {strides = array<i32>} : memref<3328xf32, #tpu.memory_space<vmem>>, vector<16xf32>,
          %masked_sort3A_1857 = arith.constant dense<true> : vector<16xi1>
          %masked_sort3A_1858, %masked_sort3A_1859, %masked_sort3A_1860 = tpu.sort %get3A_1856, %get3A_1856 masked %masked_sort3A_1857 : (vector<16xf32>, vector<16xf32>, vector<16xi1>) -> (vector<16xi1>, vector<16xf32>, vector<16xf32>)
          %max3A_1861 = arith.maximumf %while3A_1850, %masked_sort3A_1859 : vector<16xf32>
          %masked_sort3A_1862 = arith.constant dense<true> : vector<16xi1>
          %masked_sort3A_1863, %masked_sort3A_1864, %masked_sort3A_1865 = tpu.sort %max3A_1861, %max3A_1861 masked %masked_sort3A_1862 : (vector<16xf32>, vector<16xf32>, vector<16xi1>) -> (vector<16xi1>, vector<16xf32>, vector<16xf32>)
          %max3A_1866 = arith.maximumf %while3A_1849, %masked_sort3A_1864 : vector<16xf32>
          %min3A_1867 = arith.minimumf %while3A_1849, %masked_sort3A_1864 : vector<16xf32>
          %masked_sort3A_1868 = arith.constant dense<true> : vector<16xi1>
          %masked_sort3A_1869, %masked_sort3A_1870, %masked_sort3A_1871 = tpu.sort %max3A_1866, %max3A_1866 masked %masked_sort3A_1868 {descending = true} : (vector<16xf32>, vector<16xf32>, vector<16xi1>) -> (vector<16xi1>, vector<16xf32>, vector<16xf32>)
          %masked_sort3A_1872 = arith.constant dense<true> : vector<16xi1>
          %masked_sort3A_1873, %masked_sort3A_1874, %masked_sort3A_1875 = tpu.sort %min3A_1867, %min3A_1867 masked %masked_sort3A_1872 {descending = true} : (vector<16xf32>, vector<16xf32>, vector<16xi1>) -> (vector<16xi1>, vector<16xf32>, vector<16xf32>)
          scf.yield %masked_sort3A_1870, %masked_sort3A_1874 : vector<16xf32>, vector<16xf32>
        }
        %while3A_1840 = arith.constant 1 : i32
        %while3A_1841:2 = scf.for %while3A_1848 = %while3A_1837 to %while3A_1833 step %while3A_1840 iter_args(%while3A_1849 = %while3A_1839#0, %while3A_1850 = %while3A_1839#1) -> (vector<16xf32>, vector<16xf32>)  : i32 {
          %mul3A_1851 = arith.constant 16 : i32
          %mul3A_1852 = arith.muli %while3A_1848, %mul3A_1851 : i32
          %add3A_1853 = arith.constant 1248 : i32
          %add3A_1854 = arith.addi %add3A_1853, %mul3A_1852 : i32
          %get3A_1855 = arith.index_cast %add3A_1854 : i32 to index
          %get3A_1856 = tpu.vector_load %arg5[%get3A_1855] {strides = array<i32>} : memref<3328xf32, #tpu.memory_space<vmem>>, vector<16xf32>,
          %masked_sort3A_1857 = arith.constant dense<true> : vector<16xi1>
          %masked_sort3A_1858, %masked_sort3A_1859, %masked_sort3A_1860 = tpu.sort %get3A_1856, %get3A_1856 masked %masked_sort3A_1857 : (vector<16xf32>, vector<16xf32>, vector<16xi1>) -> (vector<16xi1>, vector<16xf32>, vector<16xf32>)
          %max3A_1861 = arith.maximumf %while3A_1850, %masked_sort3A_1859 : vector<16xf32>
          %masked_sort3A_1862 = arith.constant dense<true> : vector<16xi1>
          %masked_sort3A_1863, %masked_sort3A_1864, %masked_sort3A_1865 = tpu.sort %max3A_1861, %max3A_1861 masked %masked_sort3A_1862 : (vector<16xf32>, vector<16xf32>, vector<16xi1>) -> (vector<16xi1>, vector<16xf32>, vector<16xf32>)
          %max3A_1866 = arith.maximumf %while3A_1849, %masked_sort3A_1864 : vector<16xf32>
          %min3A_1867 = arith.minimumf %while3A_1849, %masked_sort3A_1864 : vector<16xf32>
          %masked_sort3A_1868 = arith.constant dense<true> : vector<16xi1>
          %masked_sort3A_1869, %masked_sort3A_1870, %masked_sort3A_1871 = tpu.sort %max3A_1866, %max3A_1866 masked %masked_sort3A_1868 {descending = true} : (vector<16xf32>, vector<16xf32>, vector<16xi1>) -> (vector<16xi1>, vector<16xf32>, vector<16xf32>)
          %masked_sort3A_1872 = arith.constant dense<true> : vector<16xi1>
          %masked_sort3A_1873, %masked_sort3A_1874, %masked_sort3A_1875 = tpu.sort %min3A_1867, %min3A_1867 masked %masked_sort3A_1872 {descending = true} : (vector<16xf32>, vector<16xf32>, vector<16xi1>) -> (vector<16xi1>, vector<16xf32>, vector<16xf32>)
          scf.yield %masked_sort3A_1870, %masked_sort3A_1874 : vector<16xf32>, vector<16xf32>
        }
        %slice3A_1842 = vector.extract_strided_slice %while3A_1841#1 {offsets = [15], sizes = [1], strides = [1]} : vector<16xf32> to vector<1xf32>
        %squeeze3A_1843 = vector.extract %slice3A_1842[0] : f32 from vector<1xf32>
        %broadcast_in_dim3A_1844 = vector.broadcast %squeeze3A_1843 : f32 to vector<16xf32>
        %swap3A_1845 = arith.index_cast %scan3A_72 : i32 to index
        %swap3A_1846 = arith.constant 0 : index
        %swap3A_1847 = tpu.vector_load %arg6[%swap3A_1845, %swap3A_1846] {strides = array<i32>} : memref<32x16xf32, #tpu.memory_space<vmem>>, vector<16xf32>,
        tpu.vector_store %arg6[%swap3A_1845, %swap3A_1846], %broadcast_in_dim3A_1844 {strides = array<i32>} : memref<32x16xf32, #tpu.memory_space<vmem>>, vector<16xf32>,
      }
      %scan3A_71 = arith.constant 32 : i32
      "tpu.region"() ({
        %run_scoped3A = tpu.sem_alloc : memref<!tpu.dma_semaphore, #tpu.memory_space<semaphore_mem>>
        %dma_start3A_72 = arith.constant 0 : i32
        %dma_start3A_73 = tpu.memref_slice %arg3[%mul3A_54, %dma_start3A_72] : memref<20000x16xf32, #tpu.memory_space<hbm>> -> memref<32x16xf32, #tpu.memory_space<hbm>>
        %dma_start3A_74 = arith.constant 0 : i32
        %dma_start3A_75 = tpu.memref_slice %arg3[%mul3A_54, %dma_start3A_74] : memref<20000x16xf32, #tpu.memory_space<hbm>> -> memref<32x16xf32, #tpu.memory_space<hbm>>
        tpu.enqueue_dma source(%arg6 : memref<32x16xf32, #tpu.memory_space<vmem>>) target(%dma_start3A_75 : memref<32x16xf32, #tpu.memory_space<hbm>>) target_semaphore(%run_scoped3A : memref<!tpu.dma_semaphore, #tpu.memory_space<semaphore_mem>>)
        %dma_wait3A_76 = arith.constant 0 : i32
        %dma_wait3A_77 = tpu.memref_slice %arg3[%mul3A_54, %dma_wait3A_76] : memref<20000x16xf32, #tpu.memory_space<hbm>> -> memref<32x16xf32, #tpu.memory_space<hbm>>
        %dma_wait3A_78 = arith.constant 0 : i32
        %dma_wait3A_79 = tpu.memref_slice %arg3[%mul3A_54, %dma_wait3A_78] : memref<20000x16xf32, #tpu.memory_space<hbm>> -> memref<32x16xf32, #tpu.memory_space<hbm>>
        tpu.wait_dma2 semaphore(%run_scoped3A : memref<!tpu.dma_semaphore, #tpu.memory_space<semaphore_mem>>) src(%arg6 : memref<32x16xf32, #tpu.memory_space<vmem>>) dst(%dma_wait3A_79 : memref<32x16xf32, #tpu.memory_space<hbm>>)
        tpu.yield
      }) : () -> ()
    }
    return
  }
}

module attributes {stable_mosaic.version = 14 : i64} {
  func.func @_a_body(%arg0: i32, %arg1: memref<512x512xf32, #tpu.memory_space<vmem>>, %arg2: memref<1600x512xf32, #tpu.memory_space<vmem>>, %arg3: memref<512x1600xf32, #tpu.memory_space<vmem>>) attributes {dimension_semantics = [#tpu.dimension_semantics<parallel>], iteration_bounds = array<i64: 40>, scalar_prefetch = 0 : i64, scratch_operands = 0 : i64, tpu.core_type = #tpu.core_type<tc>, window_params = [{transform_indices = @transform_0, window_bounds = array<i64: 512, 512>}, {pipeline_mode = #tpu.pipeline_mode<synchronous>, transform_indices = @transform_1, window_bounds = array<i64: 1600, 512>}, {transform_indices = @transform_2, window_bounds = array<i64: 512, 1600>}]} {
    %get3A = arith.constant 0 : index
    %get3A_0 = arith.constant 0 : index
    %get3A_1 = vector.load %arg1[%get3A, %get3A_0] : memref<512x512xf32, #tpu.memory_space<vmem>>, vector<512x512xf32>
    %get3A_2 = arith.constant 0 : index
    %get3A_3 = arith.constant 0 : index
    %get3A_4 = vector.load %arg2[%get3A_2, %get3A_3] : memref<1600x512xf32, #tpu.memory_space<vmem>>, vector<1600x512xf32>
    %dot_general3A = arith.constant dense<0.000000e+00> : vector<512x1600xf32>
    %dot_general3A_5 = tpu.matmul %get3A_1, %get3A_4, %dot_general3A {dimension_numbers = #tpu.dot_dimension_numbers<[1], [1], [0], [0], [0, 0, 1, 0], [], []>, transpose_lhs_hint = false} : vector<512x512xf32>, vector<1600x512xf32>, vector<512x1600xf32> -> vector<512x1600xf32>
    %mul3A = arith.constant 0.0441941731 : f32
    %mul3A_6 = vector.broadcast %mul3A : f32 to vector<512x1600xf32>
    %mul3A_7 = arith.mulf %dot_general3A_5, %mul3A_6 : vector<512x1600xf32>
    %swap3A = arith.constant 0 : index
    %swap3A_8 = arith.constant 0 : index
    %swap3A_9 = vector.load %arg3[%swap3A, %swap3A_8] : memref<512x1600xf32, #tpu.memory_space<vmem>>, vector<512x1600xf32>
    tpu.vector_store %arg3[%swap3A, %swap3A_8], %mul3A_7 {strides = array<i32>} : memref<512x1600xf32, #tpu.memory_space<vmem>>, vector<512x1600xf32>,
    return
  }
  func.func @transform_0(%arg0: i32) -> (i32, i32) {
    %c0_i32 = arith.constant 0 : i32
    %c0_i32_0 = arith.constant 0 : i32
    return %arg0, %c0_i32 : i32, i32
  }
  func.func @transform_1(%arg0: i32) -> (i32, i32) {
    %c0_i32 = arith.constant 0 : i32
    %c0_i32_0 = arith.constant 0 : i32
    %c0_i32_1 = arith.constant 0 : i32
    return %c0_i32, %c0_i32_0 : i32, i32
  }
  func.func @transform_2(%arg0: i32) -> (i32, i32) {
    %c0_i32 = arith.constant 0 : i32
    %c0_i32_0 = arith.constant 0 : i32
    return %arg0, %c0_i32 : i32, i32
  }
}

module attributes {stable_mosaic.version = 14 : i64} {
  func.func @_b_body(%arg0: i32, %arg1: memref<1x1xf32, #tpu.memory_space<smem>>, %arg2: memref<512x1600xf32, #tpu.memory_space<vmem>>, %arg3: memref<512x16xf32, #tpu.memory_space<vmem>>, %arg4: memref<1024x1600xbf16, #tpu.memory_space<vmem>>, %arg5: memref<1024x512xf32, #tpu.memory_space<vmem>>, %arg6: memref<512x1600xf32, #tpu.memory_space<vmem>>) attributes {dimension_semantics = [#tpu.dimension_semantics<parallel>], iteration_bounds = array<i64: 40>, scalar_prefetch = 0 : i64, scratch_operands = 0 : i64, tpu.core_type = #tpu.core_type<tc>, window_params = [{transform_indices = @transform_0, window_bounds = array<i64: 1, 1>}, {transform_indices = @transform_1, window_bounds = array<i64: 512, 1600>}, {transform_indices = @transform_2, window_bounds = array<i64: 512, 16>}, {pipeline_mode = #tpu.pipeline_mode<synchronous>, transform_indices = @transform_3, window_bounds = array<i64: 1024, 1600>}, {transform_indices = @transform_4, window_bounds = array<i64: 1024, 512>}, {transform_indices = @transform_5, window_bounds = array<i64: 512, 1600>}]} {
    %get3A = arith.constant 0 : index
    %get3A_0 = arith.constant 0 : index
    %get3A_1 = vector.load %arg2[%get3A, %get3A_0] : memref<512x1600xf32, #tpu.memory_space<vmem>>, vector<512x1600xf32>
    %get3A_2 = arith.constant 0 : index
    %get3A_3 = arith.constant 0 : index
    %get3A_4 = vector.load %arg3[%get3A_2, %get3A_3] : memref<512x16xf32, #tpu.memory_space<vmem>>, vector<512x16xf32>
    %slice3A = vector.extract_strided_slice %get3A_4 {offsets = [0, 0], sizes = [512, 1], strides = [1, 1]} : vector<512x16xf32> to vector<512x1xf32>
    %reduce_max3A = arith.constant dense<0xFF800000> : vector<512xf32>
    %reduce_max3A_5 = vector.multi_reduction <maximumf>, %get3A_1, %reduce_max3A [1] : vector<512x1600xf32> to vector<512xf32>
    %broadcast_in_dim3A = vector.shape_cast %reduce_max3A_5 : vector<512xf32> to vector<512x1xf32>
    %sub3A = vector.broadcast %broadcast_in_dim3A : vector<512x1xf32> to vector<512x1600xf32>
    %sub3A_6 = arith.subf %get3A_1, %sub3A : vector<512x1600xf32>
    %exp3A = math.exp %sub3A_6 : vector<512x1600xf32>
    %reduce_sum3A = arith.constant dense<0.000000e+00> : vector<512xf32>
    %reduce_sum3A_7 = vector.multi_reduction <add>, %exp3A, %reduce_sum3A [1] : vector<512x1600xf32> to vector<512xf32>
    %broadcast_in_dim3A_8 = vector.shape_cast %reduce_sum3A_7 : vector<512xf32> to vector<512x1xf32>
    %ge3A = vector.broadcast %slice3A : vector<512x1xf32> to vector<512x1600xf32>
    %ge3A_9 = arith.cmpf oge, %get3A_1, %ge3A : vector<512x1600xf32>
    %jit3A = arith.constant 0.000000e+00 : f32
    %broadcast_in_dim3A_10 = vector.broadcast %jit3A : f32 to vector<512x1600xf32>
    %select_n3A = arith.select %ge3A_9, %exp3A, %broadcast_in_dim3A_10 : vector<512x1600xi1>, vector<512x1600xf32>
    %reduce_sum3A_11 = arith.constant dense<0.000000e+00> : vector<512xf32>
    %reduce_sum3A_12 = vector.multi_reduction <add>, %select_n3A, %reduce_sum3A_11 [1] : vector<512x1600xf32> to vector<512xf32>
    %broadcast_in_dim3A_13 = vector.shape_cast %reduce_sum3A_12 : vector<512xf32> to vector<512x1xf32>
    %mul3A = arith.constant 9.99999993E-9 : f32
    %mul3A_14 = vector.broadcast %mul3A : f32 to vector<512x1xf32>
    %mul3A_15 = arith.mulf %mul3A_14, %broadcast_in_dim3A_8 : vector<512x1xf32>
    %add3A = arith.addf %broadcast_in_dim3A_13, %mul3A_15 : vector<512x1xf32>
    %div3A = arith.constant 1.000000e+00 : f32
    %div3A_16 = vector.broadcast %div3A : f32 to vector<512x1xf32>
    %div3A_17 = arith.divf %div3A_16, %add3A : vector<512x1xf32>
    %mul3A_18 = vector.broadcast %div3A_17 : vector<512x1xf32> to vector<512x1600xf32>
    %mul3A_19 = arith.mulf %select_n3A, %mul3A_18 : vector<512x1600xf32>
    %swap3A = arith.constant 0 : index
    %swap3A_20 = arith.constant 0 : index
    %swap3A_21 = vector.load %arg6[%swap3A, %swap3A_20] : memref<512x1600xf32, #tpu.memory_space<vmem>>, vector<512x1600xf32>
    tpu.vector_store %arg6[%swap3A, %swap3A_20], %mul3A_19 {strides = array<i32>} : memref<512x1600xf32, #tpu.memory_space<vmem>>, vector<512x1600xf32>,
    %get3A_22 = arith.constant 0 : index
    %get3A_23 = arith.constant 0 : index
    %get3A_24 = vector.load %arg4[%get3A_22, %get3A_23] : memref<1024x1600xbf16, #tpu.memory_space<vmem>>, vector<1024x1600xbf16>
    %convert_element_type3A = arith.truncf %mul3A_19 : vector<512x1600xf32> to vector<512x1600xbf16>
    %dot_general3A = arith.constant dense<0.000000e+00> : vector<1024x512xf32>
    %dot_general3A_25 = tpu.matmul %get3A_24, %convert_element_type3A, %dot_general3A {dimension_numbers = #tpu.dot_dimension_numbers<[1], [1], [0], [0], [0, 0, 1, 0], [], []>, transpose_lhs_hint = false} : vector<1024x1600xbf16>, vector<512x1600xbf16>, vector<1024x512xf32> -> vector<1024x512xf32>
    %get3A_26 = arith.constant 0 : index
    %get3A_27 = arith.constant 0 : index
    %get3A_28 = memref.load %arg1[%get3A_26, %get3A_27] : memref<1x1xf32, #tpu.memory_space<smem>>
    %mul3A_29 = vector.broadcast %get3A_28 : f32 to vector<1024x512xf32>
    %mul3A_30 = arith.mulf %mul3A_29, %dot_general3A_25 : vector<1024x512xf32>
    %swap3A_31 = arith.constant 0 : index
    %swap3A_32 = arith.constant 0 : index
    %swap3A_33 = vector.load %arg5[%swap3A_31, %swap3A_32] : memref<1024x512xf32, #tpu.memory_space<vmem>>, vector<1024x512xf32>
    tpu.vector_store %arg5[%swap3A_31, %swap3A_32], %mul3A_30 {strides = array<i32>} : memref<1024x512xf32, #tpu.memory_space<vmem>>, vector<1024x512xf32>,
    return
  }
  func.func @transform_0(%arg0: i32) -> (i32, i32) {
    %c0_i32 = arith.constant 0 : i32
    %c0_i32_0 = arith.constant 0 : i32
    %c0_i32_1 = arith.constant 0 : i32
    return %c0_i32, %c0_i32_0 : i32, i32
  }
  func.func @transform_1(%arg0: i32) -> (i32, i32) {
    %c0_i32 = arith.constant 0 : i32
    %c0_i32_0 = arith.constant 0 : i32
    return %arg0, %c0_i32 : i32, i32
  }
  func.func @transform_2(%arg0: i32) -> (i32, i32) {
    %c0_i32 = arith.constant 0 : i32
    %c0_i32_0 = arith.constant 0 : i32
    return %arg0, %c0_i32 : i32, i32
  }
  func.func @transform_3(%arg0: i32) -> (i32, i32) {
    %c0_i32 = arith.constant 0 : i32
    %c0_i32_0 = arith.constant 0 : i32
    %c0_i32_1 = arith.constant 0 : i32
    return %c0_i32, %c0_i32_0 : i32, i32
  }
  func.func @transform_4(%arg0: i32) -> (i32, i32) {
    %c0_i32 = arith.constant 0 : i32
    %c0_i32_0 = arith.constant 0 : i32
    return %c0_i32, %arg0 : i32, i32
  }
  func.func @transform_5(%arg0: i32) -> (i32, i32) {
    %c0_i32 = arith.constant 0 : i32
    %c0_i32_0 = arith.constant 0 : i32
    return %arg0, %c0_i32 : i32, i32
  }
}

</mosaic_0001>

<sc_bundles>
// kernel: kernel.5.cloned.1.call-start
scs
__scs_entry_jumppad:
0x0: {  	(pc) =	sbr.rel $0x88, $3  }
0x1: {  	(tag) =	ssettag $0x0;
	lr =	simm.s32 $0x1  }
0x2: {  	[smem:$0x3F9D] =	sst lr;
	_ =	strace $0xD0000000  }
0x3: {  	_ = 	snop  }
0x4: {  	_ = 	snop  }
0x5: {  	_ = 	snop  }
0x6: {  	_ = 	snop  }
0x7: {  	_ = 	snop  }
__scs_overlays_trampoline_lowered:
0x8: {  	[smem:$0x3FAC] =	sst s0  }
0x9: {  	[smem:$0x3FAD] =	sst s1  }
0xa: {  	[smem:$0x3FAE] =	sst s2  }
0xb: {  	[smem:$0x3FAF] =	sst s3  }
0xc: {  	[smem:$0x3FB0] =	sst s4  }
0xd: {  	[smem:$0x3FB1] =	sst s5  }
0xe: {  	[smem:$0x3FB2] =	sst s6  }
0xf: {  	[smem:$0x3FB3] =	sst s7  }
0x10: {  	[smem:$0x3FB4] =	sst s8  }
0x11: {  	[smem:$0x3FB5] =	sst s9;
	s0 =	simm.s32 @!p0 $0x0  }
0x12: {  	s1 =	sld [smem:$0x3F9B];
	s0 =	simm.s32 @p0 $0x1  }
0x13: {  	[smem:$0x3FB6] =	sst s0;
	s0 =	simm.s32 @!p1 $0x0  }
0x14: {  	s2 =	sld [smem:$0x3F9A];
	s0 =	simm.s32 @p1 $0x1  }
0x15: {  	[smem:$0x3FB7] =	sst s0;
	s0 =	simm.s32 @!p2 $0x0  }
0x16: {  	s3 =	sld [smem:$0x3FDB];
	s0 =	simm.s32 @p2 $0x1  }
0x17: {  	s4 =	simm.s32 $0x1BF5;
	[smem:$0x3FB9] =	sst s0  }
0x18: {  	s0 =	sld [smem:$0x3F9C];
	_ =	swait.ge [sflag:s4], $0x0  }
0x19: {  	s7 =	sld [smem:$0x3F9D]  }
0x1a: {  	s8 =	sadd.s32 $0xFFFFE003, lr  }
0x1b: {  	s9 =	sadd.s32 $0xFFFFFEF7, lr;
	s5 =	simm.s32 $0xFFFFFFFF;
	p2 =	slt.u32 s8, $0xFFFFF086  }
0x1c: {  	p1 =	slt.u32 s9, $0xF7A;
	s5 =	simm.s32 @!p2 $0x0  }
0x1d: {  	s5 =	simm.s32 @p1 $0x1;
	p0 =	seq.s32 s7, s2  }
0x1e: {  	s7 =	smul.u32 @!p0 $0xF7A, s2;
	p2 =	seq.s32 @!p0 s5, $0x0  }
0x1f: {  	s9 =	smul.u32 $0xF7A, s1;
	s8 =	simm.s32 @!p0 $0x1BF5;
	p2 =	por !p2, p0  }
0x20: {  	[sflag:s8] =	ssyncset.s32 @!p0 $0xFFFFF086;
	s6 =	sadd.s32 @!p0 s3, s7;
	s7 =	simm.s32 @!p0 $0x108  }
0x21: {  	s3 =	sadd.s32 s3, s9;
	s6 =	sadd.s32 @!p0 $0x88, s6;
	s7 =	simm.s32 @p2 $0x1082  }
0x22: {  	[simem:s7], [sflag:s8] =	dma.local @!p0 [hbm:s6], $0xF7A  }
0x23: {  	s9 =	sor.u32 $0xD0000000, s2;
	s6 =	simm.s32 $0x108;
	_ =	swait.ge @!p0 [sflag:s8], $0x0  }
0x24: {  	s3 =	sadd.s32 $0x88, s3;
	s6 =	simm.s32 @!p1 $0x1082;
	[sflag:s4] =	ssyncset.s32 $0xFFFFF086  }
0x25: {  	[simem:s6], [sflag:s4] =	dma.local [hbm:s3], $0xF7A  }
0x26: {  	[smem:$0x3F9D] =	sst s1;
	(tag) =	ssettag s2;
	_ =	strace s9  }
0x27: {  	s1 =	sld [smem:$0x3FAD]  }
0x28: {  	s2 =	sld [smem:$0x3FAE]  }
0x29: {  	s4 =	sld [smem:$0x3FB0]  }
0x2a: {  	p0 =	seq.s32 s5, $0x0;
	s5 =	sld [smem:$0x3FB1]  }
0x2b: {  	s6 =	sld [smem:$0x3FB2]  }
0x2c: {  	s7 =	sld [smem:$0x3FB3]  }
0x2d: {  	s3 =	simm.s32 $0x108;
	s8 =	sld [smem:$0x3FB4]  }
0x2e: {  	s3 =	simm.s32 @!p0 $0x1082;
	s9 =	sld [smem:$0x3FB5]  }
0x2f: {  	lr =	sadd.s32 s0, s3;
	s0 =	sld [smem:$0x3FAC]  }
0x30: {  	s3 =	sld [smem:$0x3FAF]  }
0x31: {  	[smem:$0x3FB8] =	sst s10  }
0x32: {  	s10 =	sld [smem:$0x3FB6];
	_ =	sdelay $0x3  }
0x33: {  	p0 =	seq.s32 s10, $0x1;
	s10 =	sld [smem:$0x3FB8];
	_ =	sdelay $0x3  }
0x34: {  	[smem:$0x3FB8] =	sst s10  }
0x35: {  	s10 =	sld [smem:$0x3FB7];
	_ =	sdelay $0x3  }
0x36: {  	p1 =	seq.s32 s10, $0x1;
	s10 =	sld [smem:$0x3FB8];
	_ =	sdelay $0x3  }
0x37: {  	[smem:$0x3FB8] =	sst s10  }
0x38: {  	s10 =	sld [smem:$0x3FB9]  }
0x39: {  	_ = 	snop;
	(pc) =	sbr.ind lr, $3  }
0x3a: {  	_ = 	snop  }
0x3b: {  	_ = 	snop  }
0x3c: {  	p2 =	seq.s32 s10, $0x1;
	s10 =	sld [smem:$0x3FB8]  }
0x3d: {  	_ =	shalt  }
0x3e: {  	_ =	shalt  }
0x3f: {  	_ =	shalt  }
0x40: {  	_ =	shalt  }
0x41: {  	_ =	shalt  }
0x42: {  	_ =	shalt  }
0x43: {  	_ =	shalt  }
0x44: {  	_ =	shalt  }
0x45: {  	_ =	shalt  }
0x46: {  	_ =	shalt  }
0x47: {  	_ =	shalt  }
0x48: {  	_ =	shalt  }
0x49: {  	_ =	shalt  }
0x4a: {  	_ =	shalt  }
0x4b: {  	_ =	shalt  }
0x4c: {  	_ =	shalt  }
0x4d: {  	_ =	shalt  }
0x4e: {  	_ =	shalt  }
0x4f: {  	_ =	shalt  }
0x50: {  	_ =	shalt  }
0x51: {  	_ =	shalt  }
0x52: {  	_ =	shalt  }
0x53: {  	_ =	shalt  }
0x54: {  	_ =	shalt  }
0x55: {  	_ =	shalt  }
0x56: {  	_ =	shalt  }
0x57: {  	_ =	shalt  }
0x58: {  	_ =	shalt  }
0x59: {  	_ =	shalt  }
0x5a: {  	_ =	shalt  }
0x5b: {  	_ =	shalt  }
0x5c: {  	_ =	shalt  }
0x5d: {  	_ =	shalt  }
0x5e: {  	_ =	shalt  }
0x5f: {  	_ =	shalt  }
0x60: {  	_ =	shalt  }
0x61: {  	_ =	shalt  }
0x62: {  	_ =	shalt  }
0x63: {  	_ =	shalt  }
0x64: {  	_ =	shalt  }
0x65: {  	_ =	shalt  }
0x66: {  	_ =	shalt  }
0x67: {  	_ =	shalt  }
0x68: {  	_ =	shalt  }
0x69: {  	_ =	shalt  }
0x6a: {  	_ =	shalt  }
0x6b: {  	_ =	shalt  }
0x6c: {  	_ =	shalt  }
0x6d: {  	_ =	shalt  }
0x6e: {  	_ =	shalt  }
0x6f: {  	_ =	shalt  }
0x70: {  	_ =	shalt  }
0x71: {  	_ =	shalt  }
0x72: {  	_ =	shalt  }
0x73: {  	_ =	shalt  }
0x74: {  	_ =	shalt  }
0x75: {  	_ =	shalt  }
0x76: {  	_ =	shalt  }
0x77: {  	_ =	shalt  }
0x78: {  	_ =	shalt  }
0x79: {  	_ =	shalt  }
0x7a: {  	_ =	shalt  }
0x7b: {  	_ =	shalt  }
0x7c: {  	_ =	shalt  }
0x7d: {  	_ =	shalt  }
0x7e: {  	_ =	shalt  }
0x7f: {  	_ =	shalt  }
0x80: {  	_ =	shalt  }
0x81: {  	_ =	shalt  }
0x82: {  	_ =	shalt  }
0x83: {  	_ =	shalt  }
0x84: {  	_ =	shalt  }
0x85: {  	_ =	shalt  }
0x86: {  	_ =	shalt  }
0x87: {  	_ =	shalt  }
.Lfunc_end0:
.L_simem_size_0:
called_computation_lowered:
.L_overlay_start_0:
0x88: {  	s2 =	sld [smem:$0x3FD9]  }
0x89: {  	s3 =	sld [smem:$0x3FFE];
	_ =	sdelay $0x1  }
0x8a: {  	s1 =	srdreg.scid  }
0x8b: {  	s0 =	sand.u32 $0x1, s1  }
0x8c: {  	s14 =	sshll.u32 s0, $0xA;
	s2 =	sadd.s32 s3, s2  }
0x8d: {  	s2 =	sadd.s32 s2, s14  }
0x8e: {  	[smem:$0x3FC4] =	sst s2  }
0x8f: {  	_ = 	snop  }
0x90: {  	s2 =	sld [smem:$0x3FD0];
	_ =	sdelay $0x2  }
0x91: {  	s15 =	simm.s32 $0xA;
	s4 =	simm.s32 $0x10  }
0x92: {  	[smem:s4], [sflag:s15] =	dma.local [hbm:s2], $0x1  }
0x93: {  	_ =	swait.eq [sflag:s15], $0x1  }
0x94: {  	[sflag:s15] =	ssyncset.done $0x0  }
0x95: {  	[sflag:s15] =	ssyncadd.s32 $0xFFFFFFFF  }
0x96: {  	s16 =	sld [smem:$0x10];
	(tm) =	ssettm $0x1  }
0x97: {  	s17 =	sld [smem:$0x3FFB];
	_ =	sdelay $0x3  }
0x98: {  	_ =	strace s17  }
0x99: {  	s3 =	sld [smem:$0x3FFC];
	_ =	sdelay $0x3  }
0x9a: {  	_ =	strace s3  }
0x9b: {  	s3 =	sld [smem:$0x3FFD];
	_ =	sdelay $0x3  }
0x9c: {  	_ =	strace s3  }
0x9d: {  	_ =	strace $0x8FFFFFFF  }
0x9e: {  	s18 =	sld [smem:$0x3FDB];
	_ =	sdelay $0x1  }
0x9f: {  	s19 =	simm.s32 $_scs_section_size  }
0xa0: {  	s5 =	simm.s32 $_size__tile_overlayer_lowered;
	s6 =	simm.s32 $_tile_overlayer_lowered  }
0xa1: {  	s22 =	simm.s32 $0x1BFF;
	s21 =	sshll.u32 s6, $0x1;
	s3 =	sadd.s32 s19, s18  }
0xa2: {  	s7 =	simm.s32 $0x0;
	s20 =	sshll.u32 s5, $0x1;
	s5 =	sadd.s32 s21, s3  }
0xa3: {  	[timem:s7], [sflag:s22] =	dma.local [hbm:s5], s20  }
0xa4: {  	_ =	swait.ge [sflag:s22], s20  }
0xa5: {  	s4 =	ssub.s32 $0x0, s20;
	[sflag:s22] =	ssyncset.done $0x0  }
0xa6: {  	[sflag:s22] =	ssyncadd.s32 s4;
	_ =	sdelay $0x1  }
0xa7: {  	s23 =	simm.s32 $0x1B8B  }
0xa8: {  	_ =	swait.ge [sflag:s23], $0x1  }
0xa9: {  	[sflag:s23] =	ssyncset.done $0x0  }
0xaa: {  	s25 =	simm.s32 $0x1B8E;
	s24 =	sld [smem:$0x3FFE];
	[sflag:s23] =	ssyncadd.s32 $0xFFFFFFFF  }
0xab: {  	s26 =	simm.s32 $execute0_lowered;
	[smem:$0x3FD2] =	sst s25  }
0xac: {  	s5 =	sshll.u32 s26, $0x1;
	_ =	strace $0x80000046;
	[dreg:$0x1] =	wrdreg $0xFFFFFFFF  }
0xad: {  	s28 =	simm.s32 $_size_execute0_lowered;
	s3 =	sadd.s32 s3, s5;
	[dreg:$0x0] =	wrdreg $0x0  }
0xae: {  	s5 =	sshll.u32 s28, $0x1;
	[dreg:$0x2] =	wrdreg s3  }
0xaf: {  	[dreg:$0x3] =	wrdreg s5  }
0xb0: {  	[dreg:$0x4] =	wrdreg $0xC0  }
0xb1: {  	_ =	task [dreg:s7], $0x5FFFF  }
0xb2: {  	[dreg:$0x1] =	wrdreg $0xFFFFFFFF  }
0xb3: {  	[dreg:$0x0] =	wrdreg $0x60  }
0xb4: {  	[dreg:$0x2] =	wrdreg s24  }
0xb5: {  	[dreg:$0x3] =	wrdreg s16  }
0xb6: {  	[dreg:$0x4] =	wrdreg $0x9  }
0xb7: {  	_ =	task.clear_ibuf [dreg:s7], $0x5FFFF;
	_ =	strace $0x90000046  }
0xb8: {  	s29 =	simm.s32 $0x9;
	_ =	strace $0x80000048  }
0xb9: {  	_ =	swait.ge [sflag:s29], $0x1  }
0xba: {  	[sflag:s29] =	ssyncadd.s32 $0xFFFFFFFF  }
0xbb: {  	_ =	strace $0x90000048  }
0xbc: {  	_ =	sfence  }
0xbd: {  	s30 =	sld [smem:$0x0];
	_ =	sdelay $0x2  }
0xbe: {  	s31 =	sshll.u32 s1, $0xD;
	s1 =	sshrl.u32 s1, $0x2  }
0xbf: {  	s3 =	sand.u32 $0x4000, s31;
	s1 =	sadd.s32 s1, s30  }
0xc0: {  	s0 =	sor.u32 s3, s0;
	s1 =	sshll.u32 s1, $0x11  }
0xc1: {  	s0 =	sor.u32 s1, s0  }
0xc2: {  	s0 =	sadd.s32 $0x8F2B, s0  }
0xc3: {  	[sflag:s0] =	ssyncadd.remote.s32 $0x1  }
0xc4: {  	_ =	sfence.sel $0xFFFF  }
0xc5: {  	[dreg:$0x0] =	wrdreg $0xFFFFFFFF;
	(pc) =	sbr.abs _section_cstart, $3  }
0xc6: {  	[dreg:$0x1] =	wrdreg $0xFFFFFFFF  }
0xc7: {  	_ =	task.clear_ibuf [dreg:s7], $0x2FFFF;
	_ =	strace $0x9FFFFFFF  }
0xc8: {  	(tm) =	ssettm $0x7FFFFFFF  }
0xc9: {  	_ =	shalt  }
tec
execute0_lowered:
.L_overlay_start_1:
0x0: {  	(tag) =	ssettag $0x1  }
0x1: {  	s4 =	rddreg [dreg:$0x0]  }
0x2: {  	s2 =	rddreg [dreg:$0x1]  }
0x3: {  	s0 =	rddreg [dreg:$0x2]  }
0x4: {  	s5 =	srdreg.scid;
	s1 =	stileid.u32;
	s3 =	simm.s32 $0x0  }
0x5: {  	s10 =	simm.s32 $0x1;
	s11 =	simm.s32 $0x1A1A0;
	s12 =	simm.s32 $0x1A340  }
0x6: {  	s13 =	simm.s32 $0x1A4E0;
	s14 =	simm.s32 $0x1AD00;
	s15 =	simm.s32 $0x2  }
0x7: {  	s16 =	simm.s32 $0x0;
	s5 =	sand.u32 $0x1, s5;
	s6 =	sshll.u32 s1, $0x1  }
.Ltmp0:
0x8: {  	[smem:$0x7FF] =	sst s3;
	s4 =	sadd.s32 $0xC00, s4;
	(pc) =	sbr.rel .LBB2_1-.Ltmp0, $4  }
0x9: {  	s7 =	ssub.s32 $0x2, s5;
	s8 =	sor.u32 s5, s6;
	_ =	strace $0x80000047  }
0xa: {  	s30 =	sshrl.u32 s7, $0x1;
	s6 =	smul.u32 $0x1A00, s8;
	s31 =	ssub.s32 $0x270, s8  }
0xb: {  	s9 =	ssub.s32 s7, s30;
	s5 =	sshrl.u32 s31, $0x5;
	s7 =	sshll.u32 s8, $0xC  }
0xc: {  	s8 =	sshll.u32 s8, $0x5;
	s6 =	sadd.s32 s4, s6;
	s9 =	smax.u32 s9, $0x1  }
.LBB2_34:
0xd: {  	s16 =	sadd.s32 $0x1, s16  }
0xe: {  	p0 =	sne.s32 s16, s9  }
.Ltmp1:
0xf: {  	_ = 	snop;
	(pc) =	sbr.rel @!p0 .LBB2_35-.Ltmp1, $1  }
0x10: {  	_ =	sdelay $0x3  }
.LBB2_1:
.Ltmp2:
0x11: {  	(pc) =	sbr.rel .LBB2_2-.Ltmp2, $3  }
0x12: {  	_ =	sdelay $0x1  }
0x13: {  	[tilespmem:s3], [sflag:$0x1] =	stream.linear.gather [hbm4b:s6+s3], $0xD000, $0x38;
	[tilespmem:$0x1BD00] =	vst v63  }
0x14: {  	s17 =	simm.s32 $0x0  }
.LBB2_33:
0x15: {  	s19 =	sshrl.u32 s19, $0x3;
	p0 =	sne.s32 s17, s5  }
.Ltmp3:
0x16: {  	s19 =	sadd.s32 s2, s19;
	(pc) =	sbr.rel @!p0 .LBB2_34-.Ltmp3, $4  }
0x17: {  	[hbm4b:s19+s3] =	stream.linear.scatter [tilespmem:s14], [sflag:$0x2], $0x1000, $0x38;
	[tilespmem:$0x1BD00] =	vst v63  }
0x18: {  	_ =	swait.ge [sflag:s15], $0x1000  }
0x19: {  	[sflag:s15] =	ssyncset.done $0x0  }
0x1a: {  	s17 =	smov.u32 s18;
	[sflag:s15] =	ssyncadd.s32 $0xFFFFF000  }
.LBB2_2:
0x1b: {  	s18 =	sadd.s32 $0x1, s17;
	p0 =	sge.u32 s17, s5  }
0x1c: {  	s19 =	sshll.u32 @!p0 s18, $0xA;
	s20 =	sshll.u32 @!p0 s18, $0x2  }
0x1d: {  	s19 =	sor.u32 @!p0 s8, s19;
	s20 =	sand.u32 @!p0 $0x4, s20  }
0x1e: {  	s19 =	sshrl.u32 @!p0 s19, $0x3;
	s20 =	smul.u32 @!p0 $0xD000, s20  }
0x1f: {  	s19 =	smul.u32 @!p0 $0x680, s19  }
.Ltmp4:
0x20: {  	_ =	swait.ge [sflag:s10], $0xD000;
	s30 =	sshll.u32 s17, $0x11;
	(pc) =	sbr.rel .LBB2_3-.Ltmp4, $4  }
0x21: {  	s31 =	sshll.u32 s17, $0x5;
	[sflag:s10] =	ssyncset.done $0x0;
	s21 =	simm.s32 @!p0 $0x0  }
0x22: {  	[sflag:s10] =	ssyncadd.s32 $0xFFFF3000;
	s20 =	sshrl.u32 @!p0 s20, $0x2;
	s19 =	sadd.s32 @!p0 s4, s19  }
0x23: {  	[tilespmem:s20], [sflag:$0x1] =	stream.linear.gather @!p0 [hbm4b:s19+s21], $0xD000, $0x38;
	[tilespmem:$0x1BD00] =	vst v63  }
0x24: {  	s19 =	sor.u32 s7, s30;
	s20 =	sand.u32 $0x20, s31;
	s21 =	simm.s32 $0x0  }
.LBB2_27:
0x25: {  	v2 =	vmov v0  }
.LBB2_31:
0x26: {  	v4, _, _ =	vpop @p0 (xrf1)  }
0x27: {  	(xrf1) =	vsort.ascd.msk.f32 $0xffff, v3, v3;
	v3 =	vmin.f32 @p0 v2, v4  }
0x28: {  	(xrf1) =	vsort.dscd.msk.f32 @p0 $0xffff, v3, v3;
	_ =	sdelay $0xc  }
0x29: {  	v3, _, _ =	vpop (xrf1)  }
0x2a: {  	v5, _, _ =	vpop @p0 (xrf1)  }
0x2b: {  	v2 =	vmax.f32 @p0 v2, v4;
	v1 =	vpsel p0, v5, v1  }
0x2c: {  	(xrf1) =	vsort.dscd.msk.f32 @p0 $0xffff, v2, v2;
	v1 =	vmax.f32 v1, v3  }
0x2d: {  	(xrf1) =	vsort.ascd.msk.f32 $0xffff, v1, v1;
	_ =	sdelay $0xc  }
0x2e: {  	v1, _, _ =	vpop @p0 (xrf1)  }
0x2f: {  	v0 =	vpsel p0, v1, v0;
	v1, _, _ =	vpop (xrf1)  }
0x30: {  	v2 =	vmin.f32 v0, v1  }
0x31: {  	v0 =	vmax.f32 v0, v1;
	(xrf1) =	vsort.dscd.msk.f32 $0xffff, v2, v2  }
0x32: {  	(xrf1) =	vsort.dscd.msk.f32 $0xffff, v0, v0;
	_ =	sdelay $0xc  }
0x33: {  	v1, _, _ =	vpop (xrf1)  }
0x34: {  	v0, _, _ =	vpop (xrf1)  }
.LBB2_32:
0x35: {  	s21 =	sadd.s32 $0x1, s21  }
0x36: {  	p0 =	sne.s32 s21, $0x20  }
.Ltmp5:
0x37: {  	_ = 	snop;
	(pc) =	sbr.rel @!p0 .LBB2_33-.Ltmp5, $4  }
0x38: {  	_ = 	snop  }
0x39: {  	v0 =	vbroadcast v1, $0xF  }
0x3a: {  	s22 =	sand.u32 $0x3FFFFF80, s22  }
0x3b: {  	[tilespmem:s22+$0x1AD00] =	vst v0  }
.LBB2_3:
0x3c: {  	s22 =	sor.u32 s20, s21  }
0x3d: {  	s22 =	sshrl.u32 s22, $0x3  }
0x3e: {  	s23 =	smul.u32 $0xD000, s22  }
0x3f: {  	s22 =	sshll.u32 s21, $0x7  }
0x40: {  	s24 =	sand.u32 $0x380, s22;
	s23 =	sshra.s32 s23, $0x2  }
0x41: {  	s23 =	sor.u32 s24, s23  }
0x42: {  	v1 =	vld [tilespmem:s23+$0x0]  }
0x43: {  	v0 =	vld [tilespmem:s23+$0x10]  }
0x44: {  	v2 =	vld [tilespmem:s23+$0x20]  }
0x45: {  	v3 =	vld [tilespmem:s23+$0x30]  }
0x46: {  	v4 =	vld [tilespmem:s23+$0x40]  }
0x47: {  	v5 =	vld [tilespmem:s23+$0x50]  }
0x48: {  	v6 =	vld [tilespmem:s23+$0x60]  }
0x49: {  	v7 =	vld [tilespmem:s23+$0x70]  }
0x4a: {  	v8 =	vld [tilespmem:s23+$0x400]  }
0x4b: {  	v9 =	vld [tilespmem:s23+$0x410]  }
0x4c: {  	v10 =	vld [tilespmem:s23+$0x420]  }
0x4d: {  	v11 =	vld [tilespmem:s23+$0x430]  }
0x4e: {  	v12 =	vld [tilespmem:s23+$0x440]  }
0x4f: {  	v13 =	vld [tilespmem:s23+$0x450]  }
0x50: {  	v14 =	vld [tilespmem:s23+$0x460]  }
0x51: {  	v15 =	vld [tilespmem:s23+$0x470]  }
0x52: {  	v16 =	vld [tilespmem:s23+$0x800]  }
0x53: {  	v17 =	vld [tilespmem:s23+$0x810]  }
0x54: {  	v18 =	vld [tilespmem:s23+$0x820]  }
0x55: {  	v19 =	vld [tilespmem:s23+$0x830]  }
0x56: {  	v20 =	vld [tilespmem:s23+$0x840]  }
0x57: {  	v21 =	vld [tilespmem:s23+$0x850]  }
0x58: {  	v22 =	vld [tilespmem:s23+$0x860]  }
0x59: {  	v23 =	vld [tilespmem:s23+$0x870]  }
0x5a: {  	v24 =	vld [tilespmem:s23+$0xC00]  }
0x5b: {  	v25 =	vld [tilespmem:s23+$0xC10]  }
0x5c: {  	v26 =	vld [tilespmem:s23+$0xC20]  }
0x5d: {  	v27 =	vld [tilespmem:s23+$0xC30];
	[tilespmem:$0x1FFF0] =	vst v1  }
0x5e: {  	v28 =	vld [tilespmem:s23+$0xC40]  }
0x5f: {  	v29 =	vld [tilespmem:s23+$0xC50]  }
0x60: {  	v30 =	vld [tilespmem:s23+$0xC60]  }
0x61: {  	v31 =	vld [tilespmem:s23+$0xC70]  }
0x62: {  	v32 =	vld [tilespmem:s23+$0x1000]  }
0x63: {  	v33 =	vld [tilespmem:s23+$0x1010]  }
0x64: {  	v34 =	vld [tilespmem:s23+$0x1020]  }
0x65: {  	v35 =	vld [tilespmem:s23+$0x1030]  }
0x66: {  	v36 =	vld [tilespmem:s23+$0x1040]  }
0x67: {  	v37 =	vld [tilespmem:s23+$0x1050]  }
0x68: {  	v38 =	vld [tilespmem:s23+$0x1060]  }
0x69: {  	v39 =	vld [tilespmem:s23+$0x1070]  }
0x6a: {  	v40 =	vld [tilespmem:s23+$0x1400]  }
0x6b: {  	v41 =	vld [tilespmem:s23+$0x1410]  }
0x6c: {  	v42 =	vld [tilespmem:s23+$0x1420]  }
0x6d: {  	v43 =	vld [tilespmem:s23+$0x1430]  }
0x6e: {  	v44 =	vld [tilespmem:s23+$0x1440]  }
0x6f: {  	v45 =	vld [tilespmem:s23+$0x1450]  }
0x70: {  	v46 =	vld [tilespmem:s23+$0x1460]  }
0x71: {  	v47 =	vld [tilespmem:s23+$0x1470]  }
0x72: {  	v62 =	vld [tilespmem:s23+$0x1C60]  }
0x73: {  	v48 =	vld [tilespmem:s23+$0x1800]  }
0x74: {  	v49 =	vld [tilespmem:s23+$0x1810]  }
0x75: {  	v50 =	vld [tilespmem:s23+$0x1820]  }
0x76: {  	v51 =	vld [tilespmem:s23+$0x1830]  }
0x77: {  	[tilespmem:$0x1FF40] =	vst v62;
	v62 =	vld [tilespmem:s23+$0x2000]  }
0x78: {  	v52 =	vld [tilespmem:s23+$0x1840]  }
0x79: {  	v53 =	vld [tilespmem:s23+$0x1850]  }
0x7a: {  	v54 =	vld [tilespmem:s23+$0x1860]  }
0x7b: {  	v55 =	vld [tilespmem:s23+$0x1870]  }
0x7c: {  	[tilespmem:$0x1FF50] =	vst v62;
	v62 =	vld [tilespmem:s23+$0x2010]  }
0x7d: {  	v56 =	vld [tilespmem:s23+$0x1C00]  }
0x7e: {  	v57 =	vld [tilespmem:s23+$0x1C10]  }
0x7f: {  	v58 =	vld [tilespmem:s23+$0x1C20]  }
0x80: {  	v59 =	vld [tilespmem:s23+$0x1C30]  }
0x81: {  	[tilespmem:$0x1FF60] =	vst v62;
	v62 =	vld [tilespmem:s23+$0x2020]  }
0x82: {  	v60 =	vld [tilespmem:s23+$0x1C40]  }
0x83: {  	v61 =	vld [tilespmem:s23+$0x1C50]  }
0x84: {  	v63 =	vld [tilespmem:s23+$0x1C70]  }
0x85: {  	v0 =	vmax.f32 v0, v9;
	v9 =	vld [tilespmem:s23+$0x2420]  }
0x86: {  	[tilespmem:$0x1FF70] =	vst v62;
	v62 =	vld [tilespmem:s23+$0x2030]  }
0x87: {  	v2 =	vmax.f32 v2, v10;
	v10 =	vld [tilespmem:s23+$0x2430]  }
0x88: {  	v3 =	vmax.f32 v3, v11;
	v11 =	vld [tilespmem:s23+$0x2440]  }
0x89: {  	v4 =	vmax.f32 v4, v12;
	v12 =	vld [tilespmem:s23+$0x2450]  }
0x8a: {  	v5 =	vmax.f32 v5, v13;
	v13 =	vld [tilespmem:s23+$0x2460]  }
0x8b: {  	[tilespmem:$0x1FF80] =	vst v62;
	v62 =	vld [tilespmem:s23+$0x2040]  }
0x8c: {  	v6 =	vmax.f32 v6, v14;
	v2 =	vmax.f32 v2, v18;
	v14 =	vld [tilespmem:s23+$0x2470]  }
0x8d: {  	v7 =	vmax.f32 v7, v15;
	v5 =	vmax.f32 v5, v21;
	v15 =	vld [tilespmem:s23+$0x2800];
	v2 =	vmax.f32 v2, v26  }
0x8e: {  	v8 =	vmax.f32 v1, v8;
	v5 =	vmax.f32 v5, v29;
	v2 =	vmax.f32 v2, v34;
	v34 =	vld [tilespmem:s23+$0x2820]  }
0x8f: {  	v8 =	vmax.f32 v8, v16;
	v7 =	vmax.f32 v7, v23;
	v5 =	vmax.f32 v5, v37;
	v37 =	vld [tilespmem:s23+$0x2830]  }
0x90: {  	v0 =	vmax.f32 v0, v17;
	v8 =	vmax.f32 v8, v24;
	v7 =	vmax.f32 v7, v31;
	[tilespmem:$0x1FF90] =	vst v62;
	v62 =	vld [tilespmem:s23+$0x2050]  }
0x91: {  	v0 =	vmax.f32 v0, v25;
	v8 =	vmax.f32 v8, v32;
	v7 =	vmax.f32 v7, v39;
	v39 =	vld [tilespmem:s23+$0x2840]  }
0x92: {  	v0 =	vmax.f32 v0, v33;
	v8 =	vmax.f32 v8, v40;
	v40 =	vld [tilespmem:s23+$0x2850]  }
0x93: {  	v3 =	vmax.f32 v3, v19;
	v0 =	vmax.f32 v0, v41;
	v41 =	vld [tilespmem:s23+$0x2860]  }
0x94: {  	v3 =	vmax.f32 v3, v27;
	v2 =	vmax.f32 v2, v42;
	v42 =	vld [tilespmem:s23+$0x2870]  }
0x95: {  	v4 =	vmax.f32 v4, v20;
	v3 =	vmax.f32 v3, v35;
	[tilespmem:$0x1FFA0] =	vst v62;
	v62 =	vld [tilespmem:s23+$0x2060]  }
0x96: {  	v4 =	vmax.f32 v4, v28;
	v3 =	vmax.f32 v3, v43;
	v43 =	vld [tilespmem:s23+$0x2C00]  }
0x97: {  	v4 =	vmax.f32 v4, v36;
	v1 =	vld [tilespmem:$0x1FF40]  }
0x98: {  	v6 =	vmax.f32 v6, v22;
	v4 =	vmax.f32 v4, v44;
	v44 =	vld [tilespmem:s23+$0x2C10]  }
0x99: {  	v6 =	vmax.f32 v6, v30;
	v5 =	vmax.f32 v5, v45;
	v45 =	vld [tilespmem:s23+$0x2C20]  }
0x9a: {  	v6 =	vmax.f32 v6, v38;
	[tilespmem:$0x1FFB0] =	vst v62;
	v62 =	vld [tilespmem:s23+$0x2070]  }
0x9b: {  	v6 =	vmax.f32 v6, v46;
	v46 =	vld [tilespmem:s23+$0x2C30]  }
0x9c: {  	v7 =	vmax.f32 v7, v47;
	v47 =	vld [tilespmem:s23+$0x2C40]  }
0x9d: {  	v3 =	vmax.f32 v3, v51;
	v51 =	vld [tilespmem:s23+$0x2C50]  }
0x9e: {  	v7 =	vmax.f32 v7, v55;
	v55 =	vld [tilespmem:s23+$0x2C60]  }
0x9f: {  	[tilespmem:$0x1FFC0] =	vst v62;
	v62 =	vld [tilespmem:s23+$0x2400]  }
0xa0: {  	v6 =	vmax.f32 v6, v54;
	v3 =	vmax.f32 v3, v59;
	v59 =	vld [tilespmem:s23+$0x2C70]  }
0xa1: {  	v6 =	vmax.f32 v6, v1;
	v1 =	vld [tilespmem:$0x1FF50]  }
0xa2: {  	v8 =	vmax.f32 v8, v48;
	v48 =	vld [tilespmem:$0x1FF60]  }
0xa3: {  	v0 =	vmax.f32 v0, v49;
	v49 =	vld [tilespmem:$0x1FF70]  }
0xa4: {  	[tilespmem:$0x1FFD0] =	vst v62;
	v62 =	vld [tilespmem:s23+$0x2410]  }
0xa5: {  	v2 =	vmax.f32 v2, v50;
	v50 =	vld [tilespmem:$0x1FF80]  }
0xa6: {  	v4 =	vmax.f32 v4, v52;
	v52 =	vld [tilespmem:$0x1FF90]  }
0xa7: {  	v5 =	vmax.f32 v5, v53;
	v7 =	vmax.f32 v7, v63;
	v63 =	vld [tilespmem:s23+$0x3030]  }
0xa8: {  	v8 =	vmax.f32 v8, v56;
	v0 =	vmax.f32 v0, v57;
	v2 =	vmax.f32 v2, v58;
	v53 =	vld [tilespmem:$0x1FFA0]  }
0xa9: {  	v4 =	vmax.f32 v4, v60;
	v5 =	vmax.f32 v5, v61;
	v1 =	vmax.f32 v8, v1;
	v54 =	vld [tilespmem:$0x1FFB0];
	[tilespmem:$0x1FFE0] =	vst v62  }
0xaa: {  	v0 =	vmax.f32 v0, v48;
	v2 =	vmax.f32 v2, v49;
	v3 =	vmax.f32 v3, v50;
	v58 =	vld [tilespmem:$0x1FFE0]  }
0xab: {  	v2 =	vmax.f32 v2, v9;
	v3 =	vmax.f32 v3, v10;
	v4 =	vmax.f32 v4, v52;
	v62 =	vld [tilespmem:s23+$0x2810]  }
0xac: {  	v2 =	vmax.f32 v2, v34;
	v3 =	vmax.f32 v3, v37;
	v4 =	vmax.f32 v4, v11;
	v57 =	vld [tilespmem:$0x1FFD0]  }
0xad: {  	v2 =	vmax.f32 v2, v45;
	v3 =	vmax.f32 v3, v46;
	v4 =	vmax.f32 v4, v39;
	v56 =	vld [tilespmem:$0x1FFC0]  }
0xae: {  	v60 =	vld [tilespmem:s23+$0x3000];
	v3 =	vmax.f32 v3, v63;
	v4 =	vmax.f32 v4, v47;
	v5 =	vmax.f32 v5, v53  }
0xaf: {  	v61 =	vld [tilespmem:s23+$0x3010];
	v5 =	vmax.f32 v5, v12;
	v6 =	vmax.f32 v6, v54;
	v0 =	vmax.f32 v0, v58  }
0xb0: {  	v5 =	vmax.f32 v5, v40;
	v6 =	vmax.f32 v6, v13;
	v0 =	vmax.f32 v0, v62;
	v62 =	vld [tilespmem:s23+$0x3020]  }
0xb1: {  	v5 =	vmax.f32 v5, v51;
	v6 =	vmax.f32 v6, v41;
	v1 =	vmax.f32 v1, v57  }
0xb2: {  	v6 =	vmax.f32 v6, v55;
	v7 =	vmax.f32 v7, v56;
	v1 =	vmax.f32 v1, v15  }
0xb3: {  	v7 =	vmax.f32 v7, v14;
	v1 =	vmax.f32 v1, v43;
	v0 =	vmax.f32 v0, v44  }
0xb4: {  	v7 =	vmax.f32 v7, v42;
	v1 =	vmax.f32 v1, v60;
	v0 =	vmax.f32 v0, v61  }
0xb5: {  	v7 =	vmax.f32 v7, v59;
	v0 =	vmax.f32 v1, v0;
	v2 =	vmax.f32 v2, v62  }
0xb6: {  	v1 =	vmax.f32 v2, v3;
	v2 =	vmax.f32 v4, v5;
	v3 =	vmax.f32 v6, v7  }
0xb7: {  	v0 =	vmax.f32 v0, v1;
	v1 =	vmax.f32 v2, v3  }
0xb8: {  	v0 =	vmin.f32 v0, v1  }
0xb9: {  	(xrf1) =	vsort.ascd.msk.f32 $0xffff, v0, v0;
	_ =	sdelay $0xb  }
0xba: {  	v1 =	vld [tilespmem:$0x1FFF0];
	_ =	sdelay $0x1  }
0xbb: {  	v0, _, _ =	vpop (xrf1)  }
0xbc: {  	v0 =	vbroadcast v0, $0x0;
	_ =	sdelay $0x1  }
0xbd: {  	s24 =	simm.s32 $0x1A000;
	vm0 =	vge.f32 v1, v0  }
0xbe: {  	[tilespmem:s24+$0x0] =	vst.msk vm0, v1  }
0xbf: {  	v1 =	vld [tilespmem:s23+$0x10];
	_ =	sdelay $0x4  }
0xc0: {  	vm1 =	vge.f32 v1, v0  }
0xc1: {  	[tilespmem:s11+$0x0] =	vst.msk vm1, v1  }
0xc2: {  	v1 =	vld [tilespmem:s23+$0x20];
	_ =	sdelay $0x1  }
0xc3: {  	v2 =	vmpcnt.ones.xlane vm0;
	_ =	sdelay $0x1  }
0xc4: {  	(v2sf) =	vpush v2, $0x0  }
0xc5: {  	vm15 =	vge.f32 v1, v0  }
0xc6: {  	[tilespmem:s12+$0x0] =	vst.msk vm15, v1  }
0xc7: {  	v1 =	vld [tilespmem:s23+$0x30];
	_ =	sdelay $0x1  }
0xc8: {  	v2 =	vmpcnt.ones.xlane vm1;
	_ =	sdelay $0x1  }
0xc9: {  	(v2sf) =	vpush v2, $0x0  }
0xca: {  	vm4 =	vge.f32 v1, v0  }
0xcb: {  	[tilespmem:s13+$0x0] =	vst.msk vm4, v1  }
0xcc: {  	v1 =	vld [tilespmem:s23+$0x40];
	_ =	sdelay $0x1  }
0xcd: {  	v2 =	vmpcnt.ones.xlane vm15;
	_ =	sdelay $0x1  }
0xce: {  	(v2sf) =	vpush v2, $0x0  }
0xcf: {  	s25 =	spop (v2sf);
	vm5 =	vge.f32 v1, v0  }
0xd0: {  	[tilespmem:s25+$0x1A000] =	vst.msk vm5, v1  }
0xd1: {  	v1 =	vld [tilespmem:s23+$0x50];
	_ =	sdelay $0x1  }
0xd2: {  	v2 =	vmpcnt.ones.xlane vm4;
	_ =	sdelay $0x1  }
0xd3: {  	(v2sf) =	vpush v2, $0x0  }
0xd4: {  	s26 =	spop (v2sf);
	vm6 =	vge.f32 v1, v0  }
0xd5: {  	[tilespmem:s26+$0x1A1A0] =	vst.msk vm6, v1  }
0xd6: {  	v1 =	vld [tilespmem:s23+$0x60]  }
0xd7: {  	v2 =	vmpcnt.ones.xlane vm5;
	_ =	sdelay $0x1  }
0xd8: {  	(v2sf) =	vpush v2, $0x0;
	_ =	sdelay $0x1  }
0xd9: {  	s28 =	spop (v2sf);
	vm7 =	vge.f32 v1, v0  }
0xda: {  	[tilespmem:s28+$0x1A340] =	vst.msk vm7, v1  }
0xdb: {  	v1 =	vld [tilespmem:s23+$0x70]  }
0xdc: {  	v2 =	vmpcnt.ones.xlane vm6;
	_ =	sdelay $0x1  }
0xdd: {  	(v2sf) =	vpush v2, $0x0;
	_ =	sdelay $0x1  }
0xde: {  	s29 =	spop (v2sf);
	vm8 =	vge.f32 v1, v0  }
0xdf: {  	[tilespmem:s29+$0x1A4E0] =	vst.msk vm8, v1  }
0xe0: {  	v1 =	vld [tilespmem:s23+$0x400]  }
0xe1: {  	v2 =	vmpcnt.ones.xlane vm7;
	_ =	sdelay $0x1  }
0xe2: {  	(v2sf) =	vpush v2, $0x0  }
0xe3: {  	s30 =	spop (v2sf)  }
0xe4: {  	s25 =	sadd.s32 s25, s30;
	vm9 =	vge.f32 v1, v0  }
0xe5: {  	[tilespmem:s25+$0x1A000] =	vst.msk vm9, v1  }
0xe6: {  	v1 =	vld [tilespmem:s23+$0x410]  }
0xe7: {  	v2 =	vmpcnt.ones.xlane vm8;
	_ =	sdelay $0x1  }
0xe8: {  	(v2sf) =	vpush v2, $0x0  }
0xe9: {  	s31 =	spop (v2sf)  }
0xea: {  	s26 =	sadd.s32 s26, s31;
	vm10 =	vge.f32 v1, v0  }
0xeb: {  	[tilespmem:s26+$0x1A1A0] =	vst.msk vm10, v1  }
0xec: {  	v1 =	vld [tilespmem:s23+$0x420]  }
0xed: {  	v2 =	vmpcnt.ones.xlane vm9;
	_ =	sdelay $0x1  }
0xee: {  	(v2sf) =	vpush v2, $0x0  }
0xef: {  	s31 =	spop (v2sf)  }
0xf0: {  	s28 =	sadd.s32 s28, s31;
	vm11 =	vge.f32 v1, v0  }
0xf1: {  	[tilespmem:s28+$0x1A340] =	vst.msk vm11, v1  }
0xf2: {  	v1 =	vld [tilespmem:s23+$0x430]  }
0xf3: {  	v2 =	vmpcnt.ones.xlane vm10;
	_ =	sdelay $0x1  }
0xf4: {  	(v2sf) =	vpush v2, $0x0  }
0xf5: {  	s31 =	spop (v2sf)  }
0xf6: {  	s29 =	sadd.s32 s29, s31;
	vm12 =	vge.f32 v1, v0  }
0xf7: {  	[tilespmem:s29+$0x1A4E0] =	vst.msk vm12, v1  }
0xf8: {  	v1 =	vld [tilespmem:s23+$0x440]  }
0xf9: {  	v2 =	vmpcnt.ones.xlane vm11;
	_ =	sdelay $0x1  }
0xfa: {  	(v2sf) =	vpush v2, $0x0  }
0xfb: {  	s31 =	spop (v2sf)  }
0xfc: {  	s25 =	sadd.s32 s25, s31;
	vm13 =	vge.f32 v1, v0  }
0xfd: {  	[tilespmem:s25+$0x1A000] =	vst.msk vm13, v1  }
0xfe: {  	v1 =	vld [tilespmem:s23+$0x450]  }
0xff: {  	v2 =	vmpcnt.ones.xlane vm12;
	_ =	sdelay $0x1  }
0x100: {  	(v2sf) =	vpush v2, $0x0  }
0x101: {  	s31 =	spop (v2sf)  }
0x102: {  	s26 =	sadd.s32 s26, s31;
	vm14 =	vge.f32 v1, v0  }
0x103: {  	[tilespmem:s26+$0x1A1A0] =	vst.msk vm14, v1  }
0x104: {  	v1 =	vld [tilespmem:s23+$0x460]  }
0x105: {  	v2 =	vmpcnt.ones.xlane vm13;
	_ =	sdelay $0x1  }
0x106: {  	(v2sf) =	vpush v2, $0x0  }
0x107: {  	s31 =	spop (v2sf)  }
0x108: {  	s28 =	sadd.s32 s28, s31;
	vm15 =	vge.f32 v1, v0  }
0x109: {  	[tilespmem:s28+$0x1A340] =	vst.msk vm15, v1  }
0x10a: {  	v1 =	vld [tilespmem:s23+$0x470]  }
0x10b: {  	v2 =	vmpcnt.ones.xlane vm14;
	_ =	sdelay $0x1  }
0x10c: {  	(v2sf) =	vpush v2, $0x0  }
0x10d: {  	s31 =	spop (v2sf)  }
0x10e: {  	s29 =	sadd.s32 s29, s31;
	vm4 =	vge.f32 v1, v0  }
0x10f: {  	[tilespmem:s29+$0x1A4E0] =	vst.msk vm4, v1  }
0x110: {  	v1 =	vld [tilespmem:s23+$0x800]  }
0x111: {  	v2 =	vmpcnt.ones.xlane vm15;
	_ =	sdelay $0x1  }
0x112: {  	(v2sf) =	vpush v2, $0x0  }
0x113: {  	s31 =	spop (v2sf)  }
0x114: {  	s25 =	sadd.s32 s25, s31;
	vm5 =	vge.f32 v1, v0  }
0x115: {  	[tilespmem:s25+$0x1A000] =	vst.msk vm5, v1  }
0x116: {  	v1 =	vld [tilespmem:s23+$0x810]  }
0x117: {  	v2 =	vmpcnt.ones.xlane vm4;
	_ =	sdelay $0x1  }
0x118: {  	(v2sf) =	vpush v2, $0x0  }
0x119: {  	s31 =	spop (v2sf)  }
0x11a: {  	s26 =	sadd.s32 s26, s31;
	vm6 =	vge.f32 v1, v0  }
0x11b: {  	[tilespmem:s26+$0x1A1A0] =	vst.msk vm6, v1  }
0x11c: {  	v1 =	vld [tilespmem:s23+$0x820]  }
0x11d: {  	v2 =	vmpcnt.ones.xlane vm5;
	_ =	sdelay $0x1  }
0x11e: {  	(v2sf) =	vpush v2, $0x0  }
0x11f: {  	s31 =	spop (v2sf)  }
0x120: {  	s28 =	sadd.s32 s28, s31;
	vm7 =	vge.f32 v1, v0  }
0x121: {  	[tilespmem:s28+$0x1A340] =	vst.msk vm7, v1  }
0x122: {  	v1 =	vld [tilespmem:s23+$0x830]  }
0x123: {  	v2 =	vmpcnt.ones.xlane vm6;
	_ =	sdelay $0x1  }
0x124: {  	(v2sf) =	vpush v2, $0x0  }
0x125: {  	s31 =	spop (v2sf)  }
0x126: {  	s29 =	sadd.s32 s29, s31;
	vm8 =	vge.f32 v1, v0  }
0x127: {  	[tilespmem:s29+$0x1A4E0] =	vst.msk vm8, v1  }
0x128: {  	v1 =	vld [tilespmem:s23+$0x840]  }
0x129: {  	v2 =	vmpcnt.ones.xlane vm7;
	_ =	sdelay $0x1  }
0x12a: {  	(v2sf) =	vpush v2, $0x0  }
0x12b: {  	s31 =	spop (v2sf)  }
0x12c: {  	s25 =	sadd.s32 s25, s31;
	vm9 =	vge.f32 v1, v0  }
0x12d: {  	[tilespmem:s25+$0x1A000] =	vst.msk vm9, v1  }
0x12e: {  	v1 =	vld [tilespmem:s23+$0x850]  }
0x12f: {  	v2 =	vmpcnt.ones.xlane vm8;
	_ =	sdelay $0x1  }
0x130: {  	(v2sf) =	vpush v2, $0x0  }
0x131: {  	s31 =	spop (v2sf)  }
0x132: {  	s26 =	sadd.s32 s26, s31;
	vm10 =	vge.f32 v1, v0  }
0x133: {  	[tilespmem:s26+$0x1A1A0] =	vst.msk vm10, v1  }
0x134: {  	v1 =	vld [tilespmem:s23+$0x860]  }
0x135: {  	v2 =	vmpcnt.ones.xlane vm9;
	_ =	sdelay $0x1  }
0x136: {  	(v2sf) =	vpush v2, $0x0  }
0x137: {  	s31 =	spop (v2sf)  }
0x138: {  	s28 =	sadd.s32 s28, s31;
	vm11 =	vge.f32 v1, v0  }
0x139: {  	[tilespmem:s28+$0x1A340] =	vst.msk vm11, v1  }
0x13a: {  	v1 =	vld [tilespmem:s23+$0x870]  }
0x13b: {  	v2 =	vmpcnt.ones.xlane vm10;
	_ =	sdelay $0x1  }
0x13c: {  	(v2sf) =	vpush v2, $0x0  }
0x13d: {  	s31 =	spop (v2sf)  }
0x13e: {  	s29 =	sadd.s32 s29, s31;
	vm12 =	vge.f32 v1, v0  }
0x13f: {  	[tilespmem:s29+$0x1A4E0] =	vst.msk vm12, v1  }
0x140: {  	v1 =	vld [tilespmem:s23+$0xC00]  }
0x141: {  	v2 =	vmpcnt.ones.xlane vm11;
	_ =	sdelay $0x1  }
0x142: {  	(v2sf) =	vpush v2, $0x0  }
0x143: {  	s31 =	spop (v2sf)  }
0x144: {  	s25 =	sadd.s32 s25, s31;
	vm13 =	vge.f32 v1, v0  }
0x145: {  	[tilespmem:s25+$0x1A000] =	vst.msk vm13, v1  }
0x146: {  	v1 =	vld [tilespmem:s23+$0xC10]  }
0x147: {  	v2 =	vmpcnt.ones.xlane vm12;
	_ =	sdelay $0x1  }
0x148: {  	(v2sf) =	vpush v2, $0x0  }
0x149: {  	s31 =	spop (v2sf)  }
0x14a: {  	s26 =	sadd.s32 s26, s31;
	vm14 =	vge.f32 v1, v0  }
0x14b: {  	[tilespmem:s26+$0x1A1A0] =	vst.msk vm14, v1  }
0x14c: {  	v1 =	vld [tilespmem:s23+$0xC20]  }
0x14d: {  	v2 =	vmpcnt.ones.xlane vm13;
	_ =	sdelay $0x1  }
0x14e: {  	(v2sf) =	vpush v2, $0x0  }
0x14f: {  	s31 =	spop (v2sf)  }
0x150: {  	s28 =	sadd.s32 s28, s31;
	vm15 =	vge.f32 v1, v0  }
0x151: {  	[tilespmem:s28+$0x1A340] =	vst.msk vm15, v1  }
0x152: {  	v1 =	vld [tilespmem:s23+$0xC30]  }
0x153: {  	v2 =	vmpcnt.ones.xlane vm14;
	_ =	sdelay $0x1  }
0x154: {  	(v2sf) =	vpush v2, $0x0  }
0x155: {  	s31 =	spop (v2sf)  }
0x156: {  	s29 =	sadd.s32 s29, s31;
	vm4 =	vge.f32 v1, v0  }
0x157: {  	[tilespmem:s29+$0x1A4E0] =	vst.msk vm4, v1  }
0x158: {  	v1 =	vld [tilespmem:s23+$0xC40]  }
0x159: {  	v2 =	vmpcnt.ones.xlane vm15;
	_ =	sdelay $0x1  }
0x15a: {  	(v2sf) =	vpush v2, $0x0  }
0x15b: {  	s31 =	spop (v2sf)  }
0x15c: {  	s25 =	sadd.s32 s25, s31;
	vm5 =	vge.f32 v1, v0  }
0x15d: {  	[tilespmem:s25+$0x1A000] =	vst.msk vm5, v1  }
0x15e: {  	v1 =	vld [tilespmem:s23+$0xC50]  }
0x15f: {  	v2 =	vmpcnt.ones.xlane vm4;
	_ =	sdelay $0x1  }
0x160: {  	(v2sf) =	vpush v2, $0x0  }
0x161: {  	s31 =	spop (v2sf)  }
0x162: {  	s26 =	sadd.s32 s26, s31;
	vm6 =	vge.f32 v1, v0  }
0x163: {  	[tilespmem:s26+$0x1A1A0] =	vst.msk vm6, v1  }
0x164: {  	v1 =	vld [tilespmem:s23+$0xC60]  }
0x165: {  	v2 =	vmpcnt.ones.xlane vm5;
	_ =	sdelay $0x1  }
0x166: {  	(v2sf) =	vpush v2, $0x0  }
0x167: {  	s31 =	spop (v2sf)  }
0x168: {  	s28 =	sadd.s32 s28, s31;
	vm7 =	vge.f32 v1, v0  }
0x169: {  	[tilespmem:s28+$0x1A340] =	vst.msk vm7, v1  }
0x16a: {  	v1 =	vld [tilespmem:s23+$0xC70]  }
0x16b: {  	v2 =	vmpcnt.ones.xlane vm6;
	_ =	sdelay $0x1  }
0x16c: {  	(v2sf) =	vpush v2, $0x0  }
0x16d: {  	s31 =	spop (v2sf)  }
0x16e: {  	s29 =	sadd.s32 s29, s31;
	vm8 =	vge.f32 v1, v0  }
0x16f: {  	[tilespmem:s29+$0x1A4E0] =	vst.msk vm8, v1  }
0x170: {  	v1 =	vld [tilespmem:s23+$0x1000]  }
0x171: {  	v2 =	vmpcnt.ones.xlane vm7;
	_ =	sdelay $0x1  }
0x172: {  	(v2sf) =	vpush v2, $0x0  }
0x173: {  	s31 =	spop (v2sf)  }
0x174: {  	s25 =	sadd.s32 s25, s31;
	vm9 =	vge.f32 v1, v0  }
0x175: {  	[tilespmem:s25+$0x1A000] =	vst.msk vm9, v1  }
0x176: {  	v1 =	vld [tilespmem:s23+$0x1010]  }
0x177: {  	v2 =	vmpcnt.ones.xlane vm8;
	_ =	sdelay $0x1  }
0x178: {  	(v2sf) =	vpush v2, $0x0  }
0x179: {  	s31 =	spop (v2sf)  }
0x17a: {  	s26 =	sadd.s32 s26, s31;
	vm10 =	vge.f32 v1, v0  }
0x17b: {  	[tilespmem:s26+$0x1A1A0] =	vst.msk vm10, v1  }
0x17c: {  	v1 =	vld [tilespmem:s23+$0x1020]  }
0x17d: {  	v2 =	vmpcnt.ones.xlane vm9;
	_ =	sdelay $0x1  }
0x17e: {  	(v2sf) =	vpush v2, $0x0  }
0x17f: {  	s31 =	spop (v2sf)  }
0x180: {  	s28 =	sadd.s32 s28, s31;
	vm11 =	vge.f32 v1, v0  }
0x181: {  	[tilespmem:s28+$0x1A340] =	vst.msk vm11, v1  }
0x182: {  	v1 =	vld [tilespmem:s23+$0x1030]  }
0x183: {  	v2 =	vmpcnt.ones.xlane vm10;
	_ =	sdelay $0x1  }
0x184: {  	(v2sf) =	vpush v2, $0x0  }
0x185: {  	s31 =	spop (v2sf)  }
0x186: {  	s29 =	sadd.s32 s29, s31;
	vm12 =	vge.f32 v1, v0  }
0x187: {  	[tilespmem:s29+$0x1A4E0] =	vst.msk vm12, v1  }
0x188: {  	v1 =	vld [tilespmem:s23+$0x1040]  }
0x189: {  	v2 =	vmpcnt.ones.xlane vm11;
	_ =	sdelay $0x1  }
0x18a: {  	(v2sf) =	vpush v2, $0x0  }
0x18b: {  	s31 =	spop (v2sf)  }
0x18c: {  	s25 =	sadd.s32 s25, s31;
	vm13 =	vge.f32 v1, v0  }
0x18d: {  	[tilespmem:s25+$0x1A000] =	vst.msk vm13, v1  }
0x18e: {  	v1 =	vld [tilespmem:s23+$0x1050]  }
0x18f: {  	v2 =	vmpcnt.ones.xlane vm12;
	_ =	sdelay $0x1  }
0x190: {  	(v2sf) =	vpush v2, $0x0  }
0x191: {  	s31 =	spop (v2sf)  }
0x192: {  	s26 =	sadd.s32 s26, s31;
	vm14 =	vge.f32 v1, v0  }
0x193: {  	[tilespmem:s26+$0x1A1A0] =	vst.msk vm14, v1  }
0x194: {  	v1 =	vld [tilespmem:s23+$0x1060]  }
0x195: {  	v2 =	vmpcnt.ones.xlane vm13;
	_ =	sdelay $0x1  }
0x196: {  	(v2sf) =	vpush v2, $0x0  }
0x197: {  	s31 =	spop (v2sf)  }
0x198: {  	s28 =	sadd.s32 s28, s31;
	vm15 =	vge.f32 v1, v0  }
0x199: {  	[tilespmem:s28+$0x1A340] =	vst.msk vm15, v1  }
0x19a: {  	v1 =	vld [tilespmem:s23+$0x1070]  }
0x19b: {  	v2 =	vmpcnt.ones.xlane vm14;
	_ =	sdelay $0x1  }
0x19c: {  	(v2sf) =	vpush v2, $0x0  }
0x19d: {  	s31 =	spop (v2sf)  }
0x19e: {  	s29 =	sadd.s32 s29, s31;
	vm4 =	vge.f32 v1, v0  }
0x19f: {  	[tilespmem:s29+$0x1A4E0] =	vst.msk vm4, v1  }
0x1a0: {  	v1 =	vld [tilespmem:s23+$0x1400]  }
0x1a1: {  	v2 =	vmpcnt.ones.xlane vm15;
	_ =	sdelay $0x1  }
0x1a2: {  	(v2sf) =	vpush v2, $0x0  }
0x1a3: {  	s31 =	spop (v2sf)  }
0x1a4: {  	s25 =	sadd.s32 s25, s31;
	vm5 =	vge.f32 v1, v0  }
0x1a5: {  	[tilespmem:s25+$0x1A000] =	vst.msk vm5, v1  }
0x1a6: {  	v1 =	vld [tilespmem:s23+$0x1410]  }
0x1a7: {  	v2 =	vmpcnt.ones.xlane vm4;
	_ =	sdelay $0x1  }
0x1a8: {  	(v2sf) =	vpush v2, $0x0  }
0x1a9: {  	s31 =	spop (v2sf)  }
0x1aa: {  	s26 =	sadd.s32 s26, s31;
	vm6 =	vge.f32 v1, v0  }
0x1ab: {  	[tilespmem:s26+$0x1A1A0] =	vst.msk vm6, v1  }
0x1ac: {  	v1 =	vld [tilespmem:s23+$0x1420]  }
0x1ad: {  	v2 =	vmpcnt.ones.xlane vm5;
	_ =	sdelay $0x1  }
0x1ae: {  	(v2sf) =	vpush v2, $0x0  }
0x1af: {  	s31 =	spop (v2sf)  }
0x1b0: {  	s28 =	sadd.s32 s28, s31;
	vm7 =	vge.f32 v1, v0  }
0x1b1: {  	[tilespmem:s28+$0x1A340] =	vst.msk vm7, v1  }
0x1b2: {  	v1 =	vld [tilespmem:s23+$0x1430]  }
0x1b3: {  	v2 =	vmpcnt.ones.xlane vm6;
	_ =	sdelay $0x1  }
0x1b4: {  	(v2sf) =	vpush v2, $0x0  }
0x1b5: {  	s31 =	spop (v2sf)  }
0x1b6: {  	s29 =	sadd.s32 s29, s31;
	vm8 =	vge.f32 v1, v0  }
0x1b7: {  	[tilespmem:s29+$0x1A4E0] =	vst.msk vm8, v1  }
0x1b8: {  	v1 =	vld [tilespmem:s23+$0x1440]  }
0x1b9: {  	v2 =	vmpcnt.ones.xlane vm7;
	_ =	sdelay $0x1  }
0x1ba: {  	(v2sf) =	vpush v2, $0x0  }
0x1bb: {  	s31 =	spop (v2sf)  }
0x1bc: {  	s25 =	sadd.s32 s25, s31;
	vm9 =	vge.f32 v1, v0  }
0x1bd: {  	[tilespmem:s25+$0x1A000] =	vst.msk vm9, v1  }
0x1be: {  	v1 =	vld [tilespmem:s23+$0x1450]  }
0x1bf: {  	v2 =	vmpcnt.ones.xlane vm8;
	_ =	sdelay $0x1  }
0x1c0: {  	(v2sf) =	vpush v2, $0x0  }
0x1c1: {  	s31 =	spop (v2sf)  }
0x1c2: {  	s26 =	sadd.s32 s26, s31;
	vm10 =	vge.f32 v1, v0  }
0x1c3: {  	[tilespmem:s26+$0x1A1A0] =	vst.msk vm10, v1  }
0x1c4: {  	v1 =	vld [tilespmem:s23+$0x1460]  }
0x1c5: {  	v2 =	vmpcnt.ones.xlane vm9;
	_ =	sdelay $0x1  }
0x1c6: {  	(v2sf) =	vpush v2, $0x0  }
0x1c7: {  	s31 =	spop (v2sf)  }
0x1c8: {  	s28 =	sadd.s32 s28, s31;
	vm11 =	vge.f32 v1, v0  }
0x1c9: {  	[tilespmem:s28+$0x1A340] =	vst.msk vm11, v1  }
0x1ca: {  	v1 =	vld [tilespmem:s23+$0x1470]  }
0x1cb: {  	v2 =	vmpcnt.ones.xlane vm10;
	_ =	sdelay $0x1  }
0x1cc: {  	(v2sf) =	vpush v2, $0x0  }
0x1cd: {  	s31 =	spop (v2sf)  }
0x1ce: {  	s29 =	sadd.s32 s29, s31;
	vm12 =	vge.f32 v1, v0  }
0x1cf: {  	[tilespmem:s29+$0x1A4E0] =	vst.msk vm12, v1  }
0x1d0: {  	v1 =	vld [tilespmem:s23+$0x1800]  }
0x1d1: {  	v2 =	vmpcnt.ones.xlane vm11;
	_ =	sdelay $0x1  }
0x1d2: {  	(v2sf) =	vpush v2, $0x0  }
0x1d3: {  	s31 =	spop (v2sf)  }
0x1d4: {  	s25 =	sadd.s32 s25, s31;
	vm13 =	vge.f32 v1, v0  }
0x1d5: {  	[tilespmem:s25+$0x1A000] =	vst.msk vm13, v1  }
0x1d6: {  	v1 =	vld [tilespmem:s23+$0x1810]  }
0x1d7: {  	v2 =	vmpcnt.ones.xlane vm12;
	_ =	sdelay $0x1  }
0x1d8: {  	(v2sf) =	vpush v2, $0x0  }
0x1d9: {  	s31 =	spop (v2sf)  }
0x1da: {  	s26 =	sadd.s32 s26, s31;
	vm14 =	vge.f32 v1, v0  }
0x1db: {  	[tilespmem:s26+$0x1A1A0] =	vst.msk vm14, v1  }
0x1dc: {  	v1 =	vld [tilespmem:s23+$0x1820]  }
0x1dd: {  	v2 =	vmpcnt.ones.xlane vm13;
	_ =	sdelay $0x1  }
0x1de: {  	(v2sf) =	vpush v2, $0x0  }
0x1df: {  	s31 =	spop (v2sf)  }
0x1e0: {  	s28 =	sadd.s32 s28, s31;
	vm15 =	vge.f32 v1, v0  }
0x1e1: {  	[tilespmem:s28+$0x1A340] =	vst.msk vm15, v1  }
0x1e2: {  	v1 =	vld [tilespmem:s23+$0x1830]  }
0x1e3: {  	v2 =	vmpcnt.ones.xlane vm14;
	_ =	sdelay $0x1  }
0x1e4: {  	(v2sf) =	vpush v2, $0x0  }
0x1e5: {  	s31 =	spop (v2sf)  }
0x1e6: {  	s29 =	sadd.s32 s29, s31;
	vm4 =	vge.f32 v1, v0  }
0x1e7: {  	[tilespmem:s29+$0x1A4E0] =	vst.msk vm4, v1  }
0x1e8: {  	v1 =	vld [tilespmem:s23+$0x1840]  }
0x1e9: {  	v2 =	vmpcnt.ones.xlane vm15;
	_ =	sdelay $0x1  }
0x1ea: {  	(v2sf) =	vpush v2, $0x0  }
0x1eb: {  	s31 =	spop (v2sf)  }
0x1ec: {  	s25 =	sadd.s32 s25, s31;
	vm5 =	vge.f32 v1, v0  }
0x1ed: {  	[tilespmem:s25+$0x1A000] =	vst.msk vm5, v1  }
0x1ee: {  	v1 =	vld [tilespmem:s23+$0x1850]  }
0x1ef: {  	v2 =	vmpcnt.ones.xlane vm4;
	_ =	sdelay $0x1  }
0x1f0: {  	(v2sf) =	vpush v2, $0x0  }
0x1f1: {  	s31 =	spop (v2sf)  }
0x1f2: {  	s26 =	sadd.s32 s26, s31;
	vm6 =	vge.f32 v1, v0  }
0x1f3: {  	[tilespmem:s26+$0x1A1A0] =	vst.msk vm6, v1  }
0x1f4: {  	v1 =	vld [tilespmem:s23+$0x1860]  }
0x1f5: {  	v2 =	vmpcnt.ones.xlane vm5;
	_ =	sdelay $0x1  }
0x1f6: {  	(v2sf) =	vpush v2, $0x0  }
0x1f7: {  	s31 =	spop (v2sf)  }
0x1f8: {  	s28 =	sadd.s32 s28, s31;
	vm7 =	vge.f32 v1, v0  }
0x1f9: {  	[tilespmem:s28+$0x1A340] =	vst.msk vm7, v1  }
0x1fa: {  	v1 =	vld [tilespmem:s23+$0x1870]  }
0x1fb: {  	v2 =	vmpcnt.ones.xlane vm6;
	_ =	sdelay $0x1  }
0x1fc: {  	(v2sf) =	vpush v2, $0x0  }
0x1fd: {  	s31 =	spop (v2sf)  }
0x1fe: {  	s29 =	sadd.s32 s29, s31;
	vm8 =	vge.f32 v1, v0  }
0x1ff: {  	[tilespmem:s29+$0x1A4E0] =	vst.msk vm8, v1  }
0x200: {  	v1 =	vld [tilespmem:s23+$0x1C00]  }
0x201: {  	v2 =	vmpcnt.ones.xlane vm7;
	_ =	sdelay $0x1  }
0x202: {  	(v2sf) =	vpush v2, $0x0  }
0x203: {  	s31 =	spop (v2sf)  }
0x204: {  	s25 =	sadd.s32 s25, s31;
	vm9 =	vge.f32 v1, v0  }
0x205: {  	[tilespmem:s25+$0x1A000] =	vst.msk vm9, v1  }
0x206: {  	v1 =	vld [tilespmem:s23+$0x1C10]  }
0x207: {  	v2 =	vmpcnt.ones.xlane vm8;
	_ =	sdelay $0x1  }
0x208: {  	(v2sf) =	vpush v2, $0x0  }
0x209: {  	s31 =	spop (v2sf)  }
0x20a: {  	s26 =	sadd.s32 s26, s31;
	vm10 =	vge.f32 v1, v0  }
0x20b: {  	[tilespmem:s26+$0x1A1A0] =	vst.msk vm10, v1  }
0x20c: {  	v1 =	vld [tilespmem:s23+$0x1C20]  }
0x20d: {  	v2 =	vmpcnt.ones.xlane vm9;
	_ =	sdelay $0x1  }
0x20e: {  	(v2sf) =	vpush v2, $0x0  }
0x20f: {  	s31 =	spop (v2sf)  }
0x210: {  	s28 =	sadd.s32 s28, s31;
	vm11 =	vge.f32 v1, v0  }
0x211: {  	[tilespmem:s28+$0x1A340] =	vst.msk vm11, v1  }
0x212: {  	v1 =	vld [tilespmem:s23+$0x1C30]  }
0x213: {  	v2 =	vmpcnt.ones.xlane vm10;
	_ =	sdelay $0x1  }
0x214: {  	(v2sf) =	vpush v2, $0x0  }
0x215: {  	s31 =	spop (v2sf)  }
0x216: {  	s29 =	sadd.s32 s29, s31;
	vm12 =	vge.f32 v1, v0  }
0x217: {  	[tilespmem:s29+$0x1A4E0] =	vst.msk vm12, v1  }
0x218: {  	v1 =	vld [tilespmem:s23+$0x1C40]  }
0x219: {  	v2 =	vmpcnt.ones.xlane vm11;
	_ =	sdelay $0x1  }
0x21a: {  	(v2sf) =	vpush v2, $0x0  }
0x21b: {  	s31 =	spop (v2sf)  }
0x21c: {  	s25 =	sadd.s32 s25, s31;
	vm13 =	vge.f32 v1, v0  }
0x21d: {  	[tilespmem:s25+$0x1A000] =	vst.msk vm13, v1  }
0x21e: {  	v1 =	vld [tilespmem:s23+$0x1C50]  }
0x21f: {  	v2 =	vmpcnt.ones.xlane vm12;
	_ =	sdelay $0x1  }
0x220: {  	(v2sf) =	vpush v2, $0x0  }
0x221: {  	s31 =	spop (v2sf)  }
0x222: {  	s26 =	sadd.s32 s26, s31;
	vm14 =	vge.f32 v1, v0  }
0x223: {  	[tilespmem:s26+$0x1A1A0] =	vst.msk vm14, v1  }
0x224: {  	v1 =	vld [tilespmem:s23+$0x1C60]  }
0x225: {  	v2 =	vmpcnt.ones.xlane vm13;
	_ =	sdelay $0x1  }
0x226: {  	(v2sf) =	vpush v2, $0x0  }
0x227: {  	s31 =	spop (v2sf)  }
0x228: {  	s28 =	sadd.s32 s28, s31;
	vm15 =	vge.f32 v1, v0  }
0x229: {  	[tilespmem:s28+$0x1A340] =	vst.msk vm15, v1  }
0x22a: {  	v1 =	vld [tilespmem:s23+$0x1C70]  }
0x22b: {  	v2 =	vmpcnt.ones.xlane vm14;
	_ =	sdelay $0x1  }
0x22c: {  	(v2sf) =	vpush v2, $0x0  }
0x22d: {  	s31 =	spop (v2sf)  }
0x22e: {  	s29 =	sadd.s32 s29, s31;
	vm4 =	vge.f32 v1, v0  }
0x22f: {  	[tilespmem:s29+$0x1A4E0] =	vst.msk vm4, v1  }
0x230: {  	v1 =	vld [tilespmem:s23+$0x2000]  }
0x231: {  	v2 =	vmpcnt.ones.xlane vm15;
	_ =	sdelay $0x1  }
0x232: {  	(v2sf) =	vpush v2, $0x0  }
0x233: {  	s31 =	spop (v2sf)  }
0x234: {  	s25 =	sadd.s32 s25, s31;
	vm5 =	vge.f32 v1, v0  }
0x235: {  	[tilespmem:s25+$0x1A000] =	vst.msk vm5, v1  }
0x236: {  	v1 =	vld [tilespmem:s23+$0x2010]  }
0x237: {  	v2 =	vmpcnt.ones.xlane vm4;
	_ =	sdelay $0x1  }
0x238: {  	(v2sf) =	vpush v2, $0x0  }
0x239: {  	s31 =	spop (v2sf)  }
0x23a: {  	s26 =	sadd.s32 s26, s31;
	vm6 =	vge.f32 v1, v0  }
0x23b: {  	[tilespmem:s26+$0x1A1A0] =	vst.msk vm6, v1  }
0x23c: {  	v1 =	vld [tilespmem:s23+$0x2020]  }
0x23d: {  	v2 =	vmpcnt.ones.xlane vm5;
	_ =	sdelay $0x1  }
0x23e: {  	(v2sf) =	vpush v2, $0x0  }
0x23f: {  	s31 =	spop (v2sf)  }
0x240: {  	s28 =	sadd.s32 s28, s31;
	vm7 =	vge.f32 v1, v0  }
0x241: {  	[tilespmem:s28+$0x1A340] =	vst.msk vm7, v1  }
0x242: {  	v1 =	vld [tilespmem:s23+$0x2030]  }
0x243: {  	v2 =	vmpcnt.ones.xlane vm6;
	_ =	sdelay $0x1  }
0x244: {  	(v2sf) =	vpush v2, $0x0  }
0x245: {  	s31 =	spop (v2sf)  }
0x246: {  	s29 =	sadd.s32 s29, s31;
	vm8 =	vge.f32 v1, v0  }
0x247: {  	[tilespmem:s29+$0x1A4E0] =	vst.msk vm8, v1  }
0x248: {  	v1 =	vld [tilespmem:s23+$0x2040]  }
0x249: {  	v2 =	vmpcnt.ones.xlane vm7;
	_ =	sdelay $0x1  }
0x24a: {  	(v2sf) =	vpush v2, $0x0  }
0x24b: {  	s31 =	spop (v2sf)  }
0x24c: {  	s25 =	sadd.s32 s25, s31;
	vm9 =	vge.f32 v1, v0  }
0x24d: {  	[tilespmem:s25+$0x1A000] =	vst.msk vm9, v1  }
0x24e: {  	v1 =	vld [tilespmem:s23+$0x2050]  }
0x24f: {  	v2 =	vmpcnt.ones.xlane vm8;
	_ =	sdelay $0x1  }
0x250: {  	(v2sf) =	vpush v2, $0x0  }
0x251: {  	s31 =	spop (v2sf)  }
0x252: {  	s26 =	sadd.s32 s26, s31;
	vm10 =	vge.f32 v1, v0  }
0x253: {  	[tilespmem:s26+$0x1A1A0] =	vst.msk vm10, v1  }
0x254: {  	v1 =	vld [tilespmem:s23+$0x2060]  }
0x255: {  	v2 =	vmpcnt.ones.xlane vm9;
	_ =	sdelay $0x1  }
0x256: {  	(v2sf) =	vpush v2, $0x0  }
0x257: {  	s31 =	spop (v2sf)  }
0x258: {  	s28 =	sadd.s32 s28, s31;
	vm11 =	vge.f32 v1, v0  }
0x259: {  	[tilespmem:s28+$0x1A340] =	vst.msk vm11, v1  }
0x25a: {  	v1 =	vld [tilespmem:s23+$0x2070]  }
0x25b: {  	v2 =	vmpcnt.ones.xlane vm10;
	_ =	sdelay $0x1  }
0x25c: {  	(v2sf) =	vpush v2, $0x0  }
0x25d: {  	s31 =	spop (v2sf)  }
0x25e: {  	s29 =	sadd.s32 s29, s31;
	vm12 =	vge.f32 v1, v0  }
0x25f: {  	[tilespmem:s29+$0x1A4E0] =	vst.msk vm12, v1  }
0x260: {  	v1 =	vld [tilespmem:s23+$0x2400]  }
0x261: {  	v2 =	vmpcnt.ones.xlane vm11;
	_ =	sdelay $0x1  }
0x262: {  	(v2sf) =	vpush v2, $0x0  }
0x263: {  	s31 =	spop (v2sf)  }
0x264: {  	s25 =	sadd.s32 s25, s31;
	vm13 =	vge.f32 v1, v0  }
0x265: {  	[tilespmem:s25+$0x1A000] =	vst.msk vm13, v1  }
0x266: {  	v1 =	vld [tilespmem:s23+$0x2410]  }
0x267: {  	v2 =	vmpcnt.ones.xlane vm12;
	_ =	sdelay $0x1  }
0x268: {  	(v2sf) =	vpush v2, $0x0  }
0x269: {  	s31 =	spop (v2sf)  }
0x26a: {  	s26 =	sadd.s32 s26, s31;
	vm14 =	vge.f32 v1, v0  }
0x26b: {  	[tilespmem:s26+$0x1A1A0] =	vst.msk vm14, v1  }
0x26c: {  	v1 =	vld [tilespmem:s23+$0x2420]  }
0x26d: {  	v2 =	vmpcnt.ones.xlane vm13;
	_ =	sdelay $0x1  }
0x26e: {  	(v2sf) =	vpush v2, $0x0  }
0x26f: {  	s31 =	spop (v2sf)  }
0x270: {  	s28 =	sadd.s32 s28, s31;
	vm15 =	vge.f32 v1, v0  }
0x271: {  	[tilespmem:s28+$0x1A340] =	vst.msk vm15, v1  }
0x272: {  	v1 =	vld [tilespmem:s23+$0x2430]  }
0x273: {  	v2 =	vmpcnt.ones.xlane vm14;
	_ =	sdelay $0x1  }
0x274: {  	(v2sf) =	vpush v2, $0x0  }
0x275: {  	s31 =	spop (v2sf)  }
0x276: {  	s29 =	sadd.s32 s29, s31;
	vm4 =	vge.f32 v1, v0  }
0x277: {  	[tilespmem:s29+$0x1A4E0] =	vst.msk vm4, v1  }
0x278: {  	v1 =	vld [tilespmem:s23+$0x2440]  }
0x279: {  	v2 =	vmpcnt.ones.xlane vm15;
	_ =	sdelay $0x1  }
0x27a: {  	(v2sf) =	vpush v2, $0x0  }
0x27b: {  	s31 =	spop (v2sf)  }
0x27c: {  	s25 =	sadd.s32 s25, s31;
	vm5 =	vge.f32 v1, v0  }
0x27d: {  	[tilespmem:s25+$0x1A000] =	vst.msk vm5, v1  }
0x27e: {  	v1 =	vld [tilespmem:s23+$0x2450]  }
0x27f: {  	v2 =	vmpcnt.ones.xlane vm4;
	_ =	sdelay $0x1  }
0x280: {  	(v2sf) =	vpush v2, $0x0  }
0x281: {  	s31 =	spop (v2sf)  }
0x282: {  	s26 =	sadd.s32 s26, s31;
	vm6 =	vge.f32 v1, v0  }
0x283: {  	[tilespmem:s26+$0x1A1A0] =	vst.msk vm6, v1  }
0x284: {  	v1 =	vld [tilespmem:s23+$0x2460]  }
0x285: {  	v2 =	vmpcnt.ones.xlane vm5;
	_ =	sdelay $0x1  }
0x286: {  	(v2sf) =	vpush v2, $0x0  }
0x287: {  	s31 =	spop (v2sf)  }
0x288: {  	s28 =	sadd.s32 s28, s31;
	vm7 =	vge.f32 v1, v0  }
0x289: {  	[tilespmem:s28+$0x1A340] =	vst.msk vm7, v1  }
0x28a: {  	v1 =	vld [tilespmem:s23+$0x2470]  }
0x28b: {  	v2 =	vmpcnt.ones.xlane vm6;
	_ =	sdelay $0x1  }
0x28c: {  	(v2sf) =	vpush v2, $0x0  }
0x28d: {  	s31 =	spop (v2sf)  }
0x28e: {  	s29 =	sadd.s32 s29, s31;
	vm8 =	vge.f32 v1, v0  }
0x28f: {  	[tilespmem:s29+$0x1A4E0] =	vst.msk vm8, v1  }
0x290: {  	v1 =	vld [tilespmem:s23+$0x2800]  }
0x291: {  	v2 =	vmpcnt.ones.xlane vm7;
	_ =	sdelay $0x1  }
0x292: {  	(v2sf) =	vpush v2, $0x0  }
0x293: {  	s31 =	spop (v2sf)  }
0x294: {  	s25 =	sadd.s32 s25, s31;
	vm9 =	vge.f32 v1, v0  }
0x295: {  	[tilespmem:s25+$0x1A000] =	vst.msk vm9, v1  }
0x296: {  	v1 =	vld [tilespmem:s23+$0x2810]  }
0x297: {  	v2 =	vmpcnt.ones.xlane vm8;
	_ =	sdelay $0x1  }
0x298: {  	(v2sf) =	vpush v2, $0x0  }
0x299: {  	s31 =	spop (v2sf)  }
0x29a: {  	s26 =	sadd.s32 s26, s31;
	vm10 =	vge.f32 v1, v0  }
0x29b: {  	[tilespmem:s26+$0x1A1A0] =	vst.msk vm10, v1  }
0x29c: {  	v1 =	vld [tilespmem:s23+$0x2820]  }
0x29d: {  	v2 =	vmpcnt.ones.xlane vm9;
	_ =	sdelay $0x1  }
0x29e: {  	(v2sf) =	vpush v2, $0x0  }
0x29f: {  	s31 =	spop (v2sf)  }
0x2a0: {  	s28 =	sadd.s32 s28, s31;
	vm11 =	vge.f32 v1, v0  }
0x2a1: {  	[tilespmem:s28+$0x1A340] =	vst.msk vm11, v1  }
0x2a2: {  	v1 =	vld [tilespmem:s23+$0x2830]  }
0x2a3: {  	v2 =	vmpcnt.ones.xlane vm10;
	_ =	sdelay $0x1  }
0x2a4: {  	(v2sf) =	vpush v2, $0x0  }
0x2a5: {  	s31 =	spop (v2sf)  }
0x2a6: {  	s29 =	sadd.s32 s29, s31;
	vm12 =	vge.f32 v1, v0  }
0x2a7: {  	[tilespmem:s29+$0x1A4E0] =	vst.msk vm12, v1  }
0x2a8: {  	v1 =	vld [tilespmem:s23+$0x2840]  }
0x2a9: {  	v2 =	vmpcnt.ones.xlane vm11;
	_ =	sdelay $0x1  }
0x2aa: {  	(v2sf) =	vpush v2, $0x0  }
0x2ab: {  	s31 =	spop (v2sf)  }
0x2ac: {  	s25 =	sadd.s32 s25, s31;
	vm13 =	vge.f32 v1, v0  }
0x2ad: {  	[tilespmem:s25+$0x1A000] =	vst.msk vm13, v1  }
0x2ae: {  	v1 =	vld [tilespmem:s23+$0x2850]  }
0x2af: {  	v2 =	vmpcnt.ones.xlane vm12;
	_ =	sdelay $0x1  }
0x2b0: {  	(v2sf) =	vpush v2, $0x0  }
0x2b1: {  	s31 =	spop (v2sf)  }
0x2b2: {  	s26 =	sadd.s32 s26, s31;
	vm14 =	vge.f32 v1, v0  }
0x2b3: {  	[tilespmem:s26+$0x1A1A0] =	vst.msk vm14, v1  }
0x2b4: {  	v1 =	vld [tilespmem:s23+$0x2860]  }
0x2b5: {  	v2 =	vmpcnt.ones.xlane vm13;
	_ =	sdelay $0x1  }
0x2b6: {  	(v2sf) =	vpush v2, $0x0  }
0x2b7: {  	s31 =	spop (v2sf)  }
0x2b8: {  	s28 =	sadd.s32 s28, s31;
	vm15 =	vge.f32 v1, v0  }
0x2b9: {  	[tilespmem:s28+$0x1A340] =	vst.msk vm15, v1  }
0x2ba: {  	v1 =	vld [tilespmem:s23+$0x2870]  }
0x2bb: {  	v2 =	vmpcnt.ones.xlane vm14;
	_ =	sdelay $0x1  }
0x2bc: {  	(v2sf) =	vpush v2, $0x0  }
0x2bd: {  	s31 =	spop (v2sf)  }
0x2be: {  	s29 =	sadd.s32 s29, s31;
	vm4 =	vge.f32 v1, v0  }
0x2bf: {  	[tilespmem:s29+$0x1A4E0] =	vst.msk vm4, v1  }
0x2c0: {  	v1 =	vld [tilespmem:s23+$0x2C00]  }
0x2c1: {  	v2 =	vmpcnt.ones.xlane vm15;
	_ =	sdelay $0x1  }
0x2c2: {  	(v2sf) =	vpush v2, $0x0  }
0x2c3: {  	s31 =	spop (v2sf)  }
0x2c4: {  	s25 =	sadd.s32 s25, s31;
	vm5 =	vge.f32 v1, v0  }
0x2c5: {  	[tilespmem:s25+$0x1A000] =	vst.msk vm5, v1  }
0x2c6: {  	v1 =	vld [tilespmem:s23+$0x2C10]  }
0x2c7: {  	v2 =	vmpcnt.ones.xlane vm4;
	_ =	sdelay $0x1  }
0x2c8: {  	(v2sf) =	vpush v2, $0x0  }
0x2c9: {  	s31 =	spop (v2sf)  }
0x2ca: {  	s26 =	sadd.s32 s26, s31;
	vm6 =	vge.f32 v1, v0  }
0x2cb: {  	[tilespmem:s26+$0x1A1A0] =	vst.msk vm6, v1  }
0x2cc: {  	v1 =	vld [tilespmem:s23+$0x2C20]  }
0x2cd: {  	v2 =	vmpcnt.ones.xlane vm5;
	_ =	sdelay $0x1  }
0x2ce: {  	(v2sf) =	vpush v2, $0x0  }
0x2cf: {  	s31 =	spop (v2sf)  }
0x2d0: {  	s28 =	sadd.s32 s28, s31;
	vm7 =	vge.f32 v1, v0  }
0x2d1: {  	[tilespmem:s28+$0x1A340] =	vst.msk vm7, v1  }
0x2d2: {  	v1 =	vld [tilespmem:s23+$0x2C30]  }
0x2d3: {  	v2 =	vmpcnt.ones.xlane vm6;
	_ =	sdelay $0x1  }
0x2d4: {  	(v2sf) =	vpush v2, $0x0  }
0x2d5: {  	s31 =	spop (v2sf)  }
0x2d6: {  	s29 =	sadd.s32 s29, s31;
	vm8 =	vge.f32 v1, v0  }
0x2d7: {  	[tilespmem:s29+$0x1A4E0] =	vst.msk vm8, v1  }
0x2d8: {  	v1 =	vld [tilespmem:s23+$0x2C40]  }
0x2d9: {  	v2 =	vmpcnt.ones.xlane vm7;
	_ =	sdelay $0x1  }
0x2da: {  	(v2sf) =	vpush v2, $0x0  }
0x2db: {  	s31 =	spop (v2sf)  }
0x2dc: {  	s25 =	sadd.s32 s25, s31;
	vm9 =	vge.f32 v1, v0  }
0x2dd: {  	[tilespmem:s25+$0x1A000] =	vst.msk vm9, v1  }
0x2de: {  	v1 =	vld [tilespmem:s23+$0x2C50]  }
0x2df: {  	v2 =	vmpcnt.ones.xlane vm8;
	_ =	sdelay $0x1  }
0x2e0: {  	(v2sf) =	vpush v2, $0x0  }
0x2e1: {  	s31 =	spop (v2sf)  }
0x2e2: {  	s26 =	sadd.s32 s26, s31;
	vm10 =	vge.f32 v1, v0  }
0x2e3: {  	[tilespmem:s26+$0x1A1A0] =	vst.msk vm10, v1  }
0x2e4: {  	v1 =	vld [tilespmem:s23+$0x2C60]  }
0x2e5: {  	v2 =	vmpcnt.ones.xlane vm9;
	_ =	sdelay $0x1  }
0x2e6: {  	(v2sf) =	vpush v2, $0x0  }
0x2e7: {  	s31 =	spop (v2sf)  }
0x2e8: {  	s28 =	sadd.s32 s28, s31;
	vm11 =	vge.f32 v1, v0  }
0x2e9: {  	[tilespmem:s28+$0x1A340] =	vst.msk vm11, v1  }
0x2ea: {  	v1 =	vld [tilespmem:s23+$0x2C70]  }
0x2eb: {  	v2 =	vmpcnt.ones.xlane vm10;
	_ =	sdelay $0x1  }
0x2ec: {  	(v2sf) =	vpush v2, $0x0  }
0x2ed: {  	s31 =	spop (v2sf)  }
0x2ee: {  	s29 =	sadd.s32 s29, s31;
	vm12 =	vge.f32 v1, v0  }
0x2ef: {  	[tilespmem:s29+$0x1A4E0] =	vst.msk vm12, v1  }
0x2f0: {  	v1 =	vld [tilespmem:s23+$0x3000]  }
0x2f1: {  	v2 =	vmpcnt.ones.xlane vm11;
	_ =	sdelay $0x1  }
0x2f2: {  	(v2sf) =	vpush v2, $0x0  }
0x2f3: {  	s31 =	spop (v2sf)  }
0x2f4: {  	s25 =	sadd.s32 s25, s31;
	vm13 =	vge.f32 v1, v0  }
0x2f5: {  	[tilespmem:s25+$0x1A000] =	vst.msk vm13, v1  }
0x2f6: {  	v1 =	vld [tilespmem:s23+$0x3010];
	_ =	sdelay $0x3  }
0x2f7: {  	s31 =	spop (v2sf)  }
0x2f8: {  	s26 =	sadd.s32 s26, s31;
	vm2 =	vge.f32 v1, v0  }
0x2f9: {  	v2 =	vmpcnt.ones.xlane vm12;
	[tilespmem:s26+$0x1A1A0] =	vst.msk vm2, v1  }
0x2fa: {  	v3 =	vmpcnt.ones.xlane vm13;
	v1 =	vld [tilespmem:s23+$0x3020]  }
0x2fb: {  	(v2sf) =	vpush v2, $0x0  }
0x2fc: {  	(v2sf) =	vpush v3, $0x0;
	_ =	sdelay $0x1  }
0x2fd: {  	s31 =	spop (v2sf)  }
0x2fe: {  	s28 =	sadd.s32 s28, s31;
	vm14 =	vge.f32 v1, v0  }
0x2ff: {  	v2 =	vmpcnt.ones.xlane vm2;
	[tilespmem:s28+$0x1A340] =	vst.msk vm14, v1  }
0x300: {  	v1 =	vld [tilespmem:s23+$0x3030]  }
0x301: {  	(v2sf) =	vpush v2, $0x0;
	v2 =	vmpcnt.ones.xlane vm14;
	_ =	sdelay $0x1  }
0x302: {  	(v2sf) =	vpush v2, $0x0;
	_ =	sdelay $0x1  }
0x303: {  	vm15 =	vge.f32 v1, v0  }
0x304: {  	v0 =	vmpcnt.ones.xlane vm15;
	_ =	sdelay $0x1  }
0x305: {  	(v2sf) =	vpush v0, $0x0  }
0x306: {  	s23 =	spop (v2sf)  }
0x307: {  	s31 =	spop (v2sf)  }
0x308: {  	s25 =	sadd.s32 s25, s31  }
0x309: {  	s30 =	sadd.s32 $0xF, s25  }
0x30a: {  	s23 =	sadd.s32 s29, s23;
	s29 =	sand.u32 $0xF, s30  }
0x30b: {  	p1 =	slt.s32 s30, $0x1;
	p0 =	sne.s32 s29, $0x0;
	s29 =	sshra.s32 s30, $0x1F  }
0x30c: {  	s29 =	sshrl.u32 s29, $0x1C;
	p0 =	por !p1, !p0  }
0x30d: {  	s29 =	sadd.s32 s29, s30;
	p0 =	por !p0, !p0  }
0x30e: {  	s30 =	simm.s32 $0x1;
	s31 =	spop (v2sf);
	s29 =	sshra.s32 s29, $0x4  }
0x30f: {  	[tilespmem:s23+$0x1A4E0] =	vst.msk vm15, v1;
	v0 =	vimm.f32 $-Inf;
	s30 =	simm.s32 @!p0 $0x0;
	s26 =	sadd.s32 s26, s31;
	s31 =	spop (v2sf)  }
0x310: {  	[tilespmem:s25+$0x1A000] =	vst v0;
	s25 =	sadd.s32 s28, s31;
	s28 =	ssub.s32 s29, s30  }
0x311: {  	p0 =	slt.s32 s28, $0x1  }
.Ltmp6:
0x312: {  	_ = 	snop;
	(pc) =	sbr.rel @p0 .LBB2_4-.Ltmp6, $4  }
0x313: {  	_ = 	snop  }
0x314: {  	[tilespmem:s26+$0x1A1A0] =	vst v0;
	s31 =	spop (v2sf)  }
0x315: {  	[tilespmem:s25+$0x1A340] =	vst v0;
	s23 =	sadd.s32 s23, s31  }
0x316: {  	[tilespmem:s23+$0x1A4E0] =	vst v0  }
0x317: {  	p1 =	sne.s32 s28, $0x1  }
.Ltmp7:
0x318: {  	_ = 	snop;
	(pc) =	sbr.rel @!p1 .LBB2_6-.Ltmp7, $2  }
0x319: {  	_ =	sdelay $0x2  }
0x31a: {  	v2 =	vld [tilespmem:s24+$0x0];
	s28 =	sadd.s32 $0xFFFFFFFF, s28;
	p0 =	por $0x0, $0x0  }
0x31b: {  	_ =	sdelay $0x3  }
0x31c: {  	(xrf1) =	vsort.ascd.msk.f32 $0xffff, v2, v2;
	_ =	sdelay $0xd  }
0x31d: {  	v1, _, _ =	vpop (xrf1)  }
0x31e: {  	v1 =	vmax.f32 v0, v1  }
0x31f: {  	(xrf1) =	vsort.ascd.msk.f32 $0xffff, v1, v1;
	_ =	sdelay $0x5  }
0x320: {  	p1 =	sne.s32 s28, $0x1  }
.Ltmp8:
0x321: {  	_ = 	snop;
	(pc) =	sbr.rel @!p1 .LBB2_8-.Ltmp8, $4  }
0x322: {  	_ = 	snop  }
0x323: {  	s24 =	sadd.s32 $0x10, s24  }
0x324: {  	v2 =	vld [tilespmem:s24+$0x0]  }
0x325: {  	s28 =	sadd.s32 $0xFFFFFFFF, s28;
	p0 =	por $0x1, $0x1;
	v1 =	vimm.f32 $-Inf  }
.LBB2_9:
0x326: {  	p1 =	sne.s32 s28, $0x1;
	_ =	sdelay $0x1  }
0x327: {  	v3, _, _ =	vpop (xrf1)  }
0x328: {  	(xrf1) =	vsort.ascd.msk.f32 $0xffff, v2, v2;
	v2 =	vmax.f32 v1, v3;
	v1 =	vmin.f32 v1, v3  }
0x329: {  	(xrf1) =	vsort.dscd.msk.f32 $0xffff, v1, v1  }
0x32a: {  	(xrf1) =	vsort.dscd.msk.f32 $0xffff, v2, v2;
	_ =	sdelay $0xb  }
0x32b: {  	v1, _, _ =	vpop (xrf1)  }
0x32c: {  	v2, _, _ =	vpop (xrf1)  }
0x32d: {  	v2 =	vmax.f32 v2, v1;
	v1, _, _ =	vpop (xrf1)  }
0x32e: {  	(xrf1) =	vsort.ascd.msk.f32 $0xffff, v2, v2;
	_ =	sdelay $0x6  }
.Ltmp9:
0x32f: {  	(pc) =	sbr.rel @p1 .LBB2_9-.Ltmp9, $4  }
0x330: {  	_ = 	snop  }
0x331: {  	s24 =	sadd.s32 $0x10, s24  }
0x332: {  	v2 =	vld [tilespmem:s24+$0x0]  }
0x333: {  	s28 =	sadd.s32 $0xFFFFFFFF, s28  }
.LBB2_10:
0x334: {  	_ =	sdelay $0x1  }
0x335: {  	v3, _, _ =	vpop @p0 (xrf1)  }
0x336: {  	(xrf1) =	vsort.ascd.msk.f32 $0xffff, v2, v2;
	v2 =	vmin.f32 @p0 v1, v3  }
0x337: {  	(xrf1) =	vsort.dscd.msk.f32 @p0 $0xffff, v2, v2;
	_ =	sdelay $0xc  }
0x338: {  	v2, _, _ =	vpop (xrf1)  }
0x339: {  	v4, _, _ =	vpop @p0 (xrf1)  }
0x33a: {  	v1 =	vmax.f32 @p0 v1, v3;
	v3 =	vpsel p0, v4, v0  }
0x33b: {  	(xrf1) =	vsort.dscd.msk.f32 @p0 $0xffff, v1, v1;
	v1 =	vmax.f32 v3, v2  }
0x33c: {  	(xrf1) =	vsort.ascd.msk.f32 $0xffff, v1, v1;
	_ =	sdelay $0xc  }
0x33d: {  	v1, _, _ =	vpop @p0 (xrf1)  }
0x33e: {  	v0 =	vpsel p0, v1, v0;
	v1, _, _ =	vpop (xrf1)  }
0x33f: {  	v2 =	vmin.f32 v0, v1  }
0x340: {  	v0 =	vmax.f32 v0, v1;
	(xrf1) =	vsort.dscd.msk.f32 $0xffff, v2, v2  }
0x341: {  	(xrf1) =	vsort.dscd.msk.f32 $0xffff, v0, v0;
	_ =	sdelay $0x9  }
.Ltmp10:
0x342: {  	_ = 	snop;
	(pc) =	sbr.rel .LBB2_11-.Ltmp10, $3  }
0x343: {  	_ =	sdelay $0x1  }
0x344: {  	v1, _, _ =	vpop (xrf1)  }
0x345: {  	v0, _, _ =	vpop (xrf1)  }
.LBB2_4:
0x346: {  	v1 =	vimm.f32 $-Inf  }
.LBB2_11:
0x347: {  	s24 =	sadd.s32 $0xF, s26  }
0x348: {  	s26 =	sand.u32 $0xF, s24  }
0x349: {  	s28 =	sshra.s32 s24, $0x1F;
	p0 =	slt.s32 s24, $0x1;
	p1 =	sne.s32 s26, $0x0  }
0x34a: {  	s31 =	sshrl.u32 s28, $0x1C;
	p0 =	por !p0, !p1  }
0x34b: {  	s26 =	simm.s32 $0x1;
	s24 =	sadd.s32 s31, s24;
	p0 =	por !p0, !p0  }
0x34c: {  	s24 =	sshra.s32 s24, $0x4;
	s26 =	simm.s32 @!p0 $0x0  }
0x34d: {  	s26 =	ssub.s32 s24, s26  }
0x34e: {  	p0 =	slt.s32 s26, $0x1  }
.Ltmp11:
0x34f: {  	_ = 	snop;
	(pc) =	sbr.rel @p0 .LBB2_18-.Ltmp11, $2  }
0x350: {  	_ =	sdelay $0x2  }
0x351: {  	s24 =	simm.s32 $0x1A1A0  }
0x352: {  	p1 =	sne.s32 s26, $0x1  }
.Ltmp12:
0x353: {  	_ = 	snop;
	(pc) =	sbr.rel @!p1 .LBB2_13-.Ltmp12, $2  }
0x354: {  	_ =	sdelay $0x2  }
0x355: {  	v3 =	vld [tilespmem:s24+$0x0];
	s26 =	sadd.s32 $0xFFFFFFFF, s26;
	p0 =	por $0x0, $0x0  }
0x356: {  	_ =	sdelay $0x3  }
0x357: {  	(xrf1) =	vsort.ascd.msk.f32 $0xffff, v3, v3;
	_ =	sdelay $0xd  }
0x358: {  	v2, _, _ =	vpop (xrf1)  }
0x359: {  	v2 =	vmax.f32 v1, v2  }
0x35a: {  	(xrf1) =	vsort.ascd.msk.f32 $0xffff, v2, v2;
	_ =	sdelay $0x5  }
0x35b: {  	p1 =	sne.s32 s26, $0x1  }
.Ltmp13:
0x35c: {  	_ = 	snop;
	(pc) =	sbr.rel @!p1 .LBB2_15-.Ltmp13, $4  }
0x35d: {  	_ = 	snop  }
0x35e: {  	s24 =	sadd.s32 $0x10, s24  }
0x35f: {  	v3 =	vld [tilespmem:s24+$0x0]  }
0x360: {  	s26 =	sadd.s32 $0xFFFFFFFF, s26;
	p0 =	por $0x1, $0x1;
	v2 =	vmov v0  }
.LBB2_16:
0x361: {  	p1 =	sne.s32 s26, $0x1;
	_ =	sdelay $0x1  }
0x362: {  	v4, _, _ =	vpop (xrf1)  }
0x363: {  	(xrf1) =	vsort.ascd.msk.f32 $0xffff, v3, v3;
	v3 =	vmax.f32 v2, v4;
	v2 =	vmin.f32 v2, v4  }
0x364: {  	(xrf1) =	vsort.dscd.msk.f32 $0xffff, v2, v2  }
0x365: {  	(xrf1) =	vsort.dscd.msk.f32 $0xffff, v3, v3;
	_ =	sdelay $0xb  }
0x366: {  	v2, _, _ =	vpop (xrf1)  }
0x367: {  	v3, _, _ =	vpop (xrf1)  }
0x368: {  	v3 =	vmax.f32 v3, v2;
	v2, _, _ =	vpop (xrf1)  }
0x369: {  	(xrf1) =	vsort.ascd.msk.f32 $0xffff, v3, v3;
	_ =	sdelay $0x6  }
.Ltmp14:
0x36a: {  	(pc) =	sbr.rel @p1 .LBB2_16-.Ltmp14, $4  }
0x36b: {  	_ = 	snop  }
0x36c: {  	s24 =	sadd.s32 $0x10, s24  }
0x36d: {  	v3 =	vld [tilespmem:s24+$0x0]  }
0x36e: {  	s26 =	sadd.s32 $0xFFFFFFFF, s26  }
.LBB2_17:
0x36f: {  	_ =	sdelay $0x1  }
0x370: {  	v4, _, _ =	vpop @p0 (xrf1)  }
0x371: {  	(xrf1) =	vsort.ascd.msk.f32 $0xffff, v3, v3;
	v3 =	vmin.f32 @p0 v2, v4  }
0x372: {  	(xrf1) =	vsort.dscd.msk.f32 @p0 $0xffff, v3, v3;
	_ =	sdelay $0xc  }
0x373: {  	v3, _, _ =	vpop (xrf1)  }
0x374: {  	v5, _, _ =	vpop @p0 (xrf1)  }
0x375: {  	v2 =	vmax.f32 @p0 v2, v4;
	v1 =	vpsel p0, v5, v1  }
0x376: {  	(xrf1) =	vsort.dscd.msk.f32 @p0 $0xffff, v2, v2;
	v1 =	vmax.f32 v1, v3  }
0x377: {  	(xrf1) =	vsort.ascd.msk.f32 $0xffff, v1, v1;
	_ =	sdelay $0xc  }
0x378: {  	v1, _, _ =	vpop @p0 (xrf1)  }
0x379: {  	v0 =	vpsel p0, v1, v0;
	v1, _, _ =	vpop (xrf1)  }
0x37a: {  	v2 =	vmin.f32 v0, v1  }
0x37b: {  	v0 =	vmax.f32 v0, v1;
	(xrf1) =	vsort.dscd.msk.f32 $0xffff, v2, v2  }
0x37c: {  	(xrf1) =	vsort.dscd.msk.f32 $0xffff, v0, v0;
	_ =	sdelay $0xc  }
0x37d: {  	v1, _, _ =	vpop (xrf1)  }
0x37e: {  	v0, _, _ =	vpop (xrf1)  }
.LBB2_18:
0x37f: {  	s24 =	sadd.s32 $0xF, s25  }
0x380: {  	s25 =	sand.u32 $0xF, s24  }
0x381: {  	s26 =	sshra.s32 s24, $0x1F;
	p0 =	slt.s32 s24, $0x1;
	p1 =	sne.s32 s25, $0x0  }
0x382: {  	s31 =	sshrl.u32 s26, $0x1C;
	p0 =	por !p0, !p1  }
0x383: {  	s25 =	simm.s32 $0x1;
	s24 =	sadd.s32 s31, s24;
	p0 =	por !p0, !p0  }
0x384: {  	s24 =	sshra.s32 s24, $0x4;
	s25 =	simm.s32 @!p0 $0x0  }
0x385: {  	s25 =	ssub.s32 s24, s25  }
0x386: {  	p0 =	slt.s32 s25, $0x1  }
.Ltmp15:
0x387: {  	_ = 	snop;
	(pc) =	sbr.rel @p0 .LBB2_25-.Ltmp15, $2  }
0x388: {  	_ =	sdelay $0x2  }
0x389: {  	s24 =	simm.s32 $0x1A340  }
0x38a: {  	p1 =	sne.s32 s25, $0x1  }
.Ltmp16:
0x38b: {  	_ = 	snop;
	(pc) =	sbr.rel @!p1 .LBB2_20-.Ltmp16, $2  }
0x38c: {  	_ =	sdelay $0x2  }
0x38d: {  	v3 =	vld [tilespmem:s24+$0x0];
	s25 =	sadd.s32 $0xFFFFFFFF, s25;
	p0 =	por $0x0, $0x0  }
0x38e: {  	_ =	sdelay $0x3  }
0x38f: {  	(xrf1) =	vsort.ascd.msk.f32 $0xffff, v3, v3;
	_ =	sdelay $0xd  }
0x390: {  	v2, _, _ =	vpop (xrf1)  }
0x391: {  	v2 =	vmax.f32 v1, v2  }
0x392: {  	(xrf1) =	vsort.ascd.msk.f32 $0xffff, v2, v2;
	_ =	sdelay $0x5  }
0x393: {  	p1 =	sne.s32 s25, $0x1  }
.Ltmp17:
0x394: {  	_ = 	snop;
	(pc) =	sbr.rel @!p1 .LBB2_22-.Ltmp17, $4  }
0x395: {  	_ = 	snop  }
0x396: {  	s24 =	sadd.s32 $0x10, s24  }
0x397: {  	v3 =	vld [tilespmem:s24+$0x0]  }
0x398: {  	s25 =	sadd.s32 $0xFFFFFFFF, s25;
	p0 =	por $0x1, $0x1;
	v2 =	vmov v0  }
.LBB2_23:
0x399: {  	p1 =	sne.s32 s25, $0x1;
	_ =	sdelay $0x1  }
0x39a: {  	v4, _, _ =	vpop (xrf1)  }
0x39b: {  	(xrf1) =	vsort.ascd.msk.f32 $0xffff, v3, v3;
	v3 =	vmax.f32 v2, v4;
	v2 =	vmin.f32 v2, v4  }
0x39c: {  	(xrf1) =	vsort.dscd.msk.f32 $0xffff, v2, v2  }
0x39d: {  	(xrf1) =	vsort.dscd.msk.f32 $0xffff, v3, v3;
	_ =	sdelay $0xb  }
0x39e: {  	v2, _, _ =	vpop (xrf1)  }
0x39f: {  	v3, _, _ =	vpop (xrf1)  }
0x3a0: {  	v3 =	vmax.f32 v3, v2;
	v2, _, _ =	vpop (xrf1)  }
0x3a1: {  	(xrf1) =	vsort.ascd.msk.f32 $0xffff, v3, v3;
	_ =	sdelay $0x6  }
.Ltmp18:
0x3a2: {  	(pc) =	sbr.rel @p1 .LBB2_23-.Ltmp18, $4  }
0x3a3: {  	_ = 	snop  }
0x3a4: {  	s24 =	sadd.s32 $0x10, s24  }
0x3a5: {  	v3 =	vld [tilespmem:s24+$0x0]  }
0x3a6: {  	s25 =	sadd.s32 $0xFFFFFFFF, s25  }
.LBB2_24:
0x3a7: {  	_ =	sdelay $0x1  }
0x3a8: {  	v4, _, _ =	vpop @p0 (xrf1)  }
0x3a9: {  	(xrf1) =	vsort.ascd.msk.f32 $0xffff, v3, v3;
	v3 =	vmin.f32 @p0 v2, v4  }
0x3aa: {  	(xrf1) =	vsort.dscd.msk.f32 @p0 $0xffff, v3, v3;
	_ =	sdelay $0xc  }
0x3ab: {  	v3, _, _ =	vpop (xrf1)  }
0x3ac: {  	v5, _, _ =	vpop @p0 (xrf1)  }
0x3ad: {  	v2 =	vmax.f32 @p0 v2, v4;
	v1 =	vpsel p0, v5, v1  }
0x3ae: {  	(xrf1) =	vsort.dscd.msk.f32 @p0 $0xffff, v2, v2;
	v1 =	vmax.f32 v1, v3  }
0x3af: {  	(xrf1) =	vsort.ascd.msk.f32 $0xffff, v1, v1;
	_ =	sdelay $0xc  }
0x3b0: {  	v1, _, _ =	vpop @p0 (xrf1)  }
0x3b1: {  	v0 =	vpsel p0, v1, v0;
	v1, _, _ =	vpop (xrf1)  }
0x3b2: {  	v2 =	vmin.f32 v0, v1  }
0x3b3: {  	v0 =	vmax.f32 v0, v1;
	(xrf1) =	vsort.dscd.msk.f32 $0xffff, v2, v2  }
0x3b4: {  	(xrf1) =	vsort.dscd.msk.f32 $0xffff, v0, v0;
	_ =	sdelay $0xc  }
0x3b5: {  	v1, _, _ =	vpop (xrf1)  }
0x3b6: {  	v0, _, _ =	vpop (xrf1)  }
.LBB2_25:
0x3b7: {  	s23 =	sadd.s32 $0xF, s23  }
0x3b8: {  	s24 =	sand.u32 $0xF, s23  }
0x3b9: {  	s25 =	sshra.s32 s23, $0x1F;
	p0 =	slt.s32 s23, $0x1;
	p1 =	sne.s32 s24, $0x0  }
0x3ba: {  	s31 =	sshrl.u32 s25, $0x1C;
	p0 =	por !p0, !p1  }
0x3bb: {  	s24 =	simm.s32 $0x1;
	s23 =	sadd.s32 s31, s23;
	p0 =	por !p0, !p0  }
0x3bc: {  	s23 =	sshra.s32 s23, $0x4;
	s24 =	simm.s32 @!p0 $0x0  }
0x3bd: {  	s24 =	ssub.s32 s23, s24  }
0x3be: {  	p0 =	slt.s32 s24, $0x1  }
.Ltmp19:
0x3bf: {  	_ = 	snop;
	(pc) =	sbr.rel @p0 .LBB2_32-.Ltmp19, $2  }
0x3c0: {  	_ =	sdelay $0x2  }
0x3c1: {  	s23 =	simm.s32 $0x1A4E0  }
0x3c2: {  	p1 =	sne.s32 s24, $0x1  }
.Ltmp20:
0x3c3: {  	_ = 	snop;
	(pc) =	sbr.rel @!p1 .LBB2_27-.Ltmp20, $2  }
0x3c4: {  	v3 =	vld [tilespmem:s23+$0x0];
	_ =	sdelay $0x2  }
0x3c5: {  	s24 =	sadd.s32 $0xFFFFFFFF, s24;
	p0 =	por $0x0, $0x0  }
0x3c6: {  	_ = 	snop  }
0x3c7: {  	(xrf1) =	vsort.ascd.msk.f32 $0xffff, v3, v3;
	_ =	sdelay $0xd  }
0x3c8: {  	v2, _, _ =	vpop (xrf1)  }
0x3c9: {  	v2 =	vmax.f32 v1, v2  }
0x3ca: {  	(xrf1) =	vsort.ascd.msk.f32 $0xffff, v2, v2;
	_ =	sdelay $0x7  }
0x3cb: {  	p1 =	sne.s32 s24, $0x1  }
.Ltmp21:
0x3cc: {  	s23 =	sadd.s32 $0x10, s23;
	(pc) =	sbr.rel @!p1 .LBB2_29-.Ltmp21, $2  }
0x3cd: {  	v3 =	vld [tilespmem:s23+$0x0];
	_ =	sdelay $0x2  }
0x3ce: {  	s24 =	sadd.s32 $0xFFFFFFFF, s24;
	p0 =	por $0x1, $0x1;
	v2 =	vmov v0  }
.LBB2_30:
0x3cf: {  	p1 =	sne.s32 s24, $0x1;
	_ =	sdelay $0x1  }
0x3d0: {  	v4, _, _ =	vpop (xrf1)  }
0x3d1: {  	(xrf1) =	vsort.ascd.msk.f32 $0xffff, v3, v3;
	v3 =	vmax.f32 v2, v4;
	v2 =	vmin.f32 v2, v4  }
0x3d2: {  	(xrf1) =	vsort.dscd.msk.f32 $0xffff, v2, v2  }
0x3d3: {  	(xrf1) =	vsort.dscd.msk.f32 $0xffff, v3, v3;
	_ =	sdelay $0xb  }
0x3d4: {  	v2, _, _ =	vpop (xrf1)  }
0x3d5: {  	v3, _, _ =	vpop (xrf1)  }
0x3d6: {  	v3 =	vmax.f32 v3, v2;
	v2, _, _ =	vpop (xrf1)  }
0x3d7: {  	(xrf1) =	vsort.ascd.msk.f32 $0xffff, v3, v3;
	_ =	sdelay $0x6  }
.Ltmp22:
0x3d8: {  	(pc) =	sbr.rel @p1 .LBB2_30-.Ltmp22, $4  }
0x3d9: {  	_ = 	snop  }
0x3da: {  	s23 =	sadd.s32 $0x10, s23  }
0x3db: {  	v3 =	vld [tilespmem:s23+$0x0]  }
0x3dc: {  	s24 =	sadd.s32 $0xFFFFFFFF, s24  }
.Ltmp23:
0x3dd: {  	_ = 	snop;
	(pc) =	sbr.rel .LBB2_31-.Ltmp23, $1  }
0x3de: {  	_ =	sdelay $0x3  }
.LBB2_6:
.Ltmp24:
0x3df: {  	(pc) =	sbr.rel .LBB2_10-.Ltmp24, $2  }
0x3e0: {  	_ =	sdelay $0x2  }
0x3e1: {  	v1 =	vimm.f32 $-Inf  }
.LBB2_13:
.Ltmp25:
0x3e2: {  	(pc) =	sbr.rel .LBB2_17-.Ltmp25, $2  }
0x3e3: {  	_ =	sdelay $0x2  }
0x3e4: {  	v2 =	vmov v0  }
.LBB2_20:
.Ltmp26:
0x3e5: {  	(pc) =	sbr.rel .LBB2_24-.Ltmp26, $2  }
0x3e6: {  	_ =	sdelay $0x2  }
0x3e7: {  	v2 =	vmov v0  }
.LBB2_8:
.Ltmp27:
0x3e8: {  	(pc) =	sbr.rel .LBB2_10-.Ltmp27, $2  }
0x3e9: {  	_ =	sdelay $0x2  }
0x3ea: {  	v1 =	vimm.f32 $-Inf  }
.LBB2_15:
.Ltmp28:
0x3eb: {  	(pc) =	sbr.rel .LBB2_17-.Ltmp28, $2  }
0x3ec: {  	_ =	sdelay $0x2  }
0x3ed: {  	v2 =	vmov v0  }
.LBB2_22:
.Ltmp29:
0x3ee: {  	(pc) =	sbr.rel .LBB2_24-.Ltmp29, $2  }
0x3ef: {  	_ =	sdelay $0x2  }
0x3f0: {  	v2 =	vmov v0  }
.LBB2_29:
.Ltmp30:
0x3f1: {  	(pc) =	sbr.rel .LBB2_31-.Ltmp30, $2  }
0x3f2: {  	_ =	sdelay $0x2  }
0x3f3: {  	v2 =	vmov v0  }
.LBB2_35:
0x3f4: {  	_ =	sfence.sel $0x180000  }
0x3f5: {  	[bflag:$0x0] =	sbarrier.arrive $0xFFFF  }
0x3f6: {  	p0 =	sne.s32 s1, $0x0;
	_ =	strace $0x90000047  }
0x3f7: {  	s0 =	sadd.s32 @!p0 $0x100000, s0;
	[bflag:$0x2] =	sbarrier.arrive $0xFFFF  }
0x3f8: {  	[sflag:s0] =	ssyncadd.tile.s32 @!p0 $0x1;
	_ =	shalt  }
.Lfunc_end2:
_tile_overlayer_lowered:
.L_overlay_start_2:
0x3f9: {  	(tag) =	ssettag $0x2  }
0x3fa: {  	s0 =	rddreg [dreg:$0x0];
	s2 =	stileid.u32  }
0x3fb: {  	s1 =	rddreg [dreg:$0x1];
	p0 =	sne.s32 s2, $0x0  }
0x3fc: {  	s3 =	rddreg [dreg:$0x2];
	[bflag:$0x3] =	sbarrier.arrive $0xFFFF;
	s2 =	simm.s32 @!p0 $0x1C02  }
0x3fd: {  	[timem:s3], [sflag:s2] =	dma.local @!p0 [hbm:s0], s1  }
0x3fe: {  	s0 =	simm.s32 @!p0 $0x2  }
0x3ff: {  	_ =	swait.ge @!p0 [sflag:s0], s1  }
0x400: {  	s1 =	ssub.s32 @!p0 $0x0, s1;
	[sflag:s0] =	ssyncset.done @!p0 $0x0  }
0x401: {  	[sflag:s0] =	ssyncadd.s32 @!p0 s1  }
0x402: {  	[bflag:$0x3] =	sbarrier.arrive $0xFFFF  }
0x403: {  	_ =	shalt  }

</sc_bundles>
